<compile_context>
chip_gen: v7x
topology: tpu7x:2x2x1
jax: 0.10.2.dev20260603
libtpu: 0.0.44.dev20260713+nightly
codegen_flags: <defaults>
</compile_context>

<pallas_src>
import functools

import jax
import jax.numpy as jnp
from jax import lax
from jax.experimental import pallas as pl
from jax.experimental.pallas import tpu as pltpu
from jax.experimental.pallas import tpu_sc as plsc

_N_PAIRS = 98304
_DIM = 128
_LANES = 16

_info = plsc.get_sparse_core_info()
_NC = _info.num_cores
_NS = _info.num_subcores
_NW = _NC * _NS
_PER_W = _N_PAIRS // _NW
_CHUNK = 128
_NCH = _PER_W // _CHUNK


def _sc_pair_dots(src3, tgt3, nodes_embed, context_nodes_embed):
  mesh = plsc.VectorSubcoreMesh(core_axis_name="c", subcore_axis_name="s")

  @functools.partial(
      pl.kernel,
      mesh=mesh,
      compiler_params=pltpu.CompilerParams(needs_layout_passes=False),
      out_type=jax.ShapeDtypeStruct((_NW, _NCH, _CHUNK), jnp.float32),
      scratch_types=[
          pltpu.VMEM((_NCH, _CHUNK), jnp.int32),
          pltpu.VMEM((_NCH, _CHUNK), jnp.int32),
          pltpu.VMEM((_CHUNK, _DIM), jnp.float32),
          pltpu.VMEM((_CHUNK, _DIM), jnp.float32),
          pltpu.VMEM((_CHUNK, _DIM), jnp.float32),
          pltpu.VMEM((_CHUNK, _DIM), jnp.float32),
          pltpu.VMEM((_NCH, _CHUNK), jnp.float32),
          pltpu.SemaphoreType.DMA,
          pltpu.SemaphoreType.DMA,
          pltpu.SemaphoreType.DMA,
          pltpu.SemaphoreType.DMA,
      ],
  )
  def dots(src_hbm, tgt_hbm, nodes_hbm, ctx_hbm, out_hbm,
           sidx, tidx, srows0, srows1, trows0, trows1,
           outbuf, sem_s0, sem_s1, sem_t0, sem_t1):
    wid = lax.axis_index("s") * _NC + lax.axis_index("c")
    pltpu.sync_copy(src_hbm.at[wid], sidx)
    pltpu.sync_copy(tgt_hbm.at[wid], tidx)
    lanes = lax.iota(jnp.int32, _LANES)
    srows = (srows0, srows1)
    trows = (trows0, trows1)
    sem_s = (sem_s0, sem_s1)
    sem_t = (sem_t0, sem_t1)

    def start(j, b):
      pltpu.async_copy(nodes_hbm.at[sidx.at[j]], srows[b], sem_s[b])
      pltpu.async_copy(ctx_hbm.at[tidx.at[j]], trows[b], sem_t[b])

    def wait(b):
      pltpu.make_async_copy(nodes_hbm.at[sidx.at[0]], srows[b], sem_s[b]).wait()
      pltpu.make_async_copy(ctx_hbm.at[tidx.at[0]], trows[b], sem_t[b]).wait()

    def compute(j, b):
      @plsc.parallel_loop(0, _CHUNK // _LANES, unroll=2)
      def group_body(g):
        q = jnp.zeros((_LANES,), jnp.float32)
        for r in range(_LANES):
          row = g * _LANES + r
          p = srows[b][row, pl.ds(0, _LANES)] * trows[b][row, pl.ds(0, _LANES)]
          for k in range(1, _DIM // _LANES):
            p = p + (srows[b][row, pl.ds(k * _LANES, _LANES)]
                     * trows[b][row, pl.ds(k * _LANES, _LANES)])
          q = jnp.where(lanes == r, jnp.sum(p), q)
        outbuf[j, pl.ds(g * _LANES, _LANES)] = q

    start(0, 0)

    def chunk_pair(j2, carry):
      j = j2 * 2
      start(j + 1, 1)
      wait(0)
      compute(j, 0)

      @pl.when(j + 2 < _NCH)
      def _():
        start(j + 2, 0)

      wait(1)
      compute(j + 1, 1)
      return carry

    lax.fori_loop(0, _NCH // 2, chunk_pair, 0)
    pltpu.sync_copy(outbuf, out_hbm.at[wid])

  return dots(src3, tgt3, nodes_embed, context_nodes_embed)


def _tc_loss(inner, label):
  rows = _N_PAIRS // 128
  x2 = inner.reshape(rows, 128)
  l2 = label.reshape(rows, 128)

  def body(x_ref, l_ref, o_ref):
    z = x_ref[...] * l_ref[...]
    ls = jnp.minimum(z, 0.0) - jnp.log(1.0 + jnp.exp(-jnp.abs(z)))
    o_ref[0, 0] = -jnp.sum(ls) / _N_PAIRS

  out = pl.pallas_call(
      body,
      out_shape=jax.ShapeDtypeStruct((1, 1), jnp.float32),
      out_specs=pl.BlockSpec(memory_space=pltpu.SMEM),
  )(x2, l2)
  return out[0, 0]


def kernel(source_node, target_node, label, nodes_embed, context_nodes_embed):
  src3 = source_node.astype(jnp.int32).reshape(_NW, _NCH, _CHUNK)
  tgt3 = target_node.astype(jnp.int32).reshape(_NW, _NCH, _CHUNK)
  inner3 = _sc_pair_dots(src3, tgt3, nodes_embed, context_nodes_embed)
  return _tc_loss(inner3.reshape(_N_PAIRS), label)

# --- scband reference (transcript-rebuilt; emitter-appended) ---
"""Pipeline reference for scband-line-55585466744913 (READ-ONLY COPY).

The authoritative reference and input builder live on the scoring server;
editing this copy changes nothing except your own understanding.
"""

import jax, jax.numpy as jnp
import numpy as np

N1 = 100000
DIM = 128
NPAIRS = 98304

def setup_inputs(seed: int = 0) -> dict:
    key = jax.random.key(seed)
    k1, k2, k3, k4, k5 = jax.random.split(key, 5)
    source_node = jax.random.randint(k1, (NPAIRS,), 0, N1, dtype=jnp.int64 if jax.config.jax_enable_x64 else jnp.int32)
    target_node = jax.random.randint(k2, (NPAIRS,), 0, N1, dtype=jnp.int64 if jax.config.jax_enable_x64 else jnp.int32)
    # LINE labels are +1 (positive edge) / -1 (negative sample)
    label = jnp.sign(jax.random.normal(k3, (NPAIRS,), dtype=jnp.float32))
    label = jnp.where(label == 0, 1.0, label)
    # learned parameters: uniform(-1, 1), matching nn.Parameter(torch.zeros(n1, dim).uniform_(-1, 1))
    nodes_embed = jax.random.uniform(k4, (N1, DIM), dtype=jnp.float32, minval=-1.0, maxval=1.0)
    context_nodes_embed = jax.random.uniform(k5, (N1, DIM), dtype=jnp.float32, minval=-1.0, maxval=1.0)
    return {"source_node": source_node, "target_node": target_node, "label": label,
            "nodes_embed": nodes_embed, "context_nodes_embed": context_nodes_embed}

def reference(source_node, target_node, label, nodes_embed, context_nodes_embed):
    # order == 2: target embeddings come from the context table
    source_embed = jnp.take(nodes_embed, source_node, axis=0)
    target_embed = jnp.take(context_nodes_embed, target_node, axis=0)
    inner_product = jnp.sum(source_embed * target_embed, axis=1)
    pos_neg = label * inner_product
    log_sigmoid = jax.nn.log_sigmoid(pos_neg)
    line_loss = -jnp.mean(log_sigmoid)
    return line_loss

if __name__ == "__main__":
    import jax
    _d = setup_inputs()
    print(jax.jit(kernel)(*tuple(_d.values())))

</pallas_src>

<mosaic_0001>
#map = affine_map<(d0, d1) -> (0, 0, 0)>
#map1 = affine_map<(d0, d1) -> (0, 0)>
module attributes {stable_mosaic.version = 14 : i64} {
  func.func @dots(%arg0: i32, %arg1: i32, %arg2: memref<32x24x128xi32, #tpu.memory_space<hbm>>, %arg3: memref<32x24x128xi32, #tpu.memory_space<hbm>>, %arg4: memref<100000x128xf32, #tpu.memory_space<hbm>>, %arg5: memref<100000x128xf32, #tpu.memory_space<hbm>>, %arg6: memref<32x24x128xf32, #tpu.memory_space<hbm>>, %arg7: memref<24x128xi32, #tpu.memory_space<vmem>>, %arg8: memref<24x128xi32, #tpu.memory_space<vmem>>, %arg9: memref<128x128xf32, #tpu.memory_space<vmem>>, %arg10: memref<128x128xf32, #tpu.memory_space<vmem>>, %arg11: memref<128x128xf32, #tpu.memory_space<vmem>>, %arg12: memref<128x128xf32, #tpu.memory_space<vmem>>, %arg13: memref<24x128xf32, #tpu.memory_space<vmem>>, %arg14: memref<!tpu.dma_semaphore, #tpu.memory_space<semaphore_mem>>, %arg15: memref<!tpu.dma_semaphore, #tpu.memory_space<semaphore_mem>>, %arg16: memref<!tpu.dma_semaphore, #tpu.memory_space<semaphore_mem>>, %arg17: memref<!tpu.dma_semaphore, #tpu.memory_space<semaphore_mem>>) attributes {dimension_semantics = [#tpu.dimension_semantics<core_parallel>, #tpu.dimension_semantics<subcore_parallel>], iteration_bounds = array<i64: 2, 16>, scalar_prefetch = 0 : i64, scratch_operands = 11 : i64, tpu.core_type = #tpu.core_type<sc_vector_subcore>, window_params = [{transform_indices = #map}, {transform_indices = #map}, {transform_indices = #map1}, {transform_indices = #map1}, {transform_indices = #map}]} {
    %mul3A = arith.constant 2 : i32
    %mul3A_0 = arith.muli %arg1, %mul3A : i32
    %add3A = arith.addi %mul3A_0, %arg0 : i32
    "tpu.region"() ({
      %run_scoped3A = tpu.sem_alloc : memref<!tpu.dma_semaphore, #tpu.memory_space<semaphore_mem>>
      %dma_start3A_19 = arith.constant 0 : i32
      %dma_start3A_20 = arith.constant 0 : i32
      %dma_start3A_21 = tpu.memref_slice %arg2[%add3A, %dma_start3A_19, %dma_start3A_20] : memref<32x24x128xi32, #tpu.memory_space<hbm>> -> memref<1x24x128xi32, #tpu.memory_space<hbm>>
      %dma_start3A_22 = tpu.memref_squeeze %dma_start3A_21 : memref<1x24x128xi32, #tpu.memory_space<hbm>> -> memref<24x128xi32, #tpu.memory_space<hbm>>
      %dma_start3A_23 = arith.constant 0 : i32
      %dma_start3A_24 = arith.constant 0 : i32
      %dma_start3A_25 = tpu.memref_slice %arg2[%add3A, %dma_start3A_23, %dma_start3A_24] : memref<32x24x128xi32, #tpu.memory_space<hbm>> -> memref<1x24x128xi32, #tpu.memory_space<hbm>>
      %dma_start3A_26 = tpu.memref_squeeze %dma_start3A_25 : memref<1x24x128xi32, #tpu.memory_space<hbm>> -> memref<24x128xi32, #tpu.memory_space<hbm>>
      tpu.enqueue_dma source(%dma_start3A_26 : memref<24x128xi32, #tpu.memory_space<hbm>>) target(%arg7 : memref<24x128xi32, #tpu.memory_space<vmem>>) target_semaphore(%run_scoped3A : memref<!tpu.dma_semaphore, #tpu.memory_space<semaphore_mem>>)
      %dma_wait3A = arith.constant 0 : i32
      %dma_wait3A_27 = arith.constant 0 : i32
      %dma_wait3A_28 = tpu.memref_slice %arg2[%add3A, %dma_wait3A, %dma_wait3A_27] : memref<32x24x128xi32, #tpu.memory_space<hbm>> -> memref<1x24x128xi32, #tpu.memory_space<hbm>>
      %dma_wait3A_29 = tpu.memref_squeeze %dma_wait3A_28 : memref<1x24x128xi32, #tpu.memory_space<hbm>> -> memref<24x128xi32, #tpu.memory_space<hbm>>
      %dma_wait3A_30 = arith.constant 0 : i32
      %dma_wait3A_31 = arith.constant 0 : i32
      %dma_wait3A_32 = tpu.memref_slice %arg2[%add3A, %dma_wait3A_30, %dma_wait3A_31] : memref<32x24x128xi32, #tpu.memory_space<hbm>> -> memref<1x24x128xi32, #tpu.memory_space<hbm>>
      %dma_wait3A_33 = tpu.memref_squeeze %dma_wait3A_32 : memref<1x24x128xi32, #tpu.memory_space<hbm>> -> memref<24x128xi32, #tpu.memory_space<hbm>>
      tpu.wait_dma2 semaphore(%run_scoped3A : memref<!tpu.dma_semaphore, #tpu.memory_space<semaphore_mem>>) src(%dma_wait3A_33 : memref<24x128xi32, #tpu.memory_space<hbm>>) dst(%arg7 : memref<24x128xi32, #tpu.memory_space<vmem>>)
      tpu.yield
    }) : () -> ()
    "tpu.region"() ({
      %run_scoped3A = tpu.sem_alloc : memref<!tpu.dma_semaphore, #tpu.memory_space<semaphore_mem>>
      %dma_start3A_19 = arith.constant 0 : i32
      %dma_start3A_20 = arith.constant 0 : i32
      %dma_start3A_21 = tpu.memref_slice %arg3[%add3A, %dma_start3A_19, %dma_start3A_20] : memref<32x24x128xi32, #tpu.memory_space<hbm>> -> memref<1x24x128xi32, #tpu.memory_space<hbm>>
      %dma_start3A_22 = tpu.memref_squeeze %dma_start3A_21 : memref<1x24x128xi32, #tpu.memory_space<hbm>> -> memref<24x128xi32, #tpu.memory_space<hbm>>
      %dma_start3A_23 = arith.constant 0 : i32
      %dma_start3A_24 = arith.constant 0 : i32
      %dma_start3A_25 = tpu.memref_slice %arg3[%add3A, %dma_start3A_23, %dma_start3A_24] : memref<32x24x128xi32, #tpu.memory_space<hbm>> -> memref<1x24x128xi32, #tpu.memory_space<hbm>>
      %dma_start3A_26 = tpu.memref_squeeze %dma_start3A_25 : memref<1x24x128xi32, #tpu.memory_space<hbm>> -> memref<24x128xi32, #tpu.memory_space<hbm>>
      tpu.enqueue_dma source(%dma_start3A_26 : memref<24x128xi32, #tpu.memory_space<hbm>>) target(%arg8 : memref<24x128xi32, #tpu.memory_space<vmem>>) target_semaphore(%run_scoped3A : memref<!tpu.dma_semaphore, #tpu.memory_space<semaphore_mem>>)
      %dma_wait3A = arith.constant 0 : i32
      %dma_wait3A_27 = arith.constant 0 : i32
      %dma_wait3A_28 = tpu.memref_slice %arg3[%add3A, %dma_wait3A, %dma_wait3A_27] : memref<32x24x128xi32, #tpu.memory_space<hbm>> -> memref<1x24x128xi32, #tpu.memory_space<hbm>>
      %dma_wait3A_29 = tpu.memref_squeeze %dma_wait3A_28 : memref<1x24x128xi32, #tpu.memory_space<hbm>> -> memref<24x128xi32, #tpu.memory_space<hbm>>
      %dma_wait3A_30 = arith.constant 0 : i32
      %dma_wait3A_31 = arith.constant 0 : i32
      %dma_wait3A_32 = tpu.memref_slice %arg3[%add3A, %dma_wait3A_30, %dma_wait3A_31] : memref<32x24x128xi32, #tpu.memory_space<hbm>> -> memref<1x24x128xi32, #tpu.memory_space<hbm>>
      %dma_wait3A_33 = tpu.memref_squeeze %dma_wait3A_32 : memref<1x24x128xi32, #tpu.memory_space<hbm>> -> memref<24x128xi32, #tpu.memory_space<hbm>>
      tpu.wait_dma2 semaphore(%run_scoped3A : memref<!tpu.dma_semaphore, #tpu.memory_space<semaphore_mem>>) src(%dma_wait3A_33 : memref<24x128xi32, #tpu.memory_space<hbm>>) dst(%arg8 : memref<24x128xi32, #tpu.memory_space<vmem>>)
      tpu.yield
    }) : () -> ()
    %iota3A = tpu.iota {dimensions = array<i32: 0>} : vector<16xi32>
    %dma_start3A = arith.constant 0 : i32
    %dma_start3A_1 = arith.constant 0 : i32
    %dma_start3A_2 = tpu.memref_slice %arg7[%dma_start3A, %dma_start3A_1] : memref<24x128xi32, #tpu.memory_space<vmem>> -> memref<1x128xi32, #tpu.memory_space<vmem>>
    %dma_start3A_3 = tpu.memref_squeeze %dma_start3A_2 : memref<1x128xi32, #tpu.memory_space<vmem>> -> memref<128xi32, #tpu.memory_space<vmem>>
    %dma_start3A_4 = arith.constant 0 : i32
    %dma_start3A_5 = arith.constant 0 : i32
    %dma_start3A_6 = tpu.memref_slice %arg4[%dma_start3A_4, %dma_start3A_5] : memref<100000x128xf32, #tpu.memory_space<hbm>> -> memref<100000x128xf32, #tpu.memory_space<hbm>>
    tpu.enqueue_indirect_dma source(%dma_start3A_6 : memref<100000x128xf32, #tpu.memory_space<hbm>>) target(%arg9 : memref<128x128xf32, #tpu.memory_space<vmem>>) offsets(%dma_start3A_3 : memref<128xi32, #tpu.memory_space<vmem>>) semaphore(%arg14 : memref<!tpu.dma_semaphore, #tpu.memory_space<semaphore_mem>>)
    %dma_start3A_7 = arith.constant 0 : i32
    %dma_start3A_8 = arith.constant 0 : i32
    %dma_start3A_9 = tpu.memref_slice %arg8[%dma_start3A_7, %dma_start3A_8] : memref<24x128xi32, #tpu.memory_space<vmem>> -> memref<1x128xi32, #tpu.memory_space<vmem>>
    %dma_start3A_10 = tpu.memref_squeeze %dma_start3A_9 : memref<1x128xi32, #tpu.memory_space<vmem>> -> memref<128xi32, #tpu.memory_space<vmem>>
    %dma_start3A_11 = arith.constant 0 : i32
    %dma_start3A_12 = arith.constant 0 : i32
    %dma_start3A_13 = tpu.memref_slice %arg5[%dma_start3A_11, %dma_start3A_12] : memref<100000x128xf32, #tpu.memory_space<hbm>> -> memref<100000x128xf32, #tpu.memory_space<hbm>>
    tpu.enqueue_indirect_dma source(%dma_start3A_13 : memref<100000x128xf32, #tpu.memory_space<hbm>>) target(%arg11 : memref<128x128xf32, #tpu.memory_space<vmem>>) offsets(%dma_start3A_10 : memref<128xi32, #tpu.memory_space<vmem>>) semaphore(%arg16 : memref<!tpu.dma_semaphore, #tpu.memory_space<semaphore_mem>>)
    %scan3A = arith.constant 0 : i32
    %scan3A_14 = arith.constant 0 : i32
    %scan3A_15 = arith.constant 12 : i32
    %scan3A_16 = arith.addi %scan3A_14, %scan3A_15 : i32
    %scan3A_17 = arith.constant 1 : i32
    scf.for %scan3A_19 = %scan3A_14 to %scan3A_16 step %scan3A_17  : i32 {
      %mul3A_20 = arith.constant 2 : i32
      %mul3A_21 = arith.muli %scan3A_19, %mul3A_20 : i32
      %add3A_22 = arith.constant 1 : i32
      %add3A_23 = arith.addi %mul3A_21, %add3A_22 : i32
      %dma_start3A_24 = arith.constant 0 : i32
      %dma_start3A_25 = tpu.memref_slice %arg7[%add3A_23, %dma_start3A_24] : memref<24x128xi32, #tpu.memory_space<vmem>> -> memref<1x128xi32, #tpu.memory_space<vmem>>
      %dma_start3A_26 = tpu.memref_squeeze %dma_start3A_25 : memref<1x128xi32, #tpu.memory_space<vmem>> -> memref<128xi32, #tpu.memory_space<vmem>>
      %dma_start3A_27 = arith.constant 0 : i32
      %dma_start3A_28 = arith.constant 0 : i32
      %dma_start3A_29 = tpu.memref_slice %arg4[%dma_start3A_27, %dma_start3A_28] : memref<100000x128xf32, #tpu.memory_space<hbm>> -> memref<100000x128xf32, #tpu.memory_space<hbm>>
      tpu.enqueue_indirect_dma source(%dma_start3A_29 : memref<100000x128xf32, #tpu.memory_space<hbm>>) target(%arg10 : memref<128x128xf32, #tpu.memory_space<vmem>>) offsets(%dma_start3A_26 : memref<128xi32, #tpu.memory_space<vmem>>) semaphore(%arg15 : memref<!tpu.dma_semaphore, #tpu.memory_space<semaphore_mem>>)
      %dma_start3A_30 = arith.constant 0 : i32
      %dma_start3A_31 = tpu.memref_slice %arg8[%add3A_23, %dma_start3A_30] : memref<24x128xi32, #tpu.memory_space<vmem>> -> memref<1x128xi32, #tpu.memory_space<vmem>>
      %dma_start3A_32 = tpu.memref_squeeze %dma_start3A_31 : memref<1x128xi32, #tpu.memory_space<vmem>> -> memref<128xi32, #tpu.memory_space<vmem>>
      %dma_start3A_33 = arith.constant 0 : i32
      %dma_start3A_34 = arith.constant 0 : i32
      %dma_start3A_35 = tpu.memref_slice %arg5[%dma_start3A_33, %dma_start3A_34] : memref<100000x128xf32, #tpu.memory_space<hbm>> -> memref<100000x128xf32, #tpu.memory_space<hbm>>
      tpu.enqueue_indirect_dma source(%dma_start3A_35 : memref<100000x128xf32, #tpu.memory_space<hbm>>) target(%arg12 : memref<128x128xf32, #tpu.memory_space<vmem>>) offsets(%dma_start3A_32 : memref<128xi32, #tpu.memory_space<vmem>>) semaphore(%arg17 : memref<!tpu.dma_semaphore, #tpu.memory_space<semaphore_mem>>)
      %dma_wait3A = arith.constant 0 : i32
      %dma_wait3A_36 = arith.constant 0 : i32
      %dma_wait3A_37 = tpu.memref_slice %arg7[%dma_wait3A, %dma_wait3A_36] : memref<24x128xi32, #tpu.memory_space<vmem>> -> memref<1x128xi32, #tpu.memory_space<vmem>>
      %dma_wait3A_38 = tpu.memref_squeeze %dma_wait3A_37 : memref<1x128xi32, #tpu.memory_space<vmem>> -> memref<128xi32, #tpu.memory_space<vmem>>
      %dma_wait3A_39 = arith.constant 0 : i32
      %dma_wait3A_40 = arith.constant 0 : i32
      %dma_wait3A_41 = tpu.memref_slice %arg4[%dma_wait3A_39, %dma_wait3A_40] : memref<100000x128xf32, #tpu.memory_space<hbm>> -> memref<100000x128xf32, #tpu.memory_space<hbm>>
      tpu.wait_indirect_dma semaphore(%arg14 : memref<!tpu.dma_semaphore, #tpu.memory_space<semaphore_mem>>) src(%dma_wait3A_41 : memref<100000x128xf32, #tpu.memory_space<hbm>>) dst(%arg9 : memref<128x128xf32, #tpu.memory_space<vmem>>)
      %dma_wait3A_42 = arith.constant 0 : i32
      %dma_wait3A_43 = arith.constant 0 : i32
      %dma_wait3A_44 = tpu.memref_slice %arg8[%dma_wait3A_42, %dma_wait3A_43] : memref<24x128xi32, #tpu.memory_space<vmem>> -> memref<1x128xi32, #tpu.memory_space<vmem>>
      %dma_wait3A_45 = tpu.memref_squeeze %dma_wait3A_44 : memref<1x128xi32, #tpu.memory_space<vmem>> -> memref<128xi32, #tpu.memory_space<vmem>>
      %dma_wait3A_46 = arith.constant 0 : i32
      %dma_wait3A_47 = arith.constant 0 : i32
      %dma_wait3A_48 = tpu.memref_slice %arg5[%dma_wait3A_46, %dma_wait3A_47] : memref<100000x128xf32, #tpu.memory_space<hbm>> -> memref<100000x128xf32, #tpu.memory_space<hbm>>
      tpu.wait_indirect_dma semaphore(%arg16 : memref<!tpu.dma_semaphore, #tpu.memory_space<semaphore_mem>>) src(%dma_wait3A_48 : memref<100000x128xf32, #tpu.memory_space<hbm>>) dst(%arg11 : memref<128x128xf32, #tpu.memory_space<vmem>>)
      %parallel_loop3A = arith.constant 0 : i32
      %parallel_loop3A_49 = arith.constant 8 : i32
      %parallel_loop3A_50 = arith.constant 1 : i32
      scf.for %parallel_loop3A_74 = %parallel_loop3A to %parallel_loop3A_49 step %parallel_loop3A_50  : i32 {
        %parallel_loop3A_75 = arith.constant 0.000000e+00 : f32
        %parallel_loop3A_76 = vector.broadcast %parallel_loop3A_75 : f32 to vector<16xf32>
        %parallel_loop3A_77 = arith.constant 16 : i32
        %parallel_loop3A_78 = arith.muli %parallel_loop3A_74, %parallel_loop3A_77 : i32
        %parallel_loop3A_79 = arith.constant 0 : i32
        %parallel_loop3A_80 = arith.addi %parallel_loop3A_78, %parallel_loop3A_79 : i32
        %parallel_loop3A_81 = arith.index_cast %parallel_loop3A_80 : i32 to index
        %parallel_loop3A_82 = arith.constant 0 : index
        %parallel_loop3A_83 = tpu.vector_load %arg9[%parallel_loop3A_81, %parallel_loop3A_82] {strides = array<i32>} : memref<128x128xf32, #tpu.memory_space<vmem>>, vector<16xf32>,
        %parallel_loop3A_84 = arith.index_cast %parallel_loop3A_80 : i32 to index
        %parallel_loop3A_85 = arith.constant 0 : index
        %parallel_loop3A_86 = tpu.vector_load %arg11[%parallel_loop3A_84, %parallel_loop3A_85] {strides = array<i32>} : memref<128x128xf32, #tpu.memory_space<vmem>>, vector<16xf32>,
        %parallel_loop3A_87 = arith.mulf %parallel_loop3A_83, %parallel_loop3A_86 : vector<16xf32>
        %parallel_loop3A_88 = arith.index_cast %parallel_loop3A_80 : i32 to index
        %parallel_loop3A_89 = arith.constant 16 : index
        %parallel_loop3A_90 = tpu.vector_load %arg9[%parallel_loop3A_88, %parallel_loop3A_89] {strides = array<i32>} : memref<128x128xf32, #tpu.memory_space<vmem>>, vector<16xf32>,
        %parallel_loop3A_91 = arith.index_cast %parallel_loop3A_80 : i32 to index
        %parallel_loop3A_92 = arith.constant 16 : index
        %parallel_loop3A_93 = tpu.vector_load %arg11[%parallel_loop3A_91, %parallel_loop3A_92] {strides = array<i32>} : memref<128x128xf32, #tpu.memory_space<vmem>>, vector<16xf32>,
        %parallel_loop3A_94 = arith.mulf %parallel_loop3A_90, %parallel_loop3A_93 : vector<16xf32>
        %parallel_loop3A_95 = arith.addf %parallel_loop3A_87, %parallel_loop3A_94 : vector<16xf32>
        %parallel_loop3A_96 = arith.index_cast %parallel_loop3A_80 : i32 to index
        %parallel_loop3A_97 = arith.constant 32 : index
        %parallel_loop3A_98 = tpu.vector_load %arg9[%parallel_loop3A_96, %parallel_loop3A_97] {strides = array<i32>} : memref<128x128xf32, #tpu.memory_space<vmem>>, vector<16xf32>,
        %parallel_loop3A_99 = arith.index_cast %parallel_loop3A_80 : i32 to index
        %parallel_loop3A_100 = arith.constant 32 : index
        %parallel_loop3A_101 = tpu.vector_load %arg11[%parallel_loop3A_99, %parallel_loop3A_100] {strides = array<i32>} : memref<128x128xf32, #tpu.memory_space<vmem>>, vector<16xf32>,
        %parallel_loop3A_102 = arith.mulf %parallel_loop3A_98, %parallel_loop3A_101 : vector<16xf32>
        %parallel_loop3A_103 = arith.addf %parallel_loop3A_95, %parallel_loop3A_102 : vector<16xf32>
        %parallel_loop3A_104 = arith.index_cast %parallel_loop3A_80 : i32 to index
        %parallel_loop3A_105 = arith.constant 48 : index
        %parallel_loop3A_106 = tpu.vector_load %arg9[%parallel_loop3A_104, %parallel_loop3A_105] {strides = array<i32>} : memref<128x128xf32, #tpu.memory_space<vmem>>, vector<16xf32>,
        %parallel_loop3A_107 = arith.index_cast %parallel_loop3A_80 : i32 to index
        %parallel_loop3A_108 = arith.constant 48 : index
        %parallel_loop3A_109 = tpu.vector_load %arg11[%parallel_loop3A_107, %parallel_loop3A_108] {strides = array<i32>} : memref<128x128xf32, #tpu.memory_space<vmem>>, vector<16xf32>,
        %parallel_loop3A_110 = arith.mulf %parallel_loop3A_106, %parallel_loop3A_109 : vector<16xf32>
        %parallel_loop3A_111 = arith.addf %parallel_loop3A_103, %parallel_loop3A_110 : vector<16xf32>
        %parallel_loop3A_112 = arith.index_cast %parallel_loop3A_80 : i32 to index
        %parallel_loop3A_113 = arith.constant 64 : index
        %parallel_loop3A_114 = tpu.vector_load %arg9[%parallel_loop3A_112, %parallel_loop3A_113] {strides = array<i32>} : memref<128x128xf32, #tpu.memory_space<vmem>>, vector<16xf32>,
        %parallel_loop3A_115 = arith.index_cast %parallel_loop3A_80 : i32 to index
        %parallel_loop3A_116 = arith.constant 64 : index
        %parallel_loop3A_117 = tpu.vector_load %arg11[%parallel_loop3A_115, %parallel_loop3A_116] {strides = array<i32>} : memref<128x128xf32, #tpu.memory_space<vmem>>, vector<16xf32>,
        %parallel_loop3A_118 = arith.mulf %parallel_loop3A_114, %parallel_loop3A_117 : vector<16xf32>
        %parallel_loop3A_119 = arith.addf %parallel_loop3A_111, %parallel_loop3A_118 : vector<16xf32>
        %parallel_loop3A_120 = arith.index_cast %parallel_loop3A_80 : i32 to index
        %parallel_loop3A_121 = arith.constant 80 : index
        %parallel_loop3A_122 = tpu.vector_load %arg9[%parallel_loop3A_120, %parallel_loop3A_121] {strides = array<i32>} : memref<128x128xf32, #tpu.memory_space<vmem>>, vector<16xf32>,
        %parallel_loop3A_123 = arith.index_cast %parallel_loop3A_80 : i32 to index
        %parallel_loop3A_124 = arith.constant 80 : index
        %parallel_loop3A_125 = tpu.vector_load %arg11[%parallel_loop3A_123, %parallel_loop3A_124] {strides = array<i32>} : memref<128x128xf32, #tpu.memory_space<vmem>>, vector<16xf32>,
        %parallel_loop3A_126 = arith.mulf %parallel_loop3A_122, %parallel_loop3A_125 : vector<16xf32>
        %parallel_loop3A_127 = arith.addf %parallel_loop3A_119, %parallel_loop3A_126 : vector<16xf32>
        %parallel_loop3A_128 = arith.index_cast %parallel_loop3A_80 : i32 to index
        %parallel_loop3A_129 = arith.constant 96 : index
        %parallel_loop3A_130 = tpu.vector_load %arg9[%parallel_loop3A_128, %parallel_loop3A_129] {strides = array<i32>} : memref<128x128xf32, #tpu.memory_space<vmem>>, vector<16xf32>,
        %parallel_loop3A_131 = arith.index_cast %parallel_loop3A_80 : i32 to index
        %parallel_loop3A_132 = arith.constant 96 : index
        %parallel_loop3A_133 = tpu.vector_load %arg11[%parallel_loop3A_131, %parallel_loop3A_132] {strides = array<i32>} : memref<128x128xf32, #tpu.memory_space<vmem>>, vector<16xf32>,
        %parallel_loop3A_134 = arith.mulf %parallel_loop3A_130, %parallel_loop3A_133 : vector<16xf32>
        %parallel_loop3A_135 = arith.addf %parallel_loop3A_127, %parallel_loop3A_134 : vector<16xf32>
        %parallel_loop3A_136 = arith.index_cast %parallel_loop3A_80 : i32 to index
        %parallel_loop3A_137 = arith.constant 112 : index
        %parallel_loop3A_138 = tpu.vector_load %arg9[%parallel_loop3A_136, %parallel_loop3A_137] {strides = array<i32>} : memref<128x128xf32, #tpu.memory_space<vmem>>, vector<16xf32>,
        %parallel_loop3A_139 = arith.index_cast %parallel_loop3A_80 : i32 to index
        %parallel_loop3A_140 = arith.constant 112 : index
        %parallel_loop3A_141 = tpu.vector_load %arg11[%parallel_loop3A_139, %parallel_loop3A_140] {strides = array<i32>} : memref<128x128xf32, #tpu.memory_space<vmem>>, vector<16xf32>,
        %parallel_loop3A_142 = arith.mulf %parallel_loop3A_138, %parallel_loop3A_141 : vector<16xf32>
        %parallel_loop3A_143 = arith.addf %parallel_loop3A_135, %parallel_loop3A_142 : vector<16xf32>
        %parallel_loop3A_144 = arith.constant 0 : i32
        %parallel_loop3A_145 = vector.broadcast %parallel_loop3A_144 : i32 to vector<16xi32>
        %parallel_loop3A_146 = arith.cmpi eq, %iota3A, %parallel_loop3A_145 : vector<16xi32>
        %parallel_loop3A_147 = arith.constant true
        %parallel_loop3A_148 = vector.broadcast %parallel_loop3A_147 : i1 to vector<16xi1>
        %parallel_loop3A_149 = tpu.scan <sum>, %parallel_loop3A_143 masked %parallel_loop3A_148 : vector<16xf32>, vector<16xi1> -> vector<16xf32>
        %parallel_loop3A_150 = vector.extract %parallel_loop3A_149[15] : f32 from vector<16xf32>
        %parallel_loop3A_151 = vector.broadcast %parallel_loop3A_150 : f32 to vector<16xf32>
        %parallel_loop3A_152 = arith.select %parallel_loop3A_146, %parallel_loop3A_151, %parallel_loop3A_76 : vector<16xi1>, vector<16xf32>
        %parallel_loop3A_153 = arith.constant 16 : i32
        %parallel_loop3A_154 = arith.muli %parallel_loop3A_74, %parallel_loop3A_153 : i32
        %parallel_loop3A_155 = arith.constant 1 : i32
        %parallel_loop3A_156 = arith.addi %parallel_loop3A_154, %parallel_loop3A_155 : i32
        %parallel_loop3A_157 = arith.index_cast %parallel_loop3A_156 : i32 to index
        %parallel_loop3A_158 = arith.constant 0 : index
        %parallel_loop3A_159 = tpu.vector_load %arg9[%parallel_loop3A_157, %parallel_loop3A_158] {strides = array<i32>} : memref<128x128xf32, #tpu.memory_space<vmem>>, vector<16xf32>,
        %parallel_loop3A_160 = arith.index_cast %parallel_loop3A_156 : i32 to index
        %parallel_loop3A_161 = arith.constant 0 : index
        %parallel_loop3A_162 = tpu.vector_load %arg11[%parallel_loop3A_160, %parallel_loop3A_161] {strides = array<i32>} : memref<128x128xf32, #tpu.memory_space<vmem>>, vector<16xf32>,
        %parallel_loop3A_163 = arith.mulf %parallel_loop3A_159, %parallel_loop3A_162 : vector<16xf32>
        %parallel_loop3A_164 = arith.index_cast %parallel_loop3A_156 : i32 to index
        %parallel_loop3A_165 = arith.constant 16 : index
        %parallel_loop3A_166 = tpu.vector_load %arg9[%parallel_loop3A_164, %parallel_loop3A_165] {strides = array<i32>} : memref<128x128xf32, #tpu.memory_space<vmem>>, vector<16xf32>,
        %parallel_loop3A_167 = arith.index_cast %parallel_loop3A_156 : i32 to index
        %parallel_loop3A_168 = arith.constant 16 : index
        %parallel_loop3A_169 = tpu.vector_load %arg11[%parallel_loop3A_167, %parallel_loop3A_168] {strides = array<i32>} : memref<128x128xf32, #tpu.memory_space<vmem>>, vector<16xf32>,
        %parallel_loop3A_170 = arith.mulf %parallel_loop3A_166, %parallel_loop3A_169 : vector<16xf32>
        %parallel_loop3A_171 = arith.addf %parallel_loop3A_163, %parallel_loop3A_170 : vector<16xf32>
        %parallel_loop3A_172 = arith.index_cast %parallel_loop3A_156 : i32 to index
        %parallel_loop3A_173 = arith.constant 32 : index
        %parallel_loop3A_174 = tpu.vector_load %arg9[%parallel_loop3A_172, %parallel_loop3A_173] {strides = array<i32>} : memref<128x128xf32, #tpu.memory_space<vmem>>, vector<16xf32>,
        %parallel_loop3A_175 = arith.index_cast %parallel_loop3A_156 : i32 to index
        %parallel_loop3A_176 = arith.constant 32 : index
        %parallel_loop3A_177 = tpu.vector_load %arg11[%parallel_loop3A_175, %parallel_loop3A_176] {strides = array<i32>} : memref<128x128xf32, #tpu.memory_space<vmem>>, vector<16xf32>,
        %parallel_loop3A_178 = arith.mulf %parallel_loop3A_174, %parallel_loop3A_177 : vector<16xf32>
        %parallel_loop3A_179 = arith.addf %parallel_loop3A_171, %parallel_loop3A_178 : vector<16xf32>
        %parallel_loop3A_180 = arith.index_cast %parallel_loop3A_156 : i32 to index
        %parallel_loop3A_181 = arith.constant 48 : index
        %parallel_loop3A_182 = tpu.vector_load %arg9[%parallel_loop3A_180, %parallel_loop3A_181] {strides = array<i32>} : memref<128x128xf32, #tpu.memory_space<vmem>>, vector<16xf32>,
        %parallel_loop3A_183 = arith.index_cast %parallel_loop3A_156 : i32 to index
        %parallel_loop3A_184 = arith.constant 48 : index
        %parallel_loop3A_185 = tpu.vector_load %arg11[%parallel_loop3A_183, %parallel_loop3A_184] {strides = array<i32>} : memref<128x128xf32, #tpu.memory_space<vmem>>, vector<16xf32>,
        %parallel_loop3A_186 = arith.mulf %parallel_loop3A_182, %parallel_loop3A_185 : vector<16xf32>
        %parallel_loop3A_187 = arith.addf %parallel_loop3A_179, %parallel_loop3A_186 : vector<16xf32>
        %parallel_loop3A_188 = arith.index_cast %parallel_loop3A_156 : i32 to index
        %parallel_loop3A_189 = arith.constant 64 : index
        %parallel_loop3A_190 = tpu.vector_load %arg9[%parallel_loop3A_188, %parallel_loop3A_189] {strides = array<i32>} : memref<128x128xf32, #tpu.memory_space<vmem>>, vector<16xf32>,
        %parallel_loop3A_191 = arith.index_cast %parallel_loop3A_156 : i32 to index
        %parallel_loop3A_192 = arith.constant 64 : index
        %parallel_loop3A_193 = tpu.vector_load %arg11[%parallel_loop3A_191, %parallel_loop3A_192] {strides = array<i32>} : memref<128x128xf32, #tpu.memory_space<vmem>>, vector<16xf32>,
        %parallel_loop3A_194 = arith.mulf %parallel_loop3A_190, %parallel_loop3A_193 : vector<16xf32>
        %parallel_loop3A_195 = arith.addf %parallel_loop3A_187, %parallel_loop3A_194 : vector<16xf32>
        %parallel_loop3A_196 = arith.index_cast %parallel_loop3A_156 : i32 to index
        %parallel_loop3A_197 = arith.constant 80 : index
        %parallel_loop3A_198 = tpu.vector_load %arg9[%parallel_loop3A_196, %parallel_loop3A_197] {strides = array<i32>} : memref<128x128xf32, #tpu.memory_space<vmem>>, vector<16xf32>,
        %parallel_loop3A_199 = arith.index_cast %parallel_loop3A_156 : i32 to index
        %parallel_loop3A_200 = arith.constant 80 : index
        %parallel_loop3A_201 = tpu.vector_load %arg11[%parallel_loop3A_199, %parallel_loop3A_200] {strides = array<i32>} : memref<128x128xf32, #tpu.memory_space<vmem>>, vector<16xf32>,
        %parallel_loop3A_202 = arith.mulf %parallel_loop3A_198, %parallel_loop3A_201 : vector<16xf32>
        %parallel_loop3A_203 = arith.addf %parallel_loop3A_195, %parallel_loop3A_202 : vector<16xf32>
        %parallel_loop3A_204 = arith.index_cast %parallel_loop3A_156 : i32 to index
        %parallel_loop3A_205 = arith.constant 96 : index
        %parallel_loop3A_206 = tpu.vector_load %arg9[%parallel_loop3A_204, %parallel_loop3A_205] {strides = array<i32>} : memref<128x128xf32, #tpu.memory_space<vmem>>, vector<16xf32>,
        %parallel_loop3A_207 = arith.index_cast %parallel_loop3A_156 : i32 to index
        %parallel_loop3A_208 = arith.constant 96 : index
        %parallel_loop3A_209 = tpu.vector_load %arg11[%parallel_loop3A_207, %parallel_loop3A_208] {strides = array<i32>} : memref<128x128xf32, #tpu.memory_space<vmem>>, vector<16xf32>,
        %parallel_loop3A_210 = arith.mulf %parallel_loop3A_206, %parallel_loop3A_209 : vector<16xf32>
        %parallel_loop3A_211 = arith.addf %parallel_loop3A_203, %parallel_loop3A_210 : vector<16xf32>
        %parallel_loop3A_212 = arith.index_cast %parallel_loop3A_156 : i32 to index
        %parallel_loop3A_213 = arith.constant 112 : index
        %parallel_loop3A_214 = tpu.vector_load %arg9[%parallel_loop3A_212, %parallel_loop3A_213] {strides = array<i32>} : memref<128x128xf32, #tpu.memory_space<vmem>>, vector<16xf32>,
        %parallel_loop3A_215 = arith.index_cast %parallel_loop3A_156 : i32 to index
        %parallel_loop3A_216 = arith.constant 112 : index
        %parallel_loop3A_217 = tpu.vector_load %arg11[%parallel_loop3A_215, %parallel_loop3A_216] {strides = array<i32>} : memref<128x128xf32, #tpu.memory_space<vmem>>, vector<16xf32>,
        %parallel_loop3A_218 = arith.mulf %parallel_loop3A_214, %parallel_loop3A_217 : vector<16xf32>
        %parallel_loop3A_219 = arith.addf %parallel_loop3A_211, %parallel_loop3A_218 : vector<16xf32>
        %parallel_loop3A_220 = arith.constant 1 : i32
        %parallel_loop3A_221 = vector.broadcast %parallel_loop3A_220 : i32 to vector<16xi32>
        %parallel_loop3A_222 = arith.cmpi eq, %iota3A, %parallel_loop3A_221 : vector<16xi32>
        %parallel_loop3A_223 = arith.constant true
        %parallel_loop3A_224 = vector.broadcast %parallel_loop3A_223 : i1 to vector<16xi1>
        %parallel_loop3A_225 = tpu.scan <sum>, %parallel_loop3A_219 masked %parallel_loop3A_224 : vector<16xf32>, vector<16xi1> -> vector<16xf32>
        %parallel_loop3A_226 = vector.extract %parallel_loop3A_225[15] : f32 from vector<16xf32>
        %parallel_loop3A_227 = vector.broadcast %parallel_loop3A_226 : f32 to vector<16xf32>
        %parallel_loop3A_228 = arith.select %parallel_loop3A_222, %parallel_loop3A_227, %parallel_loop3A_152 : vector<16xi1>, vector<16xf32>
        %parallel_loop3A_229 = arith.constant 16 : i32
        %parallel_loop3A_230 = arith.muli %parallel_loop3A_74, %parallel_loop3A_229 : i32
        %parallel_loop3A_231 = arith.constant 2 : i32
        %parallel_loop3A_232 = arith.addi %parallel_loop3A_230, %parallel_loop3A_231 : i32
        %parallel_loop3A_233 = arith.index_cast %parallel_loop3A_232 : i32 to index
        %parallel_loop3A_234 = arith.constant 0 : index
        %parallel_loop3A_235 = tpu.vector_load %arg9[%parallel_loop3A_233, %parallel_loop3A_234] {strides = array<i32>} : memref<128x128xf32, #tpu.memory_space<vmem>>, vector<16xf32>,
        %parallel_loop3A_236 = arith.index_cast %parallel_loop3A_232 : i32 to index
        %parallel_loop3A_237 = arith.constant 0 : index
        %parallel_loop3A_238 = tpu.vector_load %arg11[%parallel_loop3A_236, %parallel_loop3A_237] {strides = array<i32>} : memref<128x128xf32, #tpu.memory_space<vmem>>, vector<16xf32>,
        %parallel_loop3A_239 = arith.mulf %parallel_loop3A_235, %parallel_loop3A_238 : vector<16xf32>
        %parallel_loop3A_240 = arith.index_cast %parallel_loop3A_232 : i32 to index
        %parallel_loop3A_241 = arith.constant 16 : index
        %parallel_loop3A_242 = tpu.vector_load %arg9[%parallel_loop3A_240, %parallel_loop3A_241] {strides = array<i32>} : memref<128x128xf32, #tpu.memory_space<vmem>>, vector<16xf32>,
        %parallel_loop3A_243 = arith.index_cast %parallel_loop3A_232 : i32 to index
        %parallel_loop3A_244 = arith.constant 16 : index
        %parallel_loop3A_245 = tpu.vector_load %arg11[%parallel_loop3A_243, %parallel_loop3A_244] {strides = array<i32>} : memref<128x128xf32, #tpu.memory_space<vmem>>, vector<16xf32>,
        %parallel_loop3A_246 = arith.mulf %parallel_loop3A_242, %parallel_loop3A_245 : vector<16xf32>
        %parallel_loop3A_247 = arith.addf %parallel_loop3A_239, %parallel_loop3A_246 : vector<16xf32>
        %parallel_loop3A_248 = arith.index_cast %parallel_loop3A_232 : i32 to index
        %parallel_loop3A_249 = arith.constant 32 : index
        %parallel_loop3A_250 = tpu.vector_load %arg9[%parallel_loop3A_248, %parallel_loop3A_249] {strides = array<i32>} : memref<128x128xf32, #tpu.memory_space<vmem>>, vector<16xf32>,
        %parallel_loop3A_251 = arith.index_cast %parallel_loop3A_232 : i32 to index
        %parallel_loop3A_252 = arith.constant 32 : index
        %parallel_loop3A_253 = tpu.vector_load %arg11[%parallel_loop3A_251, %parallel_loop3A_252] {strides = array<i32>} : memref<128x128xf32, #tpu.memory_space<vmem>>, vector<16xf32>,
        %parallel_loop3A_254 = arith.mulf %parallel_loop3A_250, %parallel_loop3A_253 : vector<16xf32>
        %parallel_loop3A_255 = arith.addf %parallel_loop3A_247, %parallel_loop3A_254 : vector<16xf32>
        %parallel_loop3A_256 = arith.index_cast %parallel_loop3A_232 : i32 to index
        %parallel_loop3A_257 = arith.constant 48 : index
        %parallel_loop3A_258 = tpu.vector_load %arg9[%parallel_loop3A_256, %parallel_loop3A_257] {strides = array<i32>} : memref<128x128xf32, #tpu.memory_space<vmem>>, vector<16xf32>,
        %parallel_loop3A_259 = arith.index_cast %parallel_loop3A_232 : i32 to index
        %parallel_loop3A_260 = arith.constant 48 : index
        %parallel_loop3A_261 = tpu.vector_load %arg11[%parallel_loop3A_259, %parallel_loop3A_260] {strides = array<i32>} : memref<128x128xf32, #tpu.memory_space<vmem>>, vector<16xf32>,
        %parallel_loop3A_262 = arith.mulf %parallel_loop3A_258, %parallel_loop3A_261 : vector<16xf32>
        %parallel_loop3A_263 = arith.addf %parallel_loop3A_255, %parallel_loop3A_262 : vector<16xf32>
        %parallel_loop3A_264 = arith.index_cast %parallel_loop3A_232 : i32 to index
        %parallel_loop3A_265 = arith.constant 64 : index
        %parallel_loop3A_266 = tpu.vector_load %arg9[%parallel_loop3A_264, %parallel_loop3A_265] {strides = array<i32>} : memref<128x128xf32, #tpu.memory_space<vmem>>, vector<16xf32>,
        %parallel_loop3A_267 = arith.index_cast %parallel_loop3A_232 : i32 to index
        %parallel_loop3A_268 = arith.constant 64 : index
        %parallel_loop3A_269 = tpu.vector_load %arg11[%parallel_loop3A_267, %parallel_loop3A_268] {strides = array<i32>} : memref<128x128xf32, #tpu.memory_space<vmem>>, vector<16xf32>,
        %parallel_loop3A_270 = arith.mulf %parallel_loop3A_266, %parallel_loop3A_269 : vector<16xf32>
        %parallel_loop3A_271 = arith.addf %parallel_loop3A_263, %parallel_loop3A_270 : vector<16xf32>
        %parallel_loop3A_272 = arith.index_cast %parallel_loop3A_232 : i32 to index
        %parallel_loop3A_273 = arith.constant 80 : index
        %parallel_loop3A_274 = tpu.vector_load %arg9[%parallel_loop3A_272, %parallel_loop3A_273] {strides = array<i32>} : memref<128x128xf32, #tpu.memory_space<vmem>>, vector<16xf32>,
        %parallel_loop3A_275 = arith.index_cast %parallel_loop3A_232 : i32 to index
        %parallel_loop3A_276 = arith.constant 80 : index
        %parallel_loop3A_277 = tpu.vector_load %arg11[%parallel_loop3A_275, %parallel_loop3A_276] {strides = array<i32>} : memref<128x128xf32, #tpu.memory_space<vmem>>, vector<16xf32>,
        %parallel_loop3A_278 = arith.mulf %parallel_loop3A_274, %parallel_loop3A_277 : vector<16xf32>
        %parallel_loop3A_279 = arith.addf %parallel_loop3A_271, %parallel_loop3A_278 : vector<16xf32>
        %parallel_loop3A_280 = arith.index_cast %parallel_loop3A_232 : i32 to index
        %parallel_loop3A_281 = arith.constant 96 : index
        %parallel_loop3A_282 = tpu.vector_load %arg9[%parallel_loop3A_280, %parallel_loop3A_281] {strides = array<i32>} : memref<128x128xf32, #tpu.memory_space<vmem>>, vector<16xf32>,
        %parallel_loop3A_283 = arith.index_cast %parallel_loop3A_232 : i32 to index
        %parallel_loop3A_284 = arith.constant 96 : index
        %parallel_loop3A_285 = tpu.vector_load %arg11[%parallel_loop3A_283, %parallel_loop3A_284] {strides = array<i32>} : memref<128x128xf32, #tpu.memory_space<vmem>>, vector<16xf32>,
        %parallel_loop3A_286 = arith.mulf %parallel_loop3A_282, %parallel_loop3A_285 : vector<16xf32>
        %parallel_loop3A_287 = arith.addf %parallel_loop3A_279, %parallel_loop3A_286 : vector<16xf32>
        %parallel_loop3A_288 = arith.index_cast %parallel_loop3A_232 : i32 to index
        %parallel_loop3A_289 = arith.constant 112 : index
        %parallel_loop3A_290 = tpu.vector_load %arg9[%parallel_loop3A_288, %parallel_loop3A_289] {strides = array<i32>} : memref<128x128xf32, #tpu.memory_space<vmem>>, vector<16xf32>,
        %parallel_loop3A_291 = arith.index_cast %parallel_loop3A_232 : i32 to index
        %parallel_loop3A_292 = arith.constant 112 : index
        %parallel_loop3A_293 = tpu.vector_load %arg11[%parallel_loop3A_291, %parallel_loop3A_292] {strides = array<i32>} : memref<128x128xf32, #tpu.memory_space<vmem>>, vector<16xf32>,
        %parallel_loop3A_294 = arith.mulf %parallel_loop3A_290, %parallel_loop3A_293 : vector<16xf32>
        %parallel_loop3A_295 = arith.addf %parallel_loop3A_287, %parallel_loop3A_294 : vector<16xf32>
        %parallel_loop3A_296 = arith.constant 2 : i32
        %parallel_loop3A_297 = vector.broadcast %parallel_loop3A_296 : i32 to vector<16xi32>
        %parallel_loop3A_298 = arith.cmpi eq, %iota3A, %parallel_loop3A_297 : vector<16xi32>
        %parallel_loop3A_299 = arith.constant true
        %parallel_loop3A_300 = vector.broadcast %parallel_loop3A_299 : i1 to vector<16xi1>
        %parallel_loop3A_301 = tpu.scan <sum>, %parallel_loop3A_295 masked %parallel_loop3A_300 : vector<16xf32>, vector<16xi1> -> vector<16xf32>
        %parallel_loop3A_302 = vector.extract %parallel_loop3A_301[15] : f32 from vector<16xf32>
        %parallel_loop3A_303 = vector.broadcast %parallel_loop3A_302 : f32 to vector<16xf32>
        %parallel_loop3A_304 = arith.select %parallel_loop3A_298, %parallel_loop3A_303, %parallel_loop3A_228 : vector<16xi1>, vector<16xf32>
        %parallel_loop3A_305 = arith.constant 16 : i32
        %parallel_loop3A_306 = arith.muli %parallel_loop3A_74, %parallel_loop3A_305 : i32
        %parallel_loop3A_307 = arith.constant 3 : i32
        %parallel_loop3A_308 = arith.addi %parallel_loop3A_306, %parallel_loop3A_307 : i32
        %parallel_loop3A_309 = arith.index_cast %parallel_loop3A_308 : i32 to index
        %parallel_loop3A_310 = arith.constant 0 : index
        %parallel_loop3A_311 = tpu.vector_load %arg9[%parallel_loop3A_309, %parallel_loop3A_310] {strides = array<i32>} : memref<128x128xf32, #tpu.memory_space<vmem>>, vector<16xf32>,
        %parallel_loop3A_312 = arith.index_cast %parallel_loop3A_308 : i32 to index
        %parallel_loop3A_313 = arith.constant 0 : index
        %parallel_loop3A_314 = tpu.vector_load %arg11[%parallel_loop3A_312, %parallel_loop3A_313] {strides = array<i32>} : memref<128x128xf32, #tpu.memory_space<vmem>>, vector<16xf32>,
        %parallel_loop3A_315 = arith.mulf %parallel_loop3A_311, %parallel_loop3A_314 : vector<16xf32>
        %parallel_loop3A_316 = arith.index_cast %parallel_loop3A_308 : i32 to index
        %parallel_loop3A_317 = arith.constant 16 : index
        %parallel_loop3A_318 = tpu.vector_load %arg9[%parallel_loop3A_316, %parallel_loop3A_317] {strides = array<i32>} : memref<128x128xf32, #tpu.memory_space<vmem>>, vector<16xf32>,
        %parallel_loop3A_319 = arith.index_cast %parallel_loop3A_308 : i32 to index
        %parallel_loop3A_320 = arith.constant 16 : index
        %parallel_loop3A_321 = tpu.vector_load %arg11[%parallel_loop3A_319, %parallel_loop3A_320] {strides = array<i32>} : memref<128x128xf32, #tpu.memory_space<vmem>>, vector<16xf32>,
        %parallel_loop3A_322 = arith.mulf %parallel_loop3A_318, %parallel_loop3A_321 : vector<16xf32>
        %parallel_loop3A_323 = arith.addf %parallel_loop3A_315, %parallel_loop3A_322 : vector<16xf32>
        %parallel_loop3A_324 = arith.index_cast %parallel_loop3A_308 : i32 to index
        %parallel_loop3A_325 = arith.constant 32 : index
        %parallel_loop3A_326 = tpu.vector_load %arg9[%parallel_loop3A_324, %parallel_loop3A_325] {strides = array<i32>} : memref<128x128xf32, #tpu.memory_space<vmem>>, vector<16xf32>,
        %parallel_loop3A_327 = arith.index_cast %parallel_loop3A_308 : i32 to index
        %parallel_loop3A_328 = arith.constant 32 : index
        %parallel_loop3A_329 = tpu.vector_load %arg11[%parallel_loop3A_327, %parallel_loop3A_328] {strides = array<i32>} : memref<128x128xf32, #tpu.memory_space<vmem>>, vector<16xf32>,
        %parallel_loop3A_330 = arith.mulf %parallel_loop3A_326, %parallel_loop3A_329 : vector<16xf32>
        %parallel_loop3A_331 = arith.addf %parallel_loop3A_323, %parallel_loop3A_330 : vector<16xf32>
        %parallel_loop3A_332 = arith.index_cast %parallel_loop3A_308 : i32 to index
        %parallel_loop3A_333 = arith.constant 48 : index
        %parallel_loop3A_334 = tpu.vector_load %arg9[%parallel_loop3A_332, %parallel_loop3A_333] {strides = array<i32>} : memref<128x128xf32, #tpu.memory_space<vmem>>, vector<16xf32>,
        %parallel_loop3A_335 = arith.index_cast %parallel_loop3A_308 : i32 to index
        %parallel_loop3A_336 = arith.constant 48 : index
        %parallel_loop3A_337 = tpu.vector_load %arg11[%parallel_loop3A_335, %parallel_loop3A_336] {strides = array<i32>} : memref<128x128xf32, #tpu.memory_space<vmem>>, vector<16xf32>,
        %parallel_loop3A_338 = arith.mulf %parallel_loop3A_334, %parallel_loop3A_337 : vector<16xf32>
        %parallel_loop3A_339 = arith.addf %parallel_loop3A_331, %parallel_loop3A_338 : vector<16xf32>
        %parallel_loop3A_340 = arith.index_cast %parallel_loop3A_308 : i32 to index
        %parallel_loop3A_341 = arith.constant 64 : index
        %parallel_loop3A_342 = tpu.vector_load %arg9[%parallel_loop3A_340, %parallel_loop3A_341] {strides = array<i32>} : memref<128x128xf32, #tpu.memory_space<vmem>>, vector<16xf32>,
        %parallel_loop3A_343 = arith.index_cast %parallel_loop3A_308 : i32 to index
        %parallel_loop3A_344 = arith.constant 64 : index
        %parallel_loop3A_345 = tpu.vector_load %arg11[%parallel_loop3A_343, %parallel_loop3A_344] {strides = array<i32>} : memref<128x128xf32, #tpu.memory_space<vmem>>, vector<16xf32>,
        %parallel_loop3A_346 = arith.mulf %parallel_loop3A_342, %parallel_loop3A_345 : vector<16xf32>
        %parallel_loop3A_347 = arith.addf %parallel_loop3A_339, %parallel_loop3A_346 : vector<16xf32>
        %parallel_loop3A_348 = arith.index_cast %parallel_loop3A_308 : i32 to index
        %parallel_loop3A_349 = arith.constant 80 : index
        %parallel_loop3A_350 = tpu.vector_load %arg9[%parallel_loop3A_348, %parallel_loop3A_349] {strides = array<i32>} : memref<128x128xf32, #tpu.memory_space<vmem>>, vector<16xf32>,
        %parallel_loop3A_351 = arith.index_cast %parallel_loop3A_308 : i32 to index
        %parallel_loop3A_352 = arith.constant 80 : index
        %parallel_loop3A_353 = tpu.vector_load %arg11[%parallel_loop3A_351, %parallel_loop3A_352] {strides = array<i32>} : memref<128x128xf32, #tpu.memory_space<vmem>>, vector<16xf32>,
        %parallel_loop3A_354 = arith.mulf %parallel_loop3A_350, %parallel_loop3A_353 : vector<16xf32>
        %parallel_loop3A_355 = arith.addf %parallel_loop3A_347, %parallel_loop3A_354 : vector<16xf32>
        %parallel_loop3A_356 = arith.index_cast %parallel_loop3A_308 : i32 to index
        %parallel_loop3A_357 = arith.constant 96 : index
        %parallel_loop3A_358 = tpu.vector_load %arg9[%parallel_loop3A_356, %parallel_loop3A_357] {strides = array<i32>} : memref<128x128xf32, #tpu.memory_space<vmem>>, vector<16xf32>,
        %parallel_loop3A_359 = arith.index_cast %parallel_loop3A_308 : i32 to index
        %parallel_loop3A_360 = arith.constant 96 : index
        %parallel_loop3A_361 = tpu.vector_load %arg11[%parallel_loop3A_359, %parallel_loop3A_360] {strides = array<i32>} : memref<128x128xf32, #tpu.memory_space<vmem>>, vector<16xf32>,
        %parallel_loop3A_362 = arith.mulf %parallel_loop3A_358, %parallel_loop3A_361 : vector<16xf32>
        %parallel_loop3A_363 = arith.addf %parallel_loop3A_355, %parallel_loop3A_362 : vector<16xf32>
        %parallel_loop3A_364 = arith.index_cast %parallel_loop3A_308 : i32 to index
        %parallel_loop3A_365 = arith.constant 112 : index
        %parallel_loop3A_366 = tpu.vector_load %arg9[%parallel_loop3A_364, %parallel_loop3A_365] {strides = array<i32>} : memref<128x128xf32, #tpu.memory_space<vmem>>, vector<16xf32>,
        %parallel_loop3A_367 = arith.index_cast %parallel_loop3A_308 : i32 to index
        %parallel_loop3A_368 = arith.constant 112 : index
        %parallel_loop3A_369 = tpu.vector_load %arg11[%parallel_loop3A_367, %parallel_loop3A_368] {strides = array<i32>} : memref<128x128xf32, #tpu.memory_space<vmem>>, vector<16xf32>,
        %parallel_loop3A_370 = arith.mulf %parallel_loop3A_366, %parallel_loop3A_369 : vector<16xf32>
        %parallel_loop3A_371 = arith.addf %parallel_loop3A_363, %parallel_loop3A_370 : vector<16xf32>
        %parallel_loop3A_372 = arith.constant 3 : i32
        %parallel_loop3A_373 = vector.broadcast %parallel_loop3A_372 : i32 to vector<16xi32>
        %parallel_loop3A_374 = arith.cmpi eq, %iota3A, %parallel_loop3A_373 : vector<16xi32>
        %parallel_loop3A_375 = arith.constant true
        %parallel_loop3A_376 = vector.broadcast %parallel_loop3A_375 : i1 to vector<16xi1>
        %parallel_loop3A_377 = tpu.scan <sum>, %parallel_loop3A_371 masked %parallel_loop3A_376 : vector<16xf32>, vector<16xi1> -> vector<16xf32>
        %parallel_loop3A_378 = vector.extract %parallel_loop3A_377[15] : f32 from vector<16xf32>
        %parallel_loop3A_379 = vector.broadcast %parallel_loop3A_378 : f32 to vector<16xf32>
        %parallel_loop3A_380 = arith.select %parallel_loop3A_374, %parallel_loop3A_379, %parallel_loop3A_304 : vector<16xi1>, vector<16xf32>
        %parallel_loop3A_381 = arith.constant 16 : i32
        %parallel_loop3A_382 = arith.muli %parallel_loop3A_74, %parallel_loop3A_381 : i32
        %parallel_loop3A_383 = arith.constant 4 : i32
        %parallel_loop3A_384 = arith.addi %parallel_loop3A_382, %parallel_loop3A_383 : i32
        %parallel_loop3A_385 = arith.index_cast %parallel_loop3A_384 : i32 to index
        %parallel_loop3A_386 = arith.constant 0 : index
        %parallel_loop3A_387 = tpu.vector_load %arg9[%parallel_loop3A_385, %parallel_loop3A_386] {strides = array<i32>} : memref<128x128xf32, #tpu.memory_space<vmem>>, vector<16xf32>,
        %parallel_loop3A_388 = arith.index_cast %parallel_loop3A_384 : i32 to index
        %parallel_loop3A_389 = arith.constant 0 : index
        %parallel_loop3A_390 = tpu.vector_load %arg11[%parallel_loop3A_388, %parallel_loop3A_389] {strides = array<i32>} : memref<128x128xf32, #tpu.memory_space<vmem>>, vector<16xf32>,
        %parallel_loop3A_391 = arith.mulf %parallel_loop3A_387, %parallel_loop3A_390 : vector<16xf32>
        %parallel_loop3A_392 = arith.index_cast %parallel_loop3A_384 : i32 to index
        %parallel_loop3A_393 = arith.constant 16 : index
        %parallel_loop3A_394 = tpu.vector_load %arg9[%parallel_loop3A_392, %parallel_loop3A_393] {strides = array<i32>} : memref<128x128xf32, #tpu.memory_space<vmem>>, vector<16xf32>,
        %parallel_loop3A_395 = arith.index_cast %parallel_loop3A_384 : i32 to index
        %parallel_loop3A_396 = arith.constant 16 : index
        %parallel_loop3A_397 = tpu.vector_load %arg11[%parallel_loop3A_395, %parallel_loop3A_396] {strides = array<i32>} : memref<128x128xf32, #tpu.memory_space<vmem>>, vector<16xf32>,
        %parallel_loop3A_398 = arith.mulf %parallel_loop3A_394, %parallel_loop3A_397 : vector<16xf32>
        %parallel_loop3A_399 = arith.addf %parallel_loop3A_391, %parallel_loop3A_398 : vector<16xf32>
        %parallel_loop3A_400 = arith.index_cast %parallel_loop3A_384 : i32 to index
        %parallel_loop3A_401 = arith.constant 32 : index
        %parallel_loop3A_402 = tpu.vector_load %arg9[%parallel_loop3A_400, %parallel_loop3A_401] {strides = array<i32>} : memref<128x128xf32, #tpu.memory_space<vmem>>, vector<16xf32>,
        %parallel_loop3A_403 = arith.index_cast %parallel_loop3A_384 : i32 to index
        %parallel_loop3A_404 = arith.constant 32 : index
        %parallel_loop3A_405 = tpu.vector_load %arg11[%parallel_loop3A_403, %parallel_loop3A_404] {strides = array<i32>} : memref<128x128xf32, #tpu.memory_space<vmem>>, vector<16xf32>,
        %parallel_loop3A_406 = arith.mulf %parallel_loop3A_402, %parallel_loop3A_405 : vector<16xf32>
        %parallel_loop3A_407 = arith.addf %parallel_loop3A_399, %parallel_loop3A_406 : vector<16xf32>
        %parallel_loop3A_408 = arith.index_cast %parallel_loop3A_384 : i32 to index
        %parallel_loop3A_409 = arith.constant 48 : index
        %parallel_loop3A_410 = tpu.vector_load %arg9[%parallel_loop3A_408, %parallel_loop3A_409] {strides = array<i32>} : memref<128x128xf32, #tpu.memory_space<vmem>>, vector<16xf32>,
        %parallel_loop3A_411 = arith.index_cast %parallel_loop3A_384 : i32 to index
        %parallel_loop3A_412 = arith.constant 48 : index
        %parallel_loop3A_413 = tpu.vector_load %arg11[%parallel_loop3A_411, %parallel_loop3A_412] {strides = array<i32>} : memref<128x128xf32, #tpu.memory_space<vmem>>, vector<16xf32>,
        %parallel_loop3A_414 = arith.mulf %parallel_loop3A_410, %parallel_loop3A_413 : vector<16xf32>
        %parallel_loop3A_415 = arith.addf %parallel_loop3A_407, %parallel_loop3A_414 : vector<16xf32>
        %parallel_loop3A_416 = arith.index_cast %parallel_loop3A_384 : i32 to index
        %parallel_loop3A_417 = arith.constant 64 : index
        %parallel_loop3A_418 = tpu.vector_load %arg9[%parallel_loop3A_416, %parallel_loop3A_417] {strides = array<i32>} : memref<128x128xf32, #tpu.memory_space<vmem>>, vector<16xf32>,
        %parallel_loop3A_419 = arith.index_cast %parallel_loop3A_384 : i32 to index
        %parallel_loop3A_420 = arith.constant 64 : index
        %parallel_loop3A_421 = tpu.vector_load %arg11[%parallel_loop3A_419, %parallel_loop3A_420] {strides = array<i32>} : memref<128x128xf32, #tpu.memory_space<vmem>>, vector<16xf32>,
        %parallel_loop3A_422 = arith.mulf %parallel_loop3A_418, %parallel_loop3A_421 : vector<16xf32>
        %parallel_loop3A_423 = arith.addf %parallel_loop3A_415, %parallel_loop3A_422 : vector<16xf32>
        %parallel_loop3A_424 = arith.index_cast %parallel_loop3A_384 : i32 to index
        %parallel_loop3A_425 = arith.constant 80 : index
        %parallel_loop3A_426 = tpu.vector_load %arg9[%parallel_loop3A_424, %parallel_loop3A_425] {strides = array<i32>} : memref<128x128xf32, #tpu.memory_space<vmem>>, vector<16xf32>,
        %parallel_loop3A_427 = arith.index_cast %parallel_loop3A_384 : i32 to index
        %parallel_loop3A_428 = arith.constant 80 : index
        %parallel_loop3A_429 = tpu.vector_load %arg11[%parallel_loop3A_427, %parallel_loop3A_428] {strides = array<i32>} : memref<128x128xf32, #tpu.memory_space<vmem>>, vector<16xf32>,
        %parallel_loop3A_430 = arith.mulf %parallel_loop3A_426, %parallel_loop3A_429 : vector<16xf32>
        %parallel_loop3A_431 = arith.addf %parallel_loop3A_423, %parallel_loop3A_430 : vector<16xf32>
        %parallel_loop3A_432 = arith.index_cast %parallel_loop3A_384 : i32 to index
        %parallel_loop3A_433 = arith.constant 96 : index
        %parallel_loop3A_434 = tpu.vector_load %arg9[%parallel_loop3A_432, %parallel_loop3A_433] {strides = array<i32>} : memref<128x128xf32, #tpu.memory_space<vmem>>, vector<16xf32>,
        %parallel_loop3A_435 = arith.index_cast %parallel_loop3A_384 : i32 to index
        %parallel_loop3A_436 = arith.constant 96 : index
        %parallel_loop3A_437 = tpu.vector_load %arg11[%parallel_loop3A_435, %parallel_loop3A_436] {strides = array<i32>} : memref<128x128xf32, #tpu.memory_space<vmem>>, vector<16xf32>,
        %parallel_loop3A_438 = arith.mulf %parallel_loop3A_434, %parallel_loop3A_437 : vector<16xf32>
        %parallel_loop3A_439 = arith.addf %parallel_loop3A_431, %parallel_loop3A_438 : vector<16xf32>
        %parallel_loop3A_440 = arith.index_cast %parallel_loop3A_384 : i32 to index
        %parallel_loop3A_441 = arith.constant 112 : index
        %parallel_loop3A_442 = tpu.vector_load %arg9[%parallel_loop3A_440, %parallel_loop3A_441] {strides = array<i32>} : memref<128x128xf32, #tpu.memory_space<vmem>>, vector<16xf32>,
        %parallel_loop3A_443 = arith.index_cast %parallel_loop3A_384 : i32 to index
        %parallel_loop3A_444 = arith.constant 112 : index
        %parallel_loop3A_445 = tpu.vector_load %arg11[%parallel_loop3A_443, %parallel_loop3A_444] {strides = array<i32>} : memref<128x128xf32, #tpu.memory_space<vmem>>, vector<16xf32>,
        %parallel_loop3A_446 = arith.mulf %parallel_loop3A_442, %parallel_loop3A_445 : vector<16xf32>
        %parallel_loop3A_447 = arith.addf %parallel_loop3A_439, %parallel_loop3A_446 : vector<16xf32>
        %parallel_loop3A_448 = arith.constant 4 : i32
        %parallel_loop3A_449 = vector.broadcast %parallel_loop3A_448 : i32 to vector<16xi32>
        %parallel_loop3A_450 = arith.cmpi eq, %iota3A, %parallel_loop3A_449 : vector<16xi32>
        %parallel_loop3A_451 = arith.constant true
        %parallel_loop3A_452 = vector.broadcast %parallel_loop3A_451 : i1 to vector<16xi1>
        %parallel_loop3A_453 = tpu.scan <sum>, %parallel_loop3A_447 masked %parallel_loop3A_452 : vector<16xf32>, vector<16xi1> -> vector<16xf32>
        %parallel_loop3A_454 = vector.extract %parallel_loop3A_453[15] : f32 from vector<16xf32>
        %parallel_loop3A_455 = vector.broadcast %parallel_loop3A_454 : f32 to vector<16xf32>
        %parallel_loop3A_456 = arith.select %parallel_loop3A_450, %parallel_loop3A_455, %parallel_loop3A_380 : vector<16xi1>, vector<16xf32>
        %parallel_loop3A_457 = arith.constant 16 : i32
        %parallel_loop3A_458 = arith.muli %parallel_loop3A_74, %parallel_loop3A_457 : i32
        %parallel_loop3A_459 = arith.constant 5 : i32
        %parallel_loop3A_460 = arith.addi %parallel_loop3A_458, %parallel_loop3A_459 : i32
        %parallel_loop3A_461 = arith.index_cast %parallel_loop3A_460 : i32 to index
        %parallel_loop3A_462 = arith.constant 0 : index
        %parallel_loop3A_463 = tpu.vector_load %arg9[%parallel_loop3A_461, %parallel_loop3A_462] {strides = array<i32>} : memref<128x128xf32, #tpu.memory_space<vmem>>, vector<16xf32>,
        %parallel_loop3A_464 = arith.index_cast %parallel_loop3A_460 : i32 to index
        %parallel_loop3A_465 = arith.constant 0 : index
        %parallel_loop3A_466 = tpu.vector_load %arg11[%parallel_loop3A_464, %parallel_loop3A_465] {strides = array<i32>} : memref<128x128xf32, #tpu.memory_space<vmem>>, vector<16xf32>,
        %parallel_loop3A_467 = arith.mulf %parallel_loop3A_463, %parallel_loop3A_466 : vector<16xf32>
        %parallel_loop3A_468 = arith.index_cast %parallel_loop3A_460 : i32 to index
        %parallel_loop3A_469 = arith.constant 16 : index
        %parallel_loop3A_470 = tpu.vector_load %arg9[%parallel_loop3A_468, %parallel_loop3A_469] {strides = array<i32>} : memref<128x128xf32, #tpu.memory_space<vmem>>, vector<16xf32>,
        %parallel_loop3A_471 = arith.index_cast %parallel_loop3A_460 : i32 to index
        %parallel_loop3A_472 = arith.constant 16 : index
        %parallel_loop3A_473 = tpu.vector_load %arg11[%parallel_loop3A_471, %parallel_loop3A_472] {strides = array<i32>} : memref<128x128xf32, #tpu.memory_space<vmem>>, vector<16xf32>,
        %parallel_loop3A_474 = arith.mulf %parallel_loop3A_470, %parallel_loop3A_473 : vector<16xf32>
        %parallel_loop3A_475 = arith.addf %parallel_loop3A_467, %parallel_loop3A_474 : vector<16xf32>
        %parallel_loop3A_476 = arith.index_cast %parallel_loop3A_460 : i32 to index
        %parallel_loop3A_477 = arith.constant 32 : index
        %parallel_loop3A_478 = tpu.vector_load %arg9[%parallel_loop3A_476, %parallel_loop3A_477] {strides = array<i32>} : memref<128x128xf32, #tpu.memory_space<vmem>>, vector<16xf32>,
        %parallel_loop3A_479 = arith.index_cast %parallel_loop3A_460 : i32 to index
        %parallel_loop3A_480 = arith.constant 32 : index
        %parallel_loop3A_481 = tpu.vector_load %arg11[%parallel_loop3A_479, %parallel_loop3A_480] {strides = array<i32>} : memref<128x128xf32, #tpu.memory_space<vmem>>, vector<16xf32>,
        %parallel_loop3A_482 = arith.mulf %parallel_loop3A_478, %parallel_loop3A_481 : vector<16xf32>
        %parallel_loop3A_483 = arith.addf %parallel_loop3A_475, %parallel_loop3A_482 : vector<16xf32>
        %parallel_loop3A_484 = arith.index_cast %parallel_loop3A_460 : i32 to index
        %parallel_loop3A_485 = arith.constant 48 : index
        %parallel_loop3A_486 = tpu.vector_load %arg9[%parallel_loop3A_484, %parallel_loop3A_485] {strides = array<i32>} : memref<128x128xf32, #tpu.memory_space<vmem>>, vector<16xf32>,
        %parallel_loop3A_487 = arith.index_cast %parallel_loop3A_460 : i32 to index
        %parallel_loop3A_488 = arith.constant 48 : index
        %parallel_loop3A_489 = tpu.vector_load %arg11[%parallel_loop3A_487, %parallel_loop3A_488] {strides = array<i32>} : memref<128x128xf32, #tpu.memory_space<vmem>>, vector<16xf32>,
        %parallel_loop3A_490 = arith.mulf %parallel_loop3A_486, %parallel_loop3A_489 : vector<16xf32>
        %parallel_loop3A_491 = arith.addf %parallel_loop3A_483, %parallel_loop3A_490 : vector<16xf32>
        %parallel_loop3A_492 = arith.index_cast %parallel_loop3A_460 : i32 to index
        %parallel_loop3A_493 = arith.constant 64 : index
        %parallel_loop3A_494 = tpu.vector_load %arg9[%parallel_loop3A_492, %parallel_loop3A_493] {strides = array<i32>} : memref<128x128xf32, #tpu.memory_space<vmem>>, vector<16xf32>,
        %parallel_loop3A_495 = arith.index_cast %parallel_loop3A_460 : i32 to index
        %parallel_loop3A_496 = arith.constant 64 : index
        %parallel_loop3A_497 = tpu.vector_load %arg11[%parallel_loop3A_495, %parallel_loop3A_496] {strides = array<i32>} : memref<128x128xf32, #tpu.memory_space<vmem>>, vector<16xf32>,
        %parallel_loop3A_498 = arith.mulf %parallel_loop3A_494, %parallel_loop3A_497 : vector<16xf32>
        %parallel_loop3A_499 = arith.addf %parallel_loop3A_491, %parallel_loop3A_498 : vector<16xf32>
        %parallel_loop3A_500 = arith.index_cast %parallel_loop3A_460 : i32 to index
        %parallel_loop3A_501 = arith.constant 80 : index
        %parallel_loop3A_502 = tpu.vector_load %arg9[%parallel_loop3A_500, %parallel_loop3A_501] {strides = array<i32>} : memref<128x128xf32, #tpu.memory_space<vmem>>, vector<16xf32>,
        %parallel_loop3A_503 = arith.index_cast %parallel_loop3A_460 : i32 to index
        %parallel_loop3A_504 = arith.constant 80 : index
        %parallel_loop3A_505 = tpu.vector_load %arg11[%parallel_loop3A_503, %parallel_loop3A_504] {strides = array<i32>} : memref<128x128xf32, #tpu.memory_space<vmem>>, vector<16xf32>,
        %parallel_loop3A_506 = arith.mulf %parallel_loop3A_502, %parallel_loop3A_505 : vector<16xf32>
        %parallel_loop3A_507 = arith.addf %parallel_loop3A_499, %parallel_loop3A_506 : vector<16xf32>
        %parallel_loop3A_508 = arith.index_cast %parallel_loop3A_460 : i32 to index
        %parallel_loop3A_509 = arith.constant 96 : index
        %parallel_loop3A_510 = tpu.vector_load %arg9[%parallel_loop3A_508, %parallel_loop3A_509] {strides = array<i32>} : memref<128x128xf32, #tpu.memory_space<vmem>>, vector<16xf32>,
        %parallel_loop3A_511 = arith.index_cast %parallel_loop3A_460 : i32 to index
        %parallel_loop3A_512 = arith.constant 96 : index
        %parallel_loop3A_513 = tpu.vector_load %arg11[%parallel_loop3A_511, %parallel_loop3A_512] {strides = array<i32>} : memref<128x128xf32, #tpu.memory_space<vmem>>, vector<16xf32>,
        %parallel_loop3A_514 = arith.mulf %parallel_loop3A_510, %parallel_loop3A_513 : vector<16xf32>
        %parallel_loop3A_515 = arith.addf %parallel_loop3A_507, %parallel_loop3A_514 : vector<16xf32>
        %parallel_loop3A_516 = arith.index_cast %parallel_loop3A_460 : i32 to index
        %parallel_loop3A_517 = arith.constant 112 : index
        %parallel_loop3A_518 = tpu.vector_load %arg9[%parallel_loop3A_516, %parallel_loop3A_517] {strides = array<i32>} : memref<128x128xf32, #tpu.memory_space<vmem>>, vector<16xf32>,
        %parallel_loop3A_519 = arith.index_cast %parallel_loop3A_460 : i32 to index
        %parallel_loop3A_520 = arith.constant 112 : index
        %parallel_loop3A_521 = tpu.vector_load %arg11[%parallel_loop3A_519, %parallel_loop3A_520] {strides = array<i32>} : memref<128x128xf32, #tpu.memory_space<vmem>>, vector<16xf32>,
        %parallel_loop3A_522 = arith.mulf %parallel_loop3A_518, %parallel_loop3A_521 : vector<16xf32>
        %parallel_loop3A_523 = arith.addf %parallel_loop3A_515, %parallel_loop3A_522 : vector<16xf32>
        %parallel_loop3A_524 = arith.constant 5 : i32
        %parallel_loop3A_525 = vector.broadcast %parallel_loop3A_524 : i32 to vector<16xi32>
        %parallel_loop3A_526 = arith.cmpi eq, %iota3A, %parallel_loop3A_525 : vector<16xi32>
        %parallel_loop3A_527 = arith.constant true
        %parallel_loop3A_528 = vector.broadcast %parallel_loop3A_527 : i1 to vector<16xi1>
        %parallel_loop3A_529 = tpu.scan <sum>, %parallel_loop3A_523 masked %parallel_loop3A_528 : vector<16xf32>, vector<16xi1> -> vector<16xf32>
        %parallel_loop3A_530 = vector.extract %parallel_loop3A_529[15] : f32 from vector<16xf32>
        %parallel_loop3A_531 = vector.broadcast %parallel_loop3A_530 : f32 to vector<16xf32>
        %parallel_loop3A_532 = arith.select %parallel_loop3A_526, %parallel_loop3A_531, %parallel_loop3A_456 : vector<16xi1>, vector<16xf32>
        %parallel_loop3A_533 = arith.constant 16 : i32
        %parallel_loop3A_534 = arith.muli %parallel_loop3A_74, %parallel_loop3A_533 : i32
        %parallel_loop3A_535 = arith.constant 6 : i32
        %parallel_loop3A_536 = arith.addi %parallel_loop3A_534, %parallel_loop3A_535 : i32
        %parallel_loop3A_537 = arith.index_cast %parallel_loop3A_536 : i32 to index
        %parallel_loop3A_538 = arith.constant 0 : index
        %parallel_loop3A_539 = tpu.vector_load %arg9[%parallel_loop3A_537, %parallel_loop3A_538] {strides = array<i32>} : memref<128x128xf32, #tpu.memory_space<vmem>>, vector<16xf32>,
        %parallel_loop3A_540 = arith.index_cast %parallel_loop3A_536 : i32 to index
        %parallel_loop3A_541 = arith.constant 0 : index
        %parallel_loop3A_542 = tpu.vector_load %arg11[%parallel_loop3A_540, %parallel_loop3A_541] {strides = array<i32>} : memref<128x128xf32, #tpu.memory_space<vmem>>, vector<16xf32>,
        %parallel_loop3A_543 = arith.mulf %parallel_loop3A_539, %parallel_loop3A_542 : vector<16xf32>
        %parallel_loop3A_544 = arith.index_cast %parallel_loop3A_536 : i32 to index
        %parallel_loop3A_545 = arith.constant 16 : index
        %parallel_loop3A_546 = tpu.vector_load %arg9[%parallel_loop3A_544, %parallel_loop3A_545] {strides = array<i32>} : memref<128x128xf32, #tpu.memory_space<vmem>>, vector<16xf32>,
        %parallel_loop3A_547 = arith.index_cast %parallel_loop3A_536 : i32 to index
        %parallel_loop3A_548 = arith.constant 16 : index
        %parallel_loop3A_549 = tpu.vector_load %arg11[%parallel_loop3A_547, %parallel_loop3A_548] {strides = array<i32>} : memref<128x128xf32, #tpu.memory_space<vmem>>, vector<16xf32>,
        %parallel_loop3A_550 = arith.mulf %parallel_loop3A_546, %parallel_loop3A_549 : vector<16xf32>
        %parallel_loop3A_551 = arith.addf %parallel_loop3A_543, %parallel_loop3A_550 : vector<16xf32>
        %parallel_loop3A_552 = arith.index_cast %parallel_loop3A_536 : i32 to index
        %parallel_loop3A_553 = arith.constant 32 : index
        %parallel_loop3A_554 = tpu.vector_load %arg9[%parallel_loop3A_552, %parallel_loop3A_553] {strides = array<i32>} : memref<128x128xf32, #tpu.memory_space<vmem>>, vector<16xf32>,
        %parallel_loop3A_555 = arith.index_cast %parallel_loop3A_536 : i32 to index
        %parallel_loop3A_556 = arith.constant 32 : index
        %parallel_loop3A_557 = tpu.vector_load %arg11[%parallel_loop3A_555, %parallel_loop3A_556] {strides = array<i32>} : memref<128x128xf32, #tpu.memory_space<vmem>>, vector<16xf32>,
        %parallel_loop3A_558 = arith.mulf %parallel_loop3A_554, %parallel_loop3A_557 : vector<16xf32>
        %parallel_loop3A_559 = arith.addf %parallel_loop3A_551, %parallel_loop3A_558 : vector<16xf32>
        %parallel_loop3A_560 = arith.index_cast %parallel_loop3A_536 : i32 to index
        %parallel_loop3A_561 = arith.constant 48 : index
        %parallel_loop3A_562 = tpu.vector_load %arg9[%parallel_loop3A_560, %parallel_loop3A_561] {strides = array<i32>} : memref<128x128xf32, #tpu.memory_space<vmem>>, vector<16xf32>,
        %parallel_loop3A_563 = arith.index_cast %parallel_loop3A_536 : i32 to index
        %parallel_loop3A_564 = arith.constant 48 : index
        %parallel_loop3A_565 = tpu.vector_load %arg11[%parallel_loop3A_563, %parallel_loop3A_564] {strides = array<i32>} : memref<128x128xf32, #tpu.memory_space<vmem>>, vector<16xf32>,
        %parallel_loop3A_566 = arith.mulf %parallel_loop3A_562, %parallel_loop3A_565 : vector<16xf32>
        %parallel_loop3A_567 = arith.addf %parallel_loop3A_559, %parallel_loop3A_566 : vector<16xf32>
        %parallel_loop3A_568 = arith.index_cast %parallel_loop3A_536 : i32 to index
        %parallel_loop3A_569 = arith.constant 64 : index
        %parallel_loop3A_570 = tpu.vector_load %arg9[%parallel_loop3A_568, %parallel_loop3A_569] {strides = array<i32>} : memref<128x128xf32, #tpu.memory_space<vmem>>, vector<16xf32>,
        %parallel_loop3A_571 = arith.index_cast %parallel_loop3A_536 : i32 to index
        %parallel_loop3A_572 = arith.constant 64 : index
        %parallel_loop3A_573 = tpu.vector_load %arg11[%parallel_loop3A_571, %parallel_loop3A_572] {strides = array<i32>} : memref<128x128xf32, #tpu.memory_space<vmem>>, vector<16xf32>,
        %parallel_loop3A_574 = arith.mulf %parallel_loop3A_570, %parallel_loop3A_573 : vector<16xf32>
        %parallel_loop3A_575 = arith.addf %parallel_loop3A_567, %parallel_loop3A_574 : vector<16xf32>
        %parallel_loop3A_576 = arith.index_cast %parallel_loop3A_536 : i32 to index
        %parallel_loop3A_577 = arith.constant 80 : index
        %parallel_loop3A_578 = tpu.vector_load %arg9[%parallel_loop3A_576, %parallel_loop3A_577] {strides = array<i32>} : memref<128x128xf32, #tpu.memory_space<vmem>>, vector<16xf32>,
        %parallel_loop3A_579 = arith.index_cast %parallel_loop3A_536 : i32 to index
        %parallel_loop3A_580 = arith.constant 80 : index
        %parallel_loop3A_581 = tpu.vector_load %arg11[%parallel_loop3A_579, %parallel_loop3A_580] {strides = array<i32>} : memref<128x128xf32, #tpu.memory_space<vmem>>, vector<16xf32>,
        %parallel_loop3A_582 = arith.mulf %parallel_loop3A_578, %parallel_loop3A_581 : vector<16xf32>
        %parallel_loop3A_583 = arith.addf %parallel_loop3A_575, %parallel_loop3A_582 : vector<16xf32>
        %parallel_loop3A_584 = arith.index_cast %parallel_loop3A_536 : i32 to index
        %parallel_loop3A_585 = arith.constant 96 : index
        %parallel_loop3A_586 = tpu.vector_load %arg9[%parallel_loop3A_584, %parallel_loop3A_585] {strides = array<i32>} : memref<128x128xf32, #tpu.memory_space<vmem>>, vector<16xf32>,
        %parallel_loop3A_587 = arith.index_cast %parallel_loop3A_536 : i32 to index
        %parallel_loop3A_588 = arith.constant 96 : index
        %parallel_loop3A_589 = tpu.vector_load %arg11[%parallel_loop3A_587, %parallel_loop3A_588] {strides = array<i32>} : memref<128x128xf32, #tpu.memory_space<vmem>>, vector<16xf32>,
        %parallel_loop3A_590 = arith.mulf %parallel_loop3A_586, %parallel_loop3A_589 : vector<16xf32>
        %parallel_loop3A_591 = arith.addf %parallel_loop3A_583, %parallel_loop3A_590 : vector<16xf32>
        %parallel_loop3A_592 = arith.index_cast %parallel_loop3A_536 : i32 to index
        %parallel_loop3A_593 = arith.constant 112 : index
        %parallel_loop3A_594 = tpu.vector_load %arg9[%parallel_loop3A_592, %parallel_loop3A_593] {strides = array<i32>} : memref<128x128xf32, #tpu.memory_space<vmem>>, vector<16xf32>,
        %parallel_loop3A_595 = arith.index_cast %parallel_loop3A_536 : i32 to index
        %parallel_loop3A_596 = arith.constant 112 : index
        %parallel_loop3A_597 = tpu.vector_load %arg11[%parallel_loop3A_595, %parallel_loop3A_596] {strides = array<i32>} : memref<128x128xf32, #tpu.memory_space<vmem>>, vector<16xf32>,
        %parallel_loop3A_598 = arith.mulf %parallel_loop3A_594, %parallel_loop3A_597 : vector<16xf32>
        %parallel_loop3A_599 = arith.addf %parallel_loop3A_591, %parallel_loop3A_598 : vector<16xf32>
        %parallel_loop3A_600 = arith.constant 6 : i32
        %parallel_loop3A_601 = vector.broadcast %parallel_loop3A_600 : i32 to vector<16xi32>
        %parallel_loop3A_602 = arith.cmpi eq, %iota3A, %parallel_loop3A_601 : vector<16xi32>
        %parallel_loop3A_603 = arith.constant true
        %parallel_loop3A_604 = vector.broadcast %parallel_loop3A_603 : i1 to vector<16xi1>
        %parallel_loop3A_605 = tpu.scan <sum>, %parallel_loop3A_599 masked %parallel_loop3A_604 : vector<16xf32>, vector<16xi1> -> vector<16xf32>
        %parallel_loop3A_606 = vector.extract %parallel_loop3A_605[15] : f32 from vector<16xf32>
        %parallel_loop3A_607 = vector.broadcast %parallel_loop3A_606 : f32 to vector<16xf32>
        %parallel_loop3A_608 = arith.select %parallel_loop3A_602, %parallel_loop3A_607, %parallel_loop3A_532 : vector<16xi1>, vector<16xf32>
        %parallel_loop3A_609 = arith.constant 16 : i32
        %parallel_loop3A_610 = arith.muli %parallel_loop3A_74, %parallel_loop3A_609 : i32
        %parallel_loop3A_611 = arith.constant 7 : i32
        %parallel_loop3A_612 = arith.addi %parallel_loop3A_610, %parallel_loop3A_611 : i32
        %parallel_loop3A_613 = arith.index_cast %parallel_loop3A_612 : i32 to index
        %parallel_loop3A_614 = arith.constant 0 : index
        %parallel_loop3A_615 = tpu.vector_load %arg9[%parallel_loop3A_613, %parallel_loop3A_614] {strides = array<i32>} : memref<128x128xf32, #tpu.memory_space<vmem>>, vector<16xf32>,
        %parallel_loop3A_616 = arith.index_cast %parallel_loop3A_612 : i32 to index
        %parallel_loop3A_617 = arith.constant 0 : index
        %parallel_loop3A_618 = tpu.vector_load %arg11[%parallel_loop3A_616, %parallel_loop3A_617] {strides = array<i32>} : memref<128x128xf32, #tpu.memory_space<vmem>>, vector<16xf32>,
        %parallel_loop3A_619 = arith.mulf %parallel_loop3A_615, %parallel_loop3A_618 : vector<16xf32>
        %parallel_loop3A_620 = arith.index_cast %parallel_loop3A_612 : i32 to index
        %parallel_loop3A_621 = arith.constant 16 : index
        %parallel_loop3A_622 = tpu.vector_load %arg9[%parallel_loop3A_620, %parallel_loop3A_621] {strides = array<i32>} : memref<128x128xf32, #tpu.memory_space<vmem>>, vector<16xf32>,
        %parallel_loop3A_623 = arith.index_cast %parallel_loop3A_612 : i32 to index
        %parallel_loop3A_624 = arith.constant 16 : index
        %parallel_loop3A_625 = tpu.vector_load %arg11[%parallel_loop3A_623, %parallel_loop3A_624] {strides = array<i32>} : memref<128x128xf32, #tpu.memory_space<vmem>>, vector<16xf32>,
        %parallel_loop3A_626 = arith.mulf %parallel_loop3A_622, %parallel_loop3A_625 : vector<16xf32>
        %parallel_loop3A_627 = arith.addf %parallel_loop3A_619, %parallel_loop3A_626 : vector<16xf32>
        %parallel_loop3A_628 = arith.index_cast %parallel_loop3A_612 : i32 to index
        %parallel_loop3A_629 = arith.constant 32 : index
        %parallel_loop3A_630 = tpu.vector_load %arg9[%parallel_loop3A_628, %parallel_loop3A_629] {strides = array<i32>} : memref<128x128xf32, #tpu.memory_space<vmem>>, vector<16xf32>,
        %parallel_loop3A_631 = arith.index_cast %parallel_loop3A_612 : i32 to index
        %parallel_loop3A_632 = arith.constant 32 : index
        %parallel_loop3A_633 = tpu.vector_load %arg11[%parallel_loop3A_631, %parallel_loop3A_632] {strides = array<i32>} : memref<128x128xf32, #tpu.memory_space<vmem>>, vector<16xf32>,
        %parallel_loop3A_634 = arith.mulf %parallel_loop3A_630, %parallel_loop3A_633 : vector<16xf32>
        %parallel_loop3A_635 = arith.addf %parallel_loop3A_627, %parallel_loop3A_634 : vector<16xf32>
        %parallel_loop3A_636 = arith.index_cast %parallel_loop3A_612 : i32 to index
        %parallel_loop3A_637 = arith.constant 48 : index
        %parallel_loop3A_638 = tpu.vector_load %arg9[%parallel_loop3A_636, %parallel_loop3A_637] {strides = array<i32>} : memref<128x128xf32, #tpu.memory_space<vmem>>, vector<16xf32>,
        %parallel_loop3A_639 = arith.index_cast %parallel_loop3A_612 : i32 to index
        %parallel_loop3A_640 = arith.constant 48 : index
        %parallel_loop3A_641 = tpu.vector_load %arg11[%parallel_loop3A_639, %parallel_loop3A_640] {strides = array<i32>} : memref<128x128xf32, #tpu.memory_space<vmem>>, vector<16xf32>,
        %parallel_loop3A_642 = arith.mulf %parallel_loop3A_638, %parallel_loop3A_641 : vector<16xf32>
        %parallel_loop3A_643 = arith.addf %parallel_loop3A_635, %parallel_loop3A_642 : vector<16xf32>
        %parallel_loop3A_644 = arith.index_cast %parallel_loop3A_612 : i32 to index
        %parallel_loop3A_645 = arith.constant 64 : index
        %parallel_loop3A_646 = tpu.vector_load %arg9[%parallel_loop3A_644, %parallel_loop3A_645] {strides = array<i32>} : memref<128x128xf32, #tpu.memory_space<vmem>>, vector<16xf32>,
        %parallel_loop3A_647 = arith.index_cast %parallel_loop3A_612 : i32 to index
        %parallel_loop3A_648 = arith.constant 64 : index
        %parallel_loop3A_649 = tpu.vector_load %arg11[%parallel_loop3A_647, %parallel_loop3A_648] {strides = array<i32>} : memref<128x128xf32, #tpu.memory_space<vmem>>, vector<16xf32>,
        %parallel_loop3A_650 = arith.mulf %parallel_loop3A_646, %parallel_loop3A_649 : vector<16xf32>
        %parallel_loop3A_651 = arith.addf %parallel_loop3A_643, %parallel_loop3A_650 : vector<16xf32>
        %parallel_loop3A_652 = arith.index_cast %parallel_loop3A_612 : i32 to index
        %parallel_loop3A_653 = arith.constant 80 : index
        %parallel_loop3A_654 = tpu.vector_load %arg9[%parallel_loop3A_652, %parallel_loop3A_653] {strides = array<i32>} : memref<128x128xf32, #tpu.memory_space<vmem>>, vector<16xf32>,
        %parallel_loop3A_655 = arith.index_cast %parallel_loop3A_612 : i32 to index
        %parallel_loop3A_656 = arith.constant 80 : index
        %parallel_loop3A_657 = tpu.vector_load %arg11[%parallel_loop3A_655, %parallel_loop3A_656] {strides = array<i32>} : memref<128x128xf32, #tpu.memory_space<vmem>>, vector<16xf32>,
        %parallel_loop3A_658 = arith.mulf %parallel_loop3A_654, %parallel_loop3A_657 : vector<16xf32>
        %parallel_loop3A_659 = arith.addf %parallel_loop3A_651, %parallel_loop3A_658 : vector<16xf32>
        %parallel_loop3A_660 = arith.index_cast %parallel_loop3A_612 : i32 to index
        %parallel_loop3A_661 = arith.constant 96 : index
        %parallel_loop3A_662 = tpu.vector_load %arg9[%parallel_loop3A_660, %parallel_loop3A_661] {strides = array<i32>} : memref<128x128xf32, #tpu.memory_space<vmem>>, vector<16xf32>,
        %parallel_loop3A_663 = arith.index_cast %parallel_loop3A_612 : i32 to index
        %parallel_loop3A_664 = arith.constant 96 : index
        %parallel_loop3A_665 = tpu.vector_load %arg11[%parallel_loop3A_663, %parallel_loop3A_664] {strides = array<i32>} : memref<128x128xf32, #tpu.memory_space<vmem>>, vector<16xf32>,
        %parallel_loop3A_666 = arith.mulf %parallel_loop3A_662, %parallel_loop3A_665 : vector<16xf32>
        %parallel_loop3A_667 = arith.addf %parallel_loop3A_659, %parallel_loop3A_666 : vector<16xf32>
        %parallel_loop3A_668 = arith.index_cast %parallel_loop3A_612 : i32 to index
        %parallel_loop3A_669 = arith.constant 112 : index
        %parallel_loop3A_670 = tpu.vector_load %arg9[%parallel_loop3A_668, %parallel_loop3A_669] {strides = array<i32>} : memref<128x128xf32, #tpu.memory_space<vmem>>, vector<16xf32>,
        %parallel_loop3A_671 = arith.index_cast %parallel_loop3A_612 : i32 to index
        %parallel_loop3A_672 = arith.constant 112 : index
        %parallel_loop3A_673 = tpu.vector_load %arg11[%parallel_loop3A_671, %parallel_loop3A_672] {strides = array<i32>} : memref<128x128xf32, #tpu.memory_space<vmem>>, vector<16xf32>,
        %parallel_loop3A_674 = arith.mulf %parallel_loop3A_670, %parallel_loop3A_673 : vector<16xf32>
        %parallel_loop3A_675 = arith.addf %parallel_loop3A_667, %parallel_loop3A_674 : vector<16xf32>
        %parallel_loop3A_676 = arith.constant 7 : i32
        %parallel_loop3A_677 = vector.broadcast %parallel_loop3A_676 : i32 to vector<16xi32>
        %parallel_loop3A_678 = arith.cmpi eq, %iota3A, %parallel_loop3A_677 : vector<16xi32>
        %parallel_loop3A_679 = arith.constant true
        %parallel_loop3A_680 = vector.broadcast %parallel_loop3A_679 : i1 to vector<16xi1>
        %parallel_loop3A_681 = tpu.scan <sum>, %parallel_loop3A_675 masked %parallel_loop3A_680 : vector<16xf32>, vector<16xi1> -> vector<16xf32>
        %parallel_loop3A_682 = vector.extract %parallel_loop3A_681[15] : f32 from vector<16xf32>
        %parallel_loop3A_683 = vector.broadcast %parallel_loop3A_682 : f32 to vector<16xf32>
        %parallel_loop3A_684 = arith.select %parallel_loop3A_678, %parallel_loop3A_683, %parallel_loop3A_608 : vector<16xi1>, vector<16xf32>
        %parallel_loop3A_685 = arith.constant 16 : i32
        %parallel_loop3A_686 = arith.muli %parallel_loop3A_74, %parallel_loop3A_685 : i32
        %parallel_loop3A_687 = arith.constant 8 : i32
        %parallel_loop3A_688 = arith.addi %parallel_loop3A_686, %parallel_loop3A_687 : i32
        %parallel_loop3A_689 = arith.index_cast %parallel_loop3A_688 : i32 to index
        %parallel_loop3A_690 = arith.constant 0 : index
        %parallel_loop3A_691 = tpu.vector_load %arg9[%parallel_loop3A_689, %parallel_loop3A_690] {strides = array<i32>} : memref<128x128xf32, #tpu.memory_space<vmem>>, vector<16xf32>,
        %parallel_loop3A_692 = arith.index_cast %parallel_loop3A_688 : i32 to index
        %parallel_loop3A_693 = arith.constant 0 : index
        %parallel_loop3A_694 = tpu.vector_load %arg11[%parallel_loop3A_692, %parallel_loop3A_693] {strides = array<i32>} : memref<128x128xf32, #tpu.memory_space<vmem>>, vector<16xf32>,
        %parallel_loop3A_695 = arith.mulf %parallel_loop3A_691, %parallel_loop3A_694 : vector<16xf32>
        %parallel_loop3A_696 = arith.index_cast %parallel_loop3A_688 : i32 to index
        %parallel_loop3A_697 = arith.constant 16 : index
        %parallel_loop3A_698 = tpu.vector_load %arg9[%parallel_loop3A_696, %parallel_loop3A_697] {strides = array<i32>} : memref<128x128xf32, #tpu.memory_space<vmem>>, vector<16xf32>,
        %parallel_loop3A_699 = arith.index_cast %parallel_loop3A_688 : i32 to index
        %parallel_loop3A_700 = arith.constant 16 : index
        %parallel_loop3A_701 = tpu.vector_load %arg11[%parallel_loop3A_699, %parallel_loop3A_700] {strides = array<i32>} : memref<128x128xf32, #tpu.memory_space<vmem>>, vector<16xf32>,
        %parallel_loop3A_702 = arith.mulf %parallel_loop3A_698, %parallel_loop3A_701 : vector<16xf32>
        %parallel_loop3A_703 = arith.addf %parallel_loop3A_695, %parallel_loop3A_702 : vector<16xf32>
        %parallel_loop3A_704 = arith.index_cast %parallel_loop3A_688 : i32 to index
        %parallel_loop3A_705 = arith.constant 32 : index
        %parallel_loop3A_706 = tpu.vector_load %arg9[%parallel_loop3A_704, %parallel_loop3A_705] {strides = array<i32>} : memref<128x128xf32, #tpu.memory_space<vmem>>, vector<16xf32>,
        %parallel_loop3A_707 = arith.index_cast %parallel_loop3A_688 : i32 to index
        %parallel_loop3A_708 = arith.constant 32 : index
        %parallel_loop3A_709 = tpu.vector_load %arg11[%parallel_loop3A_707, %parallel_loop3A_708] {strides = array<i32>} : memref<128x128xf32, #tpu.memory_space<vmem>>, vector<16xf32>,
        %parallel_loop3A_710 = arith.mulf %parallel_loop3A_706, %parallel_loop3A_709 : vector<16xf32>
        %parallel_loop3A_711 = arith.addf %parallel_loop3A_703, %parallel_loop3A_710 : vector<16xf32>
        %parallel_loop3A_712 = arith.index_cast %parallel_loop3A_688 : i32 to index
        %parallel_loop3A_713 = arith.constant 48 : index
        %parallel_loop3A_714 = tpu.vector_load %arg9[%parallel_loop3A_712, %parallel_loop3A_713] {strides = array<i32>} : memref<128x128xf32, #tpu.memory_space<vmem>>, vector<16xf32>,
        %parallel_loop3A_715 = arith.index_cast %parallel_loop3A_688 : i32 to index
        %parallel_loop3A_716 = arith.constant 48 : index
        %parallel_loop3A_717 = tpu.vector_load %arg11[%parallel_loop3A_715, %parallel_loop3A_716] {strides = array<i32>} : memref<128x128xf32, #tpu.memory_space<vmem>>, vector<16xf32>,
        %parallel_loop3A_718 = arith.mulf %parallel_loop3A_714, %parallel_loop3A_717 : vector<16xf32>
        %parallel_loop3A_719 = arith.addf %parallel_loop3A_711, %parallel_loop3A_718 : vector<16xf32>
        %parallel_loop3A_720 = arith.index_cast %parallel_loop3A_688 : i32 to index
        %parallel_loop3A_721 = arith.constant 64 : index
        %parallel_loop3A_722 = tpu.vector_load %arg9[%parallel_loop3A_720, %parallel_loop3A_721] {strides = array<i32>} : memref<128x128xf32, #tpu.memory_space<vmem>>, vector<16xf32>,
        %parallel_loop3A_723 = arith.index_cast %parallel_loop3A_688 : i32 to index
        %parallel_loop3A_724 = arith.constant 64 : index
        %parallel_loop3A_725 = tpu.vector_load %arg11[%parallel_loop3A_723, %parallel_loop3A_724] {strides = array<i32>} : memref<128x128xf32, #tpu.memory_space<vmem>>, vector<16xf32>,
        %parallel_loop3A_726 = arith.mulf %parallel_loop3A_722, %parallel_loop3A_725 : vector<16xf32>
        %parallel_loop3A_727 = arith.addf %parallel_loop3A_719, %parallel_loop3A_726 : vector<16xf32>
        %parallel_loop3A_728 = arith.index_cast %parallel_loop3A_688 : i32 to index
        %parallel_loop3A_729 = arith.constant 80 : index
        %parallel_loop3A_730 = tpu.vector_load %arg9[%parallel_loop3A_728, %parallel_loop3A_729] {strides = array<i32>} : memref<128x128xf32, #tpu.memory_space<vmem>>, vector<16xf32>,
        %parallel_loop3A_731 = arith.index_cast %parallel_loop3A_688 : i32 to index
        %parallel_loop3A_732 = arith.constant 80 : index
        %parallel_loop3A_733 = tpu.vector_load %arg11[%parallel_loop3A_731, %parallel_loop3A_732] {strides = array<i32>} : memref<128x128xf32, #tpu.memory_space<vmem>>, vector<16xf32>,
        %parallel_loop3A_734 = arith.mulf %parallel_loop3A_730, %parallel_loop3A_733 : vector<16xf32>
        %parallel_loop3A_735 = arith.addf %parallel_loop3A_727, %parallel_loop3A_734 : vector<16xf32>
        %parallel_loop3A_736 = arith.index_cast %parallel_loop3A_688 : i32 to index
        %parallel_loop3A_737 = arith.constant 96 : index
        %parallel_loop3A_738 = tpu.vector_load %arg9[%parallel_loop3A_736, %parallel_loop3A_737] {strides = array<i32>} : memref<128x128xf32, #tpu.memory_space<vmem>>, vector<16xf32>,
        %parallel_loop3A_739 = arith.index_cast %parallel_loop3A_688 : i32 to index
        %parallel_loop3A_740 = arith.constant 96 : index
        %parallel_loop3A_741 = tpu.vector_load %arg11[%parallel_loop3A_739, %parallel_loop3A_740] {strides = array<i32>} : memref<128x128xf32, #tpu.memory_space<vmem>>, vector<16xf32>,
        %parallel_loop3A_742 = arith.mulf %parallel_loop3A_738, %parallel_loop3A_741 : vector<16xf32>
        %parallel_loop3A_743 = arith.addf %parallel_loop3A_735, %parallel_loop3A_742 : vector<16xf32>
        %parallel_loop3A_744 = arith.index_cast %parallel_loop3A_688 : i32 to index
        %parallel_loop3A_745 = arith.constant 112 : index
        %parallel_loop3A_746 = tpu.vector_load %arg9[%parallel_loop3A_744, %parallel_loop3A_745] {strides = array<i32>} : memref<128x128xf32, #tpu.memory_space<vmem>>, vector<16xf32>,
        %parallel_loop3A_747 = arith.index_cast %parallel_loop3A_688 : i32 to index
        %parallel_loop3A_748 = arith.constant 112 : index
        %parallel_loop3A_749 = tpu.vector_load %arg11[%parallel_loop3A_747, %parallel_loop3A_748] {strides = array<i32>} : memref<128x128xf32, #tpu.memory_space<vmem>>, vector<16xf32>,
        %parallel_loop3A_750 = arith.mulf %parallel_loop3A_746, %parallel_loop3A_749 : vector<16xf32>
        %parallel_loop3A_751 = arith.addf %parallel_loop3A_743, %parallel_loop3A_750 : vector<16xf32>
        %parallel_loop3A_752 = arith.constant 8 : i32
        %parallel_loop3A_753 = vector.broadcast %parallel_loop3A_752 : i32 to vector<16xi32>
        %parallel_loop3A_754 = arith.cmpi eq, %iota3A, %parallel_loop3A_753 : vector<16xi32>
        %parallel_loop3A_755 = arith.constant true
        %parallel_loop3A_756 = vector.broadcast %parallel_loop3A_755 : i1 to vector<16xi1>
        %parallel_loop3A_757 = tpu.scan <sum>, %parallel_loop3A_751 masked %parallel_loop3A_756 : vector<16xf32>, vector<16xi1> -> vector<16xf32>
        %parallel_loop3A_758 = vector.extract %parallel_loop3A_757[15] : f32 from vector<16xf32>
        %parallel_loop3A_759 = vector.broadcast %parallel_loop3A_758 : f32 to vector<16xf32>
        %parallel_loop3A_760 = arith.select %parallel_loop3A_754, %parallel_loop3A_759, %parallel_loop3A_684 : vector<16xi1>, vector<16xf32>
        %parallel_loop3A_761 = arith.constant 16 : i32
        %parallel_loop3A_762 = arith.muli %parallel_loop3A_74, %parallel_loop3A_761 : i32
        %parallel_loop3A_763 = arith.constant 9 : i32
        %parallel_loop3A_764 = arith.addi %parallel_loop3A_762, %parallel_loop3A_763 : i32
        %parallel_loop3A_765 = arith.index_cast %parallel_loop3A_764 : i32 to index
        %parallel_loop3A_766 = arith.constant 0 : index
        %parallel_loop3A_767 = tpu.vector_load %arg9[%parallel_loop3A_765, %parallel_loop3A_766] {strides = array<i32>} : memref<128x128xf32, #tpu.memory_space<vmem>>, vector<16xf32>,
        %parallel_loop3A_768 = arith.index_cast %parallel_loop3A_764 : i32 to index
        %parallel_loop3A_769 = arith.constant 0 : index
        %parallel_loop3A_770 = tpu.vector_load %arg11[%parallel_loop3A_768, %parallel_loop3A_769] {strides = array<i32>} : memref<128x128xf32, #tpu.memory_space<vmem>>, vector<16xf32>,
        %parallel_loop3A_771 = arith.mulf %parallel_loop3A_767, %parallel_loop3A_770 : vector<16xf32>
        %parallel_loop3A_772 = arith.index_cast %parallel_loop3A_764 : i32 to index
        %parallel_loop3A_773 = arith.constant 16 : index
        %parallel_loop3A_774 = tpu.vector_load %arg9[%parallel_loop3A_772, %parallel_loop3A_773] {strides = array<i32>} : memref<128x128xf32, #tpu.memory_space<vmem>>, vector<16xf32>,
        %parallel_loop3A_775 = arith.index_cast %parallel_loop3A_764 : i32 to index
        %parallel_loop3A_776 = arith.constant 16 : index
        %parallel_loop3A_777 = tpu.vector_load %arg11[%parallel_loop3A_775, %parallel_loop3A_776] {strides = array<i32>} : memref<128x128xf32, #tpu.memory_space<vmem>>, vector<16xf32>,
        %parallel_loop3A_778 = arith.mulf %parallel_loop3A_774, %parallel_loop3A_777 : vector<16xf32>
        %parallel_loop3A_779 = arith.addf %parallel_loop3A_771, %parallel_loop3A_778 : vector<16xf32>
        %parallel_loop3A_780 = arith.index_cast %parallel_loop3A_764 : i32 to index
        %parallel_loop3A_781 = arith.constant 32 : index
        %parallel_loop3A_782 = tpu.vector_load %arg9[%parallel_loop3A_780, %parallel_loop3A_781] {strides = array<i32>} : memref<128x128xf32, #tpu.memory_space<vmem>>, vector<16xf32>,
        %parallel_loop3A_783 = arith.index_cast %parallel_loop3A_764 : i32 to index
        %parallel_loop3A_784 = arith.constant 32 : index
        %parallel_loop3A_785 = tpu.vector_load %arg11[%parallel_loop3A_783, %parallel_loop3A_784] {strides = array<i32>} : memref<128x128xf32, #tpu.memory_space<vmem>>, vector<16xf32>,
        %parallel_loop3A_786 = arith.mulf %parallel_loop3A_782, %parallel_loop3A_785 : vector<16xf32>
        %parallel_loop3A_787 = arith.addf %parallel_loop3A_779, %parallel_loop3A_786 : vector<16xf32>
        %parallel_loop3A_788 = arith.index_cast %parallel_loop3A_764 : i32 to index
        %parallel_loop3A_789 = arith.constant 48 : index
        %parallel_loop3A_790 = tpu.vector_load %arg9[%parallel_loop3A_788, %parallel_loop3A_789] {strides = array<i32>} : memref<128x128xf32, #tpu.memory_space<vmem>>, vector<16xf32>,
        %parallel_loop3A_791 = arith.index_cast %parallel_loop3A_764 : i32 to index
        %parallel_loop3A_792 = arith.constant 48 : index
        %parallel_loop3A_793 = tpu.vector_load %arg11[%parallel_loop3A_791, %parallel_loop3A_792] {strides = array<i32>} : memref<128x128xf32, #tpu.memory_space<vmem>>, vector<16xf32>,
        %parallel_loop3A_794 = arith.mulf %parallel_loop3A_790, %parallel_loop3A_793 : vector<16xf32>
        %parallel_loop3A_795 = arith.addf %parallel_loop3A_787, %parallel_loop3A_794 : vector<16xf32>
        %parallel_loop3A_796 = arith.index_cast %parallel_loop3A_764 : i32 to index
        %parallel_loop3A_797 = arith.constant 64 : index
        %parallel_loop3A_798 = tpu.vector_load %arg9[%parallel_loop3A_796, %parallel_loop3A_797] {strides = array<i32>} : memref<128x128xf32, #tpu.memory_space<vmem>>, vector<16xf32>,
        %parallel_loop3A_799 = arith.index_cast %parallel_loop3A_764 : i32 to index
        %parallel_loop3A_800 = arith.constant 64 : index
        %parallel_loop3A_801 = tpu.vector_load %arg11[%parallel_loop3A_799, %parallel_loop3A_800] {strides = array<i32>} : memref<128x128xf32, #tpu.memory_space<vmem>>, vector<16xf32>,
        %parallel_loop3A_802 = arith.mulf %parallel_loop3A_798, %parallel_loop3A_801 : vector<16xf32>
        %parallel_loop3A_803 = arith.addf %parallel_loop3A_795, %parallel_loop3A_802 : vector<16xf32>
        %parallel_loop3A_804 = arith.index_cast %parallel_loop3A_764 : i32 to index
        %parallel_loop3A_805 = arith.constant 80 : index
        %parallel_loop3A_806 = tpu.vector_load %arg9[%parallel_loop3A_804, %parallel_loop3A_805] {strides = array<i32>} : memref<128x128xf32, #tpu.memory_space<vmem>>, vector<16xf32>,
        %parallel_loop3A_807 = arith.index_cast %parallel_loop3A_764 : i32 to index
        %parallel_loop3A_808 = arith.constant 80 : index
        %parallel_loop3A_809 = tpu.vector_load %arg11[%parallel_loop3A_807, %parallel_loop3A_808] {strides = array<i32>} : memref<128x128xf32, #tpu.memory_space<vmem>>, vector<16xf32>,
        %parallel_loop3A_810 = arith.mulf %parallel_loop3A_806, %parallel_loop3A_809 : vector<16xf32>
        %parallel_loop3A_811 = arith.addf %parallel_loop3A_803, %parallel_loop3A_810 : vector<16xf32>
        %parallel_loop3A_812 = arith.index_cast %parallel_loop3A_764 : i32 to index
        %parallel_loop3A_813 = arith.constant 96 : index
        %parallel_loop3A_814 = tpu.vector_load %arg9[%parallel_loop3A_812, %parallel_loop3A_813] {strides = array<i32>} : memref<128x128xf32, #tpu.memory_space<vmem>>, vector<16xf32>,
        %parallel_loop3A_815 = arith.index_cast %parallel_loop3A_764 : i32 to index
        %parallel_loop3A_816 = arith.constant 96 : index
        %parallel_loop3A_817 = tpu.vector_load %arg11[%parallel_loop3A_815, %parallel_loop3A_816] {strides = array<i32>} : memref<128x128xf32, #tpu.memory_space<vmem>>, vector<16xf32>,
        %parallel_loop3A_818 = arith.mulf %parallel_loop3A_814, %parallel_loop3A_817 : vector<16xf32>
        %parallel_loop3A_819 = arith.addf %parallel_loop3A_811, %parallel_loop3A_818 : vector<16xf32>
        %parallel_loop3A_820 = arith.index_cast %parallel_loop3A_764 : i32 to index
        %parallel_loop3A_821 = arith.constant 112 : index
        %parallel_loop3A_822 = tpu.vector_load %arg9[%parallel_loop3A_820, %parallel_loop3A_821] {strides = array<i32>} : memref<128x128xf32, #tpu.memory_space<vmem>>, vector<16xf32>,
        %parallel_loop3A_823 = arith.index_cast %parallel_loop3A_764 : i32 to index
        %parallel_loop3A_824 = arith.constant 112 : index
        %parallel_loop3A_825 = tpu.vector_load %arg11[%parallel_loop3A_823, %parallel_loop3A_824] {strides = array<i32>} : memref<128x128xf32, #tpu.memory_space<vmem>>, vector<16xf32>,
        %parallel_loop3A_826 = arith.mulf %parallel_loop3A_822, %parallel_loop3A_825 : vector<16xf32>
        %parallel_loop3A_827 = arith.addf %parallel_loop3A_819, %parallel_loop3A_826 : vector<16xf32>
        %parallel_loop3A_828 = arith.constant 9 : i32
        %parallel_loop3A_829 = vector.broadcast %parallel_loop3A_828 : i32 to vector<16xi32>
        %parallel_loop3A_830 = arith.cmpi eq, %iota3A, %parallel_loop3A_829 : vector<16xi32>
        %parallel_loop3A_831 = arith.constant true
        %parallel_loop3A_832 = vector.broadcast %parallel_loop3A_831 : i1 to vector<16xi1>
        %parallel_loop3A_833 = tpu.scan <sum>, %parallel_loop3A_827 masked %parallel_loop3A_832 : vector<16xf32>, vector<16xi1> -> vector<16xf32>
        %parallel_loop3A_834 = vector.extract %parallel_loop3A_833[15] : f32 from vector<16xf32>
        %parallel_loop3A_835 = vector.broadcast %parallel_loop3A_834 : f32 to vector<16xf32>
        %parallel_loop3A_836 = arith.select %parallel_loop3A_830, %parallel_loop3A_835, %parallel_loop3A_760 : vector<16xi1>, vector<16xf32>
        %parallel_loop3A_837 = arith.constant 16 : i32
        %parallel_loop3A_838 = arith.muli %parallel_loop3A_74, %parallel_loop3A_837 : i32
        %parallel_loop3A_839 = arith.constant 10 : i32
        %parallel_loop3A_840 = arith.addi %parallel_loop3A_838, %parallel_loop3A_839 : i32
        %parallel_loop3A_841 = arith.index_cast %parallel_loop3A_840 : i32 to index
        %parallel_loop3A_842 = arith.constant 0 : index
        %parallel_loop3A_843 = tpu.vector_load %arg9[%parallel_loop3A_841, %parallel_loop3A_842] {strides = array<i32>} : memref<128x128xf32, #tpu.memory_space<vmem>>, vector<16xf32>,
        %parallel_loop3A_844 = arith.index_cast %parallel_loop3A_840 : i32 to index
        %parallel_loop3A_845 = arith.constant 0 : index
        %parallel_loop3A_846 = tpu.vector_load %arg11[%parallel_loop3A_844, %parallel_loop3A_845] {strides = array<i32>} : memref<128x128xf32, #tpu.memory_space<vmem>>, vector<16xf32>,
        %parallel_loop3A_847 = arith.mulf %parallel_loop3A_843, %parallel_loop3A_846 : vector<16xf32>
        %parallel_loop3A_848 = arith.index_cast %parallel_loop3A_840 : i32 to index
        %parallel_loop3A_849 = arith.constant 16 : index
        %parallel_loop3A_850 = tpu.vector_load %arg9[%parallel_loop3A_848, %parallel_loop3A_849] {strides = array<i32>} : memref<128x128xf32, #tpu.memory_space<vmem>>, vector<16xf32>,
        %parallel_loop3A_851 = arith.index_cast %parallel_loop3A_840 : i32 to index
        %parallel_loop3A_852 = arith.constant 16 : index
        %parallel_loop3A_853 = tpu.vector_load %arg11[%parallel_loop3A_851, %parallel_loop3A_852] {strides = array<i32>} : memref<128x128xf32, #tpu.memory_space<vmem>>, vector<16xf32>,
        %parallel_loop3A_854 = arith.mulf %parallel_loop3A_850, %parallel_loop3A_853 : vector<16xf32>
        %parallel_loop3A_855 = arith.addf %parallel_loop3A_847, %parallel_loop3A_854 : vector<16xf32>
        %parallel_loop3A_856 = arith.index_cast %parallel_loop3A_840 : i32 to index
        %parallel_loop3A_857 = arith.constant 32 : index
        %parallel_loop3A_858 = tpu.vector_load %arg9[%parallel_loop3A_856, %parallel_loop3A_857] {strides = array<i32>} : memref<128x128xf32, #tpu.memory_space<vmem>>, vector<16xf32>,
        %parallel_loop3A_859 = arith.index_cast %parallel_loop3A_840 : i32 to index
        %parallel_loop3A_860 = arith.constant 32 : index
        %parallel_loop3A_861 = tpu.vector_load %arg11[%parallel_loop3A_859, %parallel_loop3A_860] {strides = array<i32>} : memref<128x128xf32, #tpu.memory_space<vmem>>, vector<16xf32>,
        %parallel_loop3A_862 = arith.mulf %parallel_loop3A_858, %parallel_loop3A_861 : vector<16xf32>
        %parallel_loop3A_863 = arith.addf %parallel_loop3A_855, %parallel_loop3A_862 : vector<16xf32>
        %parallel_loop3A_864 = arith.index_cast %parallel_loop3A_840 : i32 to index
        %parallel_loop3A_865 = arith.constant 48 : index
        %parallel_loop3A_866 = tpu.vector_load %arg9[%parallel_loop3A_864, %parallel_loop3A_865] {strides = array<i32>} : memref<128x128xf32, #tpu.memory_space<vmem>>, vector<16xf32>,
        %parallel_loop3A_867 = arith.index_cast %parallel_loop3A_840 : i32 to index
        %parallel_loop3A_868 = arith.constant 48 : index
        %parallel_loop3A_869 = tpu.vector_load %arg11[%parallel_loop3A_867, %parallel_loop3A_868] {strides = array<i32>} : memref<128x128xf32, #tpu.memory_space<vmem>>, vector<16xf32>,
        %parallel_loop3A_870 = arith.mulf %parallel_loop3A_866, %parallel_loop3A_869 : vector<16xf32>
        %parallel_loop3A_871 = arith.addf %parallel_loop3A_863, %parallel_loop3A_870 : vector<16xf32>
        %parallel_loop3A_872 = arith.index_cast %parallel_loop3A_840 : i32 to index
        %parallel_loop3A_873 = arith.constant 64 : index
        %parallel_loop3A_874 = tpu.vector_load %arg9[%parallel_loop3A_872, %parallel_loop3A_873] {strides = array<i32>} : memref<128x128xf32, #tpu.memory_space<vmem>>, vector<16xf32>,
        %parallel_loop3A_875 = arith.index_cast %parallel_loop3A_840 : i32 to index
        %parallel_loop3A_876 = arith.constant 64 : index
        %parallel_loop3A_877 = tpu.vector_load %arg11[%parallel_loop3A_875, %parallel_loop3A_876] {strides = array<i32>} : memref<128x128xf32, #tpu.memory_space<vmem>>, vector<16xf32>,
        %parallel_loop3A_878 = arith.mulf %parallel_loop3A_874, %parallel_loop3A_877 : vector<16xf32>
        %parallel_loop3A_879 = arith.addf %parallel_loop3A_871, %parallel_loop3A_878 : vector<16xf32>
        %parallel_loop3A_880 = arith.index_cast %parallel_loop3A_840 : i32 to index
        %parallel_loop3A_881 = arith.constant 80 : index
        %parallel_loop3A_882 = tpu.vector_load %arg9[%parallel_loop3A_880, %parallel_loop3A_881] {strides = array<i32>} : memref<128x128xf32, #tpu.memory_space<vmem>>, vector<16xf32>,
        %parallel_loop3A_883 = arith.index_cast %parallel_loop3A_840 : i32 to index
        %parallel_loop3A_884 = arith.constant 80 : index
        %parallel_loop3A_885 = tpu.vector_load %arg11[%parallel_loop3A_883, %parallel_loop3A_884] {strides = array<i32>} : memref<128x128xf32, #tpu.memory_space<vmem>>, vector<16xf32>,
        %parallel_loop3A_886 = arith.mulf %parallel_loop3A_882, %parallel_loop3A_885 : vector<16xf32>
        %parallel_loop3A_887 = arith.addf %parallel_loop3A_879, %parallel_loop3A_886 : vector<16xf32>
        %parallel_loop3A_888 = arith.index_cast %parallel_loop3A_840 : i32 to index
        %parallel_loop3A_889 = arith.constant 96 : index
        %parallel_loop3A_890 = tpu.vector_load %arg9[%parallel_loop3A_888, %parallel_loop3A_889] {strides = array<i32>} : memref<128x128xf32, #tpu.memory_space<vmem>>, vector<16xf32>,
        %parallel_loop3A_891 = arith.index_cast %parallel_loop3A_840 : i32 to index
        %parallel_loop3A_892 = arith.constant 96 : index
        %parallel_loop3A_893 = tpu.vector_load %arg11[%parallel_loop3A_891, %parallel_loop3A_892] {strides = array<i32>} : memref<128x128xf32, #tpu.memory_space<vmem>>, vector<16xf32>,
        %parallel_loop3A_894 = arith.mulf %parallel_loop3A_890, %parallel_loop3A_893 : vector<16xf32>
        %parallel_loop3A_895 = arith.addf %parallel_loop3A_887, %parallel_loop3A_894 : vector<16xf32>
        %parallel_loop3A_896 = arith.index_cast %parallel_loop3A_840 : i32 to index
        %parallel_loop3A_897 = arith.constant 112 : index
        %parallel_loop3A_898 = tpu.vector_load %arg9[%parallel_loop3A_896, %parallel_loop3A_897] {strides = array<i32>} : memref<128x128xf32, #tpu.memory_space<vmem>>, vector<16xf32>,
        %parallel_loop3A_899 = arith.index_cast %parallel_loop3A_840 : i32 to index
        %parallel_loop3A_900 = arith.constant 112 : index
        %parallel_loop3A_901 = tpu.vector_load %arg11[%parallel_loop3A_899, %parallel_loop3A_900] {strides = array<i32>} : memref<128x128xf32, #tpu.memory_space<vmem>>, vector<16xf32>,
        %parallel_loop3A_902 = arith.mulf %parallel_loop3A_898, %parallel_loop3A_901 : vector<16xf32>
        %parallel_loop3A_903 = arith.addf %parallel_loop3A_895, %parallel_loop3A_902 : vector<16xf32>
        %parallel_loop3A_904 = arith.constant 10 : i32
        %parallel_loop3A_905 = vector.broadcast %parallel_loop3A_904 : i32 to vector<16xi32>
        %parallel_loop3A_906 = arith.cmpi eq, %iota3A, %parallel_loop3A_905 : vector<16xi32>
        %parallel_loop3A_907 = arith.constant true
        %parallel_loop3A_908 = vector.broadcast %parallel_loop3A_907 : i1 to vector<16xi1>
        %parallel_loop3A_909 = tpu.scan <sum>, %parallel_loop3A_903 masked %parallel_loop3A_908 : vector<16xf32>, vector<16xi1> -> vector<16xf32>
        %parallel_loop3A_910 = vector.extract %parallel_loop3A_909[15] : f32 from vector<16xf32>
        %parallel_loop3A_911 = vector.broadcast %parallel_loop3A_910 : f32 to vector<16xf32>
        %parallel_loop3A_912 = arith.select %parallel_loop3A_906, %parallel_loop3A_911, %parallel_loop3A_836 : vector<16xi1>, vector<16xf32>
        %parallel_loop3A_913 = arith.constant 16 : i32
        %parallel_loop3A_914 = arith.muli %parallel_loop3A_74, %parallel_loop3A_913 : i32
        %parallel_loop3A_915 = arith.constant 11 : i32
        %parallel_loop3A_916 = arith.addi %parallel_loop3A_914, %parallel_loop3A_915 : i32
        %parallel_loop3A_917 = arith.index_cast %parallel_loop3A_916 : i32 to index
        %parallel_loop3A_918 = arith.constant 0 : index
        %parallel_loop3A_919 = tpu.vector_load %arg9[%parallel_loop3A_917, %parallel_loop3A_918] {strides = array<i32>} : memref<128x128xf32, #tpu.memory_space<vmem>>, vector<16xf32>,
        %parallel_loop3A_920 = arith.index_cast %parallel_loop3A_916 : i32 to index
        %parallel_loop3A_921 = arith.constant 0 : index
        %parallel_loop3A_922 = tpu.vector_load %arg11[%parallel_loop3A_920, %parallel_loop3A_921] {strides = array<i32>} : memref<128x128xf32, #tpu.memory_space<vmem>>, vector<16xf32>,
        %parallel_loop3A_923 = arith.mulf %parallel_loop3A_919, %parallel_loop3A_922 : vector<16xf32>
        %parallel_loop3A_924 = arith.index_cast %parallel_loop3A_916 : i32 to index
        %parallel_loop3A_925 = arith.constant 16 : index
        %parallel_loop3A_926 = tpu.vector_load %arg9[%parallel_loop3A_924, %parallel_loop3A_925] {strides = array<i32>} : memref<128x128xf32, #tpu.memory_space<vmem>>, vector<16xf32>,
        %parallel_loop3A_927 = arith.index_cast %parallel_loop3A_916 : i32 to index
        %parallel_loop3A_928 = arith.constant 16 : index
        %parallel_loop3A_929 = tpu.vector_load %arg11[%parallel_loop3A_927, %parallel_loop3A_928] {strides = array<i32>} : memref<128x128xf32, #tpu.memory_space<vmem>>, vector<16xf32>,
        %parallel_loop3A_930 = arith.mulf %parallel_loop3A_926, %parallel_loop3A_929 : vector<16xf32>
        %parallel_loop3A_931 = arith.addf %parallel_loop3A_923, %parallel_loop3A_930 : vector<16xf32>
        %parallel_loop3A_932 = arith.index_cast %parallel_loop3A_916 : i32 to index
        %parallel_loop3A_933 = arith.constant 32 : index
        %parallel_loop3A_934 = tpu.vector_load %arg9[%parallel_loop3A_932, %parallel_loop3A_933] {strides = array<i32>} : memref<128x128xf32, #tpu.memory_space<vmem>>, vector<16xf32>,
        %parallel_loop3A_935 = arith.index_cast %parallel_loop3A_916 : i32 to index
        %parallel_loop3A_936 = arith.constant 32 : index
        %parallel_loop3A_937 = tpu.vector_load %arg11[%parallel_loop3A_935, %parallel_loop3A_936] {strides = array<i32>} : memref<128x128xf32, #tpu.memory_space<vmem>>, vector<16xf32>,
        %parallel_loop3A_938 = arith.mulf %parallel_loop3A_934, %parallel_loop3A_937 : vector<16xf32>
        %parallel_loop3A_939 = arith.addf %parallel_loop3A_931, %parallel_loop3A_938 : vector<16xf32>
        %parallel_loop3A_940 = arith.index_cast %parallel_loop3A_916 : i32 to index
        %parallel_loop3A_941 = arith.constant 48 : index
        %parallel_loop3A_942 = tpu.vector_load %arg9[%parallel_loop3A_940, %parallel_loop3A_941] {strides = array<i32>} : memref<128x128xf32, #tpu.memory_space<vmem>>, vector<16xf32>,
        %parallel_loop3A_943 = arith.index_cast %parallel_loop3A_916 : i32 to index
        %parallel_loop3A_944 = arith.constant 48 : index
        %parallel_loop3A_945 = tpu.vector_load %arg11[%parallel_loop3A_943, %parallel_loop3A_944] {strides = array<i32>} : memref<128x128xf32, #tpu.memory_space<vmem>>, vector<16xf32>,
        %parallel_loop3A_946 = arith.mulf %parallel_loop3A_942, %parallel_loop3A_945 : vector<16xf32>
        %parallel_loop3A_947 = arith.addf %parallel_loop3A_939, %parallel_loop3A_946 : vector<16xf32>
        %parallel_loop3A_948 = arith.index_cast %parallel_loop3A_916 : i32 to index
        %parallel_loop3A_949 = arith.constant 64 : index
        %parallel_loop3A_950 = tpu.vector_load %arg9[%parallel_loop3A_948, %parallel_loop3A_949] {strides = array<i32>} : memref<128x128xf32, #tpu.memory_space<vmem>>, vector<16xf32>,
        %parallel_loop3A_951 = arith.index_cast %parallel_loop3A_916 : i32 to index
        %parallel_loop3A_952 = arith.constant 64 : index
        %parallel_loop3A_953 = tpu.vector_load %arg11[%parallel_loop3A_951, %parallel_loop3A_952] {strides = array<i32>} : memref<128x128xf32, #tpu.memory_space<vmem>>, vector<16xf32>,
        %parallel_loop3A_954 = arith.mulf %parallel_loop3A_950, %parallel_loop3A_953 : vector<16xf32>
        %parallel_loop3A_955 = arith.addf %parallel_loop3A_947, %parallel_loop3A_954 : vector<16xf32>
        %parallel_loop3A_956 = arith.index_cast %parallel_loop3A_916 : i32 to index
        %parallel_loop3A_957 = arith.constant 80 : index
        %parallel_loop3A_958 = tpu.vector_load %arg9[%parallel_loop3A_956, %parallel_loop3A_957] {strides = array<i32>} : memref<128x128xf32, #tpu.memory_space<vmem>>, vector<16xf32>,
        %parallel_loop3A_959 = arith.index_cast %parallel_loop3A_916 : i32 to index
        %parallel_loop3A_960 = arith.constant 80 : index
        %parallel_loop3A_961 = tpu.vector_load %arg11[%parallel_loop3A_959, %parallel_loop3A_960] {strides = array<i32>} : memref<128x128xf32, #tpu.memory_space<vmem>>, vector<16xf32>,
        %parallel_loop3A_962 = arith.mulf %parallel_loop3A_958, %parallel_loop3A_961 : vector<16xf32>
        %parallel_loop3A_963 = arith.addf %parallel_loop3A_955, %parallel_loop3A_962 : vector<16xf32>
        %parallel_loop3A_964 = arith.index_cast %parallel_loop3A_916 : i32 to index
        %parallel_loop3A_965 = arith.constant 96 : index
        %parallel_loop3A_966 = tpu.vector_load %arg9[%parallel_loop3A_964, %parallel_loop3A_965] {strides = array<i32>} : memref<128x128xf32, #tpu.memory_space<vmem>>, vector<16xf32>,
        %parallel_loop3A_967 = arith.index_cast %parallel_loop3A_916 : i32 to index
        %parallel_loop3A_968 = arith.constant 96 : index
        %parallel_loop3A_969 = tpu.vector_load %arg11[%parallel_loop3A_967, %parallel_loop3A_968] {strides = array<i32>} : memref<128x128xf32, #tpu.memory_space<vmem>>, vector<16xf32>,
        %parallel_loop3A_970 = arith.mulf %parallel_loop3A_966, %parallel_loop3A_969 : vector<16xf32>
        %parallel_loop3A_971 = arith.addf %parallel_loop3A_963, %parallel_loop3A_970 : vector<16xf32>
        %parallel_loop3A_972 = arith.index_cast %parallel_loop3A_916 : i32 to index
        %parallel_loop3A_973 = arith.constant 112 : index
        %parallel_loop3A_974 = tpu.vector_load %arg9[%parallel_loop3A_972, %parallel_loop3A_973] {strides = array<i32>} : memref<128x128xf32, #tpu.memory_space<vmem>>, vector<16xf32>,
        %parallel_loop3A_975 = arith.index_cast %parallel_loop3A_916 : i32 to index
        %parallel_loop3A_976 = arith.constant 112 : index
        %parallel_loop3A_977 = tpu.vector_load %arg11[%parallel_loop3A_975, %parallel_loop3A_976] {strides = array<i32>} : memref<128x128xf32, #tpu.memory_space<vmem>>, vector<16xf32>,
        %parallel_loop3A_978 = arith.mulf %parallel_loop3A_974, %parallel_loop3A_977 : vector<16xf32>
        %parallel_loop3A_979 = arith.addf %parallel_loop3A_971, %parallel_loop3A_978 : vector<16xf32>
        %parallel_loop3A_980 = arith.constant 11 : i32
        %parallel_loop3A_981 = vector.broadcast %parallel_loop3A_980 : i32 to vector<16xi32>
        %parallel_loop3A_982 = arith.cmpi eq, %iota3A, %parallel_loop3A_981 : vector<16xi32>
        %parallel_loop3A_983 = arith.constant true
        %parallel_loop3A_984 = vector.broadcast %parallel_loop3A_983 : i1 to vector<16xi1>
        %parallel_loop3A_985 = tpu.scan <sum>, %parallel_loop3A_979 masked %parallel_loop3A_984 : vector<16xf32>, vector<16xi1> -> vector<16xf32>
        %parallel_loop3A_986 = vector.extract %parallel_loop3A_985[15] : f32 from vector<16xf32>
        %parallel_loop3A_987 = vector.broadcast %parallel_loop3A_986 : f32 to vector<16xf32>
        %parallel_loop3A_988 = arith.select %parallel_loop3A_982, %parallel_loop3A_987, %parallel_loop3A_912 : vector<16xi1>, vector<16xf32>
        %parallel_loop3A_989 = arith.constant 16 : i32
        %parallel_loop3A_990 = arith.muli %parallel_loop3A_74, %parallel_loop3A_989 : i32
        %parallel_loop3A_991 = arith.constant 12 : i32
        %parallel_loop3A_992 = arith.addi %parallel_loop3A_990, %parallel_loop3A_991 : i32
        %parallel_loop3A_993 = arith.index_cast %parallel_loop3A_992 : i32 to index
        %parallel_loop3A_994 = arith.constant 0 : index
        %parallel_loop3A_995 = tpu.vector_load %arg9[%parallel_loop3A_993, %parallel_loop3A_994] {strides = array<i32>} : memref<128x128xf32, #tpu.memory_space<vmem>>, vector<16xf32>,
        %parallel_loop3A_996 = arith.index_cast %parallel_loop3A_992 : i32 to index
        %parallel_loop3A_997 = arith.constant 0 : index
        %parallel_loop3A_998 = tpu.vector_load %arg11[%parallel_loop3A_996, %parallel_loop3A_997] {strides = array<i32>} : memref<128x128xf32, #tpu.memory_space<vmem>>, vector<16xf32>,
        %parallel_loop3A_999 = arith.mulf %parallel_loop3A_995, %parallel_loop3A_998 : vector<16xf32>
        %parallel_loop3A_1000 = arith.index_cast %parallel_loop3A_992 : i32 to index
        %parallel_loop3A_1001 = arith.constant 16 : index
        %parallel_loop3A_1002 = tpu.vector_load %arg9[%parallel_loop3A_1000, %parallel_loop3A_1001] {strides = array<i32>} : memref<128x128xf32, #tpu.memory_space<vmem>>, vector<16xf32>,
        %parallel_loop3A_1003 = arith.index_cast %parallel_loop3A_992 : i32 to index
        %parallel_loop3A_1004 = arith.constant 16 : index
        %parallel_loop3A_1005 = tpu.vector_load %arg11[%parallel_loop3A_1003, %parallel_loop3A_1004] {strides = array<i32>} : memref<128x128xf32, #tpu.memory_space<vmem>>, vector<16xf32>,
        %parallel_loop3A_1006 = arith.mulf %parallel_loop3A_1002, %parallel_loop3A_1005 : vector<16xf32>
        %parallel_loop3A_1007 = arith.addf %parallel_loop3A_999, %parallel_loop3A_1006 : vector<16xf32>
        %parallel_loop3A_1008 = arith.index_cast %parallel_loop3A_992 : i32 to index
        %parallel_loop3A_1009 = arith.constant 32 : index
        %parallel_loop3A_1010 = tpu.vector_load %arg9[%parallel_loop3A_1008, %parallel_loop3A_1009] {strides = array<i32>} : memref<128x128xf32, #tpu.memory_space<vmem>>, vector<16xf32>,
        %parallel_loop3A_1011 = arith.index_cast %parallel_loop3A_992 : i32 to index
        %parallel_loop3A_1012 = arith.constant 32 : index
        %parallel_loop3A_1013 = tpu.vector_load %arg11[%parallel_loop3A_1011, %parallel_loop3A_1012] {strides = array<i32>} : memref<128x128xf32, #tpu.memory_space<vmem>>, vector<16xf32>,
        %parallel_loop3A_1014 = arith.mulf %parallel_loop3A_1010, %parallel_loop3A_1013 : vector<16xf32>
        %parallel_loop3A_1015 = arith.addf %parallel_loop3A_1007, %parallel_loop3A_1014 : vector<16xf32>
        %parallel_loop3A_1016 = arith.index_cast %parallel_loop3A_992 : i32 to index
        %parallel_loop3A_1017 = arith.constant 48 : index
        %parallel_loop3A_1018 = tpu.vector_load %arg9[%parallel_loop3A_1016, %parallel_loop3A_1017] {strides = array<i32>} : memref<128x128xf32, #tpu.memory_space<vmem>>, vector<16xf32>,
        %parallel_loop3A_1019 = arith.index_cast %parallel_loop3A_992 : i32 to index
        %parallel_loop3A_1020 = arith.constant 48 : index
        %parallel_loop3A_1021 = tpu.vector_load %arg11[%parallel_loop3A_1019, %parallel_loop3A_1020] {strides = array<i32>} : memref<128x128xf32, #tpu.memory_space<vmem>>, vector<16xf32>,
        %parallel_loop3A_1022 = arith.mulf %parallel_loop3A_1018, %parallel_loop3A_1021 : vector<16xf32>
        %parallel_loop3A_1023 = arith.addf %parallel_loop3A_1015, %parallel_loop3A_1022 : vector<16xf32>
        %parallel_loop3A_1024 = arith.index_cast %parallel_loop3A_992 : i32 to index
        %parallel_loop3A_1025 = arith.constant 64 : index
        %parallel_loop3A_1026 = tpu.vector_load %arg9[%parallel_loop3A_1024, %parallel_loop3A_1025] {strides = array<i32>} : memref<128x128xf32, #tpu.memory_space<vmem>>, vector<16xf32>,
        %parallel_loop3A_1027 = arith.index_cast %parallel_loop3A_992 : i32 to index
        %parallel_loop3A_1028 = arith.constant 64 : index
        %parallel_loop3A_1029 = tpu.vector_load %arg11[%parallel_loop3A_1027, %parallel_loop3A_1028] {strides = array<i32>} : memref<128x128xf32, #tpu.memory_space<vmem>>, vector<16xf32>,
        %parallel_loop3A_1030 = arith.mulf %parallel_loop3A_1026, %parallel_loop3A_1029 : vector<16xf32>
        %parallel_loop3A_1031 = arith.addf %parallel_loop3A_1023, %parallel_loop3A_1030 : vector<16xf32>
        %parallel_loop3A_1032 = arith.index_cast %parallel_loop3A_992 : i32 to index
        %parallel_loop3A_1033 = arith.constant 80 : index
        %parallel_loop3A_1034 = tpu.vector_load %arg9[%parallel_loop3A_1032, %parallel_loop3A_1033] {strides = array<i32>} : memref<128x128xf32, #tpu.memory_space<vmem>>, vector<16xf32>,
        %parallel_loop3A_1035 = arith.index_cast %parallel_loop3A_992 : i32 to index
        %parallel_loop3A_1036 = arith.constant 80 : index
        %parallel_loop3A_1037 = tpu.vector_load %arg11[%parallel_loop3A_1035, %parallel_loop3A_1036] {strides = array<i32>} : memref<128x128xf32, #tpu.memory_space<vmem>>, vector<16xf32>,
        %parallel_loop3A_1038 = arith.mulf %parallel_loop3A_1034, %parallel_loop3A_1037 : vector<16xf32>
        %parallel_loop3A_1039 = arith.addf %parallel_loop3A_1031, %parallel_loop3A_1038 : vector<16xf32>
        %parallel_loop3A_1040 = arith.index_cast %parallel_loop3A_992 : i32 to index
        %parallel_loop3A_1041 = arith.constant 96 : index
        %parallel_loop3A_1042 = tpu.vector_load %arg9[%parallel_loop3A_1040, %parallel_loop3A_1041] {strides = array<i32>} : memref<128x128xf32, #tpu.memory_space<vmem>>, vector<16xf32>,
        %parallel_loop3A_1043 = arith.index_cast %parallel_loop3A_992 : i32 to index
        %parallel_loop3A_1044 = arith.constant 96 : index
        %parallel_loop3A_1045 = tpu.vector_load %arg11[%parallel_loop3A_1043, %parallel_loop3A_1044] {strides = array<i32>} : memref<128x128xf32, #tpu.memory_space<vmem>>, vector<16xf32>,
        %parallel_loop3A_1046 = arith.mulf %parallel_loop3A_1042, %parallel_loop3A_1045 : vector<16xf32>
        %parallel_loop3A_1047 = arith.addf %parallel_loop3A_1039, %parallel_loop3A_1046 : vector<16xf32>
        %parallel_loop3A_1048 = arith.index_cast %parallel_loop3A_992 : i32 to index
        %parallel_loop3A_1049 = arith.constant 112 : index
        %parallel_loop3A_1050 = tpu.vector_load %arg9[%parallel_loop3A_1048, %parallel_loop3A_1049] {strides = array<i32>} : memref<128x128xf32, #tpu.memory_space<vmem>>, vector<16xf32>,
        %parallel_loop3A_1051 = arith.index_cast %parallel_loop3A_992 : i32 to index
        %parallel_loop3A_1052 = arith.constant 112 : index
        %parallel_loop3A_1053 = tpu.vector_load %arg11[%parallel_loop3A_1051, %parallel_loop3A_1052] {strides = array<i32>} : memref<128x128xf32, #tpu.memory_space<vmem>>, vector<16xf32>,
        %parallel_loop3A_1054 = arith.mulf %parallel_loop3A_1050, %parallel_loop3A_1053 : vector<16xf32>
        %parallel_loop3A_1055 = arith.addf %parallel_loop3A_1047, %parallel_loop3A_1054 : vector<16xf32>
        %parallel_loop3A_1056 = arith.constant 12 : i32
        %parallel_loop3A_1057 = vector.broadcast %parallel_loop3A_1056 : i32 to vector<16xi32>
        %parallel_loop3A_1058 = arith.cmpi eq, %iota3A, %parallel_loop3A_1057 : vector<16xi32>
        %parallel_loop3A_1059 = arith.constant true
        %parallel_loop3A_1060 = vector.broadcast %parallel_loop3A_1059 : i1 to vector<16xi1>
        %parallel_loop3A_1061 = tpu.scan <sum>, %parallel_loop3A_1055 masked %parallel_loop3A_1060 : vector<16xf32>, vector<16xi1> -> vector<16xf32>
        %parallel_loop3A_1062 = vector.extract %parallel_loop3A_1061[15] : f32 from vector<16xf32>
        %parallel_loop3A_1063 = vector.broadcast %parallel_loop3A_1062 : f32 to vector<16xf32>
        %parallel_loop3A_1064 = arith.select %parallel_loop3A_1058, %parallel_loop3A_1063, %parallel_loop3A_988 : vector<16xi1>, vector<16xf32>
        %parallel_loop3A_1065 = arith.constant 16 : i32
        %parallel_loop3A_1066 = arith.muli %parallel_loop3A_74, %parallel_loop3A_1065 : i32
        %parallel_loop3A_1067 = arith.constant 13 : i32
        %parallel_loop3A_1068 = arith.addi %parallel_loop3A_1066, %parallel_loop3A_1067 : i32
        %parallel_loop3A_1069 = arith.index_cast %parallel_loop3A_1068 : i32 to index
        %parallel_loop3A_1070 = arith.constant 0 : index
        %parallel_loop3A_1071 = tpu.vector_load %arg9[%parallel_loop3A_1069, %parallel_loop3A_1070] {strides = array<i32>} : memref<128x128xf32, #tpu.memory_space<vmem>>, vector<16xf32>,
        %parallel_loop3A_1072 = arith.index_cast %parallel_loop3A_1068 : i32 to index
        %parallel_loop3A_1073 = arith.constant 0 : index
        %parallel_loop3A_1074 = tpu.vector_load %arg11[%parallel_loop3A_1072, %parallel_loop3A_1073] {strides = array<i32>} : memref<128x128xf32, #tpu.memory_space<vmem>>, vector<16xf32>,
        %parallel_loop3A_1075 = arith.mulf %parallel_loop3A_1071, %parallel_loop3A_1074 : vector<16xf32>
        %parallel_loop3A_1076 = arith.index_cast %parallel_loop3A_1068 : i32 to index
        %parallel_loop3A_1077 = arith.constant 16 : index
        %parallel_loop3A_1078 = tpu.vector_load %arg9[%parallel_loop3A_1076, %parallel_loop3A_1077] {strides = array<i32>} : memref<128x128xf32, #tpu.memory_space<vmem>>, vector<16xf32>,
        %parallel_loop3A_1079 = arith.index_cast %parallel_loop3A_1068 : i32 to index
        %parallel_loop3A_1080 = arith.constant 16 : index
        %parallel_loop3A_1081 = tpu.vector_load %arg11[%parallel_loop3A_1079, %parallel_loop3A_1080] {strides = array<i32>} : memref<128x128xf32, #tpu.memory_space<vmem>>, vector<16xf32>,
        %parallel_loop3A_1082 = arith.mulf %parallel_loop3A_1078, %parallel_loop3A_1081 : vector<16xf32>
        %parallel_loop3A_1083 = arith.addf %parallel_loop3A_1075, %parallel_loop3A_1082 : vector<16xf32>
        %parallel_loop3A_1084 = arith.index_cast %parallel_loop3A_1068 : i32 to index
        %parallel_loop3A_1085 = arith.constant 32 : index
        %parallel_loop3A_1086 = tpu.vector_load %arg9[%parallel_loop3A_1084, %parallel_loop3A_1085] {strides = array<i32>} : memref<128x128xf32, #tpu.memory_space<vmem>>, vector<16xf32>,
        %parallel_loop3A_1087 = arith.index_cast %parallel_loop3A_1068 : i32 to index
        %parallel_loop3A_1088 = arith.constant 32 : index
        %parallel_loop3A_1089 = tpu.vector_load %arg11[%parallel_loop3A_1087, %parallel_loop3A_1088] {strides = array<i32>} : memref<128x128xf32, #tpu.memory_space<vmem>>, vector<16xf32>,
        %parallel_loop3A_1090 = arith.mulf %parallel_loop3A_1086, %parallel_loop3A_1089 : vector<16xf32>
        %parallel_loop3A_1091 = arith.addf %parallel_loop3A_1083, %parallel_loop3A_1090 : vector<16xf32>
        %parallel_loop3A_1092 = arith.index_cast %parallel_loop3A_1068 : i32 to index
        %parallel_loop3A_1093 = arith.constant 48 : index
        %parallel_loop3A_1094 = tpu.vector_load %arg9[%parallel_loop3A_1092, %parallel_loop3A_1093] {strides = array<i32>} : memref<128x128xf32, #tpu.memory_space<vmem>>, vector<16xf32>,
        %parallel_loop3A_1095 = arith.index_cast %parallel_loop3A_1068 : i32 to index
        %parallel_loop3A_1096 = arith.constant 48 : index
        %parallel_loop3A_1097 = tpu.vector_load %arg11[%parallel_loop3A_1095, %parallel_loop3A_1096] {strides = array<i32>} : memref<128x128xf32, #tpu.memory_space<vmem>>, vector<16xf32>,
        %parallel_loop3A_1098 = arith.mulf %parallel_loop3A_1094, %parallel_loop3A_1097 : vector<16xf32>
        %parallel_loop3A_1099 = arith.addf %parallel_loop3A_1091, %parallel_loop3A_1098 : vector<16xf32>
        %parallel_loop3A_1100 = arith.index_cast %parallel_loop3A_1068 : i32 to index
        %parallel_loop3A_1101 = arith.constant 64 : index
        %parallel_loop3A_1102 = tpu.vector_load %arg9[%parallel_loop3A_1100, %parallel_loop3A_1101] {strides = array<i32>} : memref<128x128xf32, #tpu.memory_space<vmem>>, vector<16xf32>,
        %parallel_loop3A_1103 = arith.index_cast %parallel_loop3A_1068 : i32 to index
        %parallel_loop3A_1104 = arith.constant 64 : index
        %parallel_loop3A_1105 = tpu.vector_load %arg11[%parallel_loop3A_1103, %parallel_loop3A_1104] {strides = array<i32>} : memref<128x128xf32, #tpu.memory_space<vmem>>, vector<16xf32>,
        %parallel_loop3A_1106 = arith.mulf %parallel_loop3A_1102, %parallel_loop3A_1105 : vector<16xf32>
        %parallel_loop3A_1107 = arith.addf %parallel_loop3A_1099, %parallel_loop3A_1106 : vector<16xf32>
        %parallel_loop3A_1108 = arith.index_cast %parallel_loop3A_1068 : i32 to index
        %parallel_loop3A_1109 = arith.constant 80 : index
        %parallel_loop3A_1110 = tpu.vector_load %arg9[%parallel_loop3A_1108, %parallel_loop3A_1109] {strides = array<i32>} : memref<128x128xf32, #tpu.memory_space<vmem>>, vector<16xf32>,
        %parallel_loop3A_1111 = arith.index_cast %parallel_loop3A_1068 : i32 to index
        %parallel_loop3A_1112 = arith.constant 80 : index
        %parallel_loop3A_1113 = tpu.vector_load %arg11[%parallel_loop3A_1111, %parallel_loop3A_1112] {strides = array<i32>} : memref<128x128xf32, #tpu.memory_space<vmem>>, vector<16xf32>,
        %parallel_loop3A_1114 = arith.mulf %parallel_loop3A_1110, %parallel_loop3A_1113 : vector<16xf32>
        %parallel_loop3A_1115 = arith.addf %parallel_loop3A_1107, %parallel_loop3A_1114 : vector<16xf32>
        %parallel_loop3A_1116 = arith.index_cast %parallel_loop3A_1068 : i32 to index
        %parallel_loop3A_1117 = arith.constant 96 : index
        %parallel_loop3A_1118 = tpu.vector_load %arg9[%parallel_loop3A_1116, %parallel_loop3A_1117] {strides = array<i32>} : memref<128x128xf32, #tpu.memory_space<vmem>>, vector<16xf32>,
        %parallel_loop3A_1119 = arith.index_cast %parallel_loop3A_1068 : i32 to index
        %parallel_loop3A_1120 = arith.constant 96 : index
        %parallel_loop3A_1121 = tpu.vector_load %arg11[%parallel_loop3A_1119, %parallel_loop3A_1120] {strides = array<i32>} : memref<128x128xf32, #tpu.memory_space<vmem>>, vector<16xf32>,
        %parallel_loop3A_1122 = arith.mulf %parallel_loop3A_1118, %parallel_loop3A_1121 : vector<16xf32>
        %parallel_loop3A_1123 = arith.addf %parallel_loop3A_1115, %parallel_loop3A_1122 : vector<16xf32>
        %parallel_loop3A_1124 = arith.index_cast %parallel_loop3A_1068 : i32 to index
        %parallel_loop3A_1125 = arith.constant 112 : index
        %parallel_loop3A_1126 = tpu.vector_load %arg9[%parallel_loop3A_1124, %parallel_loop3A_1125] {strides = array<i32>} : memref<128x128xf32, #tpu.memory_space<vmem>>, vector<16xf32>,
        %parallel_loop3A_1127 = arith.index_cast %parallel_loop3A_1068 : i32 to index
        %parallel_loop3A_1128 = arith.constant 112 : index
        %parallel_loop3A_1129 = tpu.vector_load %arg11[%parallel_loop3A_1127, %parallel_loop3A_1128] {strides = array<i32>} : memref<128x128xf32, #tpu.memory_space<vmem>>, vector<16xf32>,
        %parallel_loop3A_1130 = arith.mulf %parallel_loop3A_1126, %parallel_loop3A_1129 : vector<16xf32>
        %parallel_loop3A_1131 = arith.addf %parallel_loop3A_1123, %parallel_loop3A_1130 : vector<16xf32>
        %parallel_loop3A_1132 = arith.constant 13 : i32
        %parallel_loop3A_1133 = vector.broadcast %parallel_loop3A_1132 : i32 to vector<16xi32>
        %parallel_loop3A_1134 = arith.cmpi eq, %iota3A, %parallel_loop3A_1133 : vector<16xi32>
        %parallel_loop3A_1135 = arith.constant true
        %parallel_loop3A_1136 = vector.broadcast %parallel_loop3A_1135 : i1 to vector<16xi1>
        %parallel_loop3A_1137 = tpu.scan <sum>, %parallel_loop3A_1131 masked %parallel_loop3A_1136 : vector<16xf32>, vector<16xi1> -> vector<16xf32>
        %parallel_loop3A_1138 = vector.extract %parallel_loop3A_1137[15] : f32 from vector<16xf32>
        %parallel_loop3A_1139 = vector.broadcast %parallel_loop3A_1138 : f32 to vector<16xf32>
        %parallel_loop3A_1140 = arith.select %parallel_loop3A_1134, %parallel_loop3A_1139, %parallel_loop3A_1064 : vector<16xi1>, vector<16xf32>
        %parallel_loop3A_1141 = arith.constant 16 : i32
        %parallel_loop3A_1142 = arith.muli %parallel_loop3A_74, %parallel_loop3A_1141 : i32
        %parallel_loop3A_1143 = arith.constant 14 : i32
        %parallel_loop3A_1144 = arith.addi %parallel_loop3A_1142, %parallel_loop3A_1143 : i32
        %parallel_loop3A_1145 = arith.index_cast %parallel_loop3A_1144 : i32 to index
        %parallel_loop3A_1146 = arith.constant 0 : index
        %parallel_loop3A_1147 = tpu.vector_load %arg9[%parallel_loop3A_1145, %parallel_loop3A_1146] {strides = array<i32>} : memref<128x128xf32, #tpu.memory_space<vmem>>, vector<16xf32>,
        %parallel_loop3A_1148 = arith.index_cast %parallel_loop3A_1144 : i32 to index
        %parallel_loop3A_1149 = arith.constant 0 : index
        %parallel_loop3A_1150 = tpu.vector_load %arg11[%parallel_loop3A_1148, %parallel_loop3A_1149] {strides = array<i32>} : memref<128x128xf32, #tpu.memory_space<vmem>>, vector<16xf32>,
        %parallel_loop3A_1151 = arith.mulf %parallel_loop3A_1147, %parallel_loop3A_1150 : vector<16xf32>
        %parallel_loop3A_1152 = arith.index_cast %parallel_loop3A_1144 : i32 to index
        %parallel_loop3A_1153 = arith.constant 16 : index
        %parallel_loop3A_1154 = tpu.vector_load %arg9[%parallel_loop3A_1152, %parallel_loop3A_1153] {strides = array<i32>} : memref<128x128xf32, #tpu.memory_space<vmem>>, vector<16xf32>,
        %parallel_loop3A_1155 = arith.index_cast %parallel_loop3A_1144 : i32 to index
        %parallel_loop3A_1156 = arith.constant 16 : index
        %parallel_loop3A_1157 = tpu.vector_load %arg11[%parallel_loop3A_1155, %parallel_loop3A_1156] {strides = array<i32>} : memref<128x128xf32, #tpu.memory_space<vmem>>, vector<16xf32>,
        %parallel_loop3A_1158 = arith.mulf %parallel_loop3A_1154, %parallel_loop3A_1157 : vector<16xf32>
        %parallel_loop3A_1159 = arith.addf %parallel_loop3A_1151, %parallel_loop3A_1158 : vector<16xf32>
        %parallel_loop3A_1160 = arith.index_cast %parallel_loop3A_1144 : i32 to index
        %parallel_loop3A_1161 = arith.constant 32 : index
        %parallel_loop3A_1162 = tpu.vector_load %arg9[%parallel_loop3A_1160, %parallel_loop3A_1161] {strides = array<i32>} : memref<128x128xf32, #tpu.memory_space<vmem>>, vector<16xf32>,
        %parallel_loop3A_1163 = arith.index_cast %parallel_loop3A_1144 : i32 to index
        %parallel_loop3A_1164 = arith.constant 32 : index
        %parallel_loop3A_1165 = tpu.vector_load %arg11[%parallel_loop3A_1163, %parallel_loop3A_1164] {strides = array<i32>} : memref<128x128xf32, #tpu.memory_space<vmem>>, vector<16xf32>,
        %parallel_loop3A_1166 = arith.mulf %parallel_loop3A_1162, %parallel_loop3A_1165 : vector<16xf32>
        %parallel_loop3A_1167 = arith.addf %parallel_loop3A_1159, %parallel_loop3A_1166 : vector<16xf32>
        %parallel_loop3A_1168 = arith.index_cast %parallel_loop3A_1144 : i32 to index
        %parallel_loop3A_1169 = arith.constant 48 : index
        %parallel_loop3A_1170 = tpu.vector_load %arg9[%parallel_loop3A_1168, %parallel_loop3A_1169] {strides = array<i32>} : memref<128x128xf32, #tpu.memory_space<vmem>>, vector<16xf32>,
        %parallel_loop3A_1171 = arith.index_cast %parallel_loop3A_1144 : i32 to index
        %parallel_loop3A_1172 = arith.constant 48 : index
        %parallel_loop3A_1173 = tpu.vector_load %arg11[%parallel_loop3A_1171, %parallel_loop3A_1172] {strides = array<i32>} : memref<128x128xf32, #tpu.memory_space<vmem>>, vector<16xf32>,
        %parallel_loop3A_1174 = arith.mulf %parallel_loop3A_1170, %parallel_loop3A_1173 : vector<16xf32>
        %parallel_loop3A_1175 = arith.addf %parallel_loop3A_1167, %parallel_loop3A_1174 : vector<16xf32>
        %parallel_loop3A_1176 = arith.index_cast %parallel_loop3A_1144 : i32 to index
        %parallel_loop3A_1177 = arith.constant 64 : index
        %parallel_loop3A_1178 = tpu.vector_load %arg9[%parallel_loop3A_1176, %parallel_loop3A_1177] {strides = array<i32>} : memref<128x128xf32, #tpu.memory_space<vmem>>, vector<16xf32>,
        %parallel_loop3A_1179 = arith.index_cast %parallel_loop3A_1144 : i32 to index
        %parallel_loop3A_1180 = arith.constant 64 : index
        %parallel_loop3A_1181 = tpu.vector_load %arg11[%parallel_loop3A_1179, %parallel_loop3A_1180] {strides = array<i32>} : memref<128x128xf32, #tpu.memory_space<vmem>>, vector<16xf32>,
        %parallel_loop3A_1182 = arith.mulf %parallel_loop3A_1178, %parallel_loop3A_1181 : vector<16xf32>
        %parallel_loop3A_1183 = arith.addf %parallel_loop3A_1175, %parallel_loop3A_1182 : vector<16xf32>
        %parallel_loop3A_1184 = arith.index_cast %parallel_loop3A_1144 : i32 to index
        %parallel_loop3A_1185 = arith.constant 80 : index
        %parallel_loop3A_1186 = tpu.vector_load %arg9[%parallel_loop3A_1184, %parallel_loop3A_1185] {strides = array<i32>} : memref<128x128xf32, #tpu.memory_space<vmem>>, vector<16xf32>,
        %parallel_loop3A_1187 = arith.index_cast %parallel_loop3A_1144 : i32 to index
        %parallel_loop3A_1188 = arith.constant 80 : index
        %parallel_loop3A_1189 = tpu.vector_load %arg11[%parallel_loop3A_1187, %parallel_loop3A_1188] {strides = array<i32>} : memref<128x128xf32, #tpu.memory_space<vmem>>, vector<16xf32>,
        %parallel_loop3A_1190 = arith.mulf %parallel_loop3A_1186, %parallel_loop3A_1189 : vector<16xf32>
        %parallel_loop3A_1191 = arith.addf %parallel_loop3A_1183, %parallel_loop3A_1190 : vector<16xf32>
        %parallel_loop3A_1192 = arith.index_cast %parallel_loop3A_1144 : i32 to index
        %parallel_loop3A_1193 = arith.constant 96 : index
        %parallel_loop3A_1194 = tpu.vector_load %arg9[%parallel_loop3A_1192, %parallel_loop3A_1193] {strides = array<i32>} : memref<128x128xf32, #tpu.memory_space<vmem>>, vector<16xf32>,
        %parallel_loop3A_1195 = arith.index_cast %parallel_loop3A_1144 : i32 to index
        %parallel_loop3A_1196 = arith.constant 96 : index
        %parallel_loop3A_1197 = tpu.vector_load %arg11[%parallel_loop3A_1195, %parallel_loop3A_1196] {strides = array<i32>} : memref<128x128xf32, #tpu.memory_space<vmem>>, vector<16xf32>,
        %parallel_loop3A_1198 = arith.mulf %parallel_loop3A_1194, %parallel_loop3A_1197 : vector<16xf32>
        %parallel_loop3A_1199 = arith.addf %parallel_loop3A_1191, %parallel_loop3A_1198 : vector<16xf32>
        %parallel_loop3A_1200 = arith.index_cast %parallel_loop3A_1144 : i32 to index
        %parallel_loop3A_1201 = arith.constant 112 : index
        %parallel_loop3A_1202 = tpu.vector_load %arg9[%parallel_loop3A_1200, %parallel_loop3A_1201] {strides = array<i32>} : memref<128x128xf32, #tpu.memory_space<vmem>>, vector<16xf32>,
        %parallel_loop3A_1203 = arith.index_cast %parallel_loop3A_1144 : i32 to index
        %parallel_loop3A_1204 = arith.constant 112 : index
        %parallel_loop3A_1205 = tpu.vector_load %arg11[%parallel_loop3A_1203, %parallel_loop3A_1204] {strides = array<i32>} : memref<128x128xf32, #tpu.memory_space<vmem>>, vector<16xf32>,
        %parallel_loop3A_1206 = arith.mulf %parallel_loop3A_1202, %parallel_loop3A_1205 : vector<16xf32>
        %parallel_loop3A_1207 = arith.addf %parallel_loop3A_1199, %parallel_loop3A_1206 : vector<16xf32>
        %parallel_loop3A_1208 = arith.constant 14 : i32
        %parallel_loop3A_1209 = vector.broadcast %parallel_loop3A_1208 : i32 to vector<16xi32>
        %parallel_loop3A_1210 = arith.cmpi eq, %iota3A, %parallel_loop3A_1209 : vector<16xi32>
        %parallel_loop3A_1211 = arith.constant true
        %parallel_loop3A_1212 = vector.broadcast %parallel_loop3A_1211 : i1 to vector<16xi1>
        %parallel_loop3A_1213 = tpu.scan <sum>, %parallel_loop3A_1207 masked %parallel_loop3A_1212 : vector<16xf32>, vector<16xi1> -> vector<16xf32>
        %parallel_loop3A_1214 = vector.extract %parallel_loop3A_1213[15] : f32 from vector<16xf32>
        %parallel_loop3A_1215 = vector.broadcast %parallel_loop3A_1214 : f32 to vector<16xf32>
        %parallel_loop3A_1216 = arith.select %parallel_loop3A_1210, %parallel_loop3A_1215, %parallel_loop3A_1140 : vector<16xi1>, vector<16xf32>
        %parallel_loop3A_1217 = arith.constant 16 : i32
        %parallel_loop3A_1218 = arith.muli %parallel_loop3A_74, %parallel_loop3A_1217 : i32
        %parallel_loop3A_1219 = arith.constant 15 : i32
        %parallel_loop3A_1220 = arith.addi %parallel_loop3A_1218, %parallel_loop3A_1219 : i32
        %parallel_loop3A_1221 = arith.index_cast %parallel_loop3A_1220 : i32 to index
        %parallel_loop3A_1222 = arith.constant 0 : index
        %parallel_loop3A_1223 = tpu.vector_load %arg9[%parallel_loop3A_1221, %parallel_loop3A_1222] {strides = array<i32>} : memref<128x128xf32, #tpu.memory_space<vmem>>, vector<16xf32>,
        %parallel_loop3A_1224 = arith.index_cast %parallel_loop3A_1220 : i32 to index
        %parallel_loop3A_1225 = arith.constant 0 : index
        %parallel_loop3A_1226 = tpu.vector_load %arg11[%parallel_loop3A_1224, %parallel_loop3A_1225] {strides = array<i32>} : memref<128x128xf32, #tpu.memory_space<vmem>>, vector<16xf32>,
        %parallel_loop3A_1227 = arith.mulf %parallel_loop3A_1223, %parallel_loop3A_1226 : vector<16xf32>
        %parallel_loop3A_1228 = arith.index_cast %parallel_loop3A_1220 : i32 to index
        %parallel_loop3A_1229 = arith.constant 16 : index
        %parallel_loop3A_1230 = tpu.vector_load %arg9[%parallel_loop3A_1228, %parallel_loop3A_1229] {strides = array<i32>} : memref<128x128xf32, #tpu.memory_space<vmem>>, vector<16xf32>,
        %parallel_loop3A_1231 = arith.index_cast %parallel_loop3A_1220 : i32 to index
        %parallel_loop3A_1232 = arith.constant 16 : index
        %parallel_loop3A_1233 = tpu.vector_load %arg11[%parallel_loop3A_1231, %parallel_loop3A_1232] {strides = array<i32>} : memref<128x128xf32, #tpu.memory_space<vmem>>, vector<16xf32>,
        %parallel_loop3A_1234 = arith.mulf %parallel_loop3A_1230, %parallel_loop3A_1233 : vector<16xf32>
        %parallel_loop3A_1235 = arith.addf %parallel_loop3A_1227, %parallel_loop3A_1234 : vector<16xf32>
        %parallel_loop3A_1236 = arith.index_cast %parallel_loop3A_1220 : i32 to index
        %parallel_loop3A_1237 = arith.constant 32 : index
        %parallel_loop3A_1238 = tpu.vector_load %arg9[%parallel_loop3A_1236, %parallel_loop3A_1237] {strides = array<i32>} : memref<128x128xf32, #tpu.memory_space<vmem>>, vector<16xf32>,
        %parallel_loop3A_1239 = arith.index_cast %parallel_loop3A_1220 : i32 to index
        %parallel_loop3A_1240 = arith.constant 32 : index
        %parallel_loop3A_1241 = tpu.vector_load %arg11[%parallel_loop3A_1239, %parallel_loop3A_1240] {strides = array<i32>} : memref<128x128xf32, #tpu.memory_space<vmem>>, vector<16xf32>,
        %parallel_loop3A_1242 = arith.mulf %parallel_loop3A_1238, %parallel_loop3A_1241 : vector<16xf32>
        %parallel_loop3A_1243 = arith.addf %parallel_loop3A_1235, %parallel_loop3A_1242 : vector<16xf32>
        %parallel_loop3A_1244 = arith.index_cast %parallel_loop3A_1220 : i32 to index
        %parallel_loop3A_1245 = arith.constant 48 : index
        %parallel_loop3A_1246 = tpu.vector_load %arg9[%parallel_loop3A_1244, %parallel_loop3A_1245] {strides = array<i32>} : memref<128x128xf32, #tpu.memory_space<vmem>>, vector<16xf32>,
        %parallel_loop3A_1247 = arith.index_cast %parallel_loop3A_1220 : i32 to index
        %parallel_loop3A_1248 = arith.constant 48 : index
        %parallel_loop3A_1249 = tpu.vector_load %arg11[%parallel_loop3A_1247, %parallel_loop3A_1248] {strides = array<i32>} : memref<128x128xf32, #tpu.memory_space<vmem>>, vector<16xf32>,
        %parallel_loop3A_1250 = arith.mulf %parallel_loop3A_1246, %parallel_loop3A_1249 : vector<16xf32>
        %parallel_loop3A_1251 = arith.addf %parallel_loop3A_1243, %parallel_loop3A_1250 : vector<16xf32>
        %parallel_loop3A_1252 = arith.index_cast %parallel_loop3A_1220 : i32 to index
        %parallel_loop3A_1253 = arith.constant 64 : index
        %parallel_loop3A_1254 = tpu.vector_load %arg9[%parallel_loop3A_1252, %parallel_loop3A_1253] {strides = array<i32>} : memref<128x128xf32, #tpu.memory_space<vmem>>, vector<16xf32>,
        %parallel_loop3A_1255 = arith.index_cast %parallel_loop3A_1220 : i32 to index
        %parallel_loop3A_1256 = arith.constant 64 : index
        %parallel_loop3A_1257 = tpu.vector_load %arg11[%parallel_loop3A_1255, %parallel_loop3A_1256] {strides = array<i32>} : memref<128x128xf32, #tpu.memory_space<vmem>>, vector<16xf32>,
        %parallel_loop3A_1258 = arith.mulf %parallel_loop3A_1254, %parallel_loop3A_1257 : vector<16xf32>
        %parallel_loop3A_1259 = arith.addf %parallel_loop3A_1251, %parallel_loop3A_1258 : vector<16xf32>
        %parallel_loop3A_1260 = arith.index_cast %parallel_loop3A_1220 : i32 to index
        %parallel_loop3A_1261 = arith.constant 80 : index
        %parallel_loop3A_1262 = tpu.vector_load %arg9[%parallel_loop3A_1260, %parallel_loop3A_1261] {strides = array<i32>} : memref<128x128xf32, #tpu.memory_space<vmem>>, vector<16xf32>,
        %parallel_loop3A_1263 = arith.index_cast %parallel_loop3A_1220 : i32 to index
        %parallel_loop3A_1264 = arith.constant 80 : index
        %parallel_loop3A_1265 = tpu.vector_load %arg11[%parallel_loop3A_1263, %parallel_loop3A_1264] {strides = array<i32>} : memref<128x128xf32, #tpu.memory_space<vmem>>, vector<16xf32>,
        %parallel_loop3A_1266 = arith.mulf %parallel_loop3A_1262, %parallel_loop3A_1265 : vector<16xf32>
        %parallel_loop3A_1267 = arith.addf %parallel_loop3A_1259, %parallel_loop3A_1266 : vector<16xf32>
        %parallel_loop3A_1268 = arith.index_cast %parallel_loop3A_1220 : i32 to index
        %parallel_loop3A_1269 = arith.constant 96 : index
        %parallel_loop3A_1270 = tpu.vector_load %arg9[%parallel_loop3A_1268, %parallel_loop3A_1269] {strides = array<i32>} : memref<128x128xf32, #tpu.memory_space<vmem>>, vector<16xf32>,
        %parallel_loop3A_1271 = arith.index_cast %parallel_loop3A_1220 : i32 to index
        %parallel_loop3A_1272 = arith.constant 96 : index
        %parallel_loop3A_1273 = tpu.vector_load %arg11[%parallel_loop3A_1271, %parallel_loop3A_1272] {strides = array<i32>} : memref<128x128xf32, #tpu.memory_space<vmem>>, vector<16xf32>,
        %parallel_loop3A_1274 = arith.mulf %parallel_loop3A_1270, %parallel_loop3A_1273 : vector<16xf32>
        %parallel_loop3A_1275 = arith.addf %parallel_loop3A_1267, %parallel_loop3A_1274 : vector<16xf32>
        %parallel_loop3A_1276 = arith.index_cast %parallel_loop3A_1220 : i32 to index
        %parallel_loop3A_1277 = arith.constant 112 : index
        %parallel_loop3A_1278 = tpu.vector_load %arg9[%parallel_loop3A_1276, %parallel_loop3A_1277] {strides = array<i32>} : memref<128x128xf32, #tpu.memory_space<vmem>>, vector<16xf32>,
        %parallel_loop3A_1279 = arith.index_cast %parallel_loop3A_1220 : i32 to index
        %parallel_loop3A_1280 = arith.constant 112 : index
        %parallel_loop3A_1281 = tpu.vector_load %arg11[%parallel_loop3A_1279, %parallel_loop3A_1280] {strides = array<i32>} : memref<128x128xf32, #tpu.memory_space<vmem>>, vector<16xf32>,
        %parallel_loop3A_1282 = arith.mulf %parallel_loop3A_1278, %parallel_loop3A_1281 : vector<16xf32>
        %parallel_loop3A_1283 = arith.addf %parallel_loop3A_1275, %parallel_loop3A_1282 : vector<16xf32>
        %parallel_loop3A_1284 = arith.constant 15 : i32
        %parallel_loop3A_1285 = vector.broadcast %parallel_loop3A_1284 : i32 to vector<16xi32>
        %parallel_loop3A_1286 = arith.cmpi eq, %iota3A, %parallel_loop3A_1285 : vector<16xi32>
        %parallel_loop3A_1287 = arith.constant true
        %parallel_loop3A_1288 = vector.broadcast %parallel_loop3A_1287 : i1 to vector<16xi1>
        %parallel_loop3A_1289 = tpu.scan <sum>, %parallel_loop3A_1283 masked %parallel_loop3A_1288 : vector<16xf32>, vector<16xi1> -> vector<16xf32>
        %parallel_loop3A_1290 = vector.extract %parallel_loop3A_1289[15] : f32 from vector<16xf32>
        %parallel_loop3A_1291 = vector.broadcast %parallel_loop3A_1290 : f32 to vector<16xf32>
        %parallel_loop3A_1292 = arith.select %parallel_loop3A_1286, %parallel_loop3A_1291, %parallel_loop3A_1216 : vector<16xi1>, vector<16xf32>
        %parallel_loop3A_1293 = arith.constant 16 : i32
        %parallel_loop3A_1294 = arith.muli %parallel_loop3A_74, %parallel_loop3A_1293 : i32
        %parallel_loop3A_1295 = arith.index_cast %mul3A_21 : i32 to index
        %parallel_loop3A_1296 = arith.index_cast %parallel_loop3A_1294 : i32 to index
        %parallel_loop3A_1297 = tpu.vector_load %arg13[%parallel_loop3A_1295, %parallel_loop3A_1296] {strides = array<i32>} : memref<24x128xf32, #tpu.memory_space<vmem>>, vector<16xf32>,
        tpu.vector_store %arg13[%parallel_loop3A_1295, %parallel_loop3A_1296], %parallel_loop3A_1292 {strides = array<i32>} : memref<24x128xf32, #tpu.memory_space<vmem>>, vector<16xf32>,
      } {sc.loop_unroll_factor = 2 : i64, sc.parallel_access}
      %add3A_51 = arith.constant 2 : i32
      %add3A_52 = arith.addi %mul3A_21, %add3A_51 : i32
      %lt3A = arith.constant 24 : i32
      %lt3A_53 = arith.cmpi slt, %add3A_52, %lt3A : i32
      %convert_element_type3A = arith.extui %lt3A_53 : i1 to i32
      %cond3A = arith.constant 0 : i32
      %cond3A_54 = arith.cmpi ne, %convert_element_type3A, %cond3A : i32
      scf.if %cond3A_54 {
        %add3A_74 = arith.constant 2 : i32
        %add3A_75 = arith.addi %mul3A_21, %add3A_74 : i32
        %dma_start3A_76 = arith.constant 0 : i32
        %dma_start3A_77 = tpu.memref_slice %arg7[%add3A_75, %dma_start3A_76] : memref<24x128xi32, #tpu.memory_space<vmem>> -> memref<1x128xi32, #tpu.memory_space<vmem>>
        %dma_start3A_78 = tpu.memref_squeeze %dma_start3A_77 : memref<1x128xi32, #tpu.memory_space<vmem>> -> memref<128xi32, #tpu.memory_space<vmem>>
        %dma_start3A_79 = arith.constant 0 : i32
        %dma_start3A_80 = arith.constant 0 : i32
        %dma_start3A_81 = tpu.memref_slice %arg4[%dma_start3A_79, %dma_start3A_80] : memref<100000x128xf32, #tpu.memory_space<hbm>> -> memref<100000x128xf32, #tpu.memory_space<hbm>>
        tpu.enqueue_indirect_dma source(%dma_start3A_81 : memref<100000x128xf32, #tpu.memory_space<hbm>>) target(%arg9 : memref<128x128xf32, #tpu.memory_space<vmem>>) offsets(%dma_start3A_78 : memref<128xi32, #tpu.memory_space<vmem>>) semaphore(%arg14 : memref<!tpu.dma_semaphore, #tpu.memory_space<semaphore_mem>>)
        %dma_start3A_82 = arith.constant 0 : i32
        %dma_start3A_83 = tpu.memref_slice %arg8[%add3A_75, %dma_start3A_82] : memref<24x128xi32, #tpu.memory_space<vmem>> -> memref<1x128xi32, #tpu.memory_space<vmem>>
        %dma_start3A_84 = tpu.memref_squeeze %dma_start3A_83 : memref<1x128xi32, #tpu.memory_space<vmem>> -> memref<128xi32, #tpu.memory_space<vmem>>
        %dma_start3A_85 = arith.constant 0 : i32
        %dma_start3A_86 = arith.constant 0 : i32
        %dma_start3A_87 = tpu.memref_slice %arg5[%dma_start3A_85, %dma_start3A_86] : memref<100000x128xf32, #tpu.memory_space<hbm>> -> memref<100000x128xf32, #tpu.memory_space<hbm>>
        tpu.enqueue_indirect_dma source(%dma_start3A_87 : memref<100000x128xf32, #tpu.memory_space<hbm>>) target(%arg11 : memref<128x128xf32, #tpu.memory_space<vmem>>) offsets(%dma_start3A_84 : memref<128xi32, #tpu.memory_space<vmem>>) semaphore(%arg16 : memref<!tpu.dma_semaphore, #tpu.memory_space<semaphore_mem>>)
      } else {
      }
      %dma_wait3A_55 = arith.constant 0 : i32
      %dma_wait3A_56 = arith.constant 0 : i32
      %dma_wait3A_57 = tpu.memref_slice %arg7[%dma_wait3A_55, %dma_wait3A_56] : memref<24x128xi32, #tpu.memory_space<vmem>> -> memref<1x128xi32, #tpu.memory_space<vmem>>
      %dma_wait3A_58 = tpu.memref_squeeze %dma_wait3A_57 : memref<1x128xi32, #tpu.memory_space<vmem>> -> memref<128xi32, #tpu.memory_space<vmem>>
      %dma_wait3A_59 = arith.constant 0 : i32
      %dma_wait3A_60 = arith.constant 0 : i32
      %dma_wait3A_61 = tpu.memref_slice %arg4[%dma_wait3A_59, %dma_wait3A_60] : memref<100000x128xf32, #tpu.memory_space<hbm>> -> memref<100000x128xf32, #tpu.memory_space<hbm>>
      tpu.wait_indirect_dma semaphore(%arg15 : memref<!tpu.dma_semaphore, #tpu.memory_space<semaphore_mem>>) src(%dma_wait3A_61 : memref<100000x128xf32, #tpu.memory_space<hbm>>) dst(%arg10 : memref<128x128xf32, #tpu.memory_space<vmem>>)
      %dma_wait3A_62 = arith.constant 0 : i32
      %dma_wait3A_63 = arith.constant 0 : i32
      %dma_wait3A_64 = tpu.memref_slice %arg8[%dma_wait3A_62, %dma_wait3A_63] : memref<24x128xi32, #tpu.memory_space<vmem>> -> memref<1x128xi32, #tpu.memory_space<vmem>>
      %dma_wait3A_65 = tpu.memref_squeeze %dma_wait3A_64 : memref<1x128xi32, #tpu.memory_space<vmem>> -> memref<128xi32, #tpu.memory_space<vmem>>
      %dma_wait3A_66 = arith.constant 0 : i32
      %dma_wait3A_67 = arith.constant 0 : i32
      %dma_wait3A_68 = tpu.memref_slice %arg5[%dma_wait3A_66, %dma_wait3A_67] : memref<100000x128xf32, #tpu.memory_space<hbm>> -> memref<100000x128xf32, #tpu.memory_space<hbm>>
      tpu.wait_indirect_dma semaphore(%arg17 : memref<!tpu.dma_semaphore, #tpu.memory_space<semaphore_mem>>) src(%dma_wait3A_68 : memref<100000x128xf32, #tpu.memory_space<hbm>>) dst(%arg12 : memref<128x128xf32, #tpu.memory_space<vmem>>)
      %add3A_69 = arith.constant 1 : i32
      %add3A_70 = arith.addi %mul3A_21, %add3A_69 : i32
      %parallel_loop3A_71 = arith.constant 0 : i32
      %parallel_loop3A_72 = arith.constant 8 : i32
      %parallel_loop3A_73 = arith.constant 1 : i32
      scf.for %parallel_loop3A_74 = %parallel_loop3A_71 to %parallel_loop3A_72 step %parallel_loop3A_73  : i32 {
        %parallel_loop3A_75 = arith.constant 0.000000e+00 : f32
        %parallel_loop3A_76 = vector.broadcast %parallel_loop3A_75 : f32 to vector<16xf32>
        %parallel_loop3A_77 = arith.constant 16 : i32
        %parallel_loop3A_78 = arith.muli %parallel_loop3A_74, %parallel_loop3A_77 : i32
        %parallel_loop3A_79 = arith.constant 0 : i32
        %parallel_loop3A_80 = arith.addi %parallel_loop3A_78, %parallel_loop3A_79 : i32
        %parallel_loop3A_81 = arith.index_cast %parallel_loop3A_80 : i32 to index
        %parallel_loop3A_82 = arith.constant 0 : index
        %parallel_loop3A_83 = tpu.vector_load %arg10[%parallel_loop3A_81, %parallel_loop3A_82] {strides = array<i32>} : memref<128x128xf32, #tpu.memory_space<vmem>>, vector<16xf32>,
        %parallel_loop3A_84 = arith.index_cast %parallel_loop3A_80 : i32 to index
        %parallel_loop3A_85 = arith.constant 0 : index
        %parallel_loop3A_86 = tpu.vector_load %arg12[%parallel_loop3A_84, %parallel_loop3A_85] {strides = array<i32>} : memref<128x128xf32, #tpu.memory_space<vmem>>, vector<16xf32>,
        %parallel_loop3A_87 = arith.mulf %parallel_loop3A_83, %parallel_loop3A_86 : vector<16xf32>
        %parallel_loop3A_88 = arith.index_cast %parallel_loop3A_80 : i32 to index
        %parallel_loop3A_89 = arith.constant 16 : index
        %parallel_loop3A_90 = tpu.vector_load %arg10[%parallel_loop3A_88, %parallel_loop3A_89] {strides = array<i32>} : memref<128x128xf32, #tpu.memory_space<vmem>>, vector<16xf32>,
        %parallel_loop3A_91 = arith.index_cast %parallel_loop3A_80 : i32 to index
        %parallel_loop3A_92 = arith.constant 16 : index
        %parallel_loop3A_93 = tpu.vector_load %arg12[%parallel_loop3A_91, %parallel_loop3A_92] {strides = array<i32>} : memref<128x128xf32, #tpu.memory_space<vmem>>, vector<16xf32>,
        %parallel_loop3A_94 = arith.mulf %parallel_loop3A_90, %parallel_loop3A_93 : vector<16xf32>
        %parallel_loop3A_95 = arith.addf %parallel_loop3A_87, %parallel_loop3A_94 : vector<16xf32>
        %parallel_loop3A_96 = arith.index_cast %parallel_loop3A_80 : i32 to index
        %parallel_loop3A_97 = arith.constant 32 : index
        %parallel_loop3A_98 = tpu.vector_load %arg10[%parallel_loop3A_96, %parallel_loop3A_97] {strides = array<i32>} : memref<128x128xf32, #tpu.memory_space<vmem>>, vector<16xf32>,
        %parallel_loop3A_99 = arith.index_cast %parallel_loop3A_80 : i32 to index
        %parallel_loop3A_100 = arith.constant 32 : index
        %parallel_loop3A_101 = tpu.vector_load %arg12[%parallel_loop3A_99, %parallel_loop3A_100] {strides = array<i32>} : memref<128x128xf32, #tpu.memory_space<vmem>>, vector<16xf32>,
        %parallel_loop3A_102 = arith.mulf %parallel_loop3A_98, %parallel_loop3A_101 : vector<16xf32>
        %parallel_loop3A_103 = arith.addf %parallel_loop3A_95, %parallel_loop3A_102 : vector<16xf32>
        %parallel_loop3A_104 = arith.index_cast %parallel_loop3A_80 : i32 to index
        %parallel_loop3A_105 = arith.constant 48 : index
        %parallel_loop3A_106 = tpu.vector_load %arg10[%parallel_loop3A_104, %parallel_loop3A_105] {strides = array<i32>} : memref<128x128xf32, #tpu.memory_space<vmem>>, vector<16xf32>,
        %parallel_loop3A_107 = arith.index_cast %parallel_loop3A_80 : i32 to index
        %parallel_loop3A_108 = arith.constant 48 : index
        %parallel_loop3A_109 = tpu.vector_load %arg12[%parallel_loop3A_107, %parallel_loop3A_108] {strides = array<i32>} : memref<128x128xf32, #tpu.memory_space<vmem>>, vector<16xf32>,
        %parallel_loop3A_110 = arith.mulf %parallel_loop3A_106, %parallel_loop3A_109 : vector<16xf32>
        %parallel_loop3A_111 = arith.addf %parallel_loop3A_103, %parallel_loop3A_110 : vector<16xf32>
        %parallel_loop3A_112 = arith.index_cast %parallel_loop3A_80 : i32 to index
        %parallel_loop3A_113 = arith.constant 64 : index
        %parallel_loop3A_114 = tpu.vector_load %arg10[%parallel_loop3A_112, %parallel_loop3A_113] {strides = array<i32>} : memref<128x128xf32, #tpu.memory_space<vmem>>, vector<16xf32>,
        %parallel_loop3A_115 = arith.index_cast %parallel_loop3A_80 : i32 to index
        %parallel_loop3A_116 = arith.constant 64 : index
        %parallel_loop3A_117 = tpu.vector_load %arg12[%parallel_loop3A_115, %parallel_loop3A_116] {strides = array<i32>} : memref<128x128xf32, #tpu.memory_space<vmem>>, vector<16xf32>,
        %parallel_loop3A_118 = arith.mulf %parallel_loop3A_114, %parallel_loop3A_117 : vector<16xf32>
        %parallel_loop3A_119 = arith.addf %parallel_loop3A_111, %parallel_loop3A_118 : vector<16xf32>
        %parallel_loop3A_120 = arith.index_cast %parallel_loop3A_80 : i32 to index
        %parallel_loop3A_121 = arith.constant 80 : index
        %parallel_loop3A_122 = tpu.vector_load %arg10[%parallel_loop3A_120, %parallel_loop3A_121] {strides = array<i32>} : memref<128x128xf32, #tpu.memory_space<vmem>>, vector<16xf32>,
        %parallel_loop3A_123 = arith.index_cast %parallel_loop3A_80 : i32 to index
        %parallel_loop3A_124 = arith.constant 80 : index
        %parallel_loop3A_125 = tpu.vector_load %arg12[%parallel_loop3A_123, %parallel_loop3A_124] {strides = array<i32>} : memref<128x128xf32, #tpu.memory_space<vmem>>, vector<16xf32>,
        %parallel_loop3A_126 = arith.mulf %parallel_loop3A_122, %parallel_loop3A_125 : vector<16xf32>
        %parallel_loop3A_127 = arith.addf %parallel_loop3A_119, %parallel_loop3A_126 : vector<16xf32>
        %parallel_loop3A_128 = arith.index_cast %parallel_loop3A_80 : i32 to index
        %parallel_loop3A_129 = arith.constant 96 : index
        %parallel_loop3A_130 = tpu.vector_load %arg10[%parallel_loop3A_128, %parallel_loop3A_129] {strides = array<i32>} : memref<128x128xf32, #tpu.memory_space<vmem>>, vector<16xf32>,
        %parallel_loop3A_131 = arith.index_cast %parallel_loop3A_80 : i32 to index
        %parallel_loop3A_132 = arith.constant 96 : index
        %parallel_loop3A_133 = tpu.vector_load %arg12[%parallel_loop3A_131, %parallel_loop3A_132] {strides = array<i32>} : memref<128x128xf32, #tpu.memory_space<vmem>>, vector<16xf32>,
        %parallel_loop3A_134 = arith.mulf %parallel_loop3A_130, %parallel_loop3A_133 : vector<16xf32>
        %parallel_loop3A_135 = arith.addf %parallel_loop3A_127, %parallel_loop3A_134 : vector<16xf32>
        %parallel_loop3A_136 = arith.index_cast %parallel_loop3A_80 : i32 to index
        %parallel_loop3A_137 = arith.constant 112 : index
        %parallel_loop3A_138 = tpu.vector_load %arg10[%parallel_loop3A_136, %parallel_loop3A_137] {strides = array<i32>} : memref<128x128xf32, #tpu.memory_space<vmem>>, vector<16xf32>,
        %parallel_loop3A_139 = arith.index_cast %parallel_loop3A_80 : i32 to index
        %parallel_loop3A_140 = arith.constant 112 : index
        %parallel_loop3A_141 = tpu.vector_load %arg12[%parallel_loop3A_139, %parallel_loop3A_140] {strides = array<i32>} : memref<128x128xf32, #tpu.memory_space<vmem>>, vector<16xf32>,
        %parallel_loop3A_142 = arith.mulf %parallel_loop3A_138, %parallel_loop3A_141 : vector<16xf32>
        %parallel_loop3A_143 = arith.addf %parallel_loop3A_135, %parallel_loop3A_142 : vector<16xf32>
        %parallel_loop3A_144 = arith.constant 0 : i32
        %parallel_loop3A_145 = vector.broadcast %parallel_loop3A_144 : i32 to vector<16xi32>
        %parallel_loop3A_146 = arith.cmpi eq, %iota3A, %parallel_loop3A_145 : vector<16xi32>
        %parallel_loop3A_147 = arith.constant true
        %parallel_loop3A_148 = vector.broadcast %parallel_loop3A_147 : i1 to vector<16xi1>
        %parallel_loop3A_149 = tpu.scan <sum>, %parallel_loop3A_143 masked %parallel_loop3A_148 : vector<16xf32>, vector<16xi1> -> vector<16xf32>
        %parallel_loop3A_150 = vector.extract %parallel_loop3A_149[15] : f32 from vector<16xf32>
        %parallel_loop3A_151 = vector.broadcast %parallel_loop3A_150 : f32 to vector<16xf32>
        %parallel_loop3A_152 = arith.select %parallel_loop3A_146, %parallel_loop3A_151, %parallel_loop3A_76 : vector<16xi1>, vector<16xf32>
        %parallel_loop3A_153 = arith.constant 16 : i32
        %parallel_loop3A_154 = arith.muli %parallel_loop3A_74, %parallel_loop3A_153 : i32
        %parallel_loop3A_155 = arith.constant 1 : i32
        %parallel_loop3A_156 = arith.addi %parallel_loop3A_154, %parallel_loop3A_155 : i32
        %parallel_loop3A_157 = arith.index_cast %parallel_loop3A_156 : i32 to index
        %parallel_loop3A_158 = arith.constant 0 : index
        %parallel_loop3A_159 = tpu.vector_load %arg10[%parallel_loop3A_157, %parallel_loop3A_158] {strides = array<i32>} : memref<128x128xf32, #tpu.memory_space<vmem>>, vector<16xf32>,
        %parallel_loop3A_160 = arith.index_cast %parallel_loop3A_156 : i32 to index
        %parallel_loop3A_161 = arith.constant 0 : index
        %parallel_loop3A_162 = tpu.vector_load %arg12[%parallel_loop3A_160, %parallel_loop3A_161] {strides = array<i32>} : memref<128x128xf32, #tpu.memory_space<vmem>>, vector<16xf32>,
        %parallel_loop3A_163 = arith.mulf %parallel_loop3A_159, %parallel_loop3A_162 : vector<16xf32>
        %parallel_loop3A_164 = arith.index_cast %parallel_loop3A_156 : i32 to index
        %parallel_loop3A_165 = arith.constant 16 : index
        %parallel_loop3A_166 = tpu.vector_load %arg10[%parallel_loop3A_164, %parallel_loop3A_165] {strides = array<i32>} : memref<128x128xf32, #tpu.memory_space<vmem>>, vector<16xf32>,
        %parallel_loop3A_167 = arith.index_cast %parallel_loop3A_156 : i32 to index
        %parallel_loop3A_168 = arith.constant 16 : index
        %parallel_loop3A_169 = tpu.vector_load %arg12[%parallel_loop3A_167, %parallel_loop3A_168] {strides = array<i32>} : memref<128x128xf32, #tpu.memory_space<vmem>>, vector<16xf32>,
        %parallel_loop3A_170 = arith.mulf %parallel_loop3A_166, %parallel_loop3A_169 : vector<16xf32>
        %parallel_loop3A_171 = arith.addf %parallel_loop3A_163, %parallel_loop3A_170 : vector<16xf32>
        %parallel_loop3A_172 = arith.index_cast %parallel_loop3A_156 : i32 to index
        %parallel_loop3A_173 = arith.constant 32 : index
        %parallel_loop3A_174 = tpu.vector_load %arg10[%parallel_loop3A_172, %parallel_loop3A_173] {strides = array<i32>} : memref<128x128xf32, #tpu.memory_space<vmem>>, vector<16xf32>,
        %parallel_loop3A_175 = arith.index_cast %parallel_loop3A_156 : i32 to index
        %parallel_loop3A_176 = arith.constant 32 : index
        %parallel_loop3A_177 = tpu.vector_load %arg12[%parallel_loop3A_175, %parallel_loop3A_176] {strides = array<i32>} : memref<128x128xf32, #tpu.memory_space<vmem>>, vector<16xf32>,
        %parallel_loop3A_178 = arith.mulf %parallel_loop3A_174, %parallel_loop3A_177 : vector<16xf32>
        %parallel_loop3A_179 = arith.addf %parallel_loop3A_171, %parallel_loop3A_178 : vector<16xf32>
        %parallel_loop3A_180 = arith.index_cast %parallel_loop3A_156 : i32 to index
        %parallel_loop3A_181 = arith.constant 48 : index
        %parallel_loop3A_182 = tpu.vector_load %arg10[%parallel_loop3A_180, %parallel_loop3A_181] {strides = array<i32>} : memref<128x128xf32, #tpu.memory_space<vmem>>, vector<16xf32>,
        %parallel_loop3A_183 = arith.index_cast %parallel_loop3A_156 : i32 to index
        %parallel_loop3A_184 = arith.constant 48 : index
        %parallel_loop3A_185 = tpu.vector_load %arg12[%parallel_loop3A_183, %parallel_loop3A_184] {strides = array<i32>} : memref<128x128xf32, #tpu.memory_space<vmem>>, vector<16xf32>,
        %parallel_loop3A_186 = arith.mulf %parallel_loop3A_182, %parallel_loop3A_185 : vector<16xf32>
        %parallel_loop3A_187 = arith.addf %parallel_loop3A_179, %parallel_loop3A_186 : vector<16xf32>
        %parallel_loop3A_188 = arith.index_cast %parallel_loop3A_156 : i32 to index
        %parallel_loop3A_189 = arith.constant 64 : index
        %parallel_loop3A_190 = tpu.vector_load %arg10[%parallel_loop3A_188, %parallel_loop3A_189] {strides = array<i32>} : memref<128x128xf32, #tpu.memory_space<vmem>>, vector<16xf32>,
        %parallel_loop3A_191 = arith.index_cast %parallel_loop3A_156 : i32 to index
        %parallel_loop3A_192 = arith.constant 64 : index
        %parallel_loop3A_193 = tpu.vector_load %arg12[%parallel_loop3A_191, %parallel_loop3A_192] {strides = array<i32>} : memref<128x128xf32, #tpu.memory_space<vmem>>, vector<16xf32>,
        %parallel_loop3A_194 = arith.mulf %parallel_loop3A_190, %parallel_loop3A_193 : vector<16xf32>
        %parallel_loop3A_195 = arith.addf %parallel_loop3A_187, %parallel_loop3A_194 : vector<16xf32>
        %parallel_loop3A_196 = arith.index_cast %parallel_loop3A_156 : i32 to index
        %parallel_loop3A_197 = arith.constant 80 : index
        %parallel_loop3A_198 = tpu.vector_load %arg10[%parallel_loop3A_196, %parallel_loop3A_197] {strides = array<i32>} : memref<128x128xf32, #tpu.memory_space<vmem>>, vector<16xf32>,
        %parallel_loop3A_199 = arith.index_cast %parallel_loop3A_156 : i32 to index
        %parallel_loop3A_200 = arith.constant 80 : index
        %parallel_loop3A_201 = tpu.vector_load %arg12[%parallel_loop3A_199, %parallel_loop3A_200] {strides = array<i32>} : memref<128x128xf32, #tpu.memory_space<vmem>>, vector<16xf32>,
        %parallel_loop3A_202 = arith.mulf %parallel_loop3A_198, %parallel_loop3A_201 : vector<16xf32>
        %parallel_loop3A_203 = arith.addf %parallel_loop3A_195, %parallel_loop3A_202 : vector<16xf32>
        %parallel_loop3A_204 = arith.index_cast %parallel_loop3A_156 : i32 to index
        %parallel_loop3A_205 = arith.constant 96 : index
        %parallel_loop3A_206 = tpu.vector_load %arg10[%parallel_loop3A_204, %parallel_loop3A_205] {strides = array<i32>} : memref<128x128xf32, #tpu.memory_space<vmem>>, vector<16xf32>,
        %parallel_loop3A_207 = arith.index_cast %parallel_loop3A_156 : i32 to index
        %parallel_loop3A_208 = arith.constant 96 : index
        %parallel_loop3A_209 = tpu.vector_load %arg12[%parallel_loop3A_207, %parallel_loop3A_208] {strides = array<i32>} : memref<128x128xf32, #tpu.memory_space<vmem>>, vector<16xf32>,
        %parallel_loop3A_210 = arith.mulf %parallel_loop3A_206, %parallel_loop3A_209 : vector<16xf32>
        %parallel_loop3A_211 = arith.addf %parallel_loop3A_203, %parallel_loop3A_210 : vector<16xf32>
        %parallel_loop3A_212 = arith.index_cast %parallel_loop3A_156 : i32 to index
        %parallel_loop3A_213 = arith.constant 112 : index
        %parallel_loop3A_214 = tpu.vector_load %arg10[%parallel_loop3A_212, %parallel_loop3A_213] {strides = array<i32>} : memref<128x128xf32, #tpu.memory_space<vmem>>, vector<16xf32>,
        %parallel_loop3A_215 = arith.index_cast %parallel_loop3A_156 : i32 to index
        %parallel_loop3A_216 = arith.constant 112 : index
        %parallel_loop3A_217 = tpu.vector_load %arg12[%parallel_loop3A_215, %parallel_loop3A_216] {strides = array<i32>} : memref<128x128xf32, #tpu.memory_space<vmem>>, vector<16xf32>,
        %parallel_loop3A_218 = arith.mulf %parallel_loop3A_214, %parallel_loop3A_217 : vector<16xf32>
        %parallel_loop3A_219 = arith.addf %parallel_loop3A_211, %parallel_loop3A_218 : vector<16xf32>
        %parallel_loop3A_220 = arith.constant 1 : i32
        %parallel_loop3A_221 = vector.broadcast %parallel_loop3A_220 : i32 to vector<16xi32>
        %parallel_loop3A_222 = arith.cmpi eq, %iota3A, %parallel_loop3A_221 : vector<16xi32>
        %parallel_loop3A_223 = arith.constant true
        %parallel_loop3A_224 = vector.broadcast %parallel_loop3A_223 : i1 to vector<16xi1>
        %parallel_loop3A_225 = tpu.scan <sum>, %parallel_loop3A_219 masked %parallel_loop3A_224 : vector<16xf32>, vector<16xi1> -> vector<16xf32>
        %parallel_loop3A_226 = vector.extract %parallel_loop3A_225[15] : f32 from vector<16xf32>
        %parallel_loop3A_227 = vector.broadcast %parallel_loop3A_226 : f32 to vector<16xf32>
        %parallel_loop3A_228 = arith.select %parallel_loop3A_222, %parallel_loop3A_227, %parallel_loop3A_152 : vector<16xi1>, vector<16xf32>
        %parallel_loop3A_229 = arith.constant 16 : i32
        %parallel_loop3A_230 = arith.muli %parallel_loop3A_74, %parallel_loop3A_229 : i32
        %parallel_loop3A_231 = arith.constant 2 : i32
        %parallel_loop3A_232 = arith.addi %parallel_loop3A_230, %parallel_loop3A_231 : i32
        %parallel_loop3A_233 = arith.index_cast %parallel_loop3A_232 : i32 to index
        %parallel_loop3A_234 = arith.constant 0 : index
        %parallel_loop3A_235 = tpu.vector_load %arg10[%parallel_loop3A_233, %parallel_loop3A_234] {strides = array<i32>} : memref<128x128xf32, #tpu.memory_space<vmem>>, vector<16xf32>,
        %parallel_loop3A_236 = arith.index_cast %parallel_loop3A_232 : i32 to index
        %parallel_loop3A_237 = arith.constant 0 : index
        %parallel_loop3A_238 = tpu.vector_load %arg12[%parallel_loop3A_236, %parallel_loop3A_237] {strides = array<i32>} : memref<128x128xf32, #tpu.memory_space<vmem>>, vector<16xf32>,
        %parallel_loop3A_239 = arith.mulf %parallel_loop3A_235, %parallel_loop3A_238 : vector<16xf32>
        %parallel_loop3A_240 = arith.index_cast %parallel_loop3A_232 : i32 to index
        %parallel_loop3A_241 = arith.constant 16 : index
        %parallel_loop3A_242 = tpu.vector_load %arg10[%parallel_loop3A_240, %parallel_loop3A_241] {strides = array<i32>} : memref<128x128xf32, #tpu.memory_space<vmem>>, vector<16xf32>,
        %parallel_loop3A_243 = arith.index_cast %parallel_loop3A_232 : i32 to index
        %parallel_loop3A_244 = arith.constant 16 : index
        %parallel_loop3A_245 = tpu.vector_load %arg12[%parallel_loop3A_243, %parallel_loop3A_244] {strides = array<i32>} : memref<128x128xf32, #tpu.memory_space<vmem>>, vector<16xf32>,
        %parallel_loop3A_246 = arith.mulf %parallel_loop3A_242, %parallel_loop3A_245 : vector<16xf32>
        %parallel_loop3A_247 = arith.addf %parallel_loop3A_239, %parallel_loop3A_246 : vector<16xf32>
        %parallel_loop3A_248 = arith.index_cast %parallel_loop3A_232 : i32 to index
        %parallel_loop3A_249 = arith.constant 32 : index
        %parallel_loop3A_250 = tpu.vector_load %arg10[%parallel_loop3A_248, %parallel_loop3A_249] {strides = array<i32>} : memref<128x128xf32, #tpu.memory_space<vmem>>, vector<16xf32>,
        %parallel_loop3A_251 = arith.index_cast %parallel_loop3A_232 : i32 to index
        %parallel_loop3A_252 = arith.constant 32 : index
        %parallel_loop3A_253 = tpu.vector_load %arg12[%parallel_loop3A_251, %parallel_loop3A_252] {strides = array<i32>} : memref<128x128xf32, #tpu.memory_space<vmem>>, vector<16xf32>,
        %parallel_loop3A_254 = arith.mulf %parallel_loop3A_250, %parallel_loop3A_253 : vector<16xf32>
        %parallel_loop3A_255 = arith.addf %parallel_loop3A_247, %parallel_loop3A_254 : vector<16xf32>
        %parallel_loop3A_256 = arith.index_cast %parallel_loop3A_232 : i32 to index
        %parallel_loop3A_257 = arith.constant 48 : index
        %parallel_loop3A_258 = tpu.vector_load %arg10[%parallel_loop3A_256, %parallel_loop3A_257] {strides = array<i32>} : memref<128x128xf32, #tpu.memory_space<vmem>>, vector<16xf32>,
        %parallel_loop3A_259 = arith.index_cast %parallel_loop3A_232 : i32 to index
        %parallel_loop3A_260 = arith.constant 48 : index
        %parallel_loop3A_261 = tpu.vector_load %arg12[%parallel_loop3A_259, %parallel_loop3A_260] {strides = array<i32>} : memref<128x128xf32, #tpu.memory_space<vmem>>, vector<16xf32>,
        %parallel_loop3A_262 = arith.mulf %parallel_loop3A_258, %parallel_loop3A_261 : vector<16xf32>
        %parallel_loop3A_263 = arith.addf %parallel_loop3A_255, %parallel_loop3A_262 : vector<16xf32>
        %parallel_loop3A_264 = arith.index_cast %parallel_loop3A_232 : i32 to index
        %parallel_loop3A_265 = arith.constant 64 : index
        %parallel_loop3A_266 = tpu.vector_load %arg10[%parallel_loop3A_264, %parallel_loop3A_265] {strides = array<i32>} : memref<128x128xf32, #tpu.memory_space<vmem>>, vector<16xf32>,
        %parallel_loop3A_267 = arith.index_cast %parallel_loop3A_232 : i32 to index
        %parallel_loop3A_268 = arith.constant 64 : index
        %parallel_loop3A_269 = tpu.vector_load %arg12[%parallel_loop3A_267, %parallel_loop3A_268] {strides = array<i32>} : memref<128x128xf32, #tpu.memory_space<vmem>>, vector<16xf32>,
        %parallel_loop3A_270 = arith.mulf %parallel_loop3A_266, %parallel_loop3A_269 : vector<16xf32>
        %parallel_loop3A_271 = arith.addf %parallel_loop3A_263, %parallel_loop3A_270 : vector<16xf32>
        %parallel_loop3A_272 = arith.index_cast %parallel_loop3A_232 : i32 to index
        %parallel_loop3A_273 = arith.constant 80 : index
        %parallel_loop3A_274 = tpu.vector_load %arg10[%parallel_loop3A_272, %parallel_loop3A_273] {strides = array<i32>} : memref<128x128xf32, #tpu.memory_space<vmem>>, vector<16xf32>,
        %parallel_loop3A_275 = arith.index_cast %parallel_loop3A_232 : i32 to index
        %parallel_loop3A_276 = arith.constant 80 : index
        %parallel_loop3A_277 = tpu.vector_load %arg12[%parallel_loop3A_275, %parallel_loop3A_276] {strides = array<i32>} : memref<128x128xf32, #tpu.memory_space<vmem>>, vector<16xf32>,
        %parallel_loop3A_278 = arith.mulf %parallel_loop3A_274, %parallel_loop3A_277 : vector<16xf32>
        %parallel_loop3A_279 = arith.addf %parallel_loop3A_271, %parallel_loop3A_278 : vector<16xf32>
        %parallel_loop3A_280 = arith.index_cast %parallel_loop3A_232 : i32 to index
        %parallel_loop3A_281 = arith.constant 96 : index
        %parallel_loop3A_282 = tpu.vector_load %arg10[%parallel_loop3A_280, %parallel_loop3A_281] {strides = array<i32>} : memref<128x128xf32, #tpu.memory_space<vmem>>, vector<16xf32>,
        %parallel_loop3A_283 = arith.index_cast %parallel_loop3A_232 : i32 to index
        %parallel_loop3A_284 = arith.constant 96 : index
        %parallel_loop3A_285 = tpu.vector_load %arg12[%parallel_loop3A_283, %parallel_loop3A_284] {strides = array<i32>} : memref<128x128xf32, #tpu.memory_space<vmem>>, vector<16xf32>,
        %parallel_loop3A_286 = arith.mulf %parallel_loop3A_282, %parallel_loop3A_285 : vector<16xf32>
        %parallel_loop3A_287 = arith.addf %parallel_loop3A_279, %parallel_loop3A_286 : vector<16xf32>
        %parallel_loop3A_288 = arith.index_cast %parallel_loop3A_232 : i32 to index
        %parallel_loop3A_289 = arith.constant 112 : index
        %parallel_loop3A_290 = tpu.vector_load %arg10[%parallel_loop3A_288, %parallel_loop3A_289] {strides = array<i32>} : memref<128x128xf32, #tpu.memory_space<vmem>>, vector<16xf32>,
        %parallel_loop3A_291 = arith.index_cast %parallel_loop3A_232 : i32 to index
        %parallel_loop3A_292 = arith.constant 112 : index
        %parallel_loop3A_293 = tpu.vector_load %arg12[%parallel_loop3A_291, %parallel_loop3A_292] {strides = array<i32>} : memref<128x128xf32, #tpu.memory_space<vmem>>, vector<16xf32>,
        %parallel_loop3A_294 = arith.mulf %parallel_loop3A_290, %parallel_loop3A_293 : vector<16xf32>
        %parallel_loop3A_295 = arith.addf %parallel_loop3A_287, %parallel_loop3A_294 : vector<16xf32>
        %parallel_loop3A_296 = arith.constant 2 : i32
        %parallel_loop3A_297 = vector.broadcast %parallel_loop3A_296 : i32 to vector<16xi32>
        %parallel_loop3A_298 = arith.cmpi eq, %iota3A, %parallel_loop3A_297 : vector<16xi32>
        %parallel_loop3A_299 = arith.constant true
        %parallel_loop3A_300 = vector.broadcast %parallel_loop3A_299 : i1 to vector<16xi1>
        %parallel_loop3A_301 = tpu.scan <sum>, %parallel_loop3A_295 masked %parallel_loop3A_300 : vector<16xf32>, vector<16xi1> -> vector<16xf32>
        %parallel_loop3A_302 = vector.extract %parallel_loop3A_301[15] : f32 from vector<16xf32>
        %parallel_loop3A_303 = vector.broadcast %parallel_loop3A_302 : f32 to vector<16xf32>
        %parallel_loop3A_304 = arith.select %parallel_loop3A_298, %parallel_loop3A_303, %parallel_loop3A_228 : vector<16xi1>, vector<16xf32>
        %parallel_loop3A_305 = arith.constant 16 : i32
        %parallel_loop3A_306 = arith.muli %parallel_loop3A_74, %parallel_loop3A_305 : i32
        %parallel_loop3A_307 = arith.constant 3 : i32
        %parallel_loop3A_308 = arith.addi %parallel_loop3A_306, %parallel_loop3A_307 : i32
        %parallel_loop3A_309 = arith.index_cast %parallel_loop3A_308 : i32 to index
        %parallel_loop3A_310 = arith.constant 0 : index
        %parallel_loop3A_311 = tpu.vector_load %arg10[%parallel_loop3A_309, %parallel_loop3A_310] {strides = array<i32>} : memref<128x128xf32, #tpu.memory_space<vmem>>, vector<16xf32>,
        %parallel_loop3A_312 = arith.index_cast %parallel_loop3A_308 : i32 to index
        %parallel_loop3A_313 = arith.constant 0 : index
        %parallel_loop3A_314 = tpu.vector_load %arg12[%parallel_loop3A_312, %parallel_loop3A_313] {strides = array<i32>} : memref<128x128xf32, #tpu.memory_space<vmem>>, vector<16xf32>,
        %parallel_loop3A_315 = arith.mulf %parallel_loop3A_311, %parallel_loop3A_314 : vector<16xf32>
        %parallel_loop3A_316 = arith.index_cast %parallel_loop3A_308 : i32 to index
        %parallel_loop3A_317 = arith.constant 16 : index
        %parallel_loop3A_318 = tpu.vector_load %arg10[%parallel_loop3A_316, %parallel_loop3A_317] {strides = array<i32>} : memref<128x128xf32, #tpu.memory_space<vmem>>, vector<16xf32>,
        %parallel_loop3A_319 = arith.index_cast %parallel_loop3A_308 : i32 to index
        %parallel_loop3A_320 = arith.constant 16 : index
        %parallel_loop3A_321 = tpu.vector_load %arg12[%parallel_loop3A_319, %parallel_loop3A_320] {strides = array<i32>} : memref<128x128xf32, #tpu.memory_space<vmem>>, vector<16xf32>,
        %parallel_loop3A_322 = arith.mulf %parallel_loop3A_318, %parallel_loop3A_321 : vector<16xf32>
        %parallel_loop3A_323 = arith.addf %parallel_loop3A_315, %parallel_loop3A_322 : vector<16xf32>
        %parallel_loop3A_324 = arith.index_cast %parallel_loop3A_308 : i32 to index
        %parallel_loop3A_325 = arith.constant 32 : index
        %parallel_loop3A_326 = tpu.vector_load %arg10[%parallel_loop3A_324, %parallel_loop3A_325] {strides = array<i32>} : memref<128x128xf32, #tpu.memory_space<vmem>>, vector<16xf32>,
        %parallel_loop3A_327 = arith.index_cast %parallel_loop3A_308 : i32 to index
        %parallel_loop3A_328 = arith.constant 32 : index
        %parallel_loop3A_329 = tpu.vector_load %arg12[%parallel_loop3A_327, %parallel_loop3A_328] {strides = array<i32>} : memref<128x128xf32, #tpu.memory_space<vmem>>, vector<16xf32>,
        %parallel_loop3A_330 = arith.mulf %parallel_loop3A_326, %parallel_loop3A_329 : vector<16xf32>
        %parallel_loop3A_331 = arith.addf %parallel_loop3A_323, %parallel_loop3A_330 : vector<16xf32>
        %parallel_loop3A_332 = arith.index_cast %parallel_loop3A_308 : i32 to index
        %parallel_loop3A_333 = arith.constant 48 : index
        %parallel_loop3A_334 = tpu.vector_load %arg10[%parallel_loop3A_332, %parallel_loop3A_333] {strides = array<i32>} : memref<128x128xf32, #tpu.memory_space<vmem>>, vector<16xf32>,
        %parallel_loop3A_335 = arith.index_cast %parallel_loop3A_308 : i32 to index
        %parallel_loop3A_336 = arith.constant 48 : index
        %parallel_loop3A_337 = tpu.vector_load %arg12[%parallel_loop3A_335, %parallel_loop3A_336] {strides = array<i32>} : memref<128x128xf32, #tpu.memory_space<vmem>>, vector<16xf32>,
        %parallel_loop3A_338 = arith.mulf %parallel_loop3A_334, %parallel_loop3A_337 : vector<16xf32>
        %parallel_loop3A_339 = arith.addf %parallel_loop3A_331, %parallel_loop3A_338 : vector<16xf32>
        %parallel_loop3A_340 = arith.index_cast %parallel_loop3A_308 : i32 to index
        %parallel_loop3A_341 = arith.constant 64 : index
        %parallel_loop3A_342 = tpu.vector_load %arg10[%parallel_loop3A_340, %parallel_loop3A_341] {strides = array<i32>} : memref<128x128xf32, #tpu.memory_space<vmem>>, vector<16xf32>,
        %parallel_loop3A_343 = arith.index_cast %parallel_loop3A_308 : i32 to index
        %parallel_loop3A_344 = arith.constant 64 : index
        %parallel_loop3A_345 = tpu.vector_load %arg12[%parallel_loop3A_343, %parallel_loop3A_344] {strides = array<i32>} : memref<128x128xf32, #tpu.memory_space<vmem>>, vector<16xf32>,
        %parallel_loop3A_346 = arith.mulf %parallel_loop3A_342, %parallel_loop3A_345 : vector<16xf32>
        %parallel_loop3A_347 = arith.addf %parallel_loop3A_339, %parallel_loop3A_346 : vector<16xf32>
        %parallel_loop3A_348 = arith.index_cast %parallel_loop3A_308 : i32 to index
        %parallel_loop3A_349 = arith.constant 80 : index
        %parallel_loop3A_350 = tpu.vector_load %arg10[%parallel_loop3A_348, %parallel_loop3A_349] {strides = array<i32>} : memref<128x128xf32, #tpu.memory_space<vmem>>, vector<16xf32>,
        %parallel_loop3A_351 = arith.index_cast %parallel_loop3A_308 : i32 to index
        %parallel_loop3A_352 = arith.constant 80 : index
        %parallel_loop3A_353 = tpu.vector_load %arg12[%parallel_loop3A_351, %parallel_loop3A_352] {strides = array<i32>} : memref<128x128xf32, #tpu.memory_space<vmem>>, vector<16xf32>,
        %parallel_loop3A_354 = arith.mulf %parallel_loop3A_350, %parallel_loop3A_353 : vector<16xf32>
        %parallel_loop3A_355 = arith.addf %parallel_loop3A_347, %parallel_loop3A_354 : vector<16xf32>
        %parallel_loop3A_356 = arith.index_cast %parallel_loop3A_308 : i32 to index
        %parallel_loop3A_357 = arith.constant 96 : index
        %parallel_loop3A_358 = tpu.vector_load %arg10[%parallel_loop3A_356, %parallel_loop3A_357] {strides = array<i32>} : memref<128x128xf32, #tpu.memory_space<vmem>>, vector<16xf32>,
        %parallel_loop3A_359 = arith.index_cast %parallel_loop3A_308 : i32 to index
        %parallel_loop3A_360 = arith.constant 96 : index
        %parallel_loop3A_361 = tpu.vector_load %arg12[%parallel_loop3A_359, %parallel_loop3A_360] {strides = array<i32>} : memref<128x128xf32, #tpu.memory_space<vmem>>, vector<16xf32>,
        %parallel_loop3A_362 = arith.mulf %parallel_loop3A_358, %parallel_loop3A_361 : vector<16xf32>
        %parallel_loop3A_363 = arith.addf %parallel_loop3A_355, %parallel_loop3A_362 : vector<16xf32>
        %parallel_loop3A_364 = arith.index_cast %parallel_loop3A_308 : i32 to index
        %parallel_loop3A_365 = arith.constant 112 : index
        %parallel_loop3A_366 = tpu.vector_load %arg10[%parallel_loop3A_364, %parallel_loop3A_365] {strides = array<i32>} : memref<128x128xf32, #tpu.memory_space<vmem>>, vector<16xf32>,
        %parallel_loop3A_367 = arith.index_cast %parallel_loop3A_308 : i32 to index
        %parallel_loop3A_368 = arith.constant 112 : index
        %parallel_loop3A_369 = tpu.vector_load %arg12[%parallel_loop3A_367, %parallel_loop3A_368] {strides = array<i32>} : memref<128x128xf32, #tpu.memory_space<vmem>>, vector<16xf32>,
        %parallel_loop3A_370 = arith.mulf %parallel_loop3A_366, %parallel_loop3A_369 : vector<16xf32>
        %parallel_loop3A_371 = arith.addf %parallel_loop3A_363, %parallel_loop3A_370 : vector<16xf32>
        %parallel_loop3A_372 = arith.constant 3 : i32
        %parallel_loop3A_373 = vector.broadcast %parallel_loop3A_372 : i32 to vector<16xi32>
        %parallel_loop3A_374 = arith.cmpi eq, %iota3A, %parallel_loop3A_373 : vector<16xi32>
        %parallel_loop3A_375 = arith.constant true
        %parallel_loop3A_376 = vector.broadcast %parallel_loop3A_375 : i1 to vector<16xi1>
        %parallel_loop3A_377 = tpu.scan <sum>, %parallel_loop3A_371 masked %parallel_loop3A_376 : vector<16xf32>, vector<16xi1> -> vector<16xf32>
        %parallel_loop3A_378 = vector.extract %parallel_loop3A_377[15] : f32 from vector<16xf32>
        %parallel_loop3A_379 = vector.broadcast %parallel_loop3A_378 : f32 to vector<16xf32>
        %parallel_loop3A_380 = arith.select %parallel_loop3A_374, %parallel_loop3A_379, %parallel_loop3A_304 : vector<16xi1>, vector<16xf32>
        %parallel_loop3A_381 = arith.constant 16 : i32
        %parallel_loop3A_382 = arith.muli %parallel_loop3A_74, %parallel_loop3A_381 : i32
        %parallel_loop3A_383 = arith.constant 4 : i32
        %parallel_loop3A_384 = arith.addi %parallel_loop3A_382, %parallel_loop3A_383 : i32
        %parallel_loop3A_385 = arith.index_cast %parallel_loop3A_384 : i32 to index
        %parallel_loop3A_386 = arith.constant 0 : index
        %parallel_loop3A_387 = tpu.vector_load %arg10[%parallel_loop3A_385, %parallel_loop3A_386] {strides = array<i32>} : memref<128x128xf32, #tpu.memory_space<vmem>>, vector<16xf32>,
        %parallel_loop3A_388 = arith.index_cast %parallel_loop3A_384 : i32 to index
        %parallel_loop3A_389 = arith.constant 0 : index
        %parallel_loop3A_390 = tpu.vector_load %arg12[%parallel_loop3A_388, %parallel_loop3A_389] {strides = array<i32>} : memref<128x128xf32, #tpu.memory_space<vmem>>, vector<16xf32>,
        %parallel_loop3A_391 = arith.mulf %parallel_loop3A_387, %parallel_loop3A_390 : vector<16xf32>
        %parallel_loop3A_392 = arith.index_cast %parallel_loop3A_384 : i32 to index
        %parallel_loop3A_393 = arith.constant 16 : index
        %parallel_loop3A_394 = tpu.vector_load %arg10[%parallel_loop3A_392, %parallel_loop3A_393] {strides = array<i32>} : memref<128x128xf32, #tpu.memory_space<vmem>>, vector<16xf32>,
        %parallel_loop3A_395 = arith.index_cast %parallel_loop3A_384 : i32 to index
        %parallel_loop3A_396 = arith.constant 16 : index
        %parallel_loop3A_397 = tpu.vector_load %arg12[%parallel_loop3A_395, %parallel_loop3A_396] {strides = array<i32>} : memref<128x128xf32, #tpu.memory_space<vmem>>, vector<16xf32>,
        %parallel_loop3A_398 = arith.mulf %parallel_loop3A_394, %parallel_loop3A_397 : vector<16xf32>
        %parallel_loop3A_399 = arith.addf %parallel_loop3A_391, %parallel_loop3A_398 : vector<16xf32>
        %parallel_loop3A_400 = arith.index_cast %parallel_loop3A_384 : i32 to index
        %parallel_loop3A_401 = arith.constant 32 : index
        %parallel_loop3A_402 = tpu.vector_load %arg10[%parallel_loop3A_400, %parallel_loop3A_401] {strides = array<i32>} : memref<128x128xf32, #tpu.memory_space<vmem>>, vector<16xf32>,
        %parallel_loop3A_403 = arith.index_cast %parallel_loop3A_384 : i32 to index
        %parallel_loop3A_404 = arith.constant 32 : index
        %parallel_loop3A_405 = tpu.vector_load %arg12[%parallel_loop3A_403, %parallel_loop3A_404] {strides = array<i32>} : memref<128x128xf32, #tpu.memory_space<vmem>>, vector<16xf32>,
        %parallel_loop3A_406 = arith.mulf %parallel_loop3A_402, %parallel_loop3A_405 : vector<16xf32>
        %parallel_loop3A_407 = arith.addf %parallel_loop3A_399, %parallel_loop3A_406 : vector<16xf32>
        %parallel_loop3A_408 = arith.index_cast %parallel_loop3A_384 : i32 to index
        %parallel_loop3A_409 = arith.constant 48 : index
        %parallel_loop3A_410 = tpu.vector_load %arg10[%parallel_loop3A_408, %parallel_loop3A_409] {strides = array<i32>} : memref<128x128xf32, #tpu.memory_space<vmem>>, vector<16xf32>,
        %parallel_loop3A_411 = arith.index_cast %parallel_loop3A_384 : i32 to index
        %parallel_loop3A_412 = arith.constant 48 : index
        %parallel_loop3A_413 = tpu.vector_load %arg12[%parallel_loop3A_411, %parallel_loop3A_412] {strides = array<i32>} : memref<128x128xf32, #tpu.memory_space<vmem>>, vector<16xf32>,
        %parallel_loop3A_414 = arith.mulf %parallel_loop3A_410, %parallel_loop3A_413 : vector<16xf32>
        %parallel_loop3A_415 = arith.addf %parallel_loop3A_407, %parallel_loop3A_414 : vector<16xf32>
        %parallel_loop3A_416 = arith.index_cast %parallel_loop3A_384 : i32 to index
        %parallel_loop3A_417 = arith.constant 64 : index
        %parallel_loop3A_418 = tpu.vector_load %arg10[%parallel_loop3A_416, %parallel_loop3A_417] {strides = array<i32>} : memref<128x128xf32, #tpu.memory_space<vmem>>, vector<16xf32>,
        %parallel_loop3A_419 = arith.index_cast %parallel_loop3A_384 : i32 to index
        %parallel_loop3A_420 = arith.constant 64 : index
        %parallel_loop3A_421 = tpu.vector_load %arg12[%parallel_loop3A_419, %parallel_loop3A_420] {strides = array<i32>} : memref<128x128xf32, #tpu.memory_space<vmem>>, vector<16xf32>,
        %parallel_loop3A_422 = arith.mulf %parallel_loop3A_418, %parallel_loop3A_421 : vector<16xf32>
        %parallel_loop3A_423 = arith.addf %parallel_loop3A_415, %parallel_loop3A_422 : vector<16xf32>
        %parallel_loop3A_424 = arith.index_cast %parallel_loop3A_384 : i32 to index
        %parallel_loop3A_425 = arith.constant 80 : index
        %parallel_loop3A_426 = tpu.vector_load %arg10[%parallel_loop3A_424, %parallel_loop3A_425] {strides = array<i32>} : memref<128x128xf32, #tpu.memory_space<vmem>>, vector<16xf32>,
        %parallel_loop3A_427 = arith.index_cast %parallel_loop3A_384 : i32 to index
        %parallel_loop3A_428 = arith.constant 80 : index
        %parallel_loop3A_429 = tpu.vector_load %arg12[%parallel_loop3A_427, %parallel_loop3A_428] {strides = array<i32>} : memref<128x128xf32, #tpu.memory_space<vmem>>, vector<16xf32>,
        %parallel_loop3A_430 = arith.mulf %parallel_loop3A_426, %parallel_loop3A_429 : vector<16xf32>
        %parallel_loop3A_431 = arith.addf %parallel_loop3A_423, %parallel_loop3A_430 : vector<16xf32>
        %parallel_loop3A_432 = arith.index_cast %parallel_loop3A_384 : i32 to index
        %parallel_loop3A_433 = arith.constant 96 : index
        %parallel_loop3A_434 = tpu.vector_load %arg10[%parallel_loop3A_432, %parallel_loop3A_433] {strides = array<i32>} : memref<128x128xf32, #tpu.memory_space<vmem>>, vector<16xf32>,
        %parallel_loop3A_435 = arith.index_cast %parallel_loop3A_384 : i32 to index
        %parallel_loop3A_436 = arith.constant 96 : index
        %parallel_loop3A_437 = tpu.vector_load %arg12[%parallel_loop3A_435, %parallel_loop3A_436] {strides = array<i32>} : memref<128x128xf32, #tpu.memory_space<vmem>>, vector<16xf32>,
        %parallel_loop3A_438 = arith.mulf %parallel_loop3A_434, %parallel_loop3A_437 : vector<16xf32>
        %parallel_loop3A_439 = arith.addf %parallel_loop3A_431, %parallel_loop3A_438 : vector<16xf32>
        %parallel_loop3A_440 = arith.index_cast %parallel_loop3A_384 : i32 to index
        %parallel_loop3A_441 = arith.constant 112 : index
        %parallel_loop3A_442 = tpu.vector_load %arg10[%parallel_loop3A_440, %parallel_loop3A_441] {strides = array<i32>} : memref<128x128xf32, #tpu.memory_space<vmem>>, vector<16xf32>,
        %parallel_loop3A_443 = arith.index_cast %parallel_loop3A_384 : i32 to index
        %parallel_loop3A_444 = arith.constant 112 : index
        %parallel_loop3A_445 = tpu.vector_load %arg12[%parallel_loop3A_443, %parallel_loop3A_444] {strides = array<i32>} : memref<128x128xf32, #tpu.memory_space<vmem>>, vector<16xf32>,
        %parallel_loop3A_446 = arith.mulf %parallel_loop3A_442, %parallel_loop3A_445 : vector<16xf32>
        %parallel_loop3A_447 = arith.addf %parallel_loop3A_439, %parallel_loop3A_446 : vector<16xf32>
        %parallel_loop3A_448 = arith.constant 4 : i32
        %parallel_loop3A_449 = vector.broadcast %parallel_loop3A_448 : i32 to vector<16xi32>
        %parallel_loop3A_450 = arith.cmpi eq, %iota3A, %parallel_loop3A_449 : vector<16xi32>
        %parallel_loop3A_451 = arith.constant true
        %parallel_loop3A_452 = vector.broadcast %parallel_loop3A_451 : i1 to vector<16xi1>
        %parallel_loop3A_453 = tpu.scan <sum>, %parallel_loop3A_447 masked %parallel_loop3A_452 : vector<16xf32>, vector<16xi1> -> vector<16xf32>
        %parallel_loop3A_454 = vector.extract %parallel_loop3A_453[15] : f32 from vector<16xf32>
        %parallel_loop3A_455 = vector.broadcast %parallel_loop3A_454 : f32 to vector<16xf32>
        %parallel_loop3A_456 = arith.select %parallel_loop3A_450, %parallel_loop3A_455, %parallel_loop3A_380 : vector<16xi1>, vector<16xf32>
        %parallel_loop3A_457 = arith.constant 16 : i32
        %parallel_loop3A_458 = arith.muli %parallel_loop3A_74, %parallel_loop3A_457 : i32
        %parallel_loop3A_459 = arith.constant 5 : i32
        %parallel_loop3A_460 = arith.addi %parallel_loop3A_458, %parallel_loop3A_459 : i32
        %parallel_loop3A_461 = arith.index_cast %parallel_loop3A_460 : i32 to index
        %parallel_loop3A_462 = arith.constant 0 : index
        %parallel_loop3A_463 = tpu.vector_load %arg10[%parallel_loop3A_461, %parallel_loop3A_462] {strides = array<i32>} : memref<128x128xf32, #tpu.memory_space<vmem>>, vector<16xf32>,
        %parallel_loop3A_464 = arith.index_cast %parallel_loop3A_460 : i32 to index
        %parallel_loop3A_465 = arith.constant 0 : index
        %parallel_loop3A_466 = tpu.vector_load %arg12[%parallel_loop3A_464, %parallel_loop3A_465] {strides = array<i32>} : memref<128x128xf32, #tpu.memory_space<vmem>>, vector<16xf32>,
        %parallel_loop3A_467 = arith.mulf %parallel_loop3A_463, %parallel_loop3A_466 : vector<16xf32>
        %parallel_loop3A_468 = arith.index_cast %parallel_loop3A_460 : i32 to index
        %parallel_loop3A_469 = arith.constant 16 : index
        %parallel_loop3A_470 = tpu.vector_load %arg10[%parallel_loop3A_468, %parallel_loop3A_469] {strides = array<i32>} : memref<128x128xf32, #tpu.memory_space<vmem>>, vector<16xf32>,
        %parallel_loop3A_471 = arith.index_cast %parallel_loop3A_460 : i32 to index
        %parallel_loop3A_472 = arith.constant 16 : index
        %parallel_loop3A_473 = tpu.vector_load %arg12[%parallel_loop3A_471, %parallel_loop3A_472] {strides = array<i32>} : memref<128x128xf32, #tpu.memory_space<vmem>>, vector<16xf32>,
        %parallel_loop3A_474 = arith.mulf %parallel_loop3A_470, %parallel_loop3A_473 : vector<16xf32>
        %parallel_loop3A_475 = arith.addf %parallel_loop3A_467, %parallel_loop3A_474 : vector<16xf32>
        %parallel_loop3A_476 = arith.index_cast %parallel_loop3A_460 : i32 to index
        %parallel_loop3A_477 = arith.constant 32 : index
        %parallel_loop3A_478 = tpu.vector_load %arg10[%parallel_loop3A_476, %parallel_loop3A_477] {strides = array<i32>} : memref<128x128xf32, #tpu.memory_space<vmem>>, vector<16xf32>,
        %parallel_loop3A_479 = arith.index_cast %parallel_loop3A_460 : i32 to index
        %parallel_loop3A_480 = arith.constant 32 : index
        %parallel_loop3A_481 = tpu.vector_load %arg12[%parallel_loop3A_479, %parallel_loop3A_480] {strides = array<i32>} : memref<128x128xf32, #tpu.memory_space<vmem>>, vector<16xf32>,
        %parallel_loop3A_482 = arith.mulf %parallel_loop3A_478, %parallel_loop3A_481 : vector<16xf32>
        %parallel_loop3A_483 = arith.addf %parallel_loop3A_475, %parallel_loop3A_482 : vector<16xf32>
        %parallel_loop3A_484 = arith.index_cast %parallel_loop3A_460 : i32 to index
        %parallel_loop3A_485 = arith.constant 48 : index
        %parallel_loop3A_486 = tpu.vector_load %arg10[%parallel_loop3A_484, %parallel_loop3A_485] {strides = array<i32>} : memref<128x128xf32, #tpu.memory_space<vmem>>, vector<16xf32>,
        %parallel_loop3A_487 = arith.index_cast %parallel_loop3A_460 : i32 to index
        %parallel_loop3A_488 = arith.constant 48 : index
        %parallel_loop3A_489 = tpu.vector_load %arg12[%parallel_loop3A_487, %parallel_loop3A_488] {strides = array<i32>} : memref<128x128xf32, #tpu.memory_space<vmem>>, vector<16xf32>,
        %parallel_loop3A_490 = arith.mulf %parallel_loop3A_486, %parallel_loop3A_489 : vector<16xf32>
        %parallel_loop3A_491 = arith.addf %parallel_loop3A_483, %parallel_loop3A_490 : vector<16xf32>
        %parallel_loop3A_492 = arith.index_cast %parallel_loop3A_460 : i32 to index
        %parallel_loop3A_493 = arith.constant 64 : index
        %parallel_loop3A_494 = tpu.vector_load %arg10[%parallel_loop3A_492, %parallel_loop3A_493] {strides = array<i32>} : memref<128x128xf32, #tpu.memory_space<vmem>>, vector<16xf32>,
        %parallel_loop3A_495 = arith.index_cast %parallel_loop3A_460 : i32 to index
        %parallel_loop3A_496 = arith.constant 64 : index
        %parallel_loop3A_497 = tpu.vector_load %arg12[%parallel_loop3A_495, %parallel_loop3A_496] {strides = array<i32>} : memref<128x128xf32, #tpu.memory_space<vmem>>, vector<16xf32>,
        %parallel_loop3A_498 = arith.mulf %parallel_loop3A_494, %parallel_loop3A_497 : vector<16xf32>
        %parallel_loop3A_499 = arith.addf %parallel_loop3A_491, %parallel_loop3A_498 : vector<16xf32>
        %parallel_loop3A_500 = arith.index_cast %parallel_loop3A_460 : i32 to index
        %parallel_loop3A_501 = arith.constant 80 : index
        %parallel_loop3A_502 = tpu.vector_load %arg10[%parallel_loop3A_500, %parallel_loop3A_501] {strides = array<i32>} : memref<128x128xf32, #tpu.memory_space<vmem>>, vector<16xf32>,
        %parallel_loop3A_503 = arith.index_cast %parallel_loop3A_460 : i32 to index
        %parallel_loop3A_504 = arith.constant 80 : index
        %parallel_loop3A_505 = tpu.vector_load %arg12[%parallel_loop3A_503, %parallel_loop3A_504] {strides = array<i32>} : memref<128x128xf32, #tpu.memory_space<vmem>>, vector<16xf32>,
        %parallel_loop3A_506 = arith.mulf %parallel_loop3A_502, %parallel_loop3A_505 : vector<16xf32>
        %parallel_loop3A_507 = arith.addf %parallel_loop3A_499, %parallel_loop3A_506 : vector<16xf32>
        %parallel_loop3A_508 = arith.index_cast %parallel_loop3A_460 : i32 to index
        %parallel_loop3A_509 = arith.constant 96 : index
        %parallel_loop3A_510 = tpu.vector_load %arg10[%parallel_loop3A_508, %parallel_loop3A_509] {strides = array<i32>} : memref<128x128xf32, #tpu.memory_space<vmem>>, vector<16xf32>,
        %parallel_loop3A_511 = arith.index_cast %parallel_loop3A_460 : i32 to index
        %parallel_loop3A_512 = arith.constant 96 : index
        %parallel_loop3A_513 = tpu.vector_load %arg12[%parallel_loop3A_511, %parallel_loop3A_512] {strides = array<i32>} : memref<128x128xf32, #tpu.memory_space<vmem>>, vector<16xf32>,
        %parallel_loop3A_514 = arith.mulf %parallel_loop3A_510, %parallel_loop3A_513 : vector<16xf32>
        %parallel_loop3A_515 = arith.addf %parallel_loop3A_507, %parallel_loop3A_514 : vector<16xf32>
        %parallel_loop3A_516 = arith.index_cast %parallel_loop3A_460 : i32 to index
        %parallel_loop3A_517 = arith.constant 112 : index
        %parallel_loop3A_518 = tpu.vector_load %arg10[%parallel_loop3A_516, %parallel_loop3A_517] {strides = array<i32>} : memref<128x128xf32, #tpu.memory_space<vmem>>, vector<16xf32>,
        %parallel_loop3A_519 = arith.index_cast %parallel_loop3A_460 : i32 to index
        %parallel_loop3A_520 = arith.constant 112 : index
        %parallel_loop3A_521 = tpu.vector_load %arg12[%parallel_loop3A_519, %parallel_loop3A_520] {strides = array<i32>} : memref<128x128xf32, #tpu.memory_space<vmem>>, vector<16xf32>,
        %parallel_loop3A_522 = arith.mulf %parallel_loop3A_518, %parallel_loop3A_521 : vector<16xf32>
        %parallel_loop3A_523 = arith.addf %parallel_loop3A_515, %parallel_loop3A_522 : vector<16xf32>
        %parallel_loop3A_524 = arith.constant 5 : i32
        %parallel_loop3A_525 = vector.broadcast %parallel_loop3A_524 : i32 to vector<16xi32>
        %parallel_loop3A_526 = arith.cmpi eq, %iota3A, %parallel_loop3A_525 : vector<16xi32>
        %parallel_loop3A_527 = arith.constant true
        %parallel_loop3A_528 = vector.broadcast %parallel_loop3A_527 : i1 to vector<16xi1>
        %parallel_loop3A_529 = tpu.scan <sum>, %parallel_loop3A_523 masked %parallel_loop3A_528 : vector<16xf32>, vector<16xi1> -> vector<16xf32>
        %parallel_loop3A_530 = vector.extract %parallel_loop3A_529[15] : f32 from vector<16xf32>
        %parallel_loop3A_531 = vector.broadcast %parallel_loop3A_530 : f32 to vector<16xf32>
        %parallel_loop3A_532 = arith.select %parallel_loop3A_526, %parallel_loop3A_531, %parallel_loop3A_456 : vector<16xi1>, vector<16xf32>
        %parallel_loop3A_533 = arith.constant 16 : i32
        %parallel_loop3A_534 = arith.muli %parallel_loop3A_74, %parallel_loop3A_533 : i32
        %parallel_loop3A_535 = arith.constant 6 : i32
        %parallel_loop3A_536 = arith.addi %parallel_loop3A_534, %parallel_loop3A_535 : i32
        %parallel_loop3A_537 = arith.index_cast %parallel_loop3A_536 : i32 to index
        %parallel_loop3A_538 = arith.constant 0 : index
        %parallel_loop3A_539 = tpu.vector_load %arg10[%parallel_loop3A_537, %parallel_loop3A_538] {strides = array<i32>} : memref<128x128xf32, #tpu.memory_space<vmem>>, vector<16xf32>,
        %parallel_loop3A_540 = arith.index_cast %parallel_loop3A_536 : i32 to index
        %parallel_loop3A_541 = arith.constant 0 : index
        %parallel_loop3A_542 = tpu.vector_load %arg12[%parallel_loop3A_540, %parallel_loop3A_541] {strides = array<i32>} : memref<128x128xf32, #tpu.memory_space<vmem>>, vector<16xf32>,
        %parallel_loop3A_543 = arith.mulf %parallel_loop3A_539, %parallel_loop3A_542 : vector<16xf32>
        %parallel_loop3A_544 = arith.index_cast %parallel_loop3A_536 : i32 to index
        %parallel_loop3A_545 = arith.constant 16 : index
        %parallel_loop3A_546 = tpu.vector_load %arg10[%parallel_loop3A_544, %parallel_loop3A_545] {strides = array<i32>} : memref<128x128xf32, #tpu.memory_space<vmem>>, vector<16xf32>,
        %parallel_loop3A_547 = arith.index_cast %parallel_loop3A_536 : i32 to index
        %parallel_loop3A_548 = arith.constant 16 : index
        %parallel_loop3A_549 = tpu.vector_load %arg12[%parallel_loop3A_547, %parallel_loop3A_548] {strides = array<i32>} : memref<128x128xf32, #tpu.memory_space<vmem>>, vector<16xf32>,
        %parallel_loop3A_550 = arith.mulf %parallel_loop3A_546, %parallel_loop3A_549 : vector<16xf32>
        %parallel_loop3A_551 = arith.addf %parallel_loop3A_543, %parallel_loop3A_550 : vector<16xf32>
        %parallel_loop3A_552 = arith.index_cast %parallel_loop3A_536 : i32 to index
        %parallel_loop3A_553 = arith.constant 32 : index
        %parallel_loop3A_554 = tpu.vector_load %arg10[%parallel_loop3A_552, %parallel_loop3A_553] {strides = array<i32>} : memref<128x128xf32, #tpu.memory_space<vmem>>, vector<16xf32>,
        %parallel_loop3A_555 = arith.index_cast %parallel_loop3A_536 : i32 to index
        %parallel_loop3A_556 = arith.constant 32 : index
        %parallel_loop3A_557 = tpu.vector_load %arg12[%parallel_loop3A_555, %parallel_loop3A_556] {strides = array<i32>} : memref<128x128xf32, #tpu.memory_space<vmem>>, vector<16xf32>,
        %parallel_loop3A_558 = arith.mulf %parallel_loop3A_554, %parallel_loop3A_557 : vector<16xf32>
        %parallel_loop3A_559 = arith.addf %parallel_loop3A_551, %parallel_loop3A_558 : vector<16xf32>
        %parallel_loop3A_560 = arith.index_cast %parallel_loop3A_536 : i32 to index
        %parallel_loop3A_561 = arith.constant 48 : index
        %parallel_loop3A_562 = tpu.vector_load %arg10[%parallel_loop3A_560, %parallel_loop3A_561] {strides = array<i32>} : memref<128x128xf32, #tpu.memory_space<vmem>>, vector<16xf32>,
        %parallel_loop3A_563 = arith.index_cast %parallel_loop3A_536 : i32 to index
        %parallel_loop3A_564 = arith.constant 48 : index
        %parallel_loop3A_565 = tpu.vector_load %arg12[%parallel_loop3A_563, %parallel_loop3A_564] {strides = array<i32>} : memref<128x128xf32, #tpu.memory_space<vmem>>, vector<16xf32>,
        %parallel_loop3A_566 = arith.mulf %parallel_loop3A_562, %parallel_loop3A_565 : vector<16xf32>
        %parallel_loop3A_567 = arith.addf %parallel_loop3A_559, %parallel_loop3A_566 : vector<16xf32>
        %parallel_loop3A_568 = arith.index_cast %parallel_loop3A_536 : i32 to index
        %parallel_loop3A_569 = arith.constant 64 : index
        %parallel_loop3A_570 = tpu.vector_load %arg10[%parallel_loop3A_568, %parallel_loop3A_569] {strides = array<i32>} : memref<128x128xf32, #tpu.memory_space<vmem>>, vector<16xf32>,
        %parallel_loop3A_571 = arith.index_cast %parallel_loop3A_536 : i32 to index
        %parallel_loop3A_572 = arith.constant 64 : index
        %parallel_loop3A_573 = tpu.vector_load %arg12[%parallel_loop3A_571, %parallel_loop3A_572] {strides = array<i32>} : memref<128x128xf32, #tpu.memory_space<vmem>>, vector<16xf32>,
        %parallel_loop3A_574 = arith.mulf %parallel_loop3A_570, %parallel_loop3A_573 : vector<16xf32>
        %parallel_loop3A_575 = arith.addf %parallel_loop3A_567, %parallel_loop3A_574 : vector<16xf32>
        %parallel_loop3A_576 = arith.index_cast %parallel_loop3A_536 : i32 to index
        %parallel_loop3A_577 = arith.constant 80 : index
        %parallel_loop3A_578 = tpu.vector_load %arg10[%parallel_loop3A_576, %parallel_loop3A_577] {strides = array<i32>} : memref<128x128xf32, #tpu.memory_space<vmem>>, vector<16xf32>,
        %parallel_loop3A_579 = arith.index_cast %parallel_loop3A_536 : i32 to index
        %parallel_loop3A_580 = arith.constant 80 : index
        %parallel_loop3A_581 = tpu.vector_load %arg12[%parallel_loop3A_579, %parallel_loop3A_580] {strides = array<i32>} : memref<128x128xf32, #tpu.memory_space<vmem>>, vector<16xf32>,
        %parallel_loop3A_582 = arith.mulf %parallel_loop3A_578, %parallel_loop3A_581 : vector<16xf32>
        %parallel_loop3A_583 = arith.addf %parallel_loop3A_575, %parallel_loop3A_582 : vector<16xf32>
        %parallel_loop3A_584 = arith.index_cast %parallel_loop3A_536 : i32 to index
        %parallel_loop3A_585 = arith.constant 96 : index
        %parallel_loop3A_586 = tpu.vector_load %arg10[%parallel_loop3A_584, %parallel_loop3A_585] {strides = array<i32>} : memref<128x128xf32, #tpu.memory_space<vmem>>, vector<16xf32>,
        %parallel_loop3A_587 = arith.index_cast %parallel_loop3A_536 : i32 to index
        %parallel_loop3A_588 = arith.constant 96 : index
        %parallel_loop3A_589 = tpu.vector_load %arg12[%parallel_loop3A_587, %parallel_loop3A_588] {strides = array<i32>} : memref<128x128xf32, #tpu.memory_space<vmem>>, vector<16xf32>,
        %parallel_loop3A_590 = arith.mulf %parallel_loop3A_586, %parallel_loop3A_589 : vector<16xf32>
        %parallel_loop3A_591 = arith.addf %parallel_loop3A_583, %parallel_loop3A_590 : vector<16xf32>
        %parallel_loop3A_592 = arith.index_cast %parallel_loop3A_536 : i32 to index
        %parallel_loop3A_593 = arith.constant 112 : index
        %parallel_loop3A_594 = tpu.vector_load %arg10[%parallel_loop3A_592, %parallel_loop3A_593] {strides = array<i32>} : memref<128x128xf32, #tpu.memory_space<vmem>>, vector<16xf32>,
        %parallel_loop3A_595 = arith.index_cast %parallel_loop3A_536 : i32 to index
        %parallel_loop3A_596 = arith.constant 112 : index
        %parallel_loop3A_597 = tpu.vector_load %arg12[%parallel_loop3A_595, %parallel_loop3A_596] {strides = array<i32>} : memref<128x128xf32, #tpu.memory_space<vmem>>, vector<16xf32>,
        %parallel_loop3A_598 = arith.mulf %parallel_loop3A_594, %parallel_loop3A_597 : vector<16xf32>
        %parallel_loop3A_599 = arith.addf %parallel_loop3A_591, %parallel_loop3A_598 : vector<16xf32>
        %parallel_loop3A_600 = arith.constant 6 : i32
        %parallel_loop3A_601 = vector.broadcast %parallel_loop3A_600 : i32 to vector<16xi32>
        %parallel_loop3A_602 = arith.cmpi eq, %iota3A, %parallel_loop3A_601 : vector<16xi32>
        %parallel_loop3A_603 = arith.constant true
        %parallel_loop3A_604 = vector.broadcast %parallel_loop3A_603 : i1 to vector<16xi1>
        %parallel_loop3A_605 = tpu.scan <sum>, %parallel_loop3A_599 masked %parallel_loop3A_604 : vector<16xf32>, vector<16xi1> -> vector<16xf32>
        %parallel_loop3A_606 = vector.extract %parallel_loop3A_605[15] : f32 from vector<16xf32>
        %parallel_loop3A_607 = vector.broadcast %parallel_loop3A_606 : f32 to vector<16xf32>
        %parallel_loop3A_608 = arith.select %parallel_loop3A_602, %parallel_loop3A_607, %parallel_loop3A_532 : vector<16xi1>, vector<16xf32>
        %parallel_loop3A_609 = arith.constant 16 : i32
        %parallel_loop3A_610 = arith.muli %parallel_loop3A_74, %parallel_loop3A_609 : i32
        %parallel_loop3A_611 = arith.constant 7 : i32
        %parallel_loop3A_612 = arith.addi %parallel_loop3A_610, %parallel_loop3A_611 : i32
        %parallel_loop3A_613 = arith.index_cast %parallel_loop3A_612 : i32 to index
        %parallel_loop3A_614 = arith.constant 0 : index
        %parallel_loop3A_615 = tpu.vector_load %arg10[%parallel_loop3A_613, %parallel_loop3A_614] {strides = array<i32>} : memref<128x128xf32, #tpu.memory_space<vmem>>, vector<16xf32>,
        %parallel_loop3A_616 = arith.index_cast %parallel_loop3A_612 : i32 to index
        %parallel_loop3A_617 = arith.constant 0 : index
        %parallel_loop3A_618 = tpu.vector_load %arg12[%parallel_loop3A_616, %parallel_loop3A_617] {strides = array<i32>} : memref<128x128xf32, #tpu.memory_space<vmem>>, vector<16xf32>,
        %parallel_loop3A_619 = arith.mulf %parallel_loop3A_615, %parallel_loop3A_618 : vector<16xf32>
        %parallel_loop3A_620 = arith.index_cast %parallel_loop3A_612 : i32 to index
        %parallel_loop3A_621 = arith.constant 16 : index
        %parallel_loop3A_622 = tpu.vector_load %arg10[%parallel_loop3A_620, %parallel_loop3A_621] {strides = array<i32>} : memref<128x128xf32, #tpu.memory_space<vmem>>, vector<16xf32>,
        %parallel_loop3A_623 = arith.index_cast %parallel_loop3A_612 : i32 to index
        %parallel_loop3A_624 = arith.constant 16 : index
        %parallel_loop3A_625 = tpu.vector_load %arg12[%parallel_loop3A_623, %parallel_loop3A_624] {strides = array<i32>} : memref<128x128xf32, #tpu.memory_space<vmem>>, vector<16xf32>,
        %parallel_loop3A_626 = arith.mulf %parallel_loop3A_622, %parallel_loop3A_625 : vector<16xf32>
        %parallel_loop3A_627 = arith.addf %parallel_loop3A_619, %parallel_loop3A_626 : vector<16xf32>
        %parallel_loop3A_628 = arith.index_cast %parallel_loop3A_612 : i32 to index
        %parallel_loop3A_629 = arith.constant 32 : index
        %parallel_loop3A_630 = tpu.vector_load %arg10[%parallel_loop3A_628, %parallel_loop3A_629] {strides = array<i32>} : memref<128x128xf32, #tpu.memory_space<vmem>>, vector<16xf32>,
        %parallel_loop3A_631 = arith.index_cast %parallel_loop3A_612 : i32 to index
        %parallel_loop3A_632 = arith.constant 32 : index
        %parallel_loop3A_633 = tpu.vector_load %arg12[%parallel_loop3A_631, %parallel_loop3A_632] {strides = array<i32>} : memref<128x128xf32, #tpu.memory_space<vmem>>, vector<16xf32>,
        %parallel_loop3A_634 = arith.mulf %parallel_loop3A_630, %parallel_loop3A_633 : vector<16xf32>
        %parallel_loop3A_635 = arith.addf %parallel_loop3A_627, %parallel_loop3A_634 : vector<16xf32>
        %parallel_loop3A_636 = arith.index_cast %parallel_loop3A_612 : i32 to index
        %parallel_loop3A_637 = arith.constant 48 : index
        %parallel_loop3A_638 = tpu.vector_load %arg10[%parallel_loop3A_636, %parallel_loop3A_637] {strides = array<i32>} : memref<128x128xf32, #tpu.memory_space<vmem>>, vector<16xf32>,
        %parallel_loop3A_639 = arith.index_cast %parallel_loop3A_612 : i32 to index
        %parallel_loop3A_640 = arith.constant 48 : index
        %parallel_loop3A_641 = tpu.vector_load %arg12[%parallel_loop3A_639, %parallel_loop3A_640] {strides = array<i32>} : memref<128x128xf32, #tpu.memory_space<vmem>>, vector<16xf32>,
        %parallel_loop3A_642 = arith.mulf %parallel_loop3A_638, %parallel_loop3A_641 : vector<16xf32>
        %parallel_loop3A_643 = arith.addf %parallel_loop3A_635, %parallel_loop3A_642 : vector<16xf32>
        %parallel_loop3A_644 = arith.index_cast %parallel_loop3A_612 : i32 to index
        %parallel_loop3A_645 = arith.constant 64 : index
        %parallel_loop3A_646 = tpu.vector_load %arg10[%parallel_loop3A_644, %parallel_loop3A_645] {strides = array<i32>} : memref<128x128xf32, #tpu.memory_space<vmem>>, vector<16xf32>,
        %parallel_loop3A_647 = arith.index_cast %parallel_loop3A_612 : i32 to index
        %parallel_loop3A_648 = arith.constant 64 : index
        %parallel_loop3A_649 = tpu.vector_load %arg12[%parallel_loop3A_647, %parallel_loop3A_648] {strides = array<i32>} : memref<128x128xf32, #tpu.memory_space<vmem>>, vector<16xf32>,
        %parallel_loop3A_650 = arith.mulf %parallel_loop3A_646, %parallel_loop3A_649 : vector<16xf32>
        %parallel_loop3A_651 = arith.addf %parallel_loop3A_643, %parallel_loop3A_650 : vector<16xf32>
        %parallel_loop3A_652 = arith.index_cast %parallel_loop3A_612 : i32 to index
        %parallel_loop3A_653 = arith.constant 80 : index
        %parallel_loop3A_654 = tpu.vector_load %arg10[%parallel_loop3A_652, %parallel_loop3A_653] {strides = array<i32>} : memref<128x128xf32, #tpu.memory_space<vmem>>, vector<16xf32>,
        %parallel_loop3A_655 = arith.index_cast %parallel_loop3A_612 : i32 to index
        %parallel_loop3A_656 = arith.constant 80 : index
        %parallel_loop3A_657 = tpu.vector_load %arg12[%parallel_loop3A_655, %parallel_loop3A_656] {strides = array<i32>} : memref<128x128xf32, #tpu.memory_space<vmem>>, vector<16xf32>,
        %parallel_loop3A_658 = arith.mulf %parallel_loop3A_654, %parallel_loop3A_657 : vector<16xf32>
        %parallel_loop3A_659 = arith.addf %parallel_loop3A_651, %parallel_loop3A_658 : vector<16xf32>
        %parallel_loop3A_660 = arith.index_cast %parallel_loop3A_612 : i32 to index
        %parallel_loop3A_661 = arith.constant 96 : index
        %parallel_loop3A_662 = tpu.vector_load %arg10[%parallel_loop3A_660, %parallel_loop3A_661] {strides = array<i32>} : memref<128x128xf32, #tpu.memory_space<vmem>>, vector<16xf32>,
        %parallel_loop3A_663 = arith.index_cast %parallel_loop3A_612 : i32 to index
        %parallel_loop3A_664 = arith.constant 96 : index
        %parallel_loop3A_665 = tpu.vector_load %arg12[%parallel_loop3A_663, %parallel_loop3A_664] {strides = array<i32>} : memref<128x128xf32, #tpu.memory_space<vmem>>, vector<16xf32>,
        %parallel_loop3A_666 = arith.mulf %parallel_loop3A_662, %parallel_loop3A_665 : vector<16xf32>
        %parallel_loop3A_667 = arith.addf %parallel_loop3A_659, %parallel_loop3A_666 : vector<16xf32>
        %parallel_loop3A_668 = arith.index_cast %parallel_loop3A_612 : i32 to index
        %parallel_loop3A_669 = arith.constant 112 : index
        %parallel_loop3A_670 = tpu.vector_load %arg10[%parallel_loop3A_668, %parallel_loop3A_669] {strides = array<i32>} : memref<128x128xf32, #tpu.memory_space<vmem>>, vector<16xf32>,
        %parallel_loop3A_671 = arith.index_cast %parallel_loop3A_612 : i32 to index
        %parallel_loop3A_672 = arith.constant 112 : index
        %parallel_loop3A_673 = tpu.vector_load %arg12[%parallel_loop3A_671, %parallel_loop3A_672] {strides = array<i32>} : memref<128x128xf32, #tpu.memory_space<vmem>>, vector<16xf32>,
        %parallel_loop3A_674 = arith.mulf %parallel_loop3A_670, %parallel_loop3A_673 : vector<16xf32>
        %parallel_loop3A_675 = arith.addf %parallel_loop3A_667, %parallel_loop3A_674 : vector<16xf32>
        %parallel_loop3A_676 = arith.constant 7 : i32
        %parallel_loop3A_677 = vector.broadcast %parallel_loop3A_676 : i32 to vector<16xi32>
        %parallel_loop3A_678 = arith.cmpi eq, %iota3A, %parallel_loop3A_677 : vector<16xi32>
        %parallel_loop3A_679 = arith.constant true
        %parallel_loop3A_680 = vector.broadcast %parallel_loop3A_679 : i1 to vector<16xi1>
        %parallel_loop3A_681 = tpu.scan <sum>, %parallel_loop3A_675 masked %parallel_loop3A_680 : vector<16xf32>, vector<16xi1> -> vector<16xf32>
        %parallel_loop3A_682 = vector.extract %parallel_loop3A_681[15] : f32 from vector<16xf32>
        %parallel_loop3A_683 = vector.broadcast %parallel_loop3A_682 : f32 to vector<16xf32>
        %parallel_loop3A_684 = arith.select %parallel_loop3A_678, %parallel_loop3A_683, %parallel_loop3A_608 : vector<16xi1>, vector<16xf32>
        %parallel_loop3A_685 = arith.constant 16 : i32
        %parallel_loop3A_686 = arith.muli %parallel_loop3A_74, %parallel_loop3A_685 : i32
        %parallel_loop3A_687 = arith.constant 8 : i32
        %parallel_loop3A_688 = arith.addi %parallel_loop3A_686, %parallel_loop3A_687 : i32
        %parallel_loop3A_689 = arith.index_cast %parallel_loop3A_688 : i32 to index
        %parallel_loop3A_690 = arith.constant 0 : index
        %parallel_loop3A_691 = tpu.vector_load %arg10[%parallel_loop3A_689, %parallel_loop3A_690] {strides = array<i32>} : memref<128x128xf32, #tpu.memory_space<vmem>>, vector<16xf32>,
        %parallel_loop3A_692 = arith.index_cast %parallel_loop3A_688 : i32 to index
        %parallel_loop3A_693 = arith.constant 0 : index
        %parallel_loop3A_694 = tpu.vector_load %arg12[%parallel_loop3A_692, %parallel_loop3A_693] {strides = array<i32>} : memref<128x128xf32, #tpu.memory_space<vmem>>, vector<16xf32>,
        %parallel_loop3A_695 = arith.mulf %parallel_loop3A_691, %parallel_loop3A_694 : vector<16xf32>
        %parallel_loop3A_696 = arith.index_cast %parallel_loop3A_688 : i32 to index
        %parallel_loop3A_697 = arith.constant 16 : index
        %parallel_loop3A_698 = tpu.vector_load %arg10[%parallel_loop3A_696, %parallel_loop3A_697] {strides = array<i32>} : memref<128x128xf32, #tpu.memory_space<vmem>>, vector<16xf32>,
        %parallel_loop3A_699 = arith.index_cast %parallel_loop3A_688 : i32 to index
        %parallel_loop3A_700 = arith.constant 16 : index
        %parallel_loop3A_701 = tpu.vector_load %arg12[%parallel_loop3A_699, %parallel_loop3A_700] {strides = array<i32>} : memref<128x128xf32, #tpu.memory_space<vmem>>, vector<16xf32>,
        %parallel_loop3A_702 = arith.mulf %parallel_loop3A_698, %parallel_loop3A_701 : vector<16xf32>
        %parallel_loop3A_703 = arith.addf %parallel_loop3A_695, %parallel_loop3A_702 : vector<16xf32>
        %parallel_loop3A_704 = arith.index_cast %parallel_loop3A_688 : i32 to index
        %parallel_loop3A_705 = arith.constant 32 : index
        %parallel_loop3A_706 = tpu.vector_load %arg10[%parallel_loop3A_704, %parallel_loop3A_705] {strides = array<i32>} : memref<128x128xf32, #tpu.memory_space<vmem>>, vector<16xf32>,
        %parallel_loop3A_707 = arith.index_cast %parallel_loop3A_688 : i32 to index
        %parallel_loop3A_708 = arith.constant 32 : index
        %parallel_loop3A_709 = tpu.vector_load %arg12[%parallel_loop3A_707, %parallel_loop3A_708] {strides = array<i32>} : memref<128x128xf32, #tpu.memory_space<vmem>>, vector<16xf32>,
        %parallel_loop3A_710 = arith.mulf %parallel_loop3A_706, %parallel_loop3A_709 : vector<16xf32>
        %parallel_loop3A_711 = arith.addf %parallel_loop3A_703, %parallel_loop3A_710 : vector<16xf32>
        %parallel_loop3A_712 = arith.index_cast %parallel_loop3A_688 : i32 to index
        %parallel_loop3A_713 = arith.constant 48 : index
        %parallel_loop3A_714 = tpu.vector_load %arg10[%parallel_loop3A_712, %parallel_loop3A_713] {strides = array<i32>} : memref<128x128xf32, #tpu.memory_space<vmem>>, vector<16xf32>,
        %parallel_loop3A_715 = arith.index_cast %parallel_loop3A_688 : i32 to index
        %parallel_loop3A_716 = arith.constant 48 : index
        %parallel_loop3A_717 = tpu.vector_load %arg12[%parallel_loop3A_715, %parallel_loop3A_716] {strides = array<i32>} : memref<128x128xf32, #tpu.memory_space<vmem>>, vector<16xf32>,
        %parallel_loop3A_718 = arith.mulf %parallel_loop3A_714, %parallel_loop3A_717 : vector<16xf32>
        %parallel_loop3A_719 = arith.addf %parallel_loop3A_711, %parallel_loop3A_718 : vector<16xf32>
        %parallel_loop3A_720 = arith.index_cast %parallel_loop3A_688 : i32 to index
        %parallel_loop3A_721 = arith.constant 64 : index
        %parallel_loop3A_722 = tpu.vector_load %arg10[%parallel_loop3A_720, %parallel_loop3A_721] {strides = array<i32>} : memref<128x128xf32, #tpu.memory_space<vmem>>, vector<16xf32>,
        %parallel_loop3A_723 = arith.index_cast %parallel_loop3A_688 : i32 to index
        %parallel_loop3A_724 = arith.constant 64 : index
        %parallel_loop3A_725 = tpu.vector_load %arg12[%parallel_loop3A_723, %parallel_loop3A_724] {strides = array<i32>} : memref<128x128xf32, #tpu.memory_space<vmem>>, vector<16xf32>,
        %parallel_loop3A_726 = arith.mulf %parallel_loop3A_722, %parallel_loop3A_725 : vector<16xf32>
        %parallel_loop3A_727 = arith.addf %parallel_loop3A_719, %parallel_loop3A_726 : vector<16xf32>
        %parallel_loop3A_728 = arith.index_cast %parallel_loop3A_688 : i32 to index
        %parallel_loop3A_729 = arith.constant 80 : index
        %parallel_loop3A_730 = tpu.vector_load %arg10[%parallel_loop3A_728, %parallel_loop3A_729] {strides = array<i32>} : memref<128x128xf32, #tpu.memory_space<vmem>>, vector<16xf32>,
        %parallel_loop3A_731 = arith.index_cast %parallel_loop3A_688 : i32 to index
        %parallel_loop3A_732 = arith.constant 80 : index
        %parallel_loop3A_733 = tpu.vector_load %arg12[%parallel_loop3A_731, %parallel_loop3A_732] {strides = array<i32>} : memref<128x128xf32, #tpu.memory_space<vmem>>, vector<16xf32>,
        %parallel_loop3A_734 = arith.mulf %parallel_loop3A_730, %parallel_loop3A_733 : vector<16xf32>
        %parallel_loop3A_735 = arith.addf %parallel_loop3A_727, %parallel_loop3A_734 : vector<16xf32>
        %parallel_loop3A_736 = arith.index_cast %parallel_loop3A_688 : i32 to index
        %parallel_loop3A_737 = arith.constant 96 : index
        %parallel_loop3A_738 = tpu.vector_load %arg10[%parallel_loop3A_736, %parallel_loop3A_737] {strides = array<i32>} : memref<128x128xf32, #tpu.memory_space<vmem>>, vector<16xf32>,
        %parallel_loop3A_739 = arith.index_cast %parallel_loop3A_688 : i32 to index
        %parallel_loop3A_740 = arith.constant 96 : index
        %parallel_loop3A_741 = tpu.vector_load %arg12[%parallel_loop3A_739, %parallel_loop3A_740] {strides = array<i32>} : memref<128x128xf32, #tpu.memory_space<vmem>>, vector<16xf32>,
        %parallel_loop3A_742 = arith.mulf %parallel_loop3A_738, %parallel_loop3A_741 : vector<16xf32>
        %parallel_loop3A_743 = arith.addf %parallel_loop3A_735, %parallel_loop3A_742 : vector<16xf32>
        %parallel_loop3A_744 = arith.index_cast %parallel_loop3A_688 : i32 to index
        %parallel_loop3A_745 = arith.constant 112 : index
        %parallel_loop3A_746 = tpu.vector_load %arg10[%parallel_loop3A_744, %parallel_loop3A_745] {strides = array<i32>} : memref<128x128xf32, #tpu.memory_space<vmem>>, vector<16xf32>,
        %parallel_loop3A_747 = arith.index_cast %parallel_loop3A_688 : i32 to index
        %parallel_loop3A_748 = arith.constant 112 : index
        %parallel_loop3A_749 = tpu.vector_load %arg12[%parallel_loop3A_747, %parallel_loop3A_748] {strides = array<i32>} : memref<128x128xf32, #tpu.memory_space<vmem>>, vector<16xf32>,
        %parallel_loop3A_750 = arith.mulf %parallel_loop3A_746, %parallel_loop3A_749 : vector<16xf32>
        %parallel_loop3A_751 = arith.addf %parallel_loop3A_743, %parallel_loop3A_750 : vector<16xf32>
        %parallel_loop3A_752 = arith.constant 8 : i32
        %parallel_loop3A_753 = vector.broadcast %parallel_loop3A_752 : i32 to vector<16xi32>
        %parallel_loop3A_754 = arith.cmpi eq, %iota3A, %parallel_loop3A_753 : vector<16xi32>
        %parallel_loop3A_755 = arith.constant true
        %parallel_loop3A_756 = vector.broadcast %parallel_loop3A_755 : i1 to vector<16xi1>
        %parallel_loop3A_757 = tpu.scan <sum>, %parallel_loop3A_751 masked %parallel_loop3A_756 : vector<16xf32>, vector<16xi1> -> vector<16xf32>
        %parallel_loop3A_758 = vector.extract %parallel_loop3A_757[15] : f32 from vector<16xf32>
        %parallel_loop3A_759 = vector.broadcast %parallel_loop3A_758 : f32 to vector<16xf32>
        %parallel_loop3A_760 = arith.select %parallel_loop3A_754, %parallel_loop3A_759, %parallel_loop3A_684 : vector<16xi1>, vector<16xf32>
        %parallel_loop3A_761 = arith.constant 16 : i32
        %parallel_loop3A_762 = arith.muli %parallel_loop3A_74, %parallel_loop3A_761 : i32
        %parallel_loop3A_763 = arith.constant 9 : i32
        %parallel_loop3A_764 = arith.addi %parallel_loop3A_762, %parallel_loop3A_763 : i32
        %parallel_loop3A_765 = arith.index_cast %parallel_loop3A_764 : i32 to index
        %parallel_loop3A_766 = arith.constant 0 : index
        %parallel_loop3A_767 = tpu.vector_load %arg10[%parallel_loop3A_765, %parallel_loop3A_766] {strides = array<i32>} : memref<128x128xf32, #tpu.memory_space<vmem>>, vector<16xf32>,
        %parallel_loop3A_768 = arith.index_cast %parallel_loop3A_764 : i32 to index
        %parallel_loop3A_769 = arith.constant 0 : index
        %parallel_loop3A_770 = tpu.vector_load %arg12[%parallel_loop3A_768, %parallel_loop3A_769] {strides = array<i32>} : memref<128x128xf32, #tpu.memory_space<vmem>>, vector<16xf32>,
        %parallel_loop3A_771 = arith.mulf %parallel_loop3A_767, %parallel_loop3A_770 : vector<16xf32>
        %parallel_loop3A_772 = arith.index_cast %parallel_loop3A_764 : i32 to index
        %parallel_loop3A_773 = arith.constant 16 : index
        %parallel_loop3A_774 = tpu.vector_load %arg10[%parallel_loop3A_772, %parallel_loop3A_773] {strides = array<i32>} : memref<128x128xf32, #tpu.memory_space<vmem>>, vector<16xf32>,
        %parallel_loop3A_775 = arith.index_cast %parallel_loop3A_764 : i32 to index
        %parallel_loop3A_776 = arith.constant 16 : index
        %parallel_loop3A_777 = tpu.vector_load %arg12[%parallel_loop3A_775, %parallel_loop3A_776] {strides = array<i32>} : memref<128x128xf32, #tpu.memory_space<vmem>>, vector<16xf32>,
        %parallel_loop3A_778 = arith.mulf %parallel_loop3A_774, %parallel_loop3A_777 : vector<16xf32>
        %parallel_loop3A_779 = arith.addf %parallel_loop3A_771, %parallel_loop3A_778 : vector<16xf32>
        %parallel_loop3A_780 = arith.index_cast %parallel_loop3A_764 : i32 to index
        %parallel_loop3A_781 = arith.constant 32 : index
        %parallel_loop3A_782 = tpu.vector_load %arg10[%parallel_loop3A_780, %parallel_loop3A_781] {strides = array<i32>} : memref<128x128xf32, #tpu.memory_space<vmem>>, vector<16xf32>,
        %parallel_loop3A_783 = arith.index_cast %parallel_loop3A_764 : i32 to index
        %parallel_loop3A_784 = arith.constant 32 : index
        %parallel_loop3A_785 = tpu.vector_load %arg12[%parallel_loop3A_783, %parallel_loop3A_784] {strides = array<i32>} : memref<128x128xf32, #tpu.memory_space<vmem>>, vector<16xf32>,
        %parallel_loop3A_786 = arith.mulf %parallel_loop3A_782, %parallel_loop3A_785 : vector<16xf32>
        %parallel_loop3A_787 = arith.addf %parallel_loop3A_779, %parallel_loop3A_786 : vector<16xf32>
        %parallel_loop3A_788 = arith.index_cast %parallel_loop3A_764 : i32 to index
        %parallel_loop3A_789 = arith.constant 48 : index
        %parallel_loop3A_790 = tpu.vector_load %arg10[%parallel_loop3A_788, %parallel_loop3A_789] {strides = array<i32>} : memref<128x128xf32, #tpu.memory_space<vmem>>, vector<16xf32>,
        %parallel_loop3A_791 = arith.index_cast %parallel_loop3A_764 : i32 to index
        %parallel_loop3A_792 = arith.constant 48 : index
        %parallel_loop3A_793 = tpu.vector_load %arg12[%parallel_loop3A_791, %parallel_loop3A_792] {strides = array<i32>} : memref<128x128xf32, #tpu.memory_space<vmem>>, vector<16xf32>,
        %parallel_loop3A_794 = arith.mulf %parallel_loop3A_790, %parallel_loop3A_793 : vector<16xf32>
        %parallel_loop3A_795 = arith.addf %parallel_loop3A_787, %parallel_loop3A_794 : vector<16xf32>
        %parallel_loop3A_796 = arith.index_cast %parallel_loop3A_764 : i32 to index
        %parallel_loop3A_797 = arith.constant 64 : index
        %parallel_loop3A_798 = tpu.vector_load %arg10[%parallel_loop3A_796, %parallel_loop3A_797] {strides = array<i32>} : memref<128x128xf32, #tpu.memory_space<vmem>>, vector<16xf32>,
        %parallel_loop3A_799 = arith.index_cast %parallel_loop3A_764 : i32 to index
        %parallel_loop3A_800 = arith.constant 64 : index
        %parallel_loop3A_801 = tpu.vector_load %arg12[%parallel_loop3A_799, %parallel_loop3A_800] {strides = array<i32>} : memref<128x128xf32, #tpu.memory_space<vmem>>, vector<16xf32>,
        %parallel_loop3A_802 = arith.mulf %parallel_loop3A_798, %parallel_loop3A_801 : vector<16xf32>
        %parallel_loop3A_803 = arith.addf %parallel_loop3A_795, %parallel_loop3A_802 : vector<16xf32>
        %parallel_loop3A_804 = arith.index_cast %parallel_loop3A_764 : i32 to index
        %parallel_loop3A_805 = arith.constant 80 : index
        %parallel_loop3A_806 = tpu.vector_load %arg10[%parallel_loop3A_804, %parallel_loop3A_805] {strides = array<i32>} : memref<128x128xf32, #tpu.memory_space<vmem>>, vector<16xf32>,
        %parallel_loop3A_807 = arith.index_cast %parallel_loop3A_764 : i32 to index
        %parallel_loop3A_808 = arith.constant 80 : index
        %parallel_loop3A_809 = tpu.vector_load %arg12[%parallel_loop3A_807, %parallel_loop3A_808] {strides = array<i32>} : memref<128x128xf32, #tpu.memory_space<vmem>>, vector<16xf32>,
        %parallel_loop3A_810 = arith.mulf %parallel_loop3A_806, %parallel_loop3A_809 : vector<16xf32>
        %parallel_loop3A_811 = arith.addf %parallel_loop3A_803, %parallel_loop3A_810 : vector<16xf32>
        %parallel_loop3A_812 = arith.index_cast %parallel_loop3A_764 : i32 to index
        %parallel_loop3A_813 = arith.constant 96 : index
        %parallel_loop3A_814 = tpu.vector_load %arg10[%parallel_loop3A_812, %parallel_loop3A_813] {strides = array<i32>} : memref<128x128xf32, #tpu.memory_space<vmem>>, vector<16xf32>,
        %parallel_loop3A_815 = arith.index_cast %parallel_loop3A_764 : i32 to index
        %parallel_loop3A_816 = arith.constant 96 : index
        %parallel_loop3A_817 = tpu.vector_load %arg12[%parallel_loop3A_815, %parallel_loop3A_816] {strides = array<i32>} : memref<128x128xf32, #tpu.memory_space<vmem>>, vector<16xf32>,
        %parallel_loop3A_818 = arith.mulf %parallel_loop3A_814, %parallel_loop3A_817 : vector<16xf32>
        %parallel_loop3A_819 = arith.addf %parallel_loop3A_811, %parallel_loop3A_818 : vector<16xf32>
        %parallel_loop3A_820 = arith.index_cast %parallel_loop3A_764 : i32 to index
        %parallel_loop3A_821 = arith.constant 112 : index
        %parallel_loop3A_822 = tpu.vector_load %arg10[%parallel_loop3A_820, %parallel_loop3A_821] {strides = array<i32>} : memref<128x128xf32, #tpu.memory_space<vmem>>, vector<16xf32>,
        %parallel_loop3A_823 = arith.index_cast %parallel_loop3A_764 : i32 to index
        %parallel_loop3A_824 = arith.constant 112 : index
        %parallel_loop3A_825 = tpu.vector_load %arg12[%parallel_loop3A_823, %parallel_loop3A_824] {strides = array<i32>} : memref<128x128xf32, #tpu.memory_space<vmem>>, vector<16xf32>,
        %parallel_loop3A_826 = arith.mulf %parallel_loop3A_822, %parallel_loop3A_825 : vector<16xf32>
        %parallel_loop3A_827 = arith.addf %parallel_loop3A_819, %parallel_loop3A_826 : vector<16xf32>
        %parallel_loop3A_828 = arith.constant 9 : i32
        %parallel_loop3A_829 = vector.broadcast %parallel_loop3A_828 : i32 to vector<16xi32>
        %parallel_loop3A_830 = arith.cmpi eq, %iota3A, %parallel_loop3A_829 : vector<16xi32>
        %parallel_loop3A_831 = arith.constant true
        %parallel_loop3A_832 = vector.broadcast %parallel_loop3A_831 : i1 to vector<16xi1>
        %parallel_loop3A_833 = tpu.scan <sum>, %parallel_loop3A_827 masked %parallel_loop3A_832 : vector<16xf32>, vector<16xi1> -> vector<16xf32>
        %parallel_loop3A_834 = vector.extract %parallel_loop3A_833[15] : f32 from vector<16xf32>
        %parallel_loop3A_835 = vector.broadcast %parallel_loop3A_834 : f32 to vector<16xf32>
        %parallel_loop3A_836 = arith.select %parallel_loop3A_830, %parallel_loop3A_835, %parallel_loop3A_760 : vector<16xi1>, vector<16xf32>
        %parallel_loop3A_837 = arith.constant 16 : i32
        %parallel_loop3A_838 = arith.muli %parallel_loop3A_74, %parallel_loop3A_837 : i32
        %parallel_loop3A_839 = arith.constant 10 : i32
        %parallel_loop3A_840 = arith.addi %parallel_loop3A_838, %parallel_loop3A_839 : i32
        %parallel_loop3A_841 = arith.index_cast %parallel_loop3A_840 : i32 to index
        %parallel_loop3A_842 = arith.constant 0 : index
        %parallel_loop3A_843 = tpu.vector_load %arg10[%parallel_loop3A_841, %parallel_loop3A_842] {strides = array<i32>} : memref<128x128xf32, #tpu.memory_space<vmem>>, vector<16xf32>,
        %parallel_loop3A_844 = arith.index_cast %parallel_loop3A_840 : i32 to index
        %parallel_loop3A_845 = arith.constant 0 : index
        %parallel_loop3A_846 = tpu.vector_load %arg12[%parallel_loop3A_844, %parallel_loop3A_845] {strides = array<i32>} : memref<128x128xf32, #tpu.memory_space<vmem>>, vector<16xf32>,
        %parallel_loop3A_847 = arith.mulf %parallel_loop3A_843, %parallel_loop3A_846 : vector<16xf32>
        %parallel_loop3A_848 = arith.index_cast %parallel_loop3A_840 : i32 to index
        %parallel_loop3A_849 = arith.constant 16 : index
        %parallel_loop3A_850 = tpu.vector_load %arg10[%parallel_loop3A_848, %parallel_loop3A_849] {strides = array<i32>} : memref<128x128xf32, #tpu.memory_space<vmem>>, vector<16xf32>,
        %parallel_loop3A_851 = arith.index_cast %parallel_loop3A_840 : i32 to index
        %parallel_loop3A_852 = arith.constant 16 : index
        %parallel_loop3A_853 = tpu.vector_load %arg12[%parallel_loop3A_851, %parallel_loop3A_852] {strides = array<i32>} : memref<128x128xf32, #tpu.memory_space<vmem>>, vector<16xf32>,
        %parallel_loop3A_854 = arith.mulf %parallel_loop3A_850, %parallel_loop3A_853 : vector<16xf32>
        %parallel_loop3A_855 = arith.addf %parallel_loop3A_847, %parallel_loop3A_854 : vector<16xf32>
        %parallel_loop3A_856 = arith.index_cast %parallel_loop3A_840 : i32 to index
        %parallel_loop3A_857 = arith.constant 32 : index
        %parallel_loop3A_858 = tpu.vector_load %arg10[%parallel_loop3A_856, %parallel_loop3A_857] {strides = array<i32>} : memref<128x128xf32, #tpu.memory_space<vmem>>, vector<16xf32>,
        %parallel_loop3A_859 = arith.index_cast %parallel_loop3A_840 : i32 to index
        %parallel_loop3A_860 = arith.constant 32 : index
        %parallel_loop3A_861 = tpu.vector_load %arg12[%parallel_loop3A_859, %parallel_loop3A_860] {strides = array<i32>} : memref<128x128xf32, #tpu.memory_space<vmem>>, vector<16xf32>,
        %parallel_loop3A_862 = arith.mulf %parallel_loop3A_858, %parallel_loop3A_861 : vector<16xf32>
        %parallel_loop3A_863 = arith.addf %parallel_loop3A_855, %parallel_loop3A_862 : vector<16xf32>
        %parallel_loop3A_864 = arith.index_cast %parallel_loop3A_840 : i32 to index
        %parallel_loop3A_865 = arith.constant 48 : index
        %parallel_loop3A_866 = tpu.vector_load %arg10[%parallel_loop3A_864, %parallel_loop3A_865] {strides = array<i32>} : memref<128x128xf32, #tpu.memory_space<vmem>>, vector<16xf32>,
        %parallel_loop3A_867 = arith.index_cast %parallel_loop3A_840 : i32 to index
        %parallel_loop3A_868 = arith.constant 48 : index
        %parallel_loop3A_869 = tpu.vector_load %arg12[%parallel_loop3A_867, %parallel_loop3A_868] {strides = array<i32>} : memref<128x128xf32, #tpu.memory_space<vmem>>, vector<16xf32>,
        %parallel_loop3A_870 = arith.mulf %parallel_loop3A_866, %parallel_loop3A_869 : vector<16xf32>
        %parallel_loop3A_871 = arith.addf %parallel_loop3A_863, %parallel_loop3A_870 : vector<16xf32>
        %parallel_loop3A_872 = arith.index_cast %parallel_loop3A_840 : i32 to index
        %parallel_loop3A_873 = arith.constant 64 : index
        %parallel_loop3A_874 = tpu.vector_load %arg10[%parallel_loop3A_872, %parallel_loop3A_873] {strides = array<i32>} : memref<128x128xf32, #tpu.memory_space<vmem>>, vector<16xf32>,
        %parallel_loop3A_875 = arith.index_cast %parallel_loop3A_840 : i32 to index
        %parallel_loop3A_876 = arith.constant 64 : index
        %parallel_loop3A_877 = tpu.vector_load %arg12[%parallel_loop3A_875, %parallel_loop3A_876] {strides = array<i32>} : memref<128x128xf32, #tpu.memory_space<vmem>>, vector<16xf32>,
        %parallel_loop3A_878 = arith.mulf %parallel_loop3A_874, %parallel_loop3A_877 : vector<16xf32>
        %parallel_loop3A_879 = arith.addf %parallel_loop3A_871, %parallel_loop3A_878 : vector<16xf32>
        %parallel_loop3A_880 = arith.index_cast %parallel_loop3A_840 : i32 to index
        %parallel_loop3A_881 = arith.constant 80 : index
        %parallel_loop3A_882 = tpu.vector_load %arg10[%parallel_loop3A_880, %parallel_loop3A_881] {strides = array<i32>} : memref<128x128xf32, #tpu.memory_space<vmem>>, vector<16xf32>,
        %parallel_loop3A_883 = arith.index_cast %parallel_loop3A_840 : i32 to index
        %parallel_loop3A_884 = arith.constant 80 : index
        %parallel_loop3A_885 = tpu.vector_load %arg12[%parallel_loop3A_883, %parallel_loop3A_884] {strides = array<i32>} : memref<128x128xf32, #tpu.memory_space<vmem>>, vector<16xf32>,
        %parallel_loop3A_886 = arith.mulf %parallel_loop3A_882, %parallel_loop3A_885 : vector<16xf32>
        %parallel_loop3A_887 = arith.addf %parallel_loop3A_879, %parallel_loop3A_886 : vector<16xf32>
        %parallel_loop3A_888 = arith.index_cast %parallel_loop3A_840 : i32 to index
        %parallel_loop3A_889 = arith.constant 96 : index
        %parallel_loop3A_890 = tpu.vector_load %arg10[%parallel_loop3A_888, %parallel_loop3A_889] {strides = array<i32>} : memref<128x128xf32, #tpu.memory_space<vmem>>, vector<16xf32>,
        %parallel_loop3A_891 = arith.index_cast %parallel_loop3A_840 : i32 to index
        %parallel_loop3A_892 = arith.constant 96 : index
        %parallel_loop3A_893 = tpu.vector_load %arg12[%parallel_loop3A_891, %parallel_loop3A_892] {strides = array<i32>} : memref<128x128xf32, #tpu.memory_space<vmem>>, vector<16xf32>,
        %parallel_loop3A_894 = arith.mulf %parallel_loop3A_890, %parallel_loop3A_893 : vector<16xf32>
        %parallel_loop3A_895 = arith.addf %parallel_loop3A_887, %parallel_loop3A_894 : vector<16xf32>
        %parallel_loop3A_896 = arith.index_cast %parallel_loop3A_840 : i32 to index
        %parallel_loop3A_897 = arith.constant 112 : index
        %parallel_loop3A_898 = tpu.vector_load %arg10[%parallel_loop3A_896, %parallel_loop3A_897] {strides = array<i32>} : memref<128x128xf32, #tpu.memory_space<vmem>>, vector<16xf32>,
        %parallel_loop3A_899 = arith.index_cast %parallel_loop3A_840 : i32 to index
        %parallel_loop3A_900 = arith.constant 112 : index
        %parallel_loop3A_901 = tpu.vector_load %arg12[%parallel_loop3A_899, %parallel_loop3A_900] {strides = array<i32>} : memref<128x128xf32, #tpu.memory_space<vmem>>, vector<16xf32>,
        %parallel_loop3A_902 = arith.mulf %parallel_loop3A_898, %parallel_loop3A_901 : vector<16xf32>
        %parallel_loop3A_903 = arith.addf %parallel_loop3A_895, %parallel_loop3A_902 : vector<16xf32>
        %parallel_loop3A_904 = arith.constant 10 : i32
        %parallel_loop3A_905 = vector.broadcast %parallel_loop3A_904 : i32 to vector<16xi32>
        %parallel_loop3A_906 = arith.cmpi eq, %iota3A, %parallel_loop3A_905 : vector<16xi32>
        %parallel_loop3A_907 = arith.constant true
        %parallel_loop3A_908 = vector.broadcast %parallel_loop3A_907 : i1 to vector<16xi1>
        %parallel_loop3A_909 = tpu.scan <sum>, %parallel_loop3A_903 masked %parallel_loop3A_908 : vector<16xf32>, vector<16xi1> -> vector<16xf32>
        %parallel_loop3A_910 = vector.extract %parallel_loop3A_909[15] : f32 from vector<16xf32>
        %parallel_loop3A_911 = vector.broadcast %parallel_loop3A_910 : f32 to vector<16xf32>
        %parallel_loop3A_912 = arith.select %parallel_loop3A_906, %parallel_loop3A_911, %parallel_loop3A_836 : vector<16xi1>, vector<16xf32>
        %parallel_loop3A_913 = arith.constant 16 : i32
        %parallel_loop3A_914 = arith.muli %parallel_loop3A_74, %parallel_loop3A_913 : i32
        %parallel_loop3A_915 = arith.constant 11 : i32
        %parallel_loop3A_916 = arith.addi %parallel_loop3A_914, %parallel_loop3A_915 : i32
        %parallel_loop3A_917 = arith.index_cast %parallel_loop3A_916 : i32 to index
        %parallel_loop3A_918 = arith.constant 0 : index
        %parallel_loop3A_919 = tpu.vector_load %arg10[%parallel_loop3A_917, %parallel_loop3A_918] {strides = array<i32>} : memref<128x128xf32, #tpu.memory_space<vmem>>, vector<16xf32>,
        %parallel_loop3A_920 = arith.index_cast %parallel_loop3A_916 : i32 to index
        %parallel_loop3A_921 = arith.constant 0 : index
        %parallel_loop3A_922 = tpu.vector_load %arg12[%parallel_loop3A_920, %parallel_loop3A_921] {strides = array<i32>} : memref<128x128xf32, #tpu.memory_space<vmem>>, vector<16xf32>,
        %parallel_loop3A_923 = arith.mulf %parallel_loop3A_919, %parallel_loop3A_922 : vector<16xf32>
        %parallel_loop3A_924 = arith.index_cast %parallel_loop3A_916 : i32 to index
        %parallel_loop3A_925 = arith.constant 16 : index
        %parallel_loop3A_926 = tpu.vector_load %arg10[%parallel_loop3A_924, %parallel_loop3A_925] {strides = array<i32>} : memref<128x128xf32, #tpu.memory_space<vmem>>, vector<16xf32>,
        %parallel_loop3A_927 = arith.index_cast %parallel_loop3A_916 : i32 to index
        %parallel_loop3A_928 = arith.constant 16 : index
        %parallel_loop3A_929 = tpu.vector_load %arg12[%parallel_loop3A_927, %parallel_loop3A_928] {strides = array<i32>} : memref<128x128xf32, #tpu.memory_space<vmem>>, vector<16xf32>,
        %parallel_loop3A_930 = arith.mulf %parallel_loop3A_926, %parallel_loop3A_929 : vector<16xf32>
        %parallel_loop3A_931 = arith.addf %parallel_loop3A_923, %parallel_loop3A_930 : vector<16xf32>
        %parallel_loop3A_932 = arith.index_cast %parallel_loop3A_916 : i32 to index
        %parallel_loop3A_933 = arith.constant 32 : index
        %parallel_loop3A_934 = tpu.vector_load %arg10[%parallel_loop3A_932, %parallel_loop3A_933] {strides = array<i32>} : memref<128x128xf32, #tpu.memory_space<vmem>>, vector<16xf32>,
        %parallel_loop3A_935 = arith.index_cast %parallel_loop3A_916 : i32 to index
        %parallel_loop3A_936 = arith.constant 32 : index
        %parallel_loop3A_937 = tpu.vector_load %arg12[%parallel_loop3A_935, %parallel_loop3A_936] {strides = array<i32>} : memref<128x128xf32, #tpu.memory_space<vmem>>, vector<16xf32>,
        %parallel_loop3A_938 = arith.mulf %parallel_loop3A_934, %parallel_loop3A_937 : vector<16xf32>
        %parallel_loop3A_939 = arith.addf %parallel_loop3A_931, %parallel_loop3A_938 : vector<16xf32>
        %parallel_loop3A_940 = arith.index_cast %parallel_loop3A_916 : i32 to index
        %parallel_loop3A_941 = arith.constant 48 : index
        %parallel_loop3A_942 = tpu.vector_load %arg10[%parallel_loop3A_940, %parallel_loop3A_941] {strides = array<i32>} : memref<128x128xf32, #tpu.memory_space<vmem>>, vector<16xf32>,
        %parallel_loop3A_943 = arith.index_cast %parallel_loop3A_916 : i32 to index
        %parallel_loop3A_944 = arith.constant 48 : index
        %parallel_loop3A_945 = tpu.vector_load %arg12[%parallel_loop3A_943, %parallel_loop3A_944] {strides = array<i32>} : memref<128x128xf32, #tpu.memory_space<vmem>>, vector<16xf32>,
        %parallel_loop3A_946 = arith.mulf %parallel_loop3A_942, %parallel_loop3A_945 : vector<16xf32>
        %parallel_loop3A_947 = arith.addf %parallel_loop3A_939, %parallel_loop3A_946 : vector<16xf32>
        %parallel_loop3A_948 = arith.index_cast %parallel_loop3A_916 : i32 to index
        %parallel_loop3A_949 = arith.constant 64 : index
        %parallel_loop3A_950 = tpu.vector_load %arg10[%parallel_loop3A_948, %parallel_loop3A_949] {strides = array<i32>} : memref<128x128xf32, #tpu.memory_space<vmem>>, vector<16xf32>,
        %parallel_loop3A_951 = arith.index_cast %parallel_loop3A_916 : i32 to index
        %parallel_loop3A_952 = arith.constant 64 : index
        %parallel_loop3A_953 = tpu.vector_load %arg12[%parallel_loop3A_951, %parallel_loop3A_952] {strides = array<i32>} : memref<128x128xf32, #tpu.memory_space<vmem>>, vector<16xf32>,
        %parallel_loop3A_954 = arith.mulf %parallel_loop3A_950, %parallel_loop3A_953 : vector<16xf32>
        %parallel_loop3A_955 = arith.addf %parallel_loop3A_947, %parallel_loop3A_954 : vector<16xf32>
        %parallel_loop3A_956 = arith.index_cast %parallel_loop3A_916 : i32 to index
        %parallel_loop3A_957 = arith.constant 80 : index
        %parallel_loop3A_958 = tpu.vector_load %arg10[%parallel_loop3A_956, %parallel_loop3A_957] {strides = array<i32>} : memref<128x128xf32, #tpu.memory_space<vmem>>, vector<16xf32>,
        %parallel_loop3A_959 = arith.index_cast %parallel_loop3A_916 : i32 to index
        %parallel_loop3A_960 = arith.constant 80 : index
        %parallel_loop3A_961 = tpu.vector_load %arg12[%parallel_loop3A_959, %parallel_loop3A_960] {strides = array<i32>} : memref<128x128xf32, #tpu.memory_space<vmem>>, vector<16xf32>,
        %parallel_loop3A_962 = arith.mulf %parallel_loop3A_958, %parallel_loop3A_961 : vector<16xf32>
        %parallel_loop3A_963 = arith.addf %parallel_loop3A_955, %parallel_loop3A_962 : vector<16xf32>
        %parallel_loop3A_964 = arith.index_cast %parallel_loop3A_916 : i32 to index
        %parallel_loop3A_965 = arith.constant 96 : index
        %parallel_loop3A_966 = tpu.vector_load %arg10[%parallel_loop3A_964, %parallel_loop3A_965] {strides = array<i32>} : memref<128x128xf32, #tpu.memory_space<vmem>>, vector<16xf32>,
        %parallel_loop3A_967 = arith.index_cast %parallel_loop3A_916 : i32 to index
        %parallel_loop3A_968 = arith.constant 96 : index
        %parallel_loop3A_969 = tpu.vector_load %arg12[%parallel_loop3A_967, %parallel_loop3A_968] {strides = array<i32>} : memref<128x128xf32, #tpu.memory_space<vmem>>, vector<16xf32>,
        %parallel_loop3A_970 = arith.mulf %parallel_loop3A_966, %parallel_loop3A_969 : vector<16xf32>
        %parallel_loop3A_971 = arith.addf %parallel_loop3A_963, %parallel_loop3A_970 : vector<16xf32>
        %parallel_loop3A_972 = arith.index_cast %parallel_loop3A_916 : i32 to index
        %parallel_loop3A_973 = arith.constant 112 : index
        %parallel_loop3A_974 = tpu.vector_load %arg10[%parallel_loop3A_972, %parallel_loop3A_973] {strides = array<i32>} : memref<128x128xf32, #tpu.memory_space<vmem>>, vector<16xf32>,
        %parallel_loop3A_975 = arith.index_cast %parallel_loop3A_916 : i32 to index
        %parallel_loop3A_976 = arith.constant 112 : index
        %parallel_loop3A_977 = tpu.vector_load %arg12[%parallel_loop3A_975, %parallel_loop3A_976] {strides = array<i32>} : memref<128x128xf32, #tpu.memory_space<vmem>>, vector<16xf32>,
        %parallel_loop3A_978 = arith.mulf %parallel_loop3A_974, %parallel_loop3A_977 : vector<16xf32>
        %parallel_loop3A_979 = arith.addf %parallel_loop3A_971, %parallel_loop3A_978 : vector<16xf32>
        %parallel_loop3A_980 = arith.constant 11 : i32
        %parallel_loop3A_981 = vector.broadcast %parallel_loop3A_980 : i32 to vector<16xi32>
        %parallel_loop3A_982 = arith.cmpi eq, %iota3A, %parallel_loop3A_981 : vector<16xi32>
        %parallel_loop3A_983 = arith.constant true
        %parallel_loop3A_984 = vector.broadcast %parallel_loop3A_983 : i1 to vector<16xi1>
        %parallel_loop3A_985 = tpu.scan <sum>, %parallel_loop3A_979 masked %parallel_loop3A_984 : vector<16xf32>, vector<16xi1> -> vector<16xf32>
        %parallel_loop3A_986 = vector.extract %parallel_loop3A_985[15] : f32 from vector<16xf32>
        %parallel_loop3A_987 = vector.broadcast %parallel_loop3A_986 : f32 to vector<16xf32>
        %parallel_loop3A_988 = arith.select %parallel_loop3A_982, %parallel_loop3A_987, %parallel_loop3A_912 : vector<16xi1>, vector<16xf32>
        %parallel_loop3A_989 = arith.constant 16 : i32
        %parallel_loop3A_990 = arith.muli %parallel_loop3A_74, %parallel_loop3A_989 : i32
        %parallel_loop3A_991 = arith.constant 12 : i32
        %parallel_loop3A_992 = arith.addi %parallel_loop3A_990, %parallel_loop3A_991 : i32
        %parallel_loop3A_993 = arith.index_cast %parallel_loop3A_992 : i32 to index
        %parallel_loop3A_994 = arith.constant 0 : index
        %parallel_loop3A_995 = tpu.vector_load %arg10[%parallel_loop3A_993, %parallel_loop3A_994] {strides = array<i32>} : memref<128x128xf32, #tpu.memory_space<vmem>>, vector<16xf32>,
        %parallel_loop3A_996 = arith.index_cast %parallel_loop3A_992 : i32 to index
        %parallel_loop3A_997 = arith.constant 0 : index
        %parallel_loop3A_998 = tpu.vector_load %arg12[%parallel_loop3A_996, %parallel_loop3A_997] {strides = array<i32>} : memref<128x128xf32, #tpu.memory_space<vmem>>, vector<16xf32>,
        %parallel_loop3A_999 = arith.mulf %parallel_loop3A_995, %parallel_loop3A_998 : vector<16xf32>
        %parallel_loop3A_1000 = arith.index_cast %parallel_loop3A_992 : i32 to index
        %parallel_loop3A_1001 = arith.constant 16 : index
        %parallel_loop3A_1002 = tpu.vector_load %arg10[%parallel_loop3A_1000, %parallel_loop3A_1001] {strides = array<i32>} : memref<128x128xf32, #tpu.memory_space<vmem>>, vector<16xf32>,
        %parallel_loop3A_1003 = arith.index_cast %parallel_loop3A_992 : i32 to index
        %parallel_loop3A_1004 = arith.constant 16 : index
        %parallel_loop3A_1005 = tpu.vector_load %arg12[%parallel_loop3A_1003, %parallel_loop3A_1004] {strides = array<i32>} : memref<128x128xf32, #tpu.memory_space<vmem>>, vector<16xf32>,
        %parallel_loop3A_1006 = arith.mulf %parallel_loop3A_1002, %parallel_loop3A_1005 : vector<16xf32>
        %parallel_loop3A_1007 = arith.addf %parallel_loop3A_999, %parallel_loop3A_1006 : vector<16xf32>
        %parallel_loop3A_1008 = arith.index_cast %parallel_loop3A_992 : i32 to index
        %parallel_loop3A_1009 = arith.constant 32 : index
        %parallel_loop3A_1010 = tpu.vector_load %arg10[%parallel_loop3A_1008, %parallel_loop3A_1009] {strides = array<i32>} : memref<128x128xf32, #tpu.memory_space<vmem>>, vector<16xf32>,
        %parallel_loop3A_1011 = arith.index_cast %parallel_loop3A_992 : i32 to index
        %parallel_loop3A_1012 = arith.constant 32 : index
        %parallel_loop3A_1013 = tpu.vector_load %arg12[%parallel_loop3A_1011, %parallel_loop3A_1012] {strides = array<i32>} : memref<128x128xf32, #tpu.memory_space<vmem>>, vector<16xf32>,
        %parallel_loop3A_1014 = arith.mulf %parallel_loop3A_1010, %parallel_loop3A_1013 : vector<16xf32>
        %parallel_loop3A_1015 = arith.addf %parallel_loop3A_1007, %parallel_loop3A_1014 : vector<16xf32>
        %parallel_loop3A_1016 = arith.index_cast %parallel_loop3A_992 : i32 to index
        %parallel_loop3A_1017 = arith.constant 48 : index
        %parallel_loop3A_1018 = tpu.vector_load %arg10[%parallel_loop3A_1016, %parallel_loop3A_1017] {strides = array<i32>} : memref<128x128xf32, #tpu.memory_space<vmem>>, vector<16xf32>,
        %parallel_loop3A_1019 = arith.index_cast %parallel_loop3A_992 : i32 to index
        %parallel_loop3A_1020 = arith.constant 48 : index
        %parallel_loop3A_1021 = tpu.vector_load %arg12[%parallel_loop3A_1019, %parallel_loop3A_1020] {strides = array<i32>} : memref<128x128xf32, #tpu.memory_space<vmem>>, vector<16xf32>,
        %parallel_loop3A_1022 = arith.mulf %parallel_loop3A_1018, %parallel_loop3A_1021 : vector<16xf32>
        %parallel_loop3A_1023 = arith.addf %parallel_loop3A_1015, %parallel_loop3A_1022 : vector<16xf32>
        %parallel_loop3A_1024 = arith.index_cast %parallel_loop3A_992 : i32 to index
        %parallel_loop3A_1025 = arith.constant 64 : index
        %parallel_loop3A_1026 = tpu.vector_load %arg10[%parallel_loop3A_1024, %parallel_loop3A_1025] {strides = array<i32>} : memref<128x128xf32, #tpu.memory_space<vmem>>, vector<16xf32>,
        %parallel_loop3A_1027 = arith.index_cast %parallel_loop3A_992 : i32 to index
        %parallel_loop3A_1028 = arith.constant 64 : index
        %parallel_loop3A_1029 = tpu.vector_load %arg12[%parallel_loop3A_1027, %parallel_loop3A_1028] {strides = array<i32>} : memref<128x128xf32, #tpu.memory_space<vmem>>, vector<16xf32>,
        %parallel_loop3A_1030 = arith.mulf %parallel_loop3A_1026, %parallel_loop3A_1029 : vector<16xf32>
        %parallel_loop3A_1031 = arith.addf %parallel_loop3A_1023, %parallel_loop3A_1030 : vector<16xf32>
        %parallel_loop3A_1032 = arith.index_cast %parallel_loop3A_992 : i32 to index
        %parallel_loop3A_1033 = arith.constant 80 : index
        %parallel_loop3A_1034 = tpu.vector_load %arg10[%parallel_loop3A_1032, %parallel_loop3A_1033] {strides = array<i32>} : memref<128x128xf32, #tpu.memory_space<vmem>>, vector<16xf32>,
        %parallel_loop3A_1035 = arith.index_cast %parallel_loop3A_992 : i32 to index
        %parallel_loop3A_1036 = arith.constant 80 : index
        %parallel_loop3A_1037 = tpu.vector_load %arg12[%parallel_loop3A_1035, %parallel_loop3A_1036] {strides = array<i32>} : memref<128x128xf32, #tpu.memory_space<vmem>>, vector<16xf32>,
        %parallel_loop3A_1038 = arith.mulf %parallel_loop3A_1034, %parallel_loop3A_1037 : vector<16xf32>
        %parallel_loop3A_1039 = arith.addf %parallel_loop3A_1031, %parallel_loop3A_1038 : vector<16xf32>
        %parallel_loop3A_1040 = arith.index_cast %parallel_loop3A_992 : i32 to index
        %parallel_loop3A_1041 = arith.constant 96 : index
        %parallel_loop3A_1042 = tpu.vector_load %arg10[%parallel_loop3A_1040, %parallel_loop3A_1041] {strides = array<i32>} : memref<128x128xf32, #tpu.memory_space<vmem>>, vector<16xf32>,
        %parallel_loop3A_1043 = arith.index_cast %parallel_loop3A_992 : i32 to index
        %parallel_loop3A_1044 = arith.constant 96 : index
        %parallel_loop3A_1045 = tpu.vector_load %arg12[%parallel_loop3A_1043, %parallel_loop3A_1044] {strides = array<i32>} : memref<128x128xf32, #tpu.memory_space<vmem>>, vector<16xf32>,
        %parallel_loop3A_1046 = arith.mulf %parallel_loop3A_1042, %parallel_loop3A_1045 : vector<16xf32>
        %parallel_loop3A_1047 = arith.addf %parallel_loop3A_1039, %parallel_loop3A_1046 : vector<16xf32>
        %parallel_loop3A_1048 = arith.index_cast %parallel_loop3A_992 : i32 to index
        %parallel_loop3A_1049 = arith.constant 112 : index
        %parallel_loop3A_1050 = tpu.vector_load %arg10[%parallel_loop3A_1048, %parallel_loop3A_1049] {strides = array<i32>} : memref<128x128xf32, #tpu.memory_space<vmem>>, vector<16xf32>,
        %parallel_loop3A_1051 = arith.index_cast %parallel_loop3A_992 : i32 to index
        %parallel_loop3A_1052 = arith.constant 112 : index
        %parallel_loop3A_1053 = tpu.vector_load %arg12[%parallel_loop3A_1051, %parallel_loop3A_1052] {strides = array<i32>} : memref<128x128xf32, #tpu.memory_space<vmem>>, vector<16xf32>,
        %parallel_loop3A_1054 = arith.mulf %parallel_loop3A_1050, %parallel_loop3A_1053 : vector<16xf32>
        %parallel_loop3A_1055 = arith.addf %parallel_loop3A_1047, %parallel_loop3A_1054 : vector<16xf32>
        %parallel_loop3A_1056 = arith.constant 12 : i32
        %parallel_loop3A_1057 = vector.broadcast %parallel_loop3A_1056 : i32 to vector<16xi32>
        %parallel_loop3A_1058 = arith.cmpi eq, %iota3A, %parallel_loop3A_1057 : vector<16xi32>
        %parallel_loop3A_1059 = arith.constant true
        %parallel_loop3A_1060 = vector.broadcast %parallel_loop3A_1059 : i1 to vector<16xi1>
        %parallel_loop3A_1061 = tpu.scan <sum>, %parallel_loop3A_1055 masked %parallel_loop3A_1060 : vector<16xf32>, vector<16xi1> -> vector<16xf32>
        %parallel_loop3A_1062 = vector.extract %parallel_loop3A_1061[15] : f32 from vector<16xf32>
        %parallel_loop3A_1063 = vector.broadcast %parallel_loop3A_1062 : f32 to vector<16xf32>
        %parallel_loop3A_1064 = arith.select %parallel_loop3A_1058, %parallel_loop3A_1063, %parallel_loop3A_988 : vector<16xi1>, vector<16xf32>
        %parallel_loop3A_1065 = arith.constant 16 : i32
        %parallel_loop3A_1066 = arith.muli %parallel_loop3A_74, %parallel_loop3A_1065 : i32
        %parallel_loop3A_1067 = arith.constant 13 : i32
        %parallel_loop3A_1068 = arith.addi %parallel_loop3A_1066, %parallel_loop3A_1067 : i32
        %parallel_loop3A_1069 = arith.index_cast %parallel_loop3A_1068 : i32 to index
        %parallel_loop3A_1070 = arith.constant 0 : index
        %parallel_loop3A_1071 = tpu.vector_load %arg10[%parallel_loop3A_1069, %parallel_loop3A_1070] {strides = array<i32>} : memref<128x128xf32, #tpu.memory_space<vmem>>, vector<16xf32>,
        %parallel_loop3A_1072 = arith.index_cast %parallel_loop3A_1068 : i32 to index
        %parallel_loop3A_1073 = arith.constant 0 : index
        %parallel_loop3A_1074 = tpu.vector_load %arg12[%parallel_loop3A_1072, %parallel_loop3A_1073] {strides = array<i32>} : memref<128x128xf32, #tpu.memory_space<vmem>>, vector<16xf32>,
        %parallel_loop3A_1075 = arith.mulf %parallel_loop3A_1071, %parallel_loop3A_1074 : vector<16xf32>
        %parallel_loop3A_1076 = arith.index_cast %parallel_loop3A_1068 : i32 to index
        %parallel_loop3A_1077 = arith.constant 16 : index
        %parallel_loop3A_1078 = tpu.vector_load %arg10[%parallel_loop3A_1076, %parallel_loop3A_1077] {strides = array<i32>} : memref<128x128xf32, #tpu.memory_space<vmem>>, vector<16xf32>,
        %parallel_loop3A_1079 = arith.index_cast %parallel_loop3A_1068 : i32 to index
        %parallel_loop3A_1080 = arith.constant 16 : index
        %parallel_loop3A_1081 = tpu.vector_load %arg12[%parallel_loop3A_1079, %parallel_loop3A_1080] {strides = array<i32>} : memref<128x128xf32, #tpu.memory_space<vmem>>, vector<16xf32>,
        %parallel_loop3A_1082 = arith.mulf %parallel_loop3A_1078, %parallel_loop3A_1081 : vector<16xf32>
        %parallel_loop3A_1083 = arith.addf %parallel_loop3A_1075, %parallel_loop3A_1082 : vector<16xf32>
        %parallel_loop3A_1084 = arith.index_cast %parallel_loop3A_1068 : i32 to index
        %parallel_loop3A_1085 = arith.constant 32 : index
        %parallel_loop3A_1086 = tpu.vector_load %arg10[%parallel_loop3A_1084, %parallel_loop3A_1085] {strides = array<i32>} : memref<128x128xf32, #tpu.memory_space<vmem>>, vector<16xf32>,
        %parallel_loop3A_1087 = arith.index_cast %parallel_loop3A_1068 : i32 to index
        %parallel_loop3A_1088 = arith.constant 32 : index
        %parallel_loop3A_1089 = tpu.vector_load %arg12[%parallel_loop3A_1087, %parallel_loop3A_1088] {strides = array<i32>} : memref<128x128xf32, #tpu.memory_space<vmem>>, vector<16xf32>,
        %parallel_loop3A_1090 = arith.mulf %parallel_loop3A_1086, %parallel_loop3A_1089 : vector<16xf32>
        %parallel_loop3A_1091 = arith.addf %parallel_loop3A_1083, %parallel_loop3A_1090 : vector<16xf32>
        %parallel_loop3A_1092 = arith.index_cast %parallel_loop3A_1068 : i32 to index
        %parallel_loop3A_1093 = arith.constant 48 : index
        %parallel_loop3A_1094 = tpu.vector_load %arg10[%parallel_loop3A_1092, %parallel_loop3A_1093] {strides = array<i32>} : memref<128x128xf32, #tpu.memory_space<vmem>>, vector<16xf32>,
        %parallel_loop3A_1095 = arith.index_cast %parallel_loop3A_1068 : i32 to index
        %parallel_loop3A_1096 = arith.constant 48 : index
        %parallel_loop3A_1097 = tpu.vector_load %arg12[%parallel_loop3A_1095, %parallel_loop3A_1096] {strides = array<i32>} : memref<128x128xf32, #tpu.memory_space<vmem>>, vector<16xf32>,
        %parallel_loop3A_1098 = arith.mulf %parallel_loop3A_1094, %parallel_loop3A_1097 : vector<16xf32>
        %parallel_loop3A_1099 = arith.addf %parallel_loop3A_1091, %parallel_loop3A_1098 : vector<16xf32>
        %parallel_loop3A_1100 = arith.index_cast %parallel_loop3A_1068 : i32 to index
        %parallel_loop3A_1101 = arith.constant 64 : index
        %parallel_loop3A_1102 = tpu.vector_load %arg10[%parallel_loop3A_1100, %parallel_loop3A_1101] {strides = array<i32>} : memref<128x128xf32, #tpu.memory_space<vmem>>, vector<16xf32>,
        %parallel_loop3A_1103 = arith.index_cast %parallel_loop3A_1068 : i32 to index
        %parallel_loop3A_1104 = arith.constant 64 : index
        %parallel_loop3A_1105 = tpu.vector_load %arg12[%parallel_loop3A_1103, %parallel_loop3A_1104] {strides = array<i32>} : memref<128x128xf32, #tpu.memory_space<vmem>>, vector<16xf32>,
        %parallel_loop3A_1106 = arith.mulf %parallel_loop3A_1102, %parallel_loop3A_1105 : vector<16xf32>
        %parallel_loop3A_1107 = arith.addf %parallel_loop3A_1099, %parallel_loop3A_1106 : vector<16xf32>
        %parallel_loop3A_1108 = arith.index_cast %parallel_loop3A_1068 : i32 to index
        %parallel_loop3A_1109 = arith.constant 80 : index
        %parallel_loop3A_1110 = tpu.vector_load %arg10[%parallel_loop3A_1108, %parallel_loop3A_1109] {strides = array<i32>} : memref<128x128xf32, #tpu.memory_space<vmem>>, vector<16xf32>,
        %parallel_loop3A_1111 = arith.index_cast %parallel_loop3A_1068 : i32 to index
        %parallel_loop3A_1112 = arith.constant 80 : index
        %parallel_loop3A_1113 = tpu.vector_load %arg12[%parallel_loop3A_1111, %parallel_loop3A_1112] {strides = array<i32>} : memref<128x128xf32, #tpu.memory_space<vmem>>, vector<16xf32>,
        %parallel_loop3A_1114 = arith.mulf %parallel_loop3A_1110, %parallel_loop3A_1113 : vector<16xf32>
        %parallel_loop3A_1115 = arith.addf %parallel_loop3A_1107, %parallel_loop3A_1114 : vector<16xf32>
        %parallel_loop3A_1116 = arith.index_cast %parallel_loop3A_1068 : i32 to index
        %parallel_loop3A_1117 = arith.constant 96 : index
        %parallel_loop3A_1118 = tpu.vector_load %arg10[%parallel_loop3A_1116, %parallel_loop3A_1117] {strides = array<i32>} : memref<128x128xf32, #tpu.memory_space<vmem>>, vector<16xf32>,
        %parallel_loop3A_1119 = arith.index_cast %parallel_loop3A_1068 : i32 to index
        %parallel_loop3A_1120 = arith.constant 96 : index
        %parallel_loop3A_1121 = tpu.vector_load %arg12[%parallel_loop3A_1119, %parallel_loop3A_1120] {strides = array<i32>} : memref<128x128xf32, #tpu.memory_space<vmem>>, vector<16xf32>,
        %parallel_loop3A_1122 = arith.mulf %parallel_loop3A_1118, %parallel_loop3A_1121 : vector<16xf32>
        %parallel_loop3A_1123 = arith.addf %parallel_loop3A_1115, %parallel_loop3A_1122 : vector<16xf32>
        %parallel_loop3A_1124 = arith.index_cast %parallel_loop3A_1068 : i32 to index
        %parallel_loop3A_1125 = arith.constant 112 : index
        %parallel_loop3A_1126 = tpu.vector_load %arg10[%parallel_loop3A_1124, %parallel_loop3A_1125] {strides = array<i32>} : memref<128x128xf32, #tpu.memory_space<vmem>>, vector<16xf32>,
        %parallel_loop3A_1127 = arith.index_cast %parallel_loop3A_1068 : i32 to index
        %parallel_loop3A_1128 = arith.constant 112 : index
        %parallel_loop3A_1129 = tpu.vector_load %arg12[%parallel_loop3A_1127, %parallel_loop3A_1128] {strides = array<i32>} : memref<128x128xf32, #tpu.memory_space<vmem>>, vector<16xf32>,
        %parallel_loop3A_1130 = arith.mulf %parallel_loop3A_1126, %parallel_loop3A_1129 : vector<16xf32>
        %parallel_loop3A_1131 = arith.addf %parallel_loop3A_1123, %parallel_loop3A_1130 : vector<16xf32>
        %parallel_loop3A_1132 = arith.constant 13 : i32
        %parallel_loop3A_1133 = vector.broadcast %parallel_loop3A_1132 : i32 to vector<16xi32>
        %parallel_loop3A_1134 = arith.cmpi eq, %iota3A, %parallel_loop3A_1133 : vector<16xi32>
        %parallel_loop3A_1135 = arith.constant true
        %parallel_loop3A_1136 = vector.broadcast %parallel_loop3A_1135 : i1 to vector<16xi1>
        %parallel_loop3A_1137 = tpu.scan <sum>, %parallel_loop3A_1131 masked %parallel_loop3A_1136 : vector<16xf32>, vector<16xi1> -> vector<16xf32>
        %parallel_loop3A_1138 = vector.extract %parallel_loop3A_1137[15] : f32 from vector<16xf32>
        %parallel_loop3A_1139 = vector.broadcast %parallel_loop3A_1138 : f32 to vector<16xf32>
        %parallel_loop3A_1140 = arith.select %parallel_loop3A_1134, %parallel_loop3A_1139, %parallel_loop3A_1064 : vector<16xi1>, vector<16xf32>
        %parallel_loop3A_1141 = arith.constant 16 : i32
        %parallel_loop3A_1142 = arith.muli %parallel_loop3A_74, %parallel_loop3A_1141 : i32
        %parallel_loop3A_1143 = arith.constant 14 : i32
        %parallel_loop3A_1144 = arith.addi %parallel_loop3A_1142, %parallel_loop3A_1143 : i32
        %parallel_loop3A_1145 = arith.index_cast %parallel_loop3A_1144 : i32 to index
        %parallel_loop3A_1146 = arith.constant 0 : index
        %parallel_loop3A_1147 = tpu.vector_load %arg10[%parallel_loop3A_1145, %parallel_loop3A_1146] {strides = array<i32>} : memref<128x128xf32, #tpu.memory_space<vmem>>, vector<16xf32>,
        %parallel_loop3A_1148 = arith.index_cast %parallel_loop3A_1144 : i32 to index
        %parallel_loop3A_1149 = arith.constant 0 : index
        %parallel_loop3A_1150 = tpu.vector_load %arg12[%parallel_loop3A_1148, %parallel_loop3A_1149] {strides = array<i32>} : memref<128x128xf32, #tpu.memory_space<vmem>>, vector<16xf32>,
        %parallel_loop3A_1151 = arith.mulf %parallel_loop3A_1147, %parallel_loop3A_1150 : vector<16xf32>
        %parallel_loop3A_1152 = arith.index_cast %parallel_loop3A_1144 : i32 to index
        %parallel_loop3A_1153 = arith.constant 16 : index
        %parallel_loop3A_1154 = tpu.vector_load %arg10[%parallel_loop3A_1152, %parallel_loop3A_1153] {strides = array<i32>} : memref<128x128xf32, #tpu.memory_space<vmem>>, vector<16xf32>,
        %parallel_loop3A_1155 = arith.index_cast %parallel_loop3A_1144 : i32 to index
        %parallel_loop3A_1156 = arith.constant 16 : index
        %parallel_loop3A_1157 = tpu.vector_load %arg12[%parallel_loop3A_1155, %parallel_loop3A_1156] {strides = array<i32>} : memref<128x128xf32, #tpu.memory_space<vmem>>, vector<16xf32>,
        %parallel_loop3A_1158 = arith.mulf %parallel_loop3A_1154, %parallel_loop3A_1157 : vector<16xf32>
        %parallel_loop3A_1159 = arith.addf %parallel_loop3A_1151, %parallel_loop3A_1158 : vector<16xf32>
        %parallel_loop3A_1160 = arith.index_cast %parallel_loop3A_1144 : i32 to index
        %parallel_loop3A_1161 = arith.constant 32 : index
        %parallel_loop3A_1162 = tpu.vector_load %arg10[%parallel_loop3A_1160, %parallel_loop3A_1161] {strides = array<i32>} : memref<128x128xf32, #tpu.memory_space<vmem>>, vector<16xf32>,
        %parallel_loop3A_1163 = arith.index_cast %parallel_loop3A_1144 : i32 to index
        %parallel_loop3A_1164 = arith.constant 32 : index
        %parallel_loop3A_1165 = tpu.vector_load %arg12[%parallel_loop3A_1163, %parallel_loop3A_1164] {strides = array<i32>} : memref<128x128xf32, #tpu.memory_space<vmem>>, vector<16xf32>,
        %parallel_loop3A_1166 = arith.mulf %parallel_loop3A_1162, %parallel_loop3A_1165 : vector<16xf32>
        %parallel_loop3A_1167 = arith.addf %parallel_loop3A_1159, %parallel_loop3A_1166 : vector<16xf32>
        %parallel_loop3A_1168 = arith.index_cast %parallel_loop3A_1144 : i32 to index
        %parallel_loop3A_1169 = arith.constant 48 : index
        %parallel_loop3A_1170 = tpu.vector_load %arg10[%parallel_loop3A_1168, %parallel_loop3A_1169] {strides = array<i32>} : memref<128x128xf32, #tpu.memory_space<vmem>>, vector<16xf32>,
        %parallel_loop3A_1171 = arith.index_cast %parallel_loop3A_1144 : i32 to index
        %parallel_loop3A_1172 = arith.constant 48 : index
        %parallel_loop3A_1173 = tpu.vector_load %arg12[%parallel_loop3A_1171, %parallel_loop3A_1172] {strides = array<i32>} : memref<128x128xf32, #tpu.memory_space<vmem>>, vector<16xf32>,
        %parallel_loop3A_1174 = arith.mulf %parallel_loop3A_1170, %parallel_loop3A_1173 : vector<16xf32>
        %parallel_loop3A_1175 = arith.addf %parallel_loop3A_1167, %parallel_loop3A_1174 : vector<16xf32>
        %parallel_loop3A_1176 = arith.index_cast %parallel_loop3A_1144 : i32 to index
        %parallel_loop3A_1177 = arith.constant 64 : index
        %parallel_loop3A_1178 = tpu.vector_load %arg10[%parallel_loop3A_1176, %parallel_loop3A_1177] {strides = array<i32>} : memref<128x128xf32, #tpu.memory_space<vmem>>, vector<16xf32>,
        %parallel_loop3A_1179 = arith.index_cast %parallel_loop3A_1144 : i32 to index
        %parallel_loop3A_1180 = arith.constant 64 : index
        %parallel_loop3A_1181 = tpu.vector_load %arg12[%parallel_loop3A_1179, %parallel_loop3A_1180] {strides = array<i32>} : memref<128x128xf32, #tpu.memory_space<vmem>>, vector<16xf32>,
        %parallel_loop3A_1182 = arith.mulf %parallel_loop3A_1178, %parallel_loop3A_1181 : vector<16xf32>
        %parallel_loop3A_1183 = arith.addf %parallel_loop3A_1175, %parallel_loop3A_1182 : vector<16xf32>
        %parallel_loop3A_1184 = arith.index_cast %parallel_loop3A_1144 : i32 to index
        %parallel_loop3A_1185 = arith.constant 80 : index
        %parallel_loop3A_1186 = tpu.vector_load %arg10[%parallel_loop3A_1184, %parallel_loop3A_1185] {strides = array<i32>} : memref<128x128xf32, #tpu.memory_space<vmem>>, vector<16xf32>,
        %parallel_loop3A_1187 = arith.index_cast %parallel_loop3A_1144 : i32 to index
        %parallel_loop3A_1188 = arith.constant 80 : index
        %parallel_loop3A_1189 = tpu.vector_load %arg12[%parallel_loop3A_1187, %parallel_loop3A_1188] {strides = array<i32>} : memref<128x128xf32, #tpu.memory_space<vmem>>, vector<16xf32>,
        %parallel_loop3A_1190 = arith.mulf %parallel_loop3A_1186, %parallel_loop3A_1189 : vector<16xf32>
        %parallel_loop3A_1191 = arith.addf %parallel_loop3A_1183, %parallel_loop3A_1190 : vector<16xf32>
        %parallel_loop3A_1192 = arith.index_cast %parallel_loop3A_1144 : i32 to index
        %parallel_loop3A_1193 = arith.constant 96 : index
        %parallel_loop3A_1194 = tpu.vector_load %arg10[%parallel_loop3A_1192, %parallel_loop3A_1193] {strides = array<i32>} : memref<128x128xf32, #tpu.memory_space<vmem>>, vector<16xf32>,
        %parallel_loop3A_1195 = arith.index_cast %parallel_loop3A_1144 : i32 to index
        %parallel_loop3A_1196 = arith.constant 96 : index
        %parallel_loop3A_1197 = tpu.vector_load %arg12[%parallel_loop3A_1195, %parallel_loop3A_1196] {strides = array<i32>} : memref<128x128xf32, #tpu.memory_space<vmem>>, vector<16xf32>,
        %parallel_loop3A_1198 = arith.mulf %parallel_loop3A_1194, %parallel_loop3A_1197 : vector<16xf32>
        %parallel_loop3A_1199 = arith.addf %parallel_loop3A_1191, %parallel_loop3A_1198 : vector<16xf32>
        %parallel_loop3A_1200 = arith.index_cast %parallel_loop3A_1144 : i32 to index
        %parallel_loop3A_1201 = arith.constant 112 : index
        %parallel_loop3A_1202 = tpu.vector_load %arg10[%parallel_loop3A_1200, %parallel_loop3A_1201] {strides = array<i32>} : memref<128x128xf32, #tpu.memory_space<vmem>>, vector<16xf32>,
        %parallel_loop3A_1203 = arith.index_cast %parallel_loop3A_1144 : i32 to index
        %parallel_loop3A_1204 = arith.constant 112 : index
        %parallel_loop3A_1205 = tpu.vector_load %arg12[%parallel_loop3A_1203, %parallel_loop3A_1204] {strides = array<i32>} : memref<128x128xf32, #tpu.memory_space<vmem>>, vector<16xf32>,
        %parallel_loop3A_1206 = arith.mulf %parallel_loop3A_1202, %parallel_loop3A_1205 : vector<16xf32>
        %parallel_loop3A_1207 = arith.addf %parallel_loop3A_1199, %parallel_loop3A_1206 : vector<16xf32>
        %parallel_loop3A_1208 = arith.constant 14 : i32
        %parallel_loop3A_1209 = vector.broadcast %parallel_loop3A_1208 : i32 to vector<16xi32>
        %parallel_loop3A_1210 = arith.cmpi eq, %iota3A, %parallel_loop3A_1209 : vector<16xi32>
        %parallel_loop3A_1211 = arith.constant true
        %parallel_loop3A_1212 = vector.broadcast %parallel_loop3A_1211 : i1 to vector<16xi1>
        %parallel_loop3A_1213 = tpu.scan <sum>, %parallel_loop3A_1207 masked %parallel_loop3A_1212 : vector<16xf32>, vector<16xi1> -> vector<16xf32>
        %parallel_loop3A_1214 = vector.extract %parallel_loop3A_1213[15] : f32 from vector<16xf32>
        %parallel_loop3A_1215 = vector.broadcast %parallel_loop3A_1214 : f32 to vector<16xf32>
        %parallel_loop3A_1216 = arith.select %parallel_loop3A_1210, %parallel_loop3A_1215, %parallel_loop3A_1140 : vector<16xi1>, vector<16xf32>
        %parallel_loop3A_1217 = arith.constant 16 : i32
        %parallel_loop3A_1218 = arith.muli %parallel_loop3A_74, %parallel_loop3A_1217 : i32
        %parallel_loop3A_1219 = arith.constant 15 : i32
        %parallel_loop3A_1220 = arith.addi %parallel_loop3A_1218, %parallel_loop3A_1219 : i32
        %parallel_loop3A_1221 = arith.index_cast %parallel_loop3A_1220 : i32 to index
        %parallel_loop3A_1222 = arith.constant 0 : index
        %parallel_loop3A_1223 = tpu.vector_load %arg10[%parallel_loop3A_1221, %parallel_loop3A_1222] {strides = array<i32>} : memref<128x128xf32, #tpu.memory_space<vmem>>, vector<16xf32>,
        %parallel_loop3A_1224 = arith.index_cast %parallel_loop3A_1220 : i32 to index
        %parallel_loop3A_1225 = arith.constant 0 : index
        %parallel_loop3A_1226 = tpu.vector_load %arg12[%parallel_loop3A_1224, %parallel_loop3A_1225] {strides = array<i32>} : memref<128x128xf32, #tpu.memory_space<vmem>>, vector<16xf32>,
        %parallel_loop3A_1227 = arith.mulf %parallel_loop3A_1223, %parallel_loop3A_1226 : vector<16xf32>
        %parallel_loop3A_1228 = arith.index_cast %parallel_loop3A_1220 : i32 to index
        %parallel_loop3A_1229 = arith.constant 16 : index
        %parallel_loop3A_1230 = tpu.vector_load %arg10[%parallel_loop3A_1228, %parallel_loop3A_1229] {strides = array<i32>} : memref<128x128xf32, #tpu.memory_space<vmem>>, vector<16xf32>,
        %parallel_loop3A_1231 = arith.index_cast %parallel_loop3A_1220 : i32 to index
        %parallel_loop3A_1232 = arith.constant 16 : index
        %parallel_loop3A_1233 = tpu.vector_load %arg12[%parallel_loop3A_1231, %parallel_loop3A_1232] {strides = array<i32>} : memref<128x128xf32, #tpu.memory_space<vmem>>, vector<16xf32>,
        %parallel_loop3A_1234 = arith.mulf %parallel_loop3A_1230, %parallel_loop3A_1233 : vector<16xf32>
        %parallel_loop3A_1235 = arith.addf %parallel_loop3A_1227, %parallel_loop3A_1234 : vector<16xf32>
        %parallel_loop3A_1236 = arith.index_cast %parallel_loop3A_1220 : i32 to index
        %parallel_loop3A_1237 = arith.constant 32 : index
        %parallel_loop3A_1238 = tpu.vector_load %arg10[%parallel_loop3A_1236, %parallel_loop3A_1237] {strides = array<i32>} : memref<128x128xf32, #tpu.memory_space<vmem>>, vector<16xf32>,
        %parallel_loop3A_1239 = arith.index_cast %parallel_loop3A_1220 : i32 to index
        %parallel_loop3A_1240 = arith.constant 32 : index
        %parallel_loop3A_1241 = tpu.vector_load %arg12[%parallel_loop3A_1239, %parallel_loop3A_1240] {strides = array<i32>} : memref<128x128xf32, #tpu.memory_space<vmem>>, vector<16xf32>,
        %parallel_loop3A_1242 = arith.mulf %parallel_loop3A_1238, %parallel_loop3A_1241 : vector<16xf32>
        %parallel_loop3A_1243 = arith.addf %parallel_loop3A_1235, %parallel_loop3A_1242 : vector<16xf32>
        %parallel_loop3A_1244 = arith.index_cast %parallel_loop3A_1220 : i32 to index
        %parallel_loop3A_1245 = arith.constant 48 : index
        %parallel_loop3A_1246 = tpu.vector_load %arg10[%parallel_loop3A_1244, %parallel_loop3A_1245] {strides = array<i32>} : memref<128x128xf32, #tpu.memory_space<vmem>>, vector<16xf32>,
        %parallel_loop3A_1247 = arith.index_cast %parallel_loop3A_1220 : i32 to index
        %parallel_loop3A_1248 = arith.constant 48 : index
        %parallel_loop3A_1249 = tpu.vector_load %arg12[%parallel_loop3A_1247, %parallel_loop3A_1248] {strides = array<i32>} : memref<128x128xf32, #tpu.memory_space<vmem>>, vector<16xf32>,
        %parallel_loop3A_1250 = arith.mulf %parallel_loop3A_1246, %parallel_loop3A_1249 : vector<16xf32>
        %parallel_loop3A_1251 = arith.addf %parallel_loop3A_1243, %parallel_loop3A_1250 : vector<16xf32>
        %parallel_loop3A_1252 = arith.index_cast %parallel_loop3A_1220 : i32 to index
        %parallel_loop3A_1253 = arith.constant 64 : index
        %parallel_loop3A_1254 = tpu.vector_load %arg10[%parallel_loop3A_1252, %parallel_loop3A_1253] {strides = array<i32>} : memref<128x128xf32, #tpu.memory_space<vmem>>, vector<16xf32>,
        %parallel_loop3A_1255 = arith.index_cast %parallel_loop3A_1220 : i32 to index
        %parallel_loop3A_1256 = arith.constant 64 : index
        %parallel_loop3A_1257 = tpu.vector_load %arg12[%parallel_loop3A_1255, %parallel_loop3A_1256] {strides = array<i32>} : memref<128x128xf32, #tpu.memory_space<vmem>>, vector<16xf32>,
        %parallel_loop3A_1258 = arith.mulf %parallel_loop3A_1254, %parallel_loop3A_1257 : vector<16xf32>
        %parallel_loop3A_1259 = arith.addf %parallel_loop3A_1251, %parallel_loop3A_1258 : vector<16xf32>
        %parallel_loop3A_1260 = arith.index_cast %parallel_loop3A_1220 : i32 to index
        %parallel_loop3A_1261 = arith.constant 80 : index
        %parallel_loop3A_1262 = tpu.vector_load %arg10[%parallel_loop3A_1260, %parallel_loop3A_1261] {strides = array<i32>} : memref<128x128xf32, #tpu.memory_space<vmem>>, vector<16xf32>,
        %parallel_loop3A_1263 = arith.index_cast %parallel_loop3A_1220 : i32 to index
        %parallel_loop3A_1264 = arith.constant 80 : index
        %parallel_loop3A_1265 = tpu.vector_load %arg12[%parallel_loop3A_1263, %parallel_loop3A_1264] {strides = array<i32>} : memref<128x128xf32, #tpu.memory_space<vmem>>, vector<16xf32>,
        %parallel_loop3A_1266 = arith.mulf %parallel_loop3A_1262, %parallel_loop3A_1265 : vector<16xf32>
        %parallel_loop3A_1267 = arith.addf %parallel_loop3A_1259, %parallel_loop3A_1266 : vector<16xf32>
        %parallel_loop3A_1268 = arith.index_cast %parallel_loop3A_1220 : i32 to index
        %parallel_loop3A_1269 = arith.constant 96 : index
        %parallel_loop3A_1270 = tpu.vector_load %arg10[%parallel_loop3A_1268, %parallel_loop3A_1269] {strides = array<i32>} : memref<128x128xf32, #tpu.memory_space<vmem>>, vector<16xf32>,
        %parallel_loop3A_1271 = arith.index_cast %parallel_loop3A_1220 : i32 to index
        %parallel_loop3A_1272 = arith.constant 96 : index
        %parallel_loop3A_1273 = tpu.vector_load %arg12[%parallel_loop3A_1271, %parallel_loop3A_1272] {strides = array<i32>} : memref<128x128xf32, #tpu.memory_space<vmem>>, vector<16xf32>,
        %parallel_loop3A_1274 = arith.mulf %parallel_loop3A_1270, %parallel_loop3A_1273 : vector<16xf32>
        %parallel_loop3A_1275 = arith.addf %parallel_loop3A_1267, %parallel_loop3A_1274 : vector<16xf32>
        %parallel_loop3A_1276 = arith.index_cast %parallel_loop3A_1220 : i32 to index
        %parallel_loop3A_1277 = arith.constant 112 : index
        %parallel_loop3A_1278 = tpu.vector_load %arg10[%parallel_loop3A_1276, %parallel_loop3A_1277] {strides = array<i32>} : memref<128x128xf32, #tpu.memory_space<vmem>>, vector<16xf32>,
        %parallel_loop3A_1279 = arith.index_cast %parallel_loop3A_1220 : i32 to index
        %parallel_loop3A_1280 = arith.constant 112 : index
        %parallel_loop3A_1281 = tpu.vector_load %arg12[%parallel_loop3A_1279, %parallel_loop3A_1280] {strides = array<i32>} : memref<128x128xf32, #tpu.memory_space<vmem>>, vector<16xf32>,
        %parallel_loop3A_1282 = arith.mulf %parallel_loop3A_1278, %parallel_loop3A_1281 : vector<16xf32>
        %parallel_loop3A_1283 = arith.addf %parallel_loop3A_1275, %parallel_loop3A_1282 : vector<16xf32>
        %parallel_loop3A_1284 = arith.constant 15 : i32
        %parallel_loop3A_1285 = vector.broadcast %parallel_loop3A_1284 : i32 to vector<16xi32>
        %parallel_loop3A_1286 = arith.cmpi eq, %iota3A, %parallel_loop3A_1285 : vector<16xi32>
        %parallel_loop3A_1287 = arith.constant true
        %parallel_loop3A_1288 = vector.broadcast %parallel_loop3A_1287 : i1 to vector<16xi1>
        %parallel_loop3A_1289 = tpu.scan <sum>, %parallel_loop3A_1283 masked %parallel_loop3A_1288 : vector<16xf32>, vector<16xi1> -> vector<16xf32>
        %parallel_loop3A_1290 = vector.extract %parallel_loop3A_1289[15] : f32 from vector<16xf32>
        %parallel_loop3A_1291 = vector.broadcast %parallel_loop3A_1290 : f32 to vector<16xf32>
        %parallel_loop3A_1292 = arith.select %parallel_loop3A_1286, %parallel_loop3A_1291, %parallel_loop3A_1216 : vector<16xi1>, vector<16xf32>
        %parallel_loop3A_1293 = arith.constant 16 : i32
        %parallel_loop3A_1294 = arith.muli %parallel_loop3A_74, %parallel_loop3A_1293 : i32
        %parallel_loop3A_1295 = arith.index_cast %add3A_70 : i32 to index
        %parallel_loop3A_1296 = arith.index_cast %parallel_loop3A_1294 : i32 to index
        %parallel_loop3A_1297 = tpu.vector_load %arg13[%parallel_loop3A_1295, %parallel_loop3A_1296] {strides = array<i32>} : memref<24x128xf32, #tpu.memory_space<vmem>>, vector<16xf32>,
        tpu.vector_store %arg13[%parallel_loop3A_1295, %parallel_loop3A_1296], %parallel_loop3A_1292 {strides = array<i32>} : memref<24x128xf32, #tpu.memory_space<vmem>>, vector<16xf32>,
      } {sc.loop_unroll_factor = 2 : i64, sc.parallel_access}
    }
    %scan3A_18 = arith.constant 12 : i32
    "tpu.region"() ({
      %run_scoped3A = tpu.sem_alloc : memref<!tpu.dma_semaphore, #tpu.memory_space<semaphore_mem>>
      %dma_start3A_19 = arith.constant 0 : i32
      %dma_start3A_20 = arith.constant 0 : i32
      %dma_start3A_21 = tpu.memref_slice %arg6[%add3A, %dma_start3A_19, %dma_start3A_20] : memref<32x24x128xf32, #tpu.memory_space<hbm>> -> memref<1x24x128xf32, #tpu.memory_space<hbm>>
      %dma_start3A_22 = tpu.memref_squeeze %dma_start3A_21 : memref<1x24x128xf32, #tpu.memory_space<hbm>> -> memref<24x128xf32, #tpu.memory_space<hbm>>
      %dma_start3A_23 = arith.constant 0 : i32
      %dma_start3A_24 = arith.constant 0 : i32
      %dma_start3A_25 = tpu.memref_slice %arg6[%add3A, %dma_start3A_23, %dma_start3A_24] : memref<32x24x128xf32, #tpu.memory_space<hbm>> -> memref<1x24x128xf32, #tpu.memory_space<hbm>>
      %dma_start3A_26 = tpu.memref_squeeze %dma_start3A_25 : memref<1x24x128xf32, #tpu.memory_space<hbm>> -> memref<24x128xf32, #tpu.memory_space<hbm>>
      tpu.enqueue_dma source(%arg13 : memref<24x128xf32, #tpu.memory_space<vmem>>) target(%dma_start3A_26 : memref<24x128xf32, #tpu.memory_space<hbm>>) target_semaphore(%run_scoped3A : memref<!tpu.dma_semaphore, #tpu.memory_space<semaphore_mem>>)
      %dma_wait3A = arith.constant 0 : i32
      %dma_wait3A_27 = arith.constant 0 : i32
      %dma_wait3A_28 = tpu.memref_slice %arg6[%add3A, %dma_wait3A, %dma_wait3A_27] : memref<32x24x128xf32, #tpu.memory_space<hbm>> -> memref<1x24x128xf32, #tpu.memory_space<hbm>>
      %dma_wait3A_29 = tpu.memref_squeeze %dma_wait3A_28 : memref<1x24x128xf32, #tpu.memory_space<hbm>> -> memref<24x128xf32, #tpu.memory_space<hbm>>
      %dma_wait3A_30 = arith.constant 0 : i32
      %dma_wait3A_31 = arith.constant 0 : i32
      %dma_wait3A_32 = tpu.memref_slice %arg6[%add3A, %dma_wait3A_30, %dma_wait3A_31] : memref<32x24x128xf32, #tpu.memory_space<hbm>> -> memref<1x24x128xf32, #tpu.memory_space<hbm>>
      %dma_wait3A_33 = tpu.memref_squeeze %dma_wait3A_32 : memref<1x24x128xf32, #tpu.memory_space<hbm>> -> memref<24x128xf32, #tpu.memory_space<hbm>>
      tpu.wait_dma2 semaphore(%run_scoped3A : memref<!tpu.dma_semaphore, #tpu.memory_space<semaphore_mem>>) src(%arg13 : memref<24x128xf32, #tpu.memory_space<vmem>>) dst(%dma_wait3A_33 : memref<24x128xf32, #tpu.memory_space<hbm>>)
      tpu.yield
    }) : () -> ()
    return
  }
}

module attributes {stable_mosaic.version = 14 : i64} {
  func.func @body(%arg0: memref<768x128xf32, #tpu.memory_space<vmem>>, %arg1: memref<768x128xf32, #tpu.memory_space<vmem>>, %arg2: memref<1x1xf32, #tpu.memory_space<smem>>) attributes {dimension_semantics = [], scalar_prefetch = 0 : i64, scratch_operands = 0 : i64, tpu.core_type = #tpu.core_type<tc>} {
    %get3A = arith.constant 0 : index
    %get3A_0 = arith.constant 0 : index
    %get3A_1 = vector.load %arg0[%get3A, %get3A_0] : memref<768x128xf32, #tpu.memory_space<vmem>>, vector<768x128xf32>
    %get3A_2 = arith.constant 0 : index
    %get3A_3 = arith.constant 0 : index
    %get3A_4 = vector.load %arg1[%get3A_2, %get3A_3] : memref<768x128xf32, #tpu.memory_space<vmem>>, vector<768x128xf32>
    %mul3A = arith.mulf %get3A_1, %get3A_4 : vector<768x128xf32>
    %min3A = arith.constant 0.000000e+00 : f32
    %min3A_5 = vector.broadcast %min3A : f32 to vector<768x128xf32>
    %min3A_6 = arith.minimumf %mul3A, %min3A_5 : vector<768x128xf32>
    %abs3A = math.absf %mul3A : vector<768x128xf32>
    %neg3A = arith.constant 0.000000e+00 : f32
    %neg3A_7 = vector.broadcast %neg3A : f32 to vector<768x128xf32>
    %neg3A_8 = arith.subf %neg3A_7, %abs3A : vector<768x128xf32>
    %exp3A = math.exp %neg3A_8 : vector<768x128xf32>
    %add3A = arith.constant 1.000000e+00 : f32
    %add3A_9 = vector.broadcast %add3A : f32 to vector<768x128xf32>
    %add3A_10 = arith.addf %add3A_9, %exp3A : vector<768x128xf32>
    %log3A = math.log %add3A_10 : vector<768x128xf32>
    %sub3A = arith.subf %min3A_6, %log3A : vector<768x128xf32>
    %reduce_sum3A = vector.shape_cast %sub3A : vector<768x128xf32> to vector<1x768x128xf32>
    %reduce_sum3A_11 = arith.constant dense<0.000000e+00> : vector<1xf32>
    %reduce_sum3A_12 = vector.multi_reduction <add>, %reduce_sum3A, %reduce_sum3A_11 [1, 2] : vector<1x768x128xf32> to vector<1xf32>
    %reduce_sum3A_13 = vector.shape_cast %reduce_sum3A_12 : vector<1xf32> to vector<1x1x1xf32>
    %reduce_sum3A_14 = vector.extract %reduce_sum3A_13[0, 0, 0] : f32 from vector<1x1x1xf32>
    %neg3A_15 = arith.constant 0.000000e+00 : f32
    %neg3A_16 = arith.subf %neg3A_15, %reduce_sum3A_14 : f32
    %div3A = arith.constant 9.830400e+04 : f32
    %div3A_17 = arith.divf %neg3A_16, %div3A : f32
    %swap3A = arith.constant 0 : index
    %swap3A_18 = arith.constant 0 : index
    %swap3A_19 = memref.load %arg2[%swap3A, %swap3A_18] : memref<1x1xf32, #tpu.memory_space<smem>>
    memref.store %div3A_17, %arg2[%swap3A, %swap3A_18] : memref<1x1xf32, #tpu.memory_space<smem>>
    return
  }
}

</mosaic_0001>

<sc_bundles>
// kernel: kernel.4.cloned.1.call-start
scs
__scs_entry_jumppad:
0x0: {  	(pc) =	sbr.rel $0x88, $3  }
0x1: {  	(tag) =	ssettag $0x0;
	lr =	simm.s32 $0x1  }
0x2: {  	[smem:$0x3F9C] =	sst lr;
	_ =	strace $0xD0000000  }
0x3: {  	_ = 	snop  }
0x4: {  	_ = 	snop  }
0x5: {  	_ = 	snop  }
0x6: {  	_ = 	snop  }
0x7: {  	_ = 	snop  }
__scs_overlays_trampoline_lowered:
0x8: {  	[smem:$0x3FAB] =	sst s0  }
0x9: {  	[smem:$0x3FAC] =	sst s1  }
0xa: {  	[smem:$0x3FAD] =	sst s2  }
0xb: {  	[smem:$0x3FAE] =	sst s3  }
0xc: {  	[smem:$0x3FAF] =	sst s4  }
0xd: {  	[smem:$0x3FB0] =	sst s5  }
0xe: {  	[smem:$0x3FB1] =	sst s6  }
0xf: {  	[smem:$0x3FB2] =	sst s7  }
0x10: {  	[smem:$0x3FB3] =	sst s8  }
0x11: {  	[smem:$0x3FB4] =	sst s9;
	s0 =	simm.s32 @!p0 $0x0  }
0x12: {  	s1 =	sld [smem:$0x3F9A];
	s0 =	simm.s32 @p0 $0x1  }
0x13: {  	[smem:$0x3FB5] =	sst s0;
	s0 =	simm.s32 @!p1 $0x0  }
0x14: {  	s2 =	sld [smem:$0x3F99];
	s0 =	simm.s32 @p1 $0x1  }
0x15: {  	[smem:$0x3FB6] =	sst s0;
	s0 =	simm.s32 @!p2 $0x0  }
0x16: {  	s3 =	sld [smem:$0x3FDB];
	s0 =	simm.s32 @p2 $0x1  }
0x17: {  	s4 =	simm.s32 $0x1BF5;
	[smem:$0x3FB8] =	sst s0  }
0x18: {  	s0 =	sld [smem:$0x3F9B];
	_ =	swait.ge [sflag:s4], $0x0  }
0x19: {  	s7 =	sld [smem:$0x3F9C]  }
0x1a: {  	s8 =	sadd.s32 $0xFFFFE003, lr  }
0x1b: {  	s9 =	sadd.s32 $0xFFFFFEF7, lr;
	s5 =	simm.s32 $0xFFFFFFFF;
	p2 =	slt.u32 s8, $0xFFFFF086  }
0x1c: {  	p1 =	slt.u32 s9, $0xF7A;
	s5 =	simm.s32 @!p2 $0x0  }
0x1d: {  	s5 =	simm.s32 @p1 $0x1;
	p0 =	seq.s32 s7, s2  }
0x1e: {  	s7 =	smul.u32 @!p0 $0xF7A, s2;
	p2 =	seq.s32 @!p0 s5, $0x0  }
0x1f: {  	s9 =	smul.u32 $0xF7A, s1;
	s8 =	simm.s32 @!p0 $0x1BF5;
	p2 =	por !p2, p0  }
0x20: {  	[sflag:s8] =	ssyncset.s32 @!p0 $0xFFFFF086;
	s6 =	sadd.s32 @!p0 s3, s7;
	s7 =	simm.s32 @!p0 $0x108  }
0x21: {  	s3 =	sadd.s32 s3, s9;
	s6 =	sadd.s32 @!p0 $0x88, s6;
	s7 =	simm.s32 @p2 $0x1082  }
0x22: {  	[simem:s7], [sflag:s8] =	dma.local @!p0 [hbm:s6], $0xF7A  }
0x23: {  	s9 =	sor.u32 $0xD0000000, s2;
	s6 =	simm.s32 $0x108;
	_ =	swait.ge @!p0 [sflag:s8], $0x0  }
0x24: {  	s3 =	sadd.s32 $0x88, s3;
	s6 =	simm.s32 @!p1 $0x1082;
	[sflag:s4] =	ssyncset.s32 $0xFFFFF086  }
0x25: {  	[simem:s6], [sflag:s4] =	dma.local [hbm:s3], $0xF7A  }
0x26: {  	[smem:$0x3F9C] =	sst s1;
	(tag) =	ssettag s2;
	_ =	strace s9  }
0x27: {  	s1 =	sld [smem:$0x3FAC]  }
0x28: {  	s2 =	sld [smem:$0x3FAD]  }
0x29: {  	s4 =	sld [smem:$0x3FAF]  }
0x2a: {  	p0 =	seq.s32 s5, $0x0;
	s5 =	sld [smem:$0x3FB0]  }
0x2b: {  	s6 =	sld [smem:$0x3FB1]  }
0x2c: {  	s7 =	sld [smem:$0x3FB2]  }
0x2d: {  	s3 =	simm.s32 $0x108;
	s8 =	sld [smem:$0x3FB3]  }
0x2e: {  	s3 =	simm.s32 @!p0 $0x1082;
	s9 =	sld [smem:$0x3FB4]  }
0x2f: {  	lr =	sadd.s32 s0, s3;
	s0 =	sld [smem:$0x3FAB]  }
0x30: {  	s3 =	sld [smem:$0x3FAE]  }
0x31: {  	[smem:$0x3FB7] =	sst s10  }
0x32: {  	s10 =	sld [smem:$0x3FB5];
	_ =	sdelay $0x3  }
0x33: {  	p0 =	seq.s32 s10, $0x1;
	s10 =	sld [smem:$0x3FB7];
	_ =	sdelay $0x3  }
0x34: {  	[smem:$0x3FB7] =	sst s10  }
0x35: {  	s10 =	sld [smem:$0x3FB6];
	_ =	sdelay $0x3  }
0x36: {  	p1 =	seq.s32 s10, $0x1;
	s10 =	sld [smem:$0x3FB7];
	_ =	sdelay $0x3  }
0x37: {  	[smem:$0x3FB7] =	sst s10  }
0x38: {  	s10 =	sld [smem:$0x3FB8]  }
0x39: {  	_ = 	snop;
	(pc) =	sbr.ind lr, $3  }
0x3a: {  	_ = 	snop  }
0x3b: {  	_ = 	snop  }
0x3c: {  	p2 =	seq.s32 s10, $0x1;
	s10 =	sld [smem:$0x3FB7]  }
0x3d: {  	_ =	shalt  }
0x3e: {  	_ =	shalt  }
0x3f: {  	_ =	shalt  }
0x40: {  	_ =	shalt  }
0x41: {  	_ =	shalt  }
0x42: {  	_ =	shalt  }
0x43: {  	_ =	shalt  }
0x44: {  	_ =	shalt  }
0x45: {  	_ =	shalt  }
0x46: {  	_ =	shalt  }
0x47: {  	_ =	shalt  }
0x48: {  	_ =	shalt  }
0x49: {  	_ =	shalt  }
0x4a: {  	_ =	shalt  }
0x4b: {  	_ =	shalt  }
0x4c: {  	_ =	shalt  }
0x4d: {  	_ =	shalt  }
0x4e: {  	_ =	shalt  }
0x4f: {  	_ =	shalt  }
0x50: {  	_ =	shalt  }
0x51: {  	_ =	shalt  }
0x52: {  	_ =	shalt  }
0x53: {  	_ =	shalt  }
0x54: {  	_ =	shalt  }
0x55: {  	_ =	shalt  }
0x56: {  	_ =	shalt  }
0x57: {  	_ =	shalt  }
0x58: {  	_ =	shalt  }
0x59: {  	_ =	shalt  }
0x5a: {  	_ =	shalt  }
0x5b: {  	_ =	shalt  }
0x5c: {  	_ =	shalt  }
0x5d: {  	_ =	shalt  }
0x5e: {  	_ =	shalt  }
0x5f: {  	_ =	shalt  }
0x60: {  	_ =	shalt  }
0x61: {  	_ =	shalt  }
0x62: {  	_ =	shalt  }
0x63: {  	_ =	shalt  }
0x64: {  	_ =	shalt  }
0x65: {  	_ =	shalt  }
0x66: {  	_ =	shalt  }
0x67: {  	_ =	shalt  }
0x68: {  	_ =	shalt  }
0x69: {  	_ =	shalt  }
0x6a: {  	_ =	shalt  }
0x6b: {  	_ =	shalt  }
0x6c: {  	_ =	shalt  }
0x6d: {  	_ =	shalt  }
0x6e: {  	_ =	shalt  }
0x6f: {  	_ =	shalt  }
0x70: {  	_ =	shalt  }
0x71: {  	_ =	shalt  }
0x72: {  	_ =	shalt  }
0x73: {  	_ =	shalt  }
0x74: {  	_ =	shalt  }
0x75: {  	_ =	shalt  }
0x76: {  	_ =	shalt  }
0x77: {  	_ =	shalt  }
0x78: {  	_ =	shalt  }
0x79: {  	_ =	shalt  }
0x7a: {  	_ =	shalt  }
0x7b: {  	_ =	shalt  }
0x7c: {  	_ =	shalt  }
0x7d: {  	_ =	shalt  }
0x7e: {  	_ =	shalt  }
0x7f: {  	_ =	shalt  }
0x80: {  	_ =	shalt  }
0x81: {  	_ =	shalt  }
0x82: {  	_ =	shalt  }
0x83: {  	_ =	shalt  }
0x84: {  	_ =	shalt  }
0x85: {  	_ =	shalt  }
0x86: {  	_ =	shalt  }
0x87: {  	_ =	shalt  }
.Lfunc_end0:
.L_simem_size_0:
called_computation_lowered:
.L_overlay_start_0:
0x88: {  	s2 =	sld [smem:$0x3FD9]  }
0x89: {  	s3 =	sld [smem:$0x3FFE];
	_ =	sdelay $0x1  }
0x8a: {  	s1 =	srdreg.scid  }
0x8b: {  	s0 =	sand.u32 $0x1, s1  }
0x8c: {  	s17 =	sshll.u32 s0, $0xA;
	s2 =	sadd.s32 s3, s2  }
0x8d: {  	s2 =	sadd.s32 s2, s17  }
0x8e: {  	[smem:$0x3FC3] =	sst s2  }
0x8f: {  	_ = 	snop  }
0x90: {  	s2 =	sld [smem:$0x3FC9]  }
0x91: {  	s18 =	sld [smem:$0x3FC8]  }
0x92: {  	s4 =	sld [smem:$0x3FC6]  }
0x93: {  	s5 =	sld [smem:$0x3FC5];
	(tm) =	ssettm $0x1  }
0x94: {  	s6 =	sld [smem:$0x3FFB];
	_ =	sdelay $0x3  }
0x95: {  	_ =	strace s6  }
0x96: {  	s6 =	sld [smem:$0x3FFC];
	_ =	sdelay $0x3  }
0x97: {  	_ =	strace s6  }
0x98: {  	s6 =	sld [smem:$0x3FFD];
	_ =	sdelay $0x3  }
0x99: {  	_ =	strace s6  }
0x9a: {  	_ =	strace $0x8FFFFFFF  }
0x9b: {  	s19 =	sld [smem:$0x3FDB];
	_ =	sdelay $0x1  }
0x9c: {  	s7 =	simm.s32 $_scs_section_size  }
0x9d: {  	s8 =	simm.s32 $_size__tile_overlayer_lowered;
	s9 =	simm.s32 $_tile_overlayer_lowered  }
0x9e: {  	s22 =	simm.s32 $0x1BFF;
	s21 =	sshll.u32 s9, $0x1;
	s6 =	sadd.s32 s7, s19  }
0x9f: {  	s10 =	simm.s32 $0x0;
	s20 =	sshll.u32 s8, $0x1;
	s8 =	sadd.s32 s21, s6  }
0xa0: {  	[timem:s10], [sflag:s22] =	dma.local [hbm:s8], s20  }
0xa1: {  	_ =	swait.ge [sflag:s22], s20  }
0xa2: {  	s7 =	ssub.s32 $0x0, s20;
	[sflag:s22] =	ssyncset.done $0x0  }
0xa3: {  	[sflag:s22] =	ssyncadd.s32 s7;
	_ =	sdelay $0x1  }
0xa4: {  	s23 =	simm.s32 $0x1B8B  }
0xa5: {  	_ =	swait.ge [sflag:s23], $0x1  }
0xa6: {  	[sflag:s23] =	ssyncset.done $0x0  }
0xa7: {  	s25 =	simm.s32 $0x1B8E;
	s24 =	sld [smem:$0x3FFE];
	[sflag:s23] =	ssyncadd.s32 $0xFFFFFFFF  }
0xa8: {  	s26 =	simm.s32 $execute0_lowered;
	[smem:$0x3FD2] =	sst s25  }
0xa9: {  	s8 =	sshll.u32 s26, $0x1;
	_ =	strace $0x80000046;
	[dreg:$0x1] =	wrdreg $0xFFFFFFFF  }
0xaa: {  	s28 =	simm.s32 $_size_execute0_lowered;
	s6 =	sadd.s32 s6, s8;
	[dreg:$0x0] =	wrdreg $0x0  }
0xab: {  	s8 =	sshll.u32 s28, $0x1;
	[dreg:$0x2] =	wrdreg s6  }
0xac: {  	[dreg:$0x3] =	wrdreg s8  }
0xad: {  	[dreg:$0x4] =	wrdreg $0xC0  }
0xae: {  	_ =	task [dreg:s10], $0x5FFFF  }
0xaf: {  	[dreg:$0x1] =	wrdreg $0xFFFFFFFF  }
0xb0: {  	[dreg:$0x0] =	wrdreg $0x60  }
0xb1: {  	[dreg:$0x2] =	wrdreg s2  }
0xb2: {  	[dreg:$0x3] =	wrdreg s18  }
0xb3: {  	[dreg:$0x4] =	wrdreg s4  }
0xb4: {  	[dreg:$0x5] =	wrdreg s5  }
0xb5: {  	[dreg:$0x6] =	wrdreg s24  }
0xb6: {  	[dreg:$0x7] =	wrdreg $0x9  }
0xb7: {  	_ =	task.clear_ibuf [dreg:s10], $0x8FFFF;
	_ =	strace $0x90000046  }
0xb8: {  	s29 =	simm.s32 $0x9;
	_ =	strace $0x80000048  }
0xb9: {  	_ =	swait.ge [sflag:s29], $0x1  }
0xba: {  	[sflag:s29] =	ssyncadd.s32 $0xFFFFFFFF  }
0xbb: {  	_ =	strace $0x90000048  }
0xbc: {  	_ =	sfence  }
0xbd: {  	s30 =	sld [smem:$0x0];
	_ =	sdelay $0x2  }
0xbe: {  	s31 =	sshll.u32 s1, $0xD;
	s1 =	sshrl.u32 s1, $0x2  }
0xbf: {  	s3 =	sand.u32 $0x4000, s31;
	s1 =	sadd.s32 s1, s30  }
0xc0: {  	s0 =	sor.u32 s3, s0;
	s1 =	sshll.u32 s1, $0x11  }
0xc1: {  	s0 =	sor.u32 s1, s0  }
0xc2: {  	s0 =	sadd.s32 $0x8F2B, s0  }
0xc3: {  	[sflag:s0] =	ssyncadd.remote.s32 $0x1  }
0xc4: {  	_ =	sfence.sel $0xFFFF  }
0xc5: {  	[dreg:$0x0] =	wrdreg $0xFFFFFFFF;
	(pc) =	sbr.abs _section_cstart, $3  }
0xc6: {  	[dreg:$0x1] =	wrdreg $0xFFFFFFFF  }
0xc7: {  	_ =	task.clear_ibuf [dreg:s10], $0x2FFFF;
	_ =	strace $0x9FFFFFFF  }
0xc8: {  	(tm) =	ssettm $0x7FFFFFFF  }
0xc9: {  	_ =	shalt  }
tec
execute0_lowered:
.L_overlay_start_1:
0x0: {  	(tag) =	ssettag $0x1  }
0x1: {  	s5 =	rddreg [dreg:$0x0]  }
0x2: {  	s6 =	rddreg [dreg:$0x1]  }
0x3: {  	s1 =	rddreg [dreg:$0x2];
	s2 =	srdreg.scid  }
0x4: {  	s0 =	stileid.u32;
	s3 =	rddreg [dreg:$0x3]  }
0x5: {  	s8 =	rddreg [dreg:$0x4];
	s4 =	simm.s32 $0x0;
	s11 =	simm.s32 $0x80  }
0x6: {  	s12 =	simm.s32 $0x1800;
	s13 =	simm.s32 $0x9800;
	s14 =	simm.s32 $0x5800  }
0x7: {  	s15 =	simm.s32 $0xD800;
	s16 =	simm.s32 $0x1;
	s17 =	simm.s32 $0x3  }
0x8: {  	s18 =	simm.s32 $0x2;
	s7 =	sand.u32 $0x1, s2;
	s31 =	sshll.u32 s0, $0x1  }
0x9: {  	s19 =	simm.s32 $0x4;
	s20 =	simm.s32 $0x11800;
	s9 =	sor.u32 s7, s31  }
0xa: {  	vm0 =	vmmov $0x1;
	vm1 =	vmmov $0x3;
	vm2 =	vmmov $0x7;
	s2 =	rddreg [dreg:$0x5];
	s7 =	ssub.s32 $0x2, s7;
	s9 =	smul.u32 $0x180, s9  }
0xb: {  	vm3 =	vmmov $0xf;
	vm4 =	vmmov $0x1f;
	vm5 =	vmmov $0x3f;
	s21 =	simm.s32 $0x0;
	[smem:$0x7FF] =	sst s4;
	s10 =	sshrl.u32 s7, $0x1  }
0xc: {  	vm6 =	vmmov $0x7f;
	vm7 =	vmmov $0xff;
	vm8 =	vmmov $0x1ff;
	_ =	strace $0x80000047;
	s10 =	ssub.s32 s7, s10;
	s8 =	sadd.s32 s9, s8  }
0xd: {  	vm9 =	vmmov $0x3ff;
	vm10 =	vmmov $0x7ff;
	vm11 =	vmmov $0xfff;
	s5 =	sadd.s32 s5, s9;
	s6 =	sadd.s32 s6, s9;
	s9 =	simm.s32 $0x5  }
0xe: {  	vm12 =	vmmov $0x1fff;
	vm13 =	vmmov $0x3fff;
	vm14 =	vmmov $0x7fff;
	s7 =	sadd.s32 $0x800, s8;
	s8 =	smax.u32 s10, $0x1;
	s10 =	simm.s32 $0xC00  }
.LBB2_1:
0xf: {  	[tilespmem:s4], [sflag:$0x5] =	stream.linear.gather [hbm4b:s5+s4], $0xC00, $0x38;
	[tilespmem:$0x12400] =	vst v63  }
0x10: {  	_ =	swait.ge [sflag:s9], $0xC00  }
0x11: {  	[sflag:s9] =	ssyncset.done $0x0  }
0x12: {  	[sflag:s9] =	ssyncadd.s32 $0xFFFFF400  }
0x13: {  	[tilespmem:s10], [sflag:$0x5] =	stream.linear.gather [hbm4b:s6+s4], $0xC00, $0x38;
	[tilespmem:$0x12400] =	vst v63  }
0x14: {  	_ =	swait.ge [sflag:s9], $0xC00  }
0x15: {  	[sflag:s9] =	ssyncset.done $0x0  }
0x16: {  	[sflag:s9] =	ssyncadd.s32 $0xFFFFF400  }
0x17: {  	[tilespmem:s12], [sflag:$0x1] =	stream.indirect.gather [hbm4b:s1+s11], $0x80, s4, s11, $0xb8;
	[tilespmem:$0x12400] =	vst v63  }
0x18: {  	s22 =	simm.s32 $0x0  }
0x19: {  	[tilespmem:s13], [sflag:$0x3] =	stream.indirect.gather [hbm4b:s3+s11], $0x80, s10, s11, $0xb8;
	[tilespmem:$0x12400] =	vst v63  }
.LBB2_2:
0x1a: {  	s24 =	sshll.u32 s22, $0x8  }
0x1b: {  	s23 =	sor.u32 $0x80, s24  }
0x1c: {  	[tilespmem:s14], [sflag:$0x2] =	stream.indirect.gather [hbm4b:s1+s11], $0x80, s23, s11, $0xb8;
	[tilespmem:$0x12400] =	vst v63  }
0x1d: {  	s25 =	sadd.s32 $0xC80, s24  }
0x1e: {  	[tilespmem:s15], [sflag:$0x4] =	stream.indirect.gather [hbm4b:s3+s11], $0x80, s25, s11, $0xb8;
	[tilespmem:$0x12400] =	vst v63  }
0x1f: {  	_ =	swait.ge [sflag:s16], $0x4000  }
0x20: {  	[sflag:s16] =	ssyncset.done $0x0  }
0x21: {  	[sflag:s16] =	ssyncadd.s32 $0xFFFFC000  }
0x22: {  	s26 =	sadd.s32 $0x11800, s24;
	_ =	swait.ge [sflag:s17], $0x4000  }
0x23: {  	v0 =	vmov s26;
	[sflag:s17] =	ssyncset.done $0x0  }
0x24: {  	s25 =	simm.s32 $0x0;
	[tilespmem:$0x1FFF0] =	vst v0;
	[sflag:s17] =	ssyncadd.s32 $0xFFFFC000  }
.LBB2_3:
0x25: {  	s26 =	sshll.u32 s25, $0xB  }
0x26: {  	v0 =	vld [tilespmem:s26+$0x1800]  }
0x27: {  	v1 =	vld [tilespmem:s26+$0x9800]  }
0x28: {  	v2 =	vld [tilespmem:s26+$0x1810]  }
0x29: {  	v3 =	vld [tilespmem:s26+$0x9810]  }
0x2a: {  	v4 =	vld [tilespmem:s26+$0x1820]  }
0x2b: {  	v5 =	vld [tilespmem:s26+$0x9820]  }
0x2c: {  	v6 =	vld [tilespmem:s26+$0x1830]  }
0x2d: {  	v7 =	vld [tilespmem:s26+$0x9830]  }
0x2e: {  	v8 =	vld [tilespmem:s26+$0x1840]  }
0x2f: {  	v9 =	vld [tilespmem:s26+$0x9840]  }
0x30: {  	v10 =	vld [tilespmem:s26+$0x1850]  }
0x31: {  	v11 =	vld [tilespmem:s26+$0x9850]  }
0x32: {  	v12 =	vld [tilespmem:s26+$0x1860]  }
0x33: {  	v13 =	vld [tilespmem:s26+$0x9860]  }
0x34: {  	v14 =	vld [tilespmem:s26+$0x1870]  }
0x35: {  	v15 =	vld [tilespmem:s26+$0x9870]  }
0x36: {  	v16 =	vld [tilespmem:s26+$0x1880]  }
0x37: {  	v17 =	vld [tilespmem:s26+$0x9880]  }
0x38: {  	v18 =	vld [tilespmem:s26+$0x1890]  }
0x39: {  	v19 =	vld [tilespmem:s26+$0x9890]  }
0x3a: {  	v20 =	vld [tilespmem:s26+$0x18A0]  }
0x3b: {  	v21 =	vld [tilespmem:s26+$0x98A0]  }
0x3c: {  	v22 =	vld [tilespmem:s26+$0x18B0]  }
0x3d: {  	v23 =	vld [tilespmem:s26+$0x98B0]  }
0x3e: {  	v24 =	vld [tilespmem:s26+$0x18C0]  }
0x3f: {  	v25 =	vld [tilespmem:s26+$0x98C0]  }
0x40: {  	v26 =	vld [tilespmem:s26+$0x18D0]  }
0x41: {  	v27 =	vld [tilespmem:s26+$0x98D0]  }
0x42: {  	v28 =	vld [tilespmem:s26+$0x18E0]  }
0x43: {  	v29 =	vld [tilespmem:s26+$0x98E0]  }
0x44: {  	v30 =	vld [tilespmem:s26+$0x18F0]  }
0x45: {  	v31 =	vld [tilespmem:s26+$0x98F0]  }
0x46: {  	v32 =	vld [tilespmem:s26+$0x1900]  }
0x47: {  	v33 =	vld [tilespmem:s26+$0x9900]  }
0x48: {  	v34 =	vld [tilespmem:s26+$0x1910]  }
0x49: {  	v35 =	vld [tilespmem:s26+$0x9910]  }
0x4a: {  	v36 =	vld [tilespmem:s26+$0x1920]  }
0x4b: {  	v37 =	vld [tilespmem:s26+$0x9920]  }
0x4c: {  	v38 =	vld [tilespmem:s26+$0x1930]  }
0x4d: {  	v39 =	vld [tilespmem:s26+$0x9930]  }
0x4e: {  	v40 =	vld [tilespmem:s26+$0x1940]  }
0x4f: {  	v41 =	vld [tilespmem:s26+$0x9940]  }
0x50: {  	v42 =	vld [tilespmem:s26+$0x1950]  }
0x51: {  	v43 =	vld [tilespmem:s26+$0x9950]  }
0x52: {  	v44 =	vld [tilespmem:s26+$0x1960]  }
0x53: {  	v54 =	vld [tilespmem:s26+$0x1980]  }
0x54: {  	v56 =	vld [tilespmem:s26+$0x9980]  }
0x55: {  	v59 =	vld [tilespmem:s26+$0x1990]  }
0x56: {  	v61 =	vld [tilespmem:s26+$0x9990]  }
0x57: {  	v63 =	vld [tilespmem:s26+$0x19A0]  }
0x58: {  	v46 =	vld [tilespmem:s26+$0x99B0]  }
0x59: {  	v48 =	vld [tilespmem:s26+$0x19C0]  }
0x5a: {  	v51 =	vld [tilespmem:s26+$0x99C0]  }
0x5b: {  	v52 =	vmul.f32 v3, v2;
	v2 =	vld [tilespmem:s26+$0x9960]  }
0x5c: {  	v3 =	vld [tilespmem:s26+$0x1970]  }
0x5d: {  	v53 =	vmul.f32 v5, v4;
	v4 =	vld [tilespmem:s26+$0x9970]  }
0x5e: {  	s29 =	sshll.u32 s25, $0x4;
	v62 =	vmul.f32 v21, v20;
	v21 =	vld [tilespmem:s26+$0x99A0]  }
0x5f: {  	s28 =	sor.u32 $0x10, s29;
	v22 =	vmul.f32 v23, v22;
	v23 =	vld [tilespmem:s26+$0x19B0]  }
0x60: {  	s30 =	sshll.u32 s28, $0x7;
	v47 =	vmul.f32 v61, v59;
	v59 =	vmul.f32 v41, v40;
	v41 =	vld [tilespmem:s26+$0x9A20]  }
0x61: {  	v45 =	vmul.f32 v35, v34;
	v35 =	vld [tilespmem:s30+$0x1800]  }
0x62: {  	v50 =	vmul.f32 v37, v36;
	v36 =	vld [tilespmem:s30+$0x9800]  }
0x63: {  	v37 =	vld [tilespmem:s30+$0x1810]  }
0x64: {  	v5 =	vmul.f32 v56, v54;
	v54 =	vmul.f32 v39, v38;
	v38 =	vld [tilespmem:s30+$0x9810]  }
0x65: {  	v39 =	vld [tilespmem:s30+$0x1820]  }
0x66: {  	v40 =	vld [tilespmem:s30+$0x9820]  }
0x67: {  	v61 =	vmul.f32 v51, v48;
	v48 =	vld [tilespmem:s30+$0x9840]  }
0x68: {  	v51 =	vld [tilespmem:s30+$0x9850]  }
0x69: {  	v12 =	vmul.f32 v13, v12;
	v13 =	vld [tilespmem:s26+$0x1A80]  }
0x6a: {  	v20 =	vmul.f32 v11, v10;
	v11 =	vld [tilespmem:s26+$0x1A90]  }
0x6b: {  	v10 =	vld [tilespmem:s26+$0x9A90]  }
0x6c: {  	v58 =	vmul.f32 v19, v18;
	v18 =	vld [tilespmem:s26+$0x1AA0]  }
0x6d: {  	v57 =	vmul.f32 v17, v16;
	v16 =	vld [tilespmem:s26+$0x9AA0]  }
0x6e: {  	v60 =	vmul.f32 v9, v8;
	v9 =	vld [tilespmem:s26+$0x1B20]  }
0x6f: {  	v8 =	vld [tilespmem:s26+$0x9B20]  }
0x70: {  	v19 =	vld [tilespmem:s26+$0x1B30]  }
0x71: {  	v17 =	vld [tilespmem:s26+$0x9B30]  }
0x72: {  	v0 =	vmul.f32 v1, v0;
	v55 =	vmul.f32 v7, v6;
	v6 =	vld [tilespmem:s26+$0x9B80]  }
0x73: {  	v33 =	vmul.f32 v33, v32;
	v14 =	vmul.f32 v15, v14;
	v15 =	vld [tilespmem:s26+$0x1BA0]  }
0x74: {  	v7 =	vadd.f32 v58, v57;
	v58 =	vld [tilespmem:s26+$0x19E0]  }
0x75: {  	v0 =	vadd.f32 v52, v0;
	v1 =	vadd.f32 v45, v33;
	v45 =	vld [tilespmem:s26+$0x1A10]  }
0x76: {  	v5 =	vadd.f32 v47, v5;
	v47 =	vld [tilespmem:s30+$0x1840]  }
0x77: {  	v0 =	vadd.f32 v53, v0;
	v53 =	vld [tilespmem:s26+$0x19D0]  }
0x78: {  	v7 =	vadd.f32 v62, v7;
	v62 =	vld [tilespmem:s26+$0x19F0]  }
0x79: {  	v1 =	vadd.f32 v50, v1;
	v50 =	vld [tilespmem:s26+$0x1A20]  }
0x7a: {  	v52 =	vmul.f32 v21, v63;
	v21 =	vld [tilespmem:s26+$0x99F0]  }
0x7b: {  	v57 =	vmul.f32 v46, v23;
	v46 =	vld [tilespmem:s26+$0x1A30]  }
0x7c: {  	v2 =	vmul.f32 v2, v44;
	v44 =	vld [tilespmem:s30+$0x9830]  }
0x7d: {  	[tilespmem:$0x1F470] =	vst v36;
	v36 =	vld [tilespmem:s26+$0x1A50]  }
0x7e: {  	[tilespmem:$0x1F460] =	vst v35;
	v35 =	vld [tilespmem:s26+$0x9A50]  }
0x7f: {  	[tilespmem:$0x1F630] =	vst v51;
	v51 =	vld [tilespmem:s26+$0x1AD0]  }
0x80: {  	[tilespmem:$0x1F5D0] =	vst v48;
	v48 =	vld [tilespmem:s26+$0x9AD0]  }
0x81: {  	v49 =	vmul.f32 v25, v24;
	v25 =	vmul.f32 v4, v3;
	v3 =	vld [tilespmem:s26+$0x1B00]  }
0x82: {  	[tilespmem:$0x1F4F0] =	vst v40;
	v40 =	vld [tilespmem:s26+$0x1B60]  }
0x83: {  	[tilespmem:$0x1F4E0] =	vst v39;
	v39 =	vld [tilespmem:s26+$0x9B60]  }
0x84: {  	v4 =	vld [tilespmem:s26+$0x9B90]  }
0x85: {  	[tilespmem:$0x1F490] =	vst v38;
	v38 =	vld [tilespmem:s26+$0x1BD0]  }
0x86: {  	[tilespmem:$0x1F480] =	vst v37;
	v37 =	vld [tilespmem:s26+$0x9BD0]  }
0x87: {  	v0 =	vadd.f32 v55, v0;
	v55 =	vld [tilespmem:s26+$0x99D0]  }
0x88: {  	v1 =	vadd.f32 v54, v1;
	v54 =	vld [tilespmem:s26+$0x1A00]  }
0x89: {  	v5 =	vadd.f32 v52, v5;
	v52 =	vld [tilespmem:s26+$0x9A00]  }
0x8a: {  	v7 =	vadd.f32 v22, v7;
	[tilespmem:$0x1F5C0] =	vst v47;
	v47 =	vld [tilespmem:s26+$0x1A60]  }
0x8b: {  	v0 =	vadd.f32 v60, v0;
	v60 =	vld [tilespmem:s26+$0x99E0]  }
0x8c: {  	v7 =	vadd.f32 v49, v7;
	v49 =	vld [tilespmem:s30+$0x1850]  }
0x8d: {  	v1 =	vadd.f32 v59, v1;
	v59 =	vld [tilespmem:s26+$0x9A70]  }
0x8e: {  	v5 =	vadd.f32 v57, v5;
	v57 =	vld [tilespmem:s30+$0x9870]  }
0x8f: {  	v56 =	vmul.f32 v27, v26;
	v0 =	vadd.f32 v20, v0;
	v20 =	vmul.f32 v43, v42;
	v42 =	vld [tilespmem:s26+$0x9A10]  }
0x90: {  	v43 =	vld [tilespmem:s30+$0x1830]  }
0x91: {  	v7 =	vadd.f32 v56, v7;
	v56 =	vld [tilespmem:s30+$0x1870]  }
0x92: {  	[tilespmem:$0x1F550] =	vst v44;
	v44 =	vld [tilespmem:s26+$0x9A60]  }
0x93: {  	v63 =	vmul.f32 v29, v28;
	v28 =	vmul.f32 v21, v62;
	v62 =	vld [tilespmem:s26+$0x1AE0]  }
0x94: {  	v21 =	vld [tilespmem:s26+$0x9BB0]  }
0x95: {  	v22 =	vmul.f32 v55, v53;
	v53 =	vld [tilespmem:s30+$0x1860]  }
0x96: {  	v55 =	vld [tilespmem:s30+$0x9860]  }
0x97: {  	v5 =	vadd.f32 v61, v5;
	v61 =	vld [tilespmem:s26+$0x9AF0]  }
0x98: {  	v1 =	vadd.f32 v20, v1;
	v20 =	vld [tilespmem:s26+$0x9A30]  }
0x99: {  	v0 =	vadd.f32 v12, v0;
	v12 =	vld [tilespmem:s26+$0x9A80]  }
0x9a: {  	v7 =	vadd.f32 v63, v7;
	v63 =	vld [tilespmem:s26+$0x1C20]  }
0x9b: {  	v24 =	vmul.f32 v60, v58;
	v58 =	vld [tilespmem:s26+$0x1A70]  }
0x9c: {  	v5 =	vadd.f32 v22, v5;
	v22 =	vld [tilespmem:s26+$0x9AB0]  }
0x9d: {  	v60 =	vld [tilespmem:s26+$0x1AF0]  }
0x9e: {  	[tilespmem:$0x1F620] =	vst v49;
	v49 =	vld [tilespmem:s26+$0x1BE0]  }
0x9f: {  	[tilespmem:$0x1ED00] =	vst v59;
	v59 =	vld [tilespmem:s26+$0x1C00]  }
0xa0: {  	v23 =	vmul.f32 v31, v30;
	v1 =	vadd.f32 v2, v1;
	v2 =	vld [tilespmem:s26+$0x9B00]  }
0xa1: {  	[tilespmem:$0x1F730] =	vst v57;
	v57 =	vld [tilespmem:s26+$0x1B70]  }
0xa2: {  	v26 =	vadd.f32 v23, v7;
	v7 =	vld [tilespmem:s26+$0x1B80]  }
0xa3: {  	v0 =	vadd.f32 v14, v0;
	v14 =	vld [tilespmem:s26+$0x9BA0]  }
0xa4: {  	v23 =	vld [tilespmem:s26+$0x1BB0]  }
0xa5: {  	v27 =	vadd.f32 v24, v5;
	v24 =	vld [tilespmem:s26+$0x1AB0]  }
0xa6: {  	v5 =	vld [tilespmem:s26+$0x1B90]  }
0xa7: {  	[tilespmem:$0x1F540] =	vst v43;
	v43 =	vld [tilespmem:s26+$0x9BE0]  }
0xa8: {  	[tilespmem:$0x1F720] =	vst v56;
	v56 =	vld [tilespmem:s26+$0x1BF0]  }
0xa9: {  	v29 =	vadd.f32 v25, v1;
	v1 =	vld [tilespmem:s26+$0x1B10]  }
0xaa: {  	(xrf2) =	vadd.scan.msk.f32 $0xffff, v0;
	v0 =	vld [tilespmem:s26+$0x9B10]  }
0xab: {  	v25 =	vld [tilespmem:s26+$0x9B40]  }
0xac: {  	[tilespmem:$0x1F690] =	vst v55;
	v55 =	vld [tilespmem:s26+$0x9B70]  }
0xad: {  	[tilespmem:$0x1F680] =	vst v53;
	v53 =	vld [tilespmem:s26+$0x9BF0]  }
0xae: {  	[tilespmem:$0x1ED20] =	vst v61;
	v61 =	vld [tilespmem:s26+$0x9C00]  }
0xaf: {  	(xrf2) =	vadd.scan.msk.f32 $0xffff, v26;
	v30 =	vadd.f32 v28, v27;
	[tilespmem:$0x1ED70] =	vst v63;
	v63 =	vld [tilespmem:s26+$0x9C20]  }
0xb0: {  	v28 =	vld [tilespmem:s26+$0x1A40];
	(xrf2) =	vadd.scan.msk.f32 $0xffff, v29  }
0xb1: {  	v27 =	vld [tilespmem:s26+$0x9A40];
	(xrf2) =	vadd.scan.msk.f32 $0xffff, v30  }
0xb2: {  	v26 =	vld [tilespmem:s26+$0x1B40]  }
0xb3: {  	[tilespmem:$0x1ECF0] =	vst v58;
	v58 =	vld [tilespmem:s26+$0x9AE0]  }
0xb4: {  	[tilespmem:$0x1ED80] =	vst v63;
	v63 =	vld [tilespmem:s26+$0x1C30]  }
0xb5: {  	v29 =	vld [tilespmem:s26+$0x9BC0]  }
0xb6: {  	[tilespmem:$0x1ED10] =	vst v60;
	v60 =	vld [tilespmem:s26+$0x1C10]  }
0xb7: {  	[tilespmem:$0x1ED50] =	vst v59;
	v59 =	vld [tilespmem:s26+$0x9C10];
	v31, _, _ =	vpop (xrf2)  }
0xb8: {  	v30 =	vld [tilespmem:s26+$0x1BC0];
	[tilespmem:$0x1ED30] =	vst v31  }
0xb9: {  	v32, _, _ =	vpop (xrf2);
	v31 =	vld [tilespmem:s26+$0x9B50];
	[tilespmem:$0x1EDA0] =	vst v63  }
0xba: {  	[tilespmem:$0x1ED40] =	vst v32;
	v33, _, _ =	vpop (xrf2);
	v32 =	vld [tilespmem:s26+$0x9AC0]  }
0xbb: {  	[tilespmem:$0x1ED60] =	vst v33;
	v34, _, _ =	vpop (xrf2);
	v33 =	vld [tilespmem:s26+$0x1B50]  }
0xbc: {  	[tilespmem:$0x1ED90] =	vst v34;
	v34 =	vld [tilespmem:s26+$0x1AC0]  }
0xbd: {  	v63 =	vld [tilespmem:s26+$0x9C30];
	_ =	sdelay $0x4  }
0xbe: {  	[tilespmem:$0x1EDB0] =	vst v63;
	v63 =	vld [tilespmem:s26+$0x1C40];
	_ =	sdelay $0x4  }
0xbf: {  	[tilespmem:$0x1EDC0] =	vst v63;
	v63 =	vld [tilespmem:s26+$0x9C40];
	_ =	sdelay $0x4  }
0xc0: {  	[tilespmem:$0x1EDD0] =	vst v63;
	v63 =	vld [tilespmem:s26+$0x1C50];
	_ =	sdelay $0x4  }
0xc1: {  	[tilespmem:$0x1EE20] =	vst v63;
	v63 =	vld [tilespmem:s26+$0x9C50];
	_ =	sdelay $0x4  }
0xc2: {  	[tilespmem:$0x1EE30] =	vst v63;
	v63 =	vld [tilespmem:s26+$0x1C60];
	_ =	sdelay $0x4  }
0xc3: {  	[tilespmem:$0x1EEA0] =	vst v63;
	v63 =	vld [tilespmem:s26+$0x9C60];
	_ =	sdelay $0x4  }
0xc4: {  	[tilespmem:$0x1EEB0] =	vst v63;
	v63 =	vld [tilespmem:s26+$0x1C70];
	_ =	sdelay $0x4  }
0xc5: {  	[tilespmem:$0x1EFA0] =	vst v63;
	v63 =	vld [tilespmem:s26+$0x9C70];
	_ =	sdelay $0x4  }
0xc6: {  	[tilespmem:$0x1EFB0] =	vst v63;
	v63 =	vld [tilespmem:s26+$0x1C80];
	_ =	sdelay $0x4  }
0xc7: {  	[tilespmem:$0x1EDE0] =	vst v63;
	v63 =	vld [tilespmem:s26+$0x9C80];
	_ =	sdelay $0x4  }
0xc8: {  	[tilespmem:$0x1EDF0] =	vst v63;
	v63 =	vld [tilespmem:s26+$0x1C90];
	_ =	sdelay $0x4  }
0xc9: {  	[tilespmem:$0x1EE00] =	vst v63;
	v63 =	vld [tilespmem:s26+$0x9C90];
	_ =	sdelay $0x4  }
0xca: {  	[tilespmem:$0x1EE10] =	vst v63;
	v63 =	vld [tilespmem:s26+$0x1CA0];
	_ =	sdelay $0x4  }
0xcb: {  	[tilespmem:$0x1EE40] =	vst v63;
	v63 =	vld [tilespmem:s26+$0x9CA0];
	_ =	sdelay $0x4  }
0xcc: {  	[tilespmem:$0x1EE50] =	vst v63;
	v63 =	vld [tilespmem:s26+$0x1CB0];
	_ =	sdelay $0x4  }
0xcd: {  	[tilespmem:$0x1EEC0] =	vst v63;
	v63 =	vld [tilespmem:s26+$0x9CB0];
	_ =	sdelay $0x4  }
0xce: {  	[tilespmem:$0x1EED0] =	vst v63;
	v63 =	vld [tilespmem:s26+$0x1CC0];
	_ =	sdelay $0x4  }
0xcf: {  	[tilespmem:$0x1EF00] =	vst v63;
	v63 =	vld [tilespmem:s26+$0x9CC0];
	_ =	sdelay $0x4  }
0xd0: {  	[tilespmem:$0x1EF10] =	vst v63;
	v63 =	vld [tilespmem:s26+$0x1CD0];
	_ =	sdelay $0x4  }
0xd1: {  	[tilespmem:$0x1EF20] =	vst v63;
	v63 =	vld [tilespmem:s26+$0x9CD0];
	_ =	sdelay $0x4  }
0xd2: {  	[tilespmem:$0x1EF30] =	vst v63;
	v63 =	vld [tilespmem:s26+$0x1CE0];
	_ =	sdelay $0x4  }
0xd3: {  	[tilespmem:$0x1F000] =	vst v63;
	v63 =	vld [tilespmem:s26+$0x9CE0];
	_ =	sdelay $0x4  }
0xd4: {  	[tilespmem:$0x1F010] =	vst v63;
	v63 =	vld [tilespmem:s26+$0x1CF0];
	_ =	sdelay $0x4  }
0xd5: {  	[tilespmem:$0x1F060] =	vst v63;
	v63 =	vld [tilespmem:s26+$0x9CF0];
	_ =	sdelay $0x4  }
0xd6: {  	[tilespmem:$0x1F070] =	vst v63;
	v63 =	vld [tilespmem:s26+$0x1D00];
	_ =	sdelay $0x4  }
0xd7: {  	[tilespmem:$0x1EE60] =	vst v63;
	v63 =	vld [tilespmem:s26+$0x9D00];
	_ =	sdelay $0x4  }
0xd8: {  	[tilespmem:$0x1EE70] =	vst v63;
	v63 =	vld [tilespmem:s26+$0x1D10];
	_ =	sdelay $0x4  }
0xd9: {  	[tilespmem:$0x1EE80] =	vst v63;
	v63 =	vld [tilespmem:s26+$0x9D10];
	_ =	sdelay $0x4  }
0xda: {  	[tilespmem:$0x1EE90] =	vst v63;
	v63 =	vld [tilespmem:s26+$0x1D20];
	_ =	sdelay $0x4  }
0xdb: {  	[tilespmem:$0x1EEE0] =	vst v63;
	v63 =	vld [tilespmem:s26+$0x9D20];
	_ =	sdelay $0x4  }
0xdc: {  	[tilespmem:$0x1EEF0] =	vst v63;
	v63 =	vld [tilespmem:s26+$0x1D30];
	_ =	sdelay $0x4  }
0xdd: {  	[tilespmem:$0x1EF40] =	vst v63;
	v63 =	vld [tilespmem:s26+$0x9D30];
	_ =	sdelay $0x4  }
0xde: {  	[tilespmem:$0x1EF50] =	vst v63;
	v63 =	vld [tilespmem:s26+$0x1D40];
	_ =	sdelay $0x4  }
0xdf: {  	[tilespmem:$0x1EFC0] =	vst v63;
	v63 =	vld [tilespmem:s26+$0x9D40];
	_ =	sdelay $0x4  }
0xe0: {  	[tilespmem:$0x1EFD0] =	vst v63;
	v63 =	vld [tilespmem:s26+$0x1D50];
	_ =	sdelay $0x4  }
0xe1: {  	[tilespmem:$0x1F020] =	vst v63;
	v63 =	vld [tilespmem:s26+$0x9D50];
	_ =	sdelay $0x4  }
0xe2: {  	[tilespmem:$0x1F030] =	vst v63;
	v63 =	vld [tilespmem:s26+$0x1D60];
	_ =	sdelay $0x4  }
0xe3: {  	[tilespmem:$0x1F080] =	vst v63;
	v63 =	vld [tilespmem:s26+$0x9D60];
	_ =	sdelay $0x4  }
0xe4: {  	[tilespmem:$0x1F090] =	vst v63;
	v63 =	vld [tilespmem:s26+$0x1D70];
	_ =	sdelay $0x4  }
0xe5: {  	[tilespmem:$0x1F120] =	vst v63;
	v63 =	vld [tilespmem:s26+$0x9D70];
	_ =	sdelay $0x4  }
0xe6: {  	[tilespmem:$0x1F130] =	vst v63;
	v63 =	vld [tilespmem:s26+$0x1D80];
	_ =	sdelay $0x4  }
0xe7: {  	[tilespmem:$0x1EF60] =	vst v63;
	v63 =	vld [tilespmem:s26+$0x9D80];
	_ =	sdelay $0x4  }
0xe8: {  	[tilespmem:$0x1EF70] =	vst v63;
	v63 =	vld [tilespmem:s26+$0x1D90];
	_ =	sdelay $0x4  }
0xe9: {  	[tilespmem:$0x1EF80] =	vst v63;
	v63 =	vld [tilespmem:s26+$0x9D90];
	_ =	sdelay $0x4  }
0xea: {  	[tilespmem:$0x1EF90] =	vst v63;
	v63 =	vld [tilespmem:s26+$0x1DA0];
	_ =	sdelay $0x4  }
0xeb: {  	[tilespmem:$0x1EFE0] =	vst v63;
	v63 =	vld [tilespmem:s26+$0x9DA0];
	_ =	sdelay $0x4  }
0xec: {  	[tilespmem:$0x1EFF0] =	vst v63;
	v63 =	vld [tilespmem:s26+$0x1DB0];
	_ =	sdelay $0x4  }
0xed: {  	[tilespmem:$0x1F040] =	vst v63;
	v63 =	vld [tilespmem:s26+$0x9DB0];
	_ =	sdelay $0x4  }
0xee: {  	[tilespmem:$0x1F050] =	vst v63;
	v63 =	vld [tilespmem:s26+$0x1DC0];
	_ =	sdelay $0x4  }
0xef: {  	[tilespmem:$0x1F0A0] =	vst v63;
	v63 =	vld [tilespmem:s26+$0x9DC0];
	_ =	sdelay $0x4  }
0xf0: {  	[tilespmem:$0x1F0B0] =	vst v63;
	v63 =	vld [tilespmem:s26+$0x1DD0];
	_ =	sdelay $0x4  }
0xf1: {  	[tilespmem:$0x1F100] =	vst v63;
	v63 =	vld [tilespmem:s26+$0x9DD0];
	_ =	sdelay $0x4  }
0xf2: {  	[tilespmem:$0x1F110] =	vst v63;
	v63 =	vld [tilespmem:s26+$0x1DE0];
	_ =	sdelay $0x4  }
0xf3: {  	[tilespmem:$0x1F1A0] =	vst v63;
	v63 =	vld [tilespmem:s26+$0x9DE0];
	_ =	sdelay $0x4  }
0xf4: {  	[tilespmem:$0x1F1B0] =	vst v63;
	v63 =	vld [tilespmem:s26+$0x1DF0];
	_ =	sdelay $0x4  }
0xf5: {  	[tilespmem:$0x1F2A0] =	vst v63;
	v63 =	vld [tilespmem:s26+$0x9DF0];
	_ =	sdelay $0x4  }
0xf6: {  	[tilespmem:$0x1F2B0] =	vst v63;
	v63 =	vld [tilespmem:s26+$0x1E00];
	_ =	sdelay $0x4  }
0xf7: {  	[tilespmem:$0x1F0C0] =	vst v63;
	v63 =	vld [tilespmem:s26+$0x9E00];
	_ =	sdelay $0x4  }
0xf8: {  	[tilespmem:$0x1F0D0] =	vst v63;
	v63 =	vld [tilespmem:s26+$0x1E10];
	_ =	sdelay $0x4  }
0xf9: {  	[tilespmem:$0x1F0E0] =	vst v63;
	v63 =	vld [tilespmem:s26+$0x9E10];
	_ =	sdelay $0x4  }
0xfa: {  	[tilespmem:$0x1F0F0] =	vst v63;
	v63 =	vld [tilespmem:s26+$0x1E20];
	_ =	sdelay $0x4  }
0xfb: {  	[tilespmem:$0x1F140] =	vst v63;
	v63 =	vld [tilespmem:s26+$0x9E20];
	_ =	sdelay $0x4  }
0xfc: {  	[tilespmem:$0x1F150] =	vst v63;
	v63 =	vld [tilespmem:s26+$0x1E30];
	_ =	sdelay $0x4  }
0xfd: {  	[tilespmem:$0x1F1C0] =	vst v63;
	v63 =	vld [tilespmem:s26+$0x9E30];
	_ =	sdelay $0x4  }
0xfe: {  	[tilespmem:$0x1F1D0] =	vst v63;
	v63 =	vld [tilespmem:s26+$0x1E40];
	_ =	sdelay $0x4  }
0xff: {  	[tilespmem:$0x1F200] =	vst v63;
	v63 =	vld [tilespmem:s26+$0x9E40];
	_ =	sdelay $0x4  }
0x100: {  	[tilespmem:$0x1F210] =	vst v63;
	v63 =	vld [tilespmem:s26+$0x1E50];
	_ =	sdelay $0x4  }
0x101: {  	[tilespmem:$0x1F220] =	vst v63;
	v63 =	vld [tilespmem:s26+$0x9E50];
	_ =	sdelay $0x4  }
0x102: {  	[tilespmem:$0x1F230] =	vst v63;
	v63 =	vld [tilespmem:s26+$0x1E60];
	_ =	sdelay $0x4  }
0x103: {  	[tilespmem:$0x1F300] =	vst v63;
	v63 =	vld [tilespmem:s26+$0x9E60];
	_ =	sdelay $0x4  }
0x104: {  	[tilespmem:$0x1F310] =	vst v63;
	v63 =	vld [tilespmem:s26+$0x1E70];
	_ =	sdelay $0x4  }
0x105: {  	[tilespmem:$0x1F360] =	vst v63;
	v63 =	vld [tilespmem:s26+$0x9E70];
	_ =	sdelay $0x4  }
0x106: {  	[tilespmem:$0x1F370] =	vst v63;
	v63 =	vld [tilespmem:s26+$0x1E80];
	_ =	sdelay $0x4  }
0x107: {  	[tilespmem:$0x1F160] =	vst v63;
	v63 =	vld [tilespmem:s26+$0x9E80];
	_ =	sdelay $0x4  }
0x108: {  	[tilespmem:$0x1F170] =	vst v63;
	v63 =	vld [tilespmem:s26+$0x1E90];
	_ =	sdelay $0x4  }
0x109: {  	[tilespmem:$0x1F180] =	vst v63;
	v63 =	vld [tilespmem:s26+$0x9E90];
	_ =	sdelay $0x4  }
0x10a: {  	[tilespmem:$0x1F190] =	vst v63;
	v63 =	vld [tilespmem:s26+$0x1EA0];
	_ =	sdelay $0x4  }
0x10b: {  	[tilespmem:$0x1F1E0] =	vst v63;
	v63 =	vld [tilespmem:s26+$0x9EA0];
	_ =	sdelay $0x4  }
0x10c: {  	[tilespmem:$0x1F1F0] =	vst v63;
	v63 =	vld [tilespmem:s26+$0x1EB0];
	_ =	sdelay $0x4  }
0x10d: {  	[tilespmem:$0x1F240] =	vst v63;
	v63 =	vld [tilespmem:s26+$0x9EB0];
	_ =	sdelay $0x4  }
0x10e: {  	[tilespmem:$0x1F250] =	vst v63;
	v63 =	vld [tilespmem:s26+$0x1EC0];
	_ =	sdelay $0x4  }
0x10f: {  	[tilespmem:$0x1F2C0] =	vst v63;
	v63 =	vld [tilespmem:s26+$0x9EC0];
	_ =	sdelay $0x4  }
0x110: {  	[tilespmem:$0x1F2D0] =	vst v63;
	v63 =	vld [tilespmem:s26+$0x1ED0];
	_ =	sdelay $0x4  }
0x111: {  	[tilespmem:$0x1F320] =	vst v63;
	v63 =	vld [tilespmem:s26+$0x9ED0];
	_ =	sdelay $0x4  }
0x112: {  	[tilespmem:$0x1F330] =	vst v63;
	v63 =	vld [tilespmem:s26+$0x1EE0];
	_ =	sdelay $0x4  }
0x113: {  	[tilespmem:$0x1F380] =	vst v63;
	v63 =	vld [tilespmem:s26+$0x9EE0];
	_ =	sdelay $0x4  }
0x114: {  	[tilespmem:$0x1F390] =	vst v63;
	v63 =	vld [tilespmem:s26+$0x1EF0];
	_ =	sdelay $0x4  }
0x115: {  	[tilespmem:$0x1F420] =	vst v63;
	v63 =	vld [tilespmem:s26+$0x9EF0];
	_ =	sdelay $0x4  }
0x116: {  	[tilespmem:$0x1F430] =	vst v63;
	v63 =	vld [tilespmem:s26+$0x1F00];
	_ =	sdelay $0x4  }
0x117: {  	[tilespmem:$0x1F260] =	vst v63;
	v63 =	vld [tilespmem:s26+$0x9F00];
	_ =	sdelay $0x4  }
0x118: {  	[tilespmem:$0x1F270] =	vst v63;
	v63 =	vld [tilespmem:s26+$0x1F10];
	_ =	sdelay $0x4  }
0x119: {  	[tilespmem:$0x1F280] =	vst v63;
	v63 =	vld [tilespmem:s26+$0x9F10];
	_ =	sdelay $0x4  }
0x11a: {  	[tilespmem:$0x1F290] =	vst v63;
	v63 =	vld [tilespmem:s26+$0x1F20];
	_ =	sdelay $0x4  }
0x11b: {  	[tilespmem:$0x1F2E0] =	vst v63;
	v63 =	vld [tilespmem:s26+$0x9F20];
	_ =	sdelay $0x4  }
0x11c: {  	[tilespmem:$0x1F2F0] =	vst v63;
	v63 =	vld [tilespmem:s26+$0x1F30];
	_ =	sdelay $0x4  }
0x11d: {  	[tilespmem:$0x1F340] =	vst v63;
	v63 =	vld [tilespmem:s26+$0x9F30];
	_ =	sdelay $0x4  }
0x11e: {  	[tilespmem:$0x1F350] =	vst v63;
	v63 =	vld [tilespmem:s26+$0x1F40];
	_ =	sdelay $0x4  }
0x11f: {  	[tilespmem:$0x1F3A0] =	vst v63;
	v63 =	vld [tilespmem:s26+$0x9F40];
	_ =	sdelay $0x4  }
0x120: {  	[tilespmem:$0x1F3B0] =	vst v63;
	v63 =	vld [tilespmem:s26+$0x1F50];
	_ =	sdelay $0x4  }
0x121: {  	[tilespmem:$0x1F400] =	vst v63;
	v63 =	vld [tilespmem:s26+$0x9F50];
	_ =	sdelay $0x4  }
0x122: {  	[tilespmem:$0x1F410] =	vst v63;
	v63 =	vld [tilespmem:s26+$0x1F60];
	_ =	sdelay $0x4  }
0x123: {  	[tilespmem:$0x1F4A0] =	vst v63;
	v63 =	vld [tilespmem:s26+$0x9F60];
	_ =	sdelay $0x4  }
0x124: {  	[tilespmem:$0x1F4B0] =	vst v63;
	v63 =	vld [tilespmem:s26+$0x1F70];
	_ =	sdelay $0x4  }
0x125: {  	[tilespmem:$0x1F5A0] =	vst v63;
	v63 =	vld [tilespmem:s26+$0x9F70];
	_ =	sdelay $0x4  }
0x126: {  	[tilespmem:$0x1F5B0] =	vst v63;
	v63 =	vld [tilespmem:s26+$0x1F80];
	_ =	sdelay $0x4  }
0x127: {  	[tilespmem:$0x1F3C0] =	vst v63;
	v63 =	vld [tilespmem:s26+$0x9F80];
	_ =	sdelay $0x4  }
0x128: {  	[tilespmem:$0x1F3D0] =	vst v63;
	v63 =	vld [tilespmem:s26+$0x1F90];
	_ =	sdelay $0x4  }
0x129: {  	[tilespmem:$0x1F3E0] =	vst v63;
	v63 =	vld [tilespmem:s26+$0x9F90];
	_ =	sdelay $0x4  }
0x12a: {  	[tilespmem:$0x1F3F0] =	vst v63;
	v63 =	vld [tilespmem:s26+$0x1FA0];
	_ =	sdelay $0x4  }
0x12b: {  	[tilespmem:$0x1F440] =	vst v63;
	v63 =	vld [tilespmem:s26+$0x9FA0];
	_ =	sdelay $0x4  }
0x12c: {  	[tilespmem:$0x1F450] =	vst v63;
	v63 =	vld [tilespmem:s26+$0x1FB0];
	_ =	sdelay $0x4  }
0x12d: {  	[tilespmem:$0x1F4C0] =	vst v63;
	v63 =	vld [tilespmem:s26+$0x9FB0];
	_ =	sdelay $0x4  }
0x12e: {  	[tilespmem:$0x1F4D0] =	vst v63;
	v63 =	vld [tilespmem:s26+$0x1FC0];
	_ =	sdelay $0x4  }
0x12f: {  	[tilespmem:$0x1F500] =	vst v63;
	v63 =	vld [tilespmem:s26+$0x9FC0];
	_ =	sdelay $0x4  }
0x130: {  	[tilespmem:$0x1F510] =	vst v63;
	v63 =	vld [tilespmem:s26+$0x1FD0];
	_ =	sdelay $0x4  }
0x131: {  	[tilespmem:$0x1F520] =	vst v63;
	v63 =	vld [tilespmem:s26+$0x9FD0];
	_ =	sdelay $0x4  }
0x132: {  	[tilespmem:$0x1F530] =	vst v63;
	v63 =	vld [tilespmem:s26+$0x1FE0];
	_ =	sdelay $0x4  }
0x133: {  	[tilespmem:$0x1F600] =	vst v63;
	v63 =	vld [tilespmem:s26+$0x9FE0];
	_ =	sdelay $0x4  }
0x134: {  	[tilespmem:$0x1F610] =	vst v63;
	v63 =	vld [tilespmem:s26+$0x1FF0];
	_ =	sdelay $0x4  }
0x135: {  	[tilespmem:$0x1F660] =	vst v63;
	v63 =	vld [tilespmem:s26+$0x9FF0];
	_ =	sdelay $0x4  }
0x136: {  	[tilespmem:$0x1F670] =	vst v63;
	v63 =	vld [tilespmem:s26+$0x2080];
	_ =	sdelay $0x4  }
0x137: {  	[tilespmem:$0x1F560] =	vst v63;
	v63 =	vld [tilespmem:s26+$0xA080];
	_ =	sdelay $0x4  }
0x138: {  	[tilespmem:$0x1F570] =	vst v63;
	v63 =	vld [tilespmem:s26+$0x2090];
	_ =	sdelay $0x4  }
0x139: {  	[tilespmem:$0x1F580] =	vst v63;
	v63 =	vld [tilespmem:s26+$0xA090];
	_ =	sdelay $0x4  }
0x13a: {  	[tilespmem:$0x1F590] =	vst v63;
	v63 =	vld [tilespmem:s26+$0x20A0];
	_ =	sdelay $0x4  }
0x13b: {  	[tilespmem:$0x1F5E0] =	vst v63;
	v63 =	vld [tilespmem:s26+$0xA0A0];
	_ =	sdelay $0x4  }
0x13c: {  	[tilespmem:$0x1F5F0] =	vst v63;
	v63 =	vld [tilespmem:s26+$0x20B0];
	_ =	sdelay $0x4  }
0x13d: {  	[tilespmem:$0x1F640] =	vst v63;
	v63 =	vld [tilespmem:s26+$0xA0B0];
	_ =	sdelay $0x4  }
0x13e: {  	[tilespmem:$0x1F650] =	vst v63;
	v63 =	vld [tilespmem:s26+$0x20C0];
	_ =	sdelay $0x4  }
0x13f: {  	[tilespmem:$0x1F6A0] =	vst v63;
	v63 =	vld [tilespmem:s26+$0xA0C0];
	_ =	sdelay $0x4  }
0x140: {  	[tilespmem:$0x1F6B0] =	vst v63;
	v63 =	vld [tilespmem:s26+$0x20D0];
	_ =	sdelay $0x4  }
0x141: {  	[tilespmem:$0x1F700] =	vst v63;
	v63 =	vld [tilespmem:s26+$0xA0D0];
	_ =	sdelay $0x4  }
0x142: {  	[tilespmem:$0x1F710] =	vst v63;
	v63 =	vld [tilespmem:s26+$0x20E0];
	_ =	sdelay $0x4  }
0x143: {  	[tilespmem:$0x1F7A0] =	vst v63;
	v63 =	vld [tilespmem:s26+$0xA0E0];
	_ =	sdelay $0x4  }
0x144: {  	[tilespmem:$0x1F7B0] =	vst v63;
	v63 =	vld [tilespmem:s26+$0x20F0];
	_ =	sdelay $0x4  }
0x145: {  	[tilespmem:$0x1F8A0] =	vst v63;
	v63 =	vld [tilespmem:s26+$0xA0F0];
	_ =	sdelay $0x4  }
0x146: {  	[tilespmem:$0x1F8B0] =	vst v63;
	v63 =	vld [tilespmem:s26+$0x2100];
	_ =	sdelay $0x4  }
0x147: {  	[tilespmem:$0x1F6C0] =	vst v63;
	v63 =	vld [tilespmem:s26+$0xA100];
	_ =	sdelay $0x4  }
0x148: {  	[tilespmem:$0x1F6D0] =	vst v63;
	v63 =	vld [tilespmem:s26+$0x2110];
	_ =	sdelay $0x4  }
0x149: {  	[tilespmem:$0x1F6E0] =	vst v63;
	v63 =	vld [tilespmem:s26+$0xA110];
	_ =	sdelay $0x4  }
0x14a: {  	[tilespmem:$0x1F6F0] =	vst v63;
	v63 =	vld [tilespmem:s26+$0x2120];
	_ =	sdelay $0x4  }
0x14b: {  	[tilespmem:$0x1F740] =	vst v63;
	v63 =	vld [tilespmem:s26+$0xA120];
	_ =	sdelay $0x4  }
0x14c: {  	[tilespmem:$0x1F750] =	vst v63;
	v63 =	vld [tilespmem:s26+$0x2130];
	_ =	sdelay $0x4  }
0x14d: {  	[tilespmem:$0x1F7C0] =	vst v63;
	v63 =	vld [tilespmem:s26+$0xA130];
	_ =	sdelay $0x4  }
0x14e: {  	[tilespmem:$0x1F7D0] =	vst v63;
	v63 =	vld [tilespmem:s26+$0x2140];
	_ =	sdelay $0x4  }
0x14f: {  	[tilespmem:$0x1F800] =	vst v63;
	v63 =	vld [tilespmem:s26+$0xA140];
	_ =	sdelay $0x4  }
0x150: {  	[tilespmem:$0x1F810] =	vst v63;
	v63 =	vld [tilespmem:s26+$0x2150];
	_ =	sdelay $0x4  }
0x151: {  	[tilespmem:$0x1F820] =	vst v63;
	v63 =	vld [tilespmem:s26+$0xA150];
	_ =	sdelay $0x4  }
0x152: {  	[tilespmem:$0x1F830] =	vst v63;
	v63 =	vld [tilespmem:s26+$0x2160];
	_ =	sdelay $0x4  }
0x153: {  	[tilespmem:$0x1F900] =	vst v63;
	v63 =	vld [tilespmem:s26+$0xA160];
	_ =	sdelay $0x4  }
0x154: {  	[tilespmem:$0x1F910] =	vst v63;
	v63 =	vld [tilespmem:s26+$0x2170];
	_ =	sdelay $0x4  }
0x155: {  	[tilespmem:$0x1F960] =	vst v63;
	v63 =	vld [tilespmem:s26+$0xA170];
	_ =	sdelay $0x4  }
0x156: {  	[tilespmem:$0x1F970] =	vst v63;
	v63 =	vld [tilespmem:s26+$0x2180];
	_ =	sdelay $0x4  }
0x157: {  	[tilespmem:$0x1F760] =	vst v63;
	v63 =	vld [tilespmem:s26+$0xA180];
	_ =	sdelay $0x4  }
0x158: {  	[tilespmem:$0x1F770] =	vst v63;
	v63 =	vld [tilespmem:s26+$0x2190];
	_ =	sdelay $0x4  }
0x159: {  	[tilespmem:$0x1F780] =	vst v63;
	v63 =	vld [tilespmem:s26+$0xA190];
	_ =	sdelay $0x4  }
0x15a: {  	[tilespmem:$0x1F790] =	vst v63;
	v63 =	vld [tilespmem:s26+$0x21A0];
	_ =	sdelay $0x4  }
0x15b: {  	[tilespmem:$0x1F7E0] =	vst v63;
	v63 =	vld [tilespmem:s26+$0xA1A0];
	_ =	sdelay $0x4  }
0x15c: {  	[tilespmem:$0x1F7F0] =	vst v63;
	v63 =	vld [tilespmem:s26+$0x21B0];
	_ =	sdelay $0x4  }
0x15d: {  	[tilespmem:$0x1F840] =	vst v63;
	v63 =	vld [tilespmem:s26+$0xA1B0];
	_ =	sdelay $0x4  }
0x15e: {  	[tilespmem:$0x1F850] =	vst v63;
	v63 =	vld [tilespmem:s26+$0x21C0];
	_ =	sdelay $0x4  }
0x15f: {  	[tilespmem:$0x1F8C0] =	vst v63;
	v63 =	vld [tilespmem:s26+$0xA1C0];
	_ =	sdelay $0x4  }
0x160: {  	[tilespmem:$0x1F8D0] =	vst v63;
	v63 =	vld [tilespmem:s26+$0x21D0];
	_ =	sdelay $0x4  }
0x161: {  	[tilespmem:$0x1F920] =	vst v63;
	v63 =	vld [tilespmem:s26+$0xA1D0];
	_ =	sdelay $0x4  }
0x162: {  	[tilespmem:$0x1F930] =	vst v63;
	v63 =	vld [tilespmem:s26+$0x21E0];
	_ =	sdelay $0x4  }
0x163: {  	[tilespmem:$0x1F980] =	vst v63;
	v63 =	vld [tilespmem:s26+$0xA1E0];
	_ =	sdelay $0x4  }
0x164: {  	[tilespmem:$0x1F990] =	vst v63;
	v63 =	vld [tilespmem:s26+$0x21F0];
	_ =	sdelay $0x4  }
0x165: {  	[tilespmem:$0x1FA20] =	vst v63;
	v63 =	vld [tilespmem:s26+$0xA1F0];
	_ =	sdelay $0x4  }
0x166: {  	[tilespmem:$0x1FA30] =	vst v63;
	v63 =	vld [tilespmem:s26+$0x2200];
	_ =	sdelay $0x4  }
0x167: {  	[tilespmem:$0x1F860] =	vst v63;
	v63 =	vld [tilespmem:s26+$0xA200];
	_ =	sdelay $0x4  }
0x168: {  	[tilespmem:$0x1F870] =	vst v63;
	v63 =	vld [tilespmem:s26+$0x2210];
	_ =	sdelay $0x4  }
0x169: {  	[tilespmem:$0x1F880] =	vst v63;
	v63 =	vld [tilespmem:s26+$0xA210];
	_ =	sdelay $0x4  }
0x16a: {  	[tilespmem:$0x1F890] =	vst v63;
	v63 =	vld [tilespmem:s26+$0x2220];
	_ =	sdelay $0x4  }
0x16b: {  	[tilespmem:$0x1F8E0] =	vst v63;
	v63 =	vld [tilespmem:s26+$0xA220];
	_ =	sdelay $0x4  }
0x16c: {  	[tilespmem:$0x1F8F0] =	vst v63;
	v63 =	vld [tilespmem:s26+$0x2230];
	_ =	sdelay $0x4  }
0x16d: {  	[tilespmem:$0x1F940] =	vst v63;
	v63 =	vld [tilespmem:s26+$0xA230];
	_ =	sdelay $0x4  }
0x16e: {  	[tilespmem:$0x1F950] =	vst v63;
	v63 =	vld [tilespmem:s26+$0x2240];
	_ =	sdelay $0x4  }
0x16f: {  	[tilespmem:$0x1F9A0] =	vst v63;
	v63 =	vld [tilespmem:s26+$0x22C0];
	_ =	sdelay $0x4  }
0x170: {  	[tilespmem:$0x1FAF0] =	vst v63;
	v63 =	vld [tilespmem:s26+$0xA240];
	_ =	sdelay $0x4  }
0x171: {  	[tilespmem:$0x1F9B0] =	vst v63;
	v63 =	vld [tilespmem:s26+$0x2250];
	_ =	sdelay $0x4  }
0x172: {  	[tilespmem:$0x1FA00] =	vst v63;
	v63 =	vld [tilespmem:s26+$0xA250];
	_ =	sdelay $0x4  }
0x173: {  	[tilespmem:$0x1FA10] =	vst v63;
	v63 =	vld [tilespmem:s26+$0x2260];
	_ =	sdelay $0x4  }
0x174: {  	[tilespmem:$0x1FAA0] =	vst v63;
	v63 =	vld [tilespmem:s26+$0xA260];
	_ =	sdelay $0x4  }
0x175: {  	[tilespmem:$0x1FAB0] =	vst v63;
	v63 =	vld [tilespmem:s26+$0x2270];
	_ =	sdelay $0x4  }
0x176: {  	[tilespmem:$0x1FB70] =	vst v63;
	v63 =	vld [tilespmem:s26+$0xA270];
	_ =	sdelay $0x4  }
0x177: {  	[tilespmem:$0x1FB80] =	vst v63;
	v63 =	vld [tilespmem:s26+$0x2280];
	_ =	sdelay $0x4  }
0x178: {  	[tilespmem:$0x1F9C0] =	vst v63;
	v63 =	vld [tilespmem:s26+$0xA280];
	_ =	sdelay $0x4  }
0x179: {  	[tilespmem:$0x1F9D0] =	vst v63;
	v63 =	vld [tilespmem:s26+$0x22B0];
	_ =	sdelay $0x4  }
0x17a: {  	[tilespmem:$0x1FAC0] =	vst v63;
	v63 =	vld [tilespmem:s26+$0x2290];
	_ =	sdelay $0x4  }
0x17b: {  	[tilespmem:$0x1F9E0] =	vst v63;
	v63 =	vld [tilespmem:s26+$0x2380];
	_ =	sdelay $0x4  }
0x17c: {  	[tilespmem:$0x1FB50] =	vst v63;
	v63 =	vld [tilespmem:s26+$0xA290];
	_ =	sdelay $0x4  }
0x17d: {  	[tilespmem:$0x1F9F0] =	vst v63;
	v63 =	vld [tilespmem:s26+$0xA360];
	_ =	sdelay $0x4  }
0x17e: {  	[tilespmem:$0x1FC10] =	vst v63;
	v63 =	vld [tilespmem:s26+$0x22A0];
	_ =	sdelay $0x4  }
0x17f: {  	[tilespmem:$0x1FA40] =	vst v63;
	v63 =	vld [tilespmem:s26+$0xA2A0];
	_ =	sdelay $0x4  }
0x180: {  	[tilespmem:$0x1FA50] =	vst v63;
	v63 =	vld [tilespmem:s26+$0xA2B0];
	_ =	sdelay $0x4  }
0x181: {  	[tilespmem:$0x1FAD0] =	vst v63;
	v63 =	vld [tilespmem:s26+$0x22F0];
	_ =	sdelay $0x4  }
0x182: {  	[tilespmem:$0x1FBF0] =	vst v63;
	v63 =	vld [tilespmem:s26+$0xA2C0];
	_ =	sdelay $0x4  }
0x183: {  	[tilespmem:$0x1FB00] =	vst v63;
	v63 =	vld [tilespmem:s26+$0x2350];
	_ =	sdelay $0x4  }
0x184: {  	[tilespmem:$0x1FBD0] =	vst v63;
	v63 =	vld [tilespmem:s26+$0x22D0];
	_ =	sdelay $0x4  }
0x185: {  	[tilespmem:$0x1FB10] =	vst v63;
	v63 =	vld [tilespmem:s26+$0xA2D0];
	_ =	sdelay $0x4  }
0x186: {  	[tilespmem:$0x1FB20] =	vst v63;
	v63 =	vld [tilespmem:s26+$0x22E0];
	_ =	sdelay $0x4  }
0x187: {  	[tilespmem:$0x1FBB0] =	vst v63;
	v63 =	vld [tilespmem:s26+$0x2340];
	_ =	sdelay $0x4  }
0x188: {  	[tilespmem:$0x1FB90] =	vst v63;
	v63 =	vld [tilespmem:s26+$0xA2E0];
	_ =	sdelay $0x4  }
0x189: {  	[tilespmem:$0x1FBC0] =	vst v63;
	v63 =	vld [tilespmem:s26+$0xA380];
	_ =	sdelay $0x4  }
0x18a: {  	[tilespmem:$0x1FB60] =	vst v63;
	v63 =	vld [tilespmem:s26+$0xA2F0];
	_ =	sdelay $0x1  }
0x18b: {  	v42 =	vmul.f32 v42, v45;
	v45 =	vmul.f32 v52, v54  }
0x18c: {  	v52 =	vld [tilespmem:s26+$0x2320]  }
0x18d: {  	v41 =	vmul.f32 v41, v50;
	v42 =	vadd.f32 v42, v45;
	v54 =	vld [tilespmem:s26+$0xA320]  }
0x18e: {  	[tilespmem:$0x1FC00] =	vst v63;
	v63 =	vld [tilespmem:s26+$0x2300]  }
0x18f: {  	v20 =	vmul.f32 v20, v46;
	v41 =	vadd.f32 v41, v42;
	v45 =	vld [tilespmem:s26+$0xA330]  }
0x190: {  	v10 =	vmul.f32 v10, v11;
	v12 =	vmul.f32 v12, v13;
	v46 =	vld [tilespmem:s26+$0xA340]  }
0x191: {  	v50 =	vadd.f32 v20, v41;
	v41 =	vmul.f32 v22, v24;
	v22 =	vld [tilespmem:s26+$0xA370]  }
0x192: {  	v10 =	vadd.f32 v10, v12;
	v2 =	vmul.f32 v2, v3;
	v0 =	vmul.f32 v0, v1;
	v12 =	vld [tilespmem:s26+$0x2390]  }
0x193: {  	[tilespmem:$0x1FA60] =	vst v63;
	v63 =	vld [tilespmem:s26+$0xA300]  }
0x194: {  	v42 =	vmul.f32 v8, v9;
	v0 =	vadd.f32 v0, v2;
	v13 =	vld [tilespmem:s26+$0x23A0]  }
0x195: {  	v9 =	vld [tilespmem:s26+$0x23D0]  }
0x196: {  	v0 =	vadd.f32 v42, v0;
	v42 =	vld [tilespmem:s26+$0xA400]  }
0x197: {  	v24 =	vmul.f32 v21, v23;
	v21 =	vld [tilespmem:s26+$0xA450]  }
0x198: {  	[tilespmem:$0x1FA70] =	vst v63;
	v63 =	vld [tilespmem:s26+$0x2310]  }
0x199: {  	v20 =	vmul.f32 v31, v33;
	v31 =	vld [tilespmem:s26+$0xA3C0]  }
0x19a: {  	v33 =	vmul.f32 v55, v57;
	v55 =	vld [tilespmem:$0x1ED70]  }
0x19b: {  	v57 =	vld [tilespmem:$0x1ED90]  }
0x19c: {  	[tilespmem:$0x1FAE0] =	vst v54;
	v54 =	vmul.f32 v27, v28;
	v27 =	vmul.f32 v16, v18;
	v16 =	vld [tilespmem:s26+$0x2360]  }
0x19d: {  	[tilespmem:$0x1FA80] =	vst v63;
	v63 =	vld [tilespmem:s26+$0xA310]  }
0x19e: {  	v28 =	vld [tilespmem:s26+$0x2370]  }
0x19f: {  	v18 =	vld [tilespmem:s26+$0xA390]  }
0x1a0: {  	[tilespmem:$0x1FB40] =	vst v45;
	v45 =	vmul.f32 v44, v47;
	v47 =	vmul.f32 v17, v19;
	v17 =	vld [tilespmem:s26+$0xA3A0]  }
0x1a1: {  	v19 =	vld [tilespmem:s26+$0xA3B0]  }
0x1a2: {  	[tilespmem:$0x1FA90] =	vst v63;
	v63 =	vld [tilespmem:s26+$0x2330]  }
0x1a3: {  	[tilespmem:$0x1FBA0] =	vst v46;
	v46 =	vmul.f32 v32, v34;
	v32 =	vld [tilespmem:s26+$0x23E0]  }
0x1a4: {  	v34 =	vmul.f32 v37, v38;
	v38 =	vmul.f32 v43, v49;
	v43 =	vld [tilespmem:s26+$0x2410]  }
0x1a5: {  	v44 =	vld [tilespmem:s26+$0xA410]  }
0x1a6: {  	v49 =	vld [tilespmem:$0x1ED50]  }
0x1a7: {  	[tilespmem:$0x1FB30] =	vst v63;
	v63 =	vld [tilespmem:s26+$0xA350]  }
0x1a8: {  	v35 =	vmul.f32 v35, v36;
	v36 =	vadd.f32 v27, v10;
	v10 =	vld [tilespmem:s26+$0x23B0]  }
0x1a9: {  	v27 =	vmul.f32 v29, v30;
	v29 =	vld [tilespmem:$0x1ED10]  }
0x1aa: {  	v30 =	vld [tilespmem:$0x1ED20]  }
0x1ab: {  	v11 =	vadd.f32 v54, v50;
	v50 =	vmul.f32 v25, v26;
	v26 =	vmul.f32 v39, v40;
	v39 =	vld [tilespmem:s26+$0x2400]  }
0x1ac: {  	[tilespmem:$0x1FBE0] =	vst v63;
	v63 =	vmul.f32 v14, v15;
	v14 =	vld [tilespmem:$0x1ECF0]  }
0x1ad: {  	v3 =	vadd.f32 v41, v36;
	v15 =	vld [tilespmem:$0x1ED00]  }
0x1ae: {  	v6 =	vmul.f32 v6, v7;
	v0 =	vadd.f32 v47, v0;
	v47 =	vld [tilespmem:$0x1ED40]  }
0x1af: {  	v4 =	vmul.f32 v4, v5;
	v54 =	vmul.f32 v48, v51;
	v48 =	vld [tilespmem:s26+$0xA420];
	v3 =	vadd.f32 v46, v3  }
0x1b0: {  	v51 =	vld [tilespmem:s26+$0x2430];
	v1 =	vadd.f32 v35, v11;
	v0 =	vadd.f32 v50, v0  }
0x1b1: {  	v4 =	vadd.f32 v4, v6;
	v25 =	vmul.f32 v58, v62;
	v62 =	vld [tilespmem:$0x1EDA0];
	v3 =	vadd.f32 v54, v3  }
0x1b2: {  	[tilespmem:$0x1FC30] =	vst v42;
	v35 =	vld [tilespmem:s26+$0xA3E0];
	v1 =	vadd.f32 v45, v1;
	v0 =	vadd.f32 v20, v0;
	v7 =	vmul.f32 v15, v14  }
0x1b3: {  	[tilespmem:$0x1FD60] =	vst v21;
	v41 =	vmul.f32 v53, v56;
	v53 =	vld [tilespmem:$0x1ED60];
	v6 =	vmul.f32 v30, v29;
	v3 =	vadd.f32 v25, v3  }
0x1b4: {  	v56 =	vld [tilespmem:$0x1ED80];
	[tilespmem:$0x1FCE0] =	vst v28;
	v0 =	vadd.f32 v26, v0;
	v1 =	vadd.f32 v7, v1  }
0x1b5: {  	v50 =	vmul.f32 v59, v60;
	v59 =	vld [tilespmem:s26+$0x2440];
	[tilespmem:$0x1FC70] =	vst v32;
	v36 =	vadd.f32 v6, v3  }
0x1b6: {  	v11 =	vld [tilespmem:s26+$0x2450];
	[tilespmem:$0x1FC40] =	vst v43;
	v0 =	vadd.f32 v33, v0;
	v4 =	vadd.f32 v63, v4;
	(xrf2) =	vadd.scan.msk.f32 $0xffff, v1  }
0x1b7: {  	v28 =	vld [tilespmem:s26+$0xA3D0];
	[tilespmem:$0x1FC50] =	vst v44;
	(xrf2) =	vadd.scan.msk.f32 $0xffff, v36  }
0x1b8: {  	v2 =	vmul.f32 v61, v49;
	v61 =	vld [tilespmem:s26+$0xA440];
	[tilespmem:$0x1FC20] =	vst v39;
	v4 =	vadd.f32 v24, v4;
	(xrf2) =	vadd.scan.msk.f32 $0xffff, v0  }
0x1b9: {  	v45 =	vld [tilespmem:s26+$0x2420];
	[tilespmem:$0x1FCA0] =	vst v48  }
0x1ba: {  	v46 =	vld [tilespmem:$0x1ED30];
	[tilespmem:$0x1FCF0] =	vst v51;
	v4 =	vadd.f32 v27, v4  }
0x1bb: {  	v23 =	vld [tilespmem:$0x1EDC0];
	[tilespmem:$0x1FC80] =	vst v35  }
0x1bc: {  	v54 =	vld [tilespmem:s26+$0xA430];
	[tilespmem:$0x1FD20] =	vst v59;
	v37 =	vadd.f32 v34, v4  }
0x1bd: {  	[tilespmem:$0x1FD50] =	vst v11;
	v27 =	vld [tilespmem:s26+$0x2460]  }
0x1be: {  	[tilespmem:$0x1FC60] =	vst v28;
	v25 =	vld [tilespmem:s26+$0xA3F0];
	v40 =	vadd.f32 v38, v37  }
0x1bf: {  	[tilespmem:$0x1FD30] =	vst v61;
	v26 =	vld [tilespmem:$0x1EDD0]  }
0x1c0: {  	[tilespmem:$0x1FC90] =	vst v45;
	v63 =	vld [tilespmem:$0x1EDB0];
	v0 =	vadd.f32 v41, v40;
	v58, _, _ =	vpop (xrf2)  }
0x1c1: {  	[tilespmem:$0x1FD00] =	vst v54;
	v24 =	vld [tilespmem:s26+$0x23F0];
	v8, _, _ =	vpop (xrf2)  }
0x1c2: {  	v15 =	vld [tilespmem:s26+$0x23C0];
	[tilespmem:$0x1FD70] =	vst v27;
	(xrf2) =	vadd.scan.msk.f32 $0xffff, v0;
	v20, _, _ =	vpop (xrf2)  }
0x1c3: {  	v28 =	vld [tilespmem:$0x1EDE0]  }
0x1c4: {  	v29 =	vld [tilespmem:$0x1EDF0]  }
0x1c5: {  	v30 =	vld [tilespmem:$0x1EE00]  }
0x1c6: {  	v32 =	vld [tilespmem:$0x1EE10]  }
0x1c7: {  	v33 =	vld [tilespmem:s26+$0xA460]  }
0x1c8: {  	v34 =	vld [tilespmem:$0x1EE20]  }
0x1c9: {  	v35 =	vld [tilespmem:$0x1EE30]  }
0x1ca: {  	v36 =	vld [tilespmem:s26+$0x2470]  }
0x1cb: {  	v37 =	vld [tilespmem:$0x1EE40]  }
0x1cc: {  	v38 =	vld [tilespmem:$0x1EE50]  }
0x1cd: {  	v39 =	vld [tilespmem:$0x1EE60]  }
0x1ce: {  	v40 =	vld [tilespmem:$0x1EE70]  }
0x1cf: {  	v42 =	vld [tilespmem:s26+$0xA470]  }
0x1d0: {  	v43 =	vld [tilespmem:$0x1EE80]  }
0x1d1: {  	v44 =	vld [tilespmem:$0x1EE90]  }
0x1d2: {  	v45 =	vld [tilespmem:s26+$0x2480]  }
0x1d3: {  	v0 =	vbroadcast v46, $0xF;
	v46 =	vld [tilespmem:$0x1EEA0]  }
0x1d4: {  	v1 =	vbroadcast v47, $0xF;
	v47 =	vld [tilespmem:$0x1EEB0]  }
0x1d5: {  	v48 =	vld [tilespmem:$0x1EEC0]  }
0x1d6: {  	v49 =	vld [tilespmem:$0x1EED0]  }
0x1d7: {  	v2 =	vadd.f32 v50, v2;
	v50 =	vld [tilespmem:s26+$0xA480]  }
0x1d8: {  	v54 =	vld [tilespmem:$0x1EEE0]  }
0x1d9: {  	v3 =	vmul.f32 v56, v55;
	v55 =	vld [tilespmem:$0x1EEF0]  }
0x1da: {  	v0 =	vsel vm0, v0, v1;
	v1 =	vbroadcast v53, $0xF;
	v56 =	vld [tilespmem:s26+$0x2490]  }
0x1db: {  	v4 =	vbroadcast v57, $0xF;
	v57 =	vld [tilespmem:$0x1EF00]  }
0x1dc: {  	v0 =	vsel vm1, v0, v1;
	v60 =	vbroadcast v58, $0xF;
	v58 =	vld [tilespmem:$0x1EF10]  }
0x1dd: {  	v0 =	vsel vm2, v0, v4;
	v59 =	vld [tilespmem:$0x1EF20]  }
0x1de: {  	v0 =	vsel vm3, v0, v60;
	v60 =	vld [tilespmem:$0x1EF30]  }
0x1df: {  	v61 =	vld [tilespmem:$0x1EF40]  }
0x1e0: {  	v2 =	vadd.f32 v3, v2;
	v3 =	vmul.f32 v63, v62;
	v62 =	vld [tilespmem:$0x1EF50]  }
0x1e1: {  	v63 =	vld [tilespmem:s26+$0x24A0]  }
0x1e2: {  	v11 =	vld [tilespmem:$0x1EF60]  }
0x1e3: {  	v4 =	vbroadcast v20, $0xF;
	v20 =	vld [tilespmem:$0x1EF80]  }
0x1e4: {  	v21 =	vld [tilespmem:$0x1EF90]  }
0x1e5: {  	v27 =	vld [tilespmem:s26+$0xA4A0]  }
0x1e6: {  	v2 =	vadd.f32 v3, v2;
	v3 =	vmul.f32 v26, v23;
	v23 =	vld [tilespmem:$0x1EFA0]  }
0x1e7: {  	v14 =	vbroadcast v8, $0xF;
	v26 =	vld [tilespmem:$0x1EFB0]  }
0x1e8: {  	v53 =	vld [tilespmem:$0x1F0D0]  }
0x1e9: {  	v0 =	vsel vm4, v0, v14;
	v14 =	vld [tilespmem:$0x1EF70];
	v41, _, _ =	vpop (xrf2)  }
0x1ea: {  	v6 =	vbroadcast v41, $0xF;
	v41 =	vld [tilespmem:$0x1F050]  }
0x1eb: {  	v1 =	vmul.f32 v29, v28;
	v28 =	vld [tilespmem:$0x1EFC0]  }
0x1ec: {  	v29 =	vld [tilespmem:$0x1EFD0]  }
0x1ed: {  	v5 =	vmul.f32 v32, v30;
	v30 =	vld [tilespmem:s26+$0x24B0]  }
0x1ee: {  	v32 =	vld [tilespmem:$0x1EFE0]  }
0x1ef: {  	[tilespmem:$0x1FD80] =	vst v33;
	v33 =	vld [tilespmem:$0x1EFF0]  }
0x1f0: {  	v2 =	vadd.f32 v3, v2;
	v3 =	vmul.f32 v35, v34;
	v34 =	vld [tilespmem:$0x1F000]  }
0x1f1: {  	v35 =	vld [tilespmem:$0x1F010]  }
0x1f2: {  	[tilespmem:$0x1FDB0] =	vst v36;
	v36 =	vld [tilespmem:$0x1F020]  }
0x1f3: {  	v0 =	vsel vm5, v0, v4;
	v4 =	vmul.f32 v38, v37;
	v37 =	vld [tilespmem:$0x1F030]  }
0x1f4: {  	v38 =	vld [tilespmem:s26+$0x24C0]  }
0x1f5: {  	[tilespmem:$0x1FDC0] =	vst v42;
	v42 =	vld [tilespmem:s26+$0xA4C0]  }
0x1f6: {  	[tilespmem:$0x1FCB0] =	vst v45;
	v45 =	vld [tilespmem:s26+$0x24D0]  }
0x1f7: {  	v7 =	vmul.f32 v47, v46;
	v46 =	vld [tilespmem:$0x1F080]  }
0x1f8: {  	v47 =	vld [tilespmem:$0x1F090]  }
0x1f9: {  	[tilespmem:$0x1FCC0] =	vst v50;
	v50 =	vld [tilespmem:s26+$0xA4D0]  }
0x1fa: {  	[tilespmem:$0x1FCD0] =	vst v56;
	v56 =	vld [tilespmem:$0x1F0F0]  }
0x1fb: {  	[tilespmem:$0x1FD10] =	vst v63;
	v63 =	vld [tilespmem:$0x1F140]  }
0x1fc: {  	v0 =	vsel vm6, v0, v6;
	v6 =	vmul.f32 v21, v20;
	v20 =	vld [tilespmem:$0x1F160]  }
0x1fd: {  	v21 =	vld [tilespmem:$0x1F170]  }
0x1fe: {  	v1 =	vadd.f32 v5, v1;
	v5 =	vmul.f32 v40, v39;
	v40 =	vld [tilespmem:$0x1F040]  }
0x1ff: {  	v2 =	vadd.f32 v3, v2;
	v3 =	vmul.f32 v44, v43;
	v43 =	vld [tilespmem:$0x1F060]  }
0x200: {  	v44 =	vld [tilespmem:$0x1F070]  }
0x201: {  	v51 =	vadd.f32 v3, v5;
	v3 =	vmul.f32 v55, v54;
	v54 =	vld [tilespmem:s26+$0xA490]  }
0x202: {  	v1 =	vadd.f32 v4, v1;
	v4 =	vmul.f32 v49, v48;
	v48 =	vld [tilespmem:$0x1F0A0]  }
0x203: {  	v49 =	vld [tilespmem:$0x1F0B0]  }
0x204: {  	v55 =	vld [tilespmem:$0x1F0E0]  }
0x205: {  	v5 =	vmul.f32 v60, v59;
	v59 =	vld [tilespmem:$0x1F110]  }
0x206: {  	v60 =	vld [tilespmem:s26+$0xA4E0]  }
0x207: {  	v2 =	vadd.f32 v7, v2;
	v7 =	vmul.f32 v26, v23;
	v23 =	vld [tilespmem:$0x1F180]  }
0x208: {  	v26 =	vld [tilespmem:$0x1F190]  }
0x209: {  	[tilespmem:$0x1FD40] =	vst v30;
	v30 =	vld [tilespmem:$0x1F1A0]  }
0x20a: {  	[tilespmem:$0x1FD90] =	vst v38;
	v38 =	vld [tilespmem:$0x1F1F0]  }
0x20b: {  	[tilespmem:$0x1FDA0] =	vst v42;
	v42 =	vld [tilespmem:s26+$0x2510]  }
0x20c: {  	[tilespmem:$0x1FDD0] =	vst v45;
	v45 =	vld [tilespmem:$0x1F240]  }
0x20d: {  	[tilespmem:$0x1FDE0] =	vst v50;
	v50 =	vld [tilespmem:$0x1F280]  }
0x20e: {  	[tilespmem:$0x1FFE0] =	vst v0;
	v0 =	vadd.f32 v3, v51;
	v51 =	vld [tilespmem:$0x1F0C0]  }
0x20f: {  	v1 =	vadd.f32 v4, v1;
	v4 =	vmul.f32 v58, v57;
	v57 =	vld [tilespmem:s26+$0x24E0]  }
0x210: {  	v58 =	vld [tilespmem:$0x1F100]  }
0x211: {  	v3 =	vmul.f32 v62, v61;
	v61 =	vld [tilespmem:$0x1F120]  }
0x212: {  	v62 =	vld [tilespmem:$0x1F130]  }
0x213: {  	v0 =	vadd.f32 v3, v0;
	v3 =	vmul.f32 v29, v28;
	v28 =	vld [tilespmem:s26+$0xA4B0]  }
0x214: {  	v1 =	vadd.f32 v4, v1;
	v4 =	vmul.f32 v14, v11;
	v11 =	vld [tilespmem:$0x1F150]  }
0x215: {  	v14 =	vld [tilespmem:s26+$0x24F0]  }
0x216: {  	v29 =	vld [tilespmem:s26+$0xA4F0]  }
0x217: {  	[tilespmem:$0x1FE60] =	vst v60;
	v60 =	vld [tilespmem:$0x1F2E0]  }
0x218: {  	v1 =	vadd.f32 v5, v1;
	v5 =	vmul.f32 v33, v32;
	v32 =	vld [tilespmem:$0x1F1B0]  }
0x219: {  	v33 =	vld [tilespmem:$0x1F1C0]  }
0x21a: {  	v4 =	vadd.f32 v6, v4;
	v6 =	vmul.f32 v35, v34;
	v34 =	vld [tilespmem:$0x1F1D0]  }
0x21b: {  	v35 =	vld [tilespmem:s26+$0x2500]  }
0x21c: {  	v0 =	vadd.f32 v3, v0;
	v3 =	vmul.f32 v37, v36;
	v37 =	vld [tilespmem:$0x1F1E0]  }
0x21d: {  	[tilespmem:$0x1FE10] =	vst v42;
	v42 =	vld [tilespmem:$0x1F3D0]  }
0x21e: {  	[tilespmem:$0x1FE50] =	vst v57;
	v57 =	vld [tilespmem:$0x1F2C0]  }
0x21f: {  	v39 =	vadd.f32 v5, v4;
	v4 =	vmul.f32 v41, v40;
	v40 =	vld [tilespmem:$0x1F200]  }
0x220: {  	v41 =	vld [tilespmem:$0x1F210]  }
0x221: {  	v5 =	vmul.f32 v44, v43;
	v43 =	vld [tilespmem:$0x1F220]  }
0x222: {  	v44 =	vld [tilespmem:$0x1F230]  }
0x223: {  	v0 =	vadd.f32 v3, v0;
	v3 =	vmul.f32 v47, v46;
	v46 =	vld [tilespmem:$0x1F250]  }
0x224: {  	v47 =	vld [tilespmem:s26+$0xA510]  }
0x225: {  	v1 =	vadd.f32 v6, v1;
	v6 =	vmul.f32 v26, v23;
	v23 =	vld [tilespmem:s26+$0xA530]  }
0x226: {  	v2 =	vadd.f32 v7, v2;
	[tilespmem:$0x1FE90] =	vst v14;
	v14 =	vld [tilespmem:$0x1F310]  }
0x227: {  	[tilespmem:$0x1FEA0] =	vst v29;
	v29 =	vld [tilespmem:$0x1F340]  }
0x228: {  	[tilespmem:$0x1FEF0] =	vst v2;
	v2 =	vadd.f32 v4, v39;
	v39 =	vld [tilespmem:s26+$0xA500]  }
0x229: {  	v4 =	vmul.f32 v49, v48;
	v48 =	vld [tilespmem:$0x1F260]  }
0x22a: {  	v49 =	vld [tilespmem:$0x1F270]  }
0x22b: {  	v1 =	vadd.f32 v5, v1;
	v5 =	vmul.f32 v56, v55;
	v55 =	vld [tilespmem:$0x1F2A0]  }
0x22c: {  	v56 =	vld [tilespmem:$0x1F2B0]  }
0x22d: {  	v0 =	vadd.f32 v3, v0;
	v3 =	vmul.f32 v59, v58;
	v58 =	vld [tilespmem:$0x1F2D0]  }
0x22e: {  	v59 =	vld [tilespmem:s26+$0xA520]  }
0x22f: {  	v7 =	vmul.f32 v32, v30;
	v30 =	vld [tilespmem:$0x1F350]  }
0x230: {  	v32 =	vld [tilespmem:s26+$0x2540]  }
0x231: {  	[tilespmem:$0x1FDF0] =	vst v35;
	v35 =	vld [tilespmem:s26+$0xA540]  }
0x232: {  	[tilespmem:$0x1FF40] =	vst v1;
	v1 =	vmul.f32 v53, v51;
	v51 =	vld [tilespmem:$0x1F290]  }
0x233: {  	v53 =	vld [tilespmem:s26+$0x2520]  }
0x234: {  	v2 =	vadd.f32 v4, v2;
	v4 =	vmul.f32 v62, v61;
	v61 =	vld [tilespmem:$0x1F2F0]  }
0x235: {  	v62 =	vld [tilespmem:s26+$0x2530]  }
0x236: {  	[tilespmem:$0x1FE20] =	vst v47;
	v47 =	vld [tilespmem:$0x1F410]  }
0x237: {  	[tilespmem:$0x1FE80] =	vst v23;
	v23 =	vld [tilespmem:$0x1F4E0]  }
0x238: {  	v1 =	vadd.f32 v5, v1;
	v5 =	vmul.f32 v11, v63;
	v63 =	vld [tilespmem:$0x1F300]  }
0x239: {  	v2 =	vadd.f32 v3, v2;
	v3 =	vmul.f32 v21, v20;
	v20 =	vld [tilespmem:$0x1F320]  }
0x23a: {  	v21 =	vld [tilespmem:$0x1F330]  }
0x23b: {  	v0 =	vadd.f32 v4, v0;
	v4 =	vmul.f32 v41, v40;
	v40 =	vld [tilespmem:s26+$0x2550]  }
0x23c: {  	v41 =	vld [tilespmem:$0x1F3C0]  }
0x23d: {  	v11 =	vld [tilespmem:$0x1F680]  }
0x23e: {  	[tilespmem:$0x1FE00] =	vst v39;
	v39 =	vld [tilespmem:$0x1F3B0]  }
0x23f: {  	[tilespmem:$0x1FE40] =	vst v59;
	v59 =	vld [tilespmem:$0x1F490]  }
0x240: {  	v1 =	vadd.f32 v5, v1;
	v5 =	vmul.f32 v34, v33;
	v33 =	vld [tilespmem:$0x1F360]  }
0x241: {  	v34 =	vld [tilespmem:$0x1F370]  }
0x242: {  	v36 =	vadd.f32 v6, v3;
	v3 =	vmul.f32 v38, v37;
	v37 =	vld [tilespmem:$0x1F390]  }
0x243: {  	v38 =	vld [tilespmem:$0x1F3A0]  }
0x244: {  	v2 =	vadd.f32 v7, v2;
	v7 =	vmul.f32 v56, v55;
	v55 =	vld [tilespmem:s26+$0xA560]  }
0x245: {  	v56 =	vld [tilespmem:$0x1F460]  }
0x246: {  	[tilespmem:$0x1FEB0] =	vst v32;
	v32 =	vld [tilespmem:$0x1F520]  }
0x247: {  	[tilespmem:$0x1FEC0] =	vst v35;
	v35 =	vld [tilespmem:$0x1F550]  }
0x248: {  	v6 =	vmul.f32 v51, v50;
	v50 =	vld [tilespmem:$0x1F430]  }
0x249: {  	v51 =	vld [tilespmem:$0x1F440]  }
0x24a: {  	[tilespmem:$0x1FE30] =	vst v53;
	v53 =	vld [tilespmem:$0x1F450]  }
0x24b: {  	[tilespmem:$0x1FE70] =	vst v62;
	v62 =	vld [tilespmem:$0x1F4B0]  }
0x24c: {  	[tilespmem:$0x1FF50] =	vst v0;
	v0 =	vadd.f32 v3, v36;
	v36 =	vld [tilespmem:$0x1F380]  }
0x24d: {  	v1 =	vadd.f32 v5, v1;
	v5 =	vmul.f32 v44, v43;
	v43 =	vld [tilespmem:$0x1F3E0]  }
0x24e: {  	v44 =	vld [tilespmem:$0x1F3F0]  }
0x24f: {  	v3 =	vmul.f32 v46, v45;
	v45 =	vld [tilespmem:s26+$0xA550]  }
0x250: {  	v46 =	vld [tilespmem:$0x1F400]  }
0x251: {  	[tilespmem:$0x1FED0] =	vst v40;
	v40 =	vld [tilespmem:$0x1F5A0]  }
0x252: {  	v1 =	vadd.f32 v4, v1;
	v4 =	vmul.f32 v49, v48;
	v48 =	vld [tilespmem:s26+$0x2560]  }
0x253: {  	v49 =	vld [tilespmem:$0x1F420]  }
0x254: {  	v0 =	vadd.f32 v3, v0;
	v3 =	vmul.f32 v58, v57;
	v57 =	vld [tilespmem:$0x1F470]  }
0x255: {  	v58 =	vld [tilespmem:$0x1F480]  }
0x256: {  	[tilespmem:$0x1FF10] =	vst v55;
	v55 =	vld [tilespmem:s26+$0x2580]  }
0x257: {  	v1 =	vadd.f32 v5, v1;
	v5 =	vmul.f32 v61, v60;
	v60 =	vld [tilespmem:s26+$0x2570]  }
0x258: {  	v61 =	vld [tilespmem:$0x1F4A0]  }
0x259: {  	v4 =	vadd.f32 v6, v4;
	v6 =	vmul.f32 v14, v63;
	v63 =	vld [tilespmem:$0x1F4C0]  }
0x25a: {  	v14 =	vld [tilespmem:$0x1F4D0]  }
0x25b: {  	v0 =	vadd.f32 v3, v0;
	v3 =	vmul.f32 v21, v20;
	v20 =	vld [tilespmem:s26+$0xA570]  }
0x25c: {  	[tilespmem:$0x1FEE0] =	vst v45;
	v45 =	vld [tilespmem:$0x1F5F0]  }
0x25d: {  	v26 =	vadd.f32 v5, v4;
	v4 =	vmul.f32 v30, v29;
	v29 =	vld [tilespmem:$0x1F500]  }
0x25e: {  	v30 =	vld [tilespmem:$0x1F510]  }
0x25f: {  	v5 =	vmul.f32 v34, v33;
	v33 =	vld [tilespmem:$0x1F530]  }
0x260: {  	v34 =	vld [tilespmem:$0x1F540]  }
0x261: {  	v0 =	vadd.f32 v3, v0;
	v3 =	vmul.f32 v37, v36;
	v36 =	vld [tilespmem:$0x1F560]  }
0x262: {  	v37 =	vld [tilespmem:$0x1F570]  }
0x263: {  	v1 =	vadd.f32 v6, v1;
	v6 =	vmul.f32 v59, v58;
	v58 =	vld [tilespmem:s26+$0xA580]  }
0x264: {  	v2 =	vadd.f32 v7, v2;
	[tilespmem:$0x1FF00] =	vst v48;
	v48 =	vld [tilespmem:s26+$0xA590]  }
0x265: {  	v59 =	vld [tilespmem:$0x1F660]  }
0x266: {  	[tilespmem:$0x1FF60] =	vst v2;
	v2 =	vadd.f32 v4, v26;
	v26 =	vld [tilespmem:$0x1F4F0]  }
0x267: {  	v4 =	vmul.f32 v39, v38;
	v38 =	vld [tilespmem:$0x1F580]  }
0x268: {  	v39 =	vld [tilespmem:$0x1F590]  }
0x269: {  	v1 =	vadd.f32 v5, v1;
	v5 =	vmul.f32 v44, v43;
	v43 =	vld [tilespmem:$0x1F5D0]  }
0x26a: {  	v44 =	vld [tilespmem:$0x1F5E0]  }
0x26b: {  	v0 =	vadd.f32 v3, v0;
	v3 =	vmul.f32 v47, v46;
	v46 =	vld [tilespmem:$0x1F600]  }
0x26c: {  	v47 =	vld [tilespmem:$0x1F610]  }
0x26d: {  	[tilespmem:$0x1FF20] =	vst v60;
	v60 =	vld [tilespmem:s26+$0x2590]  }
0x26e: {  	v7 =	vmul.f32 v62, v61;
	v61 =	vld [tilespmem:s26+$0x25A0]  }
0x26f: {  	v62 =	vld [tilespmem:s26+$0x25B0]  }
0x270: {  	[tilespmem:$0x1FF30] =	vst v20;
	v20 =	vld [tilespmem:$0x1F6A0]  }
0x271: {  	[tilespmem:$0x1FF70] =	vst v1;
	v1 =	vmul.f32 v42, v41;
	v41 =	vld [tilespmem:$0x1F5B0]  }
0x272: {  	v42 =	vld [tilespmem:$0x1F5C0]  }
0x273: {  	v2 =	vadd.f32 v4, v2;
	v4 =	vmul.f32 v50, v49;
	v49 =	vld [tilespmem:s26+$0xA5A0]  }
0x274: {  	v50 =	vld [tilespmem:$0x1F620]  }
0x275: {  	v1 =	vadd.f32 v5, v1;
	v5 =	vmul.f32 v53, v51;
	v51 =	vld [tilespmem:$0x1F630]  }
0x276: {  	v2 =	vadd.f32 v3, v2;
	v3 =	vmul.f32 v57, v56;
	v56 =	vld [tilespmem:$0x1F640]  }
0x277: {  	v57 =	vld [tilespmem:$0x1F650]  }
0x278: {  	v0 =	vadd.f32 v4, v0;
	v4 =	vmul.f32 v30, v29;
	v29 =	vld [tilespmem:$0x1F6E0]  }
0x279: {  	v30 =	vld [tilespmem:$0x1F6F0]  }
0x27a: {  	v1 =	vadd.f32 v5, v1;
	v5 =	vmul.f32 v14, v63;
	v63 =	vld [tilespmem:$0x1F670]  }
0x27b: {  	v14 =	vld [tilespmem:$0x1F690]  }
0x27c: {  	v21 =	vadd.f32 v6, v3;
	v3 =	vmul.f32 v26, v23;
	v23 =	vld [tilespmem:$0x1F6C0]  }
0x27d: {  	v26 =	vld [tilespmem:$0x1F6D0]  }
0x27e: {  	v6 =	vmul.f32 v39, v38;
	v38 =	vld [tilespmem:$0x1F760]  }
0x27f: {  	v39 =	vld [tilespmem:$0x1F770]  }
0x280: {  	v48 =	vmul.f32 v48, v60;
	v60 =	vld [tilespmem:$0x1FE30]  }
0x281: {  	v2 =	vadd.f32 v7, v2;
	v7 =	vmul.f32 v41, v40;
	v40 =	vld [tilespmem:$0x1F780]  }
0x282: {  	v41 =	vld [tilespmem:$0x1F790]  }
0x283: {  	[tilespmem:$0x1FFA0] =	vst v0;
	v0 =	vadd.f32 v3, v21;
	v21 =	vld [tilespmem:$0x1F6B0]  }
0x284: {  	v1 =	vadd.f32 v5, v1;
	v5 =	vmul.f32 v33, v32;
	v32 =	vld [tilespmem:$0x1F700]  }
0x285: {  	v33 =	vld [tilespmem:$0x1F710]  }
0x286: {  	v3 =	vmul.f32 v35, v34;
	v34 =	vld [tilespmem:$0x1F720]  }
0x287: {  	v35 =	vld [tilespmem:$0x1F730]  }
0x288: {  	v1 =	vadd.f32 v4, v1;
	v4 =	vmul.f32 v37, v36;
	v36 =	vld [tilespmem:$0x1F740]  }
0x289: {  	v37 =	vld [tilespmem:$0x1F750]  }
0x28a: {  	v0 =	vadd.f32 v3, v0;
	v3 =	vmul.f32 v43, v42;
	v42 =	vld [tilespmem:$0x1F7A0]  }
0x28b: {  	v43 =	vld [tilespmem:$0x1F7B0]  }
0x28c: {  	v0 =	vadd.f32 v3, v0;
	v3 =	vmul.f32 v51, v50;
	v50 =	vld [tilespmem:s26+$0xA5B0]  }
0x28d: {  	v1 =	vadd.f32 v5, v1;
	v5 =	vmul.f32 v45, v44;
	v45 =	vld [tilespmem:s26+$0xA5C0]  }
0x28e: {  	v4 =	vadd.f32 v6, v4;
	v6 =	vmul.f32 v47, v46;
	v46 =	vld [tilespmem:s26+$0xA5D0]  }
0x28f: {  	v51 =	vld [tilespmem:s26+$0xA5E0]  }
0x290: {  	v44 =	vld [tilespmem:$0x1F7C0]  }
0x291: {  	v47 =	vld [tilespmem:$0x1F7D0]  }
0x292: {  	v53 =	vadd.f32 v5, v4;
	v5 =	vmul.f32 v63, v59;
	v63 =	vld [tilespmem:s26+$0x25C0]  }
0x293: {  	v4 =	vmul.f32 v57, v56;
	v57 =	vld [tilespmem:s26+$0x25E0]  }
0x294: {  	v56 =	vld [tilespmem:s26+$0x25F0]  }
0x295: {  	v0 =	vadd.f32 v3, v0;
	v3 =	vmul.f32 v14, v11;
	v11 =	vld [tilespmem:$0x1F7E0]  }
0x296: {  	v14 =	vld [tilespmem:$0x1F7F0]  }
0x297: {  	v1 =	vadd.f32 v6, v1;
	v6 =	vmul.f32 v41, v40;
	v40 =	vld [tilespmem:$0x1F8C0]  }
0x298: {  	v41 =	vld [tilespmem:$0x1F8D0]  }
0x299: {  	v2 =	vadd.f32 v7, v2;
	v7 =	vmul.f32 v43, v42;
	v42 =	vld [tilespmem:s26+$0x2600]  }
0x29a: {  	v43 =	vld [tilespmem:$0x1F8E0]  }
0x29b: {  	[tilespmem:$0x1FFB0] =	vst v2;
	v2 =	vadd.f32 v4, v53;
	v53 =	vld [tilespmem:s26+$0x25D0]  }
0x29c: {  	v4 =	vmul.f32 v21, v20;
	v20 =	vld [tilespmem:s26+$0xA5F0]  }
0x29d: {  	v21 =	vld [tilespmem:$0x1F800]  }
0x29e: {  	v1 =	vadd.f32 v5, v1;
	v5 =	vmul.f32 v30, v29;
	v29 =	vld [tilespmem:$0x1F830]  }
0x29f: {  	v30 =	vld [tilespmem:$0x1F840]  }
0x2a0: {  	v0 =	vadd.f32 v3, v0;
	v3 =	vmul.f32 v33, v32;
	v32 =	vld [tilespmem:$0x1F850]  }
0x2a1: {  	v33 =	vld [tilespmem:$0x1F860]  }
0x2a2: {  	[tilespmem:$0x1FFC0] =	vst v1;
	v1 =	vmul.f32 v26, v23;
	v23 =	vld [tilespmem:$0x1F810]  }
0x2a3: {  	v26 =	vld [tilespmem:$0x1F820]  }
0x2a4: {  	v2 =	vadd.f32 v4, v2;
	v4 =	vmul.f32 v35, v34;
	v34 =	vld [tilespmem:$0x1F870]  }
0x2a5: {  	v35 =	vld [tilespmem:$0x1F880]  }
0x2a6: {  	v1 =	vadd.f32 v5, v1;
	v5 =	vmul.f32 v37, v36;
	v37 =	vld [tilespmem:s26+$0xA600]  }
0x2a7: {  	v36 =	vld [tilespmem:$0x1F890]  }
0x2a8: {  	v2 =	vadd.f32 v3, v2;
	v3 =	vmul.f32 v39, v38;
	v38 =	vld [tilespmem:$0x1F8A0]  }
0x2a9: {  	v39 =	vld [tilespmem:$0x1F8B0]  }
0x2aa: {  	[tilespmem:$0x1FF90] =	vst v20;
	v20 =	vld [tilespmem:$0x1F920]  }
0x2ab: {  	v1 =	vadd.f32 v5, v1;
	v5 =	vmul.f32 v47, v44;
	v44 =	vld [tilespmem:$0x1F8F0]  }
0x2ac: {  	v59 =	vadd.f32 v6, v3;
	v3 =	vmul.f32 v14, v11;
	v11 =	vld [tilespmem:$0x1F910]  }
0x2ad: {  	v6 =	vmul.f32 v34, v33;
	v34 =	vld [tilespmem:s26+$0x2610]  }
0x2ae: {  	v33 =	vld [tilespmem:s26+$0x2620]  }
0x2af: {  	v0 =	vadd.f32 v4, v0;
	v4 =	vmul.f32 v23, v21;
	v21 =	vld [tilespmem:$0x1F930]  }
0x2b0: {  	v1 =	vadd.f32 v5, v1;
	v5 =	vmul.f32 v29, v26;
	v29 =	vld [tilespmem:s26+$0xA610]  }
0x2b1: {  	[tilespmem:$0x1FFD0] =	vst v0;
	v0 =	vadd.f32 v3, v59;
	v59 =	vld [tilespmem:$0x1F900]  }
0x2b2: {  	v26 =	vld [tilespmem:s26+$0xA620]  }
0x2b3: {  	v3 =	vmul.f32 v32, v30;
	v30 =	vld [tilespmem:s26+$0xA630]  }
0x2b4: {  	v32 =	vld [tilespmem:s26+$0xA640]  }
0x2b5: {  	v2 =	vadd.f32 v7, v2;
	v7 =	vmul.f32 v36, v35;
	v36 =	vld [tilespmem:$0x1F940]  }
0x2b6: {  	v8 =	vmul.f32 v39, v38;
	v38 =	vld [tilespmem:$0x1F950]  }
0x2b7: {  	v35 =	vld [tilespmem:s26+$0x2630]  }
0x2b8: {  	v45 =	vmul.f32 v45, v63;
	v63 =	vmul.f32 v37, v42;
	v42 =	vld [tilespmem:s26+$0x2760]  }
0x2b9: {  	v37 =	vmul.f32 v46, v53;
	v53 =	vld [tilespmem:$0x1FF20]  }
0x2ba: {  	v46 =	vld [tilespmem:s26+$0xA790]  }
0x2bb: {  	v0 =	vadd.f32 v3, v0;
	v3 =	vmul.f32 v41, v40;
	v40 =	vld [tilespmem:$0x1F960]  }
0x2bc: {  	v41 =	vld [tilespmem:$0x1F970]  }
0x2bd: {  	v1 =	vadd.f32 v4, v1;
	v4 =	vld [tilespmem:$0x1FB10]  }
0x2be: {  	v47 =	vmul.f32 v44, v43;
	v44 =	vld [tilespmem:$0x1F980]  }
0x2bf: {  	[tilespmem:$0x1FF80] =	vst v56;
	v56 =	vadd.f32 v8, v2;
	v8 =	vld [tilespmem:$0x1FA00]  }
0x2c0: {  	v6 =	vadd.f32 v7, v6;
	v0 =	vadd.f32 v3, v0;
	v3 =	vmul.f32 v21, v20;
	v21 =	vld [tilespmem:$0x1FA20]  }
0x2c1: {  	v1 =	vadd.f32 v5, v1;
	v5 =	vld [tilespmem:$0x1FB20]  }
0x2c2: {  	v23 =	vadd.f32 v47, v6;
	v47 =	vld [tilespmem:$0x1F990]  }
0x2c3: {  	v14 =	vmul.f32 v11, v59;
	v59 =	vld [tilespmem:$0x1F9A0]  }
0x2c4: {  	v11 =	vld [tilespmem:$0x1F9B0]  }
0x2c5: {  	v29 =	vmul.f32 v29, v34;
	v34 =	vld [tilespmem:s26+$0xA750]  }
0x2c6: {  	v39 =	vmul.f32 v38, v36;
	v36 =	vld [tilespmem:$0x1FA40]  }
0x2c7: {  	v38 =	vld [tilespmem:$0x1FA50]  }
0x2c8: {  	v43 =	vmul.f32 v41, v40;
	v40 =	vld [tilespmem:$0x1F9C0]  }
0x2c9: {  	v1 =	vadd.f32 v14, v1;
	v41 =	vld [tilespmem:$0x1F9D0]  }
0x2ca: {  	v2 =	vadd.f32 v39, v23;
	v23 =	vld [tilespmem:$0x1FA30]  }
0x2cb: {  	v14 =	vmul.f32 v11, v59;
	v59 =	vadd.f32 v43, v1;
	v43 =	vld [tilespmem:$0x1F9E0]  }
0x2cc: {  	v0 =	vadd.f32 v3, v0;
	v3 =	vmul.f32 v47, v44;
	v44 =	vld [tilespmem:$0x1F9F0]  }
0x2cd: {  	v11 =	vld [tilespmem:$0x1FAB0]  }
0x2ce: {  	v2 =	vadd.f32 v14, v2;
	v14 =	vld [tilespmem:$0x1FA10]  }
0x2cf: {  	v1 =	vmul.f32 v41, v40;
	v41 =	vld [tilespmem:$0x1FA60]  }
0x2d0: {  	v6 =	vmul.f32 v23, v21;
	v21 =	vld [tilespmem:$0x1FAD0]  }
0x2d1: {  	v47 =	vmul.f32 v44, v43;
	v43 =	vld [tilespmem:$0x1FA70]  }
0x2d2: {  	v20 =	vadd.f32 v3, v0;
	v44 =	vld [tilespmem:$0x1FA80]  }
0x2d3: {  	v3 =	vmul.f32 v14, v8;
	v1 =	vadd.f32 v47, v1;
	v14 =	vmul.f32 v38, v36;
	v47 =	vld [tilespmem:$0x1FA90]  }
0x2d4: {  	v8 =	vld [tilespmem:$0x1FAA0]  }
0x2d5: {  	v1 =	vadd.f32 v14, v1;
	v14 =	vld [tilespmem:$0x1FAC0]  }
0x2d6: {  	v39 =	vld [tilespmem:s26+$0x2640]  }
0x2d7: {  	v40 =	vld [tilespmem:s26+$0x2650]  }
0x2d8: {  	v36 =	vld [tilespmem:s26+$0xA650];
	v2 =	vadd.f32 v3, v2;
	v3 =	vmul.f32 v43, v41  }
0x2d9: {  	v23 =	vmul.f32 v47, v44;
	v0 =	vmul.f32 v11, v8;
	v11 =	vld [tilespmem:$0x1FAE0]  }
0x2da: {  	v38 =	vmul.f32 v21, v14;
	v21 =	vld [tilespmem:$0x1FAF0]  }
0x2db: {  	v3 =	vadd.f32 v23, v3;
	v23 =	vld [tilespmem:$0x1FB00]  }
0x2dc: {  	v43 =	vld [tilespmem:s26+$0x2660]  }
0x2dd: {  	v8 =	vld [tilespmem:$0x1FB30]  }
0x2de: {  	v44 =	vadd.f32 v6, v20;
	v14 =	vld [tilespmem:$0x1FB50];
	v20 =	vmul.f32 v11, v52  }
0x2df: {  	v11 =	vld [tilespmem:$0x1FB40]  }
0x2e0: {  	v1 =	vadd.f32 v38, v1;
	v38 =	vmul.f32 v23, v21;
	v3 =	vadd.f32 v20, v3;
	v20 =	vld [tilespmem:$0x1FB60]  }
0x2e1: {  	v23 =	vld [tilespmem:$0x1FB70]  }
0x2e2: {  	v7 =	vadd.f32 v0, v2;
	v2 =	vadd.f32 v38, v1;
	v38 =	vld [tilespmem:$0x1FB80]  }
0x2e3: {  	v4 =	vmul.f32 v5, v4;
	v1 =	vmul.f32 v18, v12;
	v12 =	vld [tilespmem:$0x1FBA0]  }
0x2e4: {  	v0 =	vmul.f32 v11, v8;
	v11 =	vld [tilespmem:$0x1FB90]  }
0x2e5: {  	v6 =	vadd.f32 v4, v2;
	v4 =	vmul.f32 v17, v13;
	v17 =	vld [tilespmem:$0x1FBB0]  }
0x2e6: {  	v14 =	vmul.f32 v20, v14;
	v20 =	vld [tilespmem:$0x1FBC0]  }
0x2e7: {  	v5 =	vmul.f32 v38, v23;
	v23 =	vld [tilespmem:$0x1FBD0]  }
0x2e8: {  	v38 =	vld [tilespmem:$0x1FBE0]  }
0x2e9: {  	v41 =	vld [tilespmem:s26+$0xA660]  }
0x2ea: {  	v47 =	vld [tilespmem:s26+$0xA670]  }
0x2eb: {  	v8 =	vld [tilespmem:$0x1FC10];
	v0 =	vadd.f32 v0, v3;
	v3 =	vmul.f32 v12, v11  }
0x2ec: {  	v2 =	vmul.f32 v20, v17;
	v20 =	vld [tilespmem:$0x1FBF0]  }
0x2ed: {  	v0 =	vadd.f32 v3, v0;
	v3 =	vmul.f32 v38, v23;
	v23 =	vld [tilespmem:$0x1FC00]  }
0x2ee: {  	v52 =	vld [tilespmem:s26+$0x2670]  }
0x2ef: {  	v13 =	vmul.f32 v19, v10;
	v10 =	vmul.f32 v31, v15;
	v15 =	vld [tilespmem:$0x1FC20];
	v1 =	vadd.f32 v1, v14  }
0x2f0: {  	v38 =	vadd.f32 v5, v7;
	v5 =	vadd.f32 v3, v0;
	v3 =	vmul.f32 v8, v16;
	v8 =	vld [tilespmem:$0x1FC60]  }
0x2f1: {  	v1 =	vadd.f32 v4, v1;
	v16 =	vld [tilespmem:$0x1FC30]  }
0x2f2: {  	v2 =	vadd.f32 v2, v6;
	v6 =	vmul.f32 v23, v20;
	v20 =	vld [tilespmem:$0x1FC40]  }
0x2f3: {  	v1 =	vadd.f32 v13, v1;
	v23 =	vld [tilespmem:$0x1FC50]  }
0x2f4: {  	v21 =	vld [tilespmem:s26+$0x2680]  }
0x2f5: {  	v1 =	vadd.f32 v10, v1;
	v10 =	vmul.f32 v8, v9;
	v8 =	vld [tilespmem:$0x1FC90]  }
0x2f6: {  	v9 =	vld [tilespmem:$0x1FCA0]  }
0x2f7: {  	v31 =	vadd.f32 v6, v2;
	v2 =	vmul.f32 v16, v15;
	v15 =	vld [tilespmem:$0x1FC70]  }
0x2f8: {  	v0 =	vmul.f32 v23, v20;
	v23 =	vld [tilespmem:$0x1FC80]  }
0x2f9: {  	v18 =	vld [tilespmem:s26+$0xA680]  }
0x2fa: {  	v1 =	vadd.f32 v10, v1;
	v10 =	vld [tilespmem:$0x1FCB0]  }
0x2fb: {  	v0 =	vadd.f32 v0, v2;
	v2 =	vmul.f32 v9, v8;
	v8 =	vld [tilespmem:$0x1FCD0]  }
0x2fc: {  	v9 =	vld [tilespmem:$0x1FCE0]  }
0x2fd: {  	v6 =	vadd.f32 v3, v5;
	v3 =	vmul.f32 v23, v15;
	v23 =	vld [tilespmem:$0x1FCC0]  }
0x2fe: {  	v7 =	vld [tilespmem:$0x1FD10]  }
0x2ff: {  	v19 =	vld [tilespmem:s26+$0x26B0]  }
0x300: {  	v14 =	vld [tilespmem:s26+$0xA690]  }
0x301: {  	v5 =	vmul.f32 v22, v9;
	v22 =	vld [tilespmem:$0x1FCF0]  }
0x302: {  	v54 =	vmul.f32 v54, v8;
	v4 =	vmul.f32 v23, v10;
	v23 =	vld [tilespmem:$0x1FD00]  }
0x303: {  	v8 =	vmul.f32 v27, v7;
	v27 =	vmul.f32 v25, v24;
	v24 =	vld [tilespmem:$0x1FD20]  }
0x304: {  	v25 =	vld [tilespmem:$0x1FD30]  }
0x305: {  	v4 =	vadd.f32 v54, v4;
	v54 =	vld [tilespmem:$0x1FD40]  }
0x306: {  	v12 =	vld [tilespmem:s26+$0x2690]  }
0x307: {  	v2 =	vadd.f32 v2, v0;
	v7 =	vld [tilespmem:$0x1FD60];
	v0 =	vmul.f32 v23, v22  }
0x308: {  	v3 =	vadd.f32 v3, v1;
	v4 =	vadd.f32 v8, v4;
	v8 =	vld [tilespmem:$0x1FD70]  }
0x309: {  	v9 =	vadd.f32 v0, v2;
	v0 =	vmul.f32 v25, v24;
	v24 =	vadd.f32 v5, v6;
	v5 =	vld [tilespmem:$0x1FD50]  }
0x30a: {  	v6 =	vmul.f32 v28, v54;
	v54 =	vadd.f32 v27, v3;
	v27 =	vld [tilespmem:$0x1FD80]  }
0x30b: {  	v11 =	vld [tilespmem:s26+$0xA6A0]  }
0x30c: {  	v17 =	vld [tilespmem:s26+$0x26A0]  }
0x30d: {  	v13 =	vld [tilespmem:s26+$0xA6B0]  }
0x30e: {  	v1 =	vmul.f32 v7, v5;
	v7 =	vld [tilespmem:$0x1FD90]  }
0x30f: {  	v27 =	vmul.f32 v27, v8;
	v8 =	vld [tilespmem:$0x1FDA0]  }
0x310: {  	v12 =	vmul.f32 v14, v12;
	v14 =	vld [tilespmem:s26+$0x2780]  }
0x311: {  	v11 =	vmul.f32 v11, v17;
	v17 =	vld [tilespmem:s26+$0x2790]  }
0x312: {  	v16 =	vld [tilespmem:s26+$0xA6C0]  }
0x313: {  	v5 =	vld [tilespmem:$0x1FDB0]  }
0x314: {  	v4 =	vadd.f32 v6, v4;
	v6 =	vmul.f32 v8, v7;
	v7 =	vld [tilespmem:$0x1FDC0]  }
0x315: {  	v20 =	vld [tilespmem:s26+$0x26C0]  }
0x316: {  	v15 =	vld [tilespmem:s26+$0x26D0]  }
0x317: {  	v10 =	vld [tilespmem:s26+$0xA6D0]  }
0x318: {  	v23 =	vld [tilespmem:s26+$0x26E0];
	v0 =	vadd.f32 v0, v9  }
0x319: {  	v3 =	vmul.f32 v7, v5;
	v5 =	vld [tilespmem:$0x1FDD0]  }
0x31a: {  	v1 =	vadd.f32 v1, v0;
	v7 =	vld [tilespmem:$0x1FDE0]  }
0x31b: {  	v22 =	vld [tilespmem:s26+$0xA6E0]  }
0x31c: {  	v1 =	vadd.f32 v27, v1;
	v27 =	vmul.f32 v58, v55;
	v58 =	vld [tilespmem:$0x1FE40]  }
0x31d: {  	v25 =	vld [tilespmem:s26+$0x26F0]  }
0x31e: {  	v0 =	vld [tilespmem:$0x1FDF0]  }
0x31f: {  	v4 =	vadd.f32 v6, v4;
	v2 =	vmul.f32 v7, v5;
	v5 =	vld [tilespmem:$0x1FE00]  }
0x320: {  	v28 =	vld [tilespmem:s26+$0xA6F0]  }
0x321: {  	v2 =	vadd.f32 v2, v4;
	v4 =	vmul.f32 v58, v60;
	v58 =	vld [tilespmem:$0x1FE50]  }
0x322: {  	v60 =	vld [tilespmem:$0x1FE60]  }
0x323: {  	v9 =	vld [tilespmem:s26+$0x2700]  }
0x324: {  	v6 =	vmul.f32 v5, v0;
	v0 =	vld [tilespmem:$0x1FE10]  }
0x325: {  	v5 =	vld [tilespmem:$0x1FE20]  }
0x326: {  	v27 =	vadd.f32 v48, v27;
	v48 =	vmul.f32 v49, v61;
	v61 =	vld [tilespmem:$0x1FE80]  }
0x327: {  	v58 =	vmul.f32 v60, v58;
	v60 =	vld [tilespmem:$0x1FE70]  }
0x328: {  	v55 =	vld [tilespmem:s26+$0x2720]  }
0x329: {  	v8 =	vld [tilespmem:s26+$0xA700]  }
0x32a: {  	v49 =	vld [tilespmem:s26+$0x2730];
	v0 =	vmul.f32 v5, v0  }
0x32b: {  	v2 =	vadd.f32 v58, v2;
	v58 =	vld [tilespmem:$0x1FE90]  }
0x32c: {  	v1 =	vadd.f32 v3, v1;
	v0 =	vadd.f32 v0, v6;
	v3 =	vmul.f32 v61, v60;
	v60 =	vld [tilespmem:$0x1FEA0]  }
0x32d: {  	v27 =	vadd.f32 v48, v27;
	v48 =	vmul.f32 v50, v62;
	v50 =	vld [tilespmem:s26+$0x2740]  }
0x32e: {  	v62 =	vld [tilespmem:$0x1FEE0];
	v0 =	vadd.f32 v4, v0  }
0x32f: {  	v27 =	vadd.f32 v48, v27;
	v48 =	vld [tilespmem:s26+$0x2750]  }
0x330: {  	v0 =	vadd.f32 v3, v0;
	v3 =	vld [tilespmem:$0x1FEB0]  }
0x331: {  	v27 =	vadd.f32 v45, v27;
	v58 =	vmul.f32 v60, v58;
	v60 =	vld [tilespmem:$0x1FEC0]  }
0x332: {  	v61 =	vld [tilespmem:$0x1FED0]  }
0x333: {  	v27 =	vadd.f32 v37, v27;
	v37 =	vld [tilespmem:s26+$0x2770]  }
0x334: {  	v7 =	vld [tilespmem:s26+$0x2710]  }
0x335: {  	v5 =	vld [tilespmem:s26+$0xA710]  }
0x336: {  	v6 =	vld [tilespmem:s26+$0xA720];
	v3 =	vmul.f32 v60, v3  }
0x337: {  	v61 =	vmul.f32 v62, v61;
	v62 =	vld [tilespmem:$0x1FF00]  }
0x338: {  	v2 =	vadd.f32 v58, v2;
	v58 =	vld [tilespmem:$0x1FF30];
	v0 =	vadd.f32 v3, v0  }
0x339: {  	v3 =	vadd.f32 v29, v63;
	v63 =	vld [tilespmem:$0x1FF10]  }
0x33a: {  	v0 =	vadd.f32 v61, v0;
	v61 =	vld [tilespmem:$0x1FEF0]  }
0x33b: {  	v4 =	vld [tilespmem:s26+$0xA730]  }
0x33c: {  	v60 =	vld [tilespmem:s26+$0xA740]  }
0x33d: {  	v45 =	vmul.f32 v58, v53;
	v53 =	vld [tilespmem:$0x1FF60]  }
0x33e: {  	v26 =	vmul.f32 v26, v33;
	v58 =	vmul.f32 v32, v39;
	v39 =	vld [tilespmem:$0x1FFA0]  }
0x33f: {  	v33 =	vmul.f32 v63, v62;
	v62 =	vmul.f32 v51, v57;
	(xrf2) =	vadd.scan.msk.f32 $0xffff, v61;
	v61 =	vld [tilespmem:$0x1FF40]  }
0x340: {  	v51 =	vld [tilespmem:$0x1FF50]  }
0x341: {  	v3 =	vadd.f32 v26, v3;
	v63 =	vmul.f32 v30, v35;
	v57 =	vadd.f32 v62, v27;
	v27 =	vld [tilespmem:s26+$0xA780]  }
0x342: {  	v62 =	vld [tilespmem:$0x1FF80]  }
0x343: {  	v3 =	vadd.f32 v63, v3;
	v63 =	vld [tilespmem:$0x1FF90]  }
0x344: {  	(xrf2) =	vadd.scan.msk.f32 $0xffff, v61;
	v61 =	vld [tilespmem:$0x1FF70]  }
0x345: {  	v0 =	vadd.f32 v33, v0;
	v33 =	vld [tilespmem:s26+$0xA7B0]  }
0x346: {  	(xrf2) =	vadd.scan.msk.f32 $0xffff, v51;
	v51 =	vld [tilespmem:$0x1FFB0]  }
0x347: {  	v3 =	vadd.f32 v58, v3;
	v58 =	vld [tilespmem:$0x1FFC0]  }
0x348: {  	v8 =	vmul.f32 v8, v9;
	v32 =	vmul.f32 v63, v62;
	v62 =	vld [tilespmem:$0x1FFD0];
	(xrf2) =	vadd.scan.msk.f32 $0xffff, v53  }
0x349: {  	v5 =	vmul.f32 v5, v7;
	v0 =	vadd.f32 v45, v0;
	v45 =	vmul.f32 v36, v40;
	v40 =	vld [tilespmem:s26+$0x27C0];
	(xrf2) =	vadd.scan.msk.f32 $0xffff, v61  }
0x34a: {  	v52 =	vmul.f32 v47, v52;
	v18 =	vmul.f32 v18, v21;
	v21 =	vadd.f32 v32, v57;
	v57 =	vld [tilespmem:s26+$0x27A0];
	(xrf2) =	vadd.scan.msk.f32 $0xffff, v39  }
0x34b: {  	v20 =	vmul.f32 v16, v20;
	v5 =	vadd.f32 v5, v8;
	v6 =	vmul.f32 v6, v55;
	v61 =	vld [tilespmem:s26+$0xA7A0];
	(xrf2) =	vadd.scan.msk.f32 $0xffff, v51  }
0x34c: {  	v12 =	vadd.f32 v12, v18;
	v10 =	vmul.f32 v10, v15;
	v4 =	vmul.f32 v4, v49;
	v32 =	vld [tilespmem:s26+$0x27B0];
	(xrf2) =	vadd.scan.msk.f32 $0xffff, v58  }
0x34d: {  	v5 =	vadd.f32 v6, v5;
	v63 =	vmul.f32 v41, v43;
	v36 =	vmul.f32 v27, v14;
	v41 =	vld [tilespmem:s26+$0xA7C0];
	(xrf2) =	vadd.scan.msk.f32 $0xffff, v62  }
0x34e: {  	v11 =	vadd.f32 v11, v12;
	v29 =	vld [tilespmem:s26+$0xA760];
	v53 =	vmul.f32 v13, v19;
	v39 =	vmul.f32 v46, v17;
	(xrf2) =	vadd.scan.msk.f32 $0xffff, v56  }
0x34f: {  	v4 =	vadd.f32 v4, v5;
	v50 =	vmul.f32 v60, v50;
	v30 =	vld [tilespmem:s26+$0xA770];
	v3 =	vadd.f32 v45, v3;
	v35, _, _ =	vpop (xrf2);
	(xrf2) =	vadd.scan.msk.f32 $0xffff, v59  }
0x350: {  	v45 =	vld [tilespmem:s26+$0x27D0];
	v11 =	vadd.f32 v53, v11;
	v43 =	vadd.f32 v39, v36;
	v6, _, _ =	vpop (xrf2);
	v7 =	vmul.f32 v61, v57;
	(xrf2) =	vadd.scan.msk.f32 $0xffff, v44  }
0x351: {  	v4 =	vadd.f32 v50, v4;
	v3 =	vadd.f32 v63, v3;
	v51 =	vld [tilespmem:s26+$0xA7D0];
	v8 =	vmul.f32 v33, v32;
	v44, _, _ =	vpop (xrf2);
	(xrf2) =	vadd.scan.msk.f32 $0xffff, v38  }
0x352: {  	v55 =	vld [tilespmem:s26+$0x27E0];
	v9 =	vmul.f32 v41, v40;
	v11 =	vadd.f32 v20, v11;
	v7 =	vadd.f32 v7, v43;
	v49, _, _ =	vpop (xrf2);
	(xrf2) =	vadd.scan.msk.f32 $0xffff, v31  }
0x353: {  	v60 =	vadd.f32 v52, v3;
	v46 =	vmul.f32 v22, v23;
	v56 =	vmul.f32 v34, v48;
	v57 =	vld [tilespmem:s26+$0xA7E0];
	v53, _, _ =	vpop (xrf2);
	(xrf2) =	vadd.scan.msk.f32 $0xffff, v24  }
0x354: {  	v63 =	vld [tilespmem:s26+$0xA7F0];
	v10 =	vadd.f32 v10, v11;
	v58 =	vmul.f32 v28, v25;
	v7 =	vadd.f32 v8, v7;
	v14, _, _ =	vpop (xrf2);
	(xrf2) =	vadd.scan.msk.f32 $0xffff, v54  }
0x355: {  	v62 =	vmul.f32 v29, v42;
	v29 =	vmul.f32 v30, v37;
	v59 =	vld [tilespmem:s26+$0x27F0];
	v61 =	vadd.f32 v56, v4;
	v8, _, _ =	vpop (xrf2);
	(xrf2) =	vadd.scan.msk.f32 $0xffff, v1  }
0x356: {  	v10 =	vadd.f32 v46, v10;
	v25 =	vmul.f32 v51, v45;
	v7 =	vadd.f32 v9, v7;
	v4, _, _ =	vpop (xrf2);
	(xrf2) =	vadd.scan.msk.f32 $0xffff, v2  }
0x357: {  	v34 =	vbroadcast v35, $0xF;
	v6 =	vbroadcast v6, $0xF;
	v27 =	vadd.f32 v62, v61;
	v26, _, _ =	vpop (xrf2);
	(xrf2) =	vadd.scan.msk.f32 $0xffff, v0  }
0x358: {  	v24 =	vadd.f32 v58, v10;
	v32 =	vmul.f32 v57, v55;
	v7 =	vadd.f32 v25, v7;
	v30, _, _ =	vpop (xrf2);
	(xrf2) =	vadd.scan.msk.f32 $0xffff, v21  }
0x359: {  	v0 =	vadd.f32 v29, v27;
	v28 =	vbroadcast v26, $0xF;
	v31 =	vbroadcast v30, $0xF;
	v33, _, _ =	vpop (xrf2);
	(xrf2) =	vadd.scan.msk.f32 $0xffff, v60  }
0x35a: {  	v39 =	vld [tilespmem:$0x1FFE0];
	v38 =	vmul.f32 v63, v59;
	v37 =	vadd.f32 v32, v7;
	v35 =	vbroadcast v33, $0xF;
	v36, _, _ =	vpop (xrf2);
	(xrf2) =	vadd.scan.msk.f32 $0xffff, v24  }
0x35b: {  	v43 =	vbroadcast v44, $0xF;
	v3 =	vsel vm0, v28, v31;
	v9 =	vbroadcast v36, $0xF;
	v40, _, _ =	vpop (xrf2);
	(xrf2) =	vadd.scan.msk.f32 $0xffff, v0  }
0x35c: {  	v2 =	vadd.f32 v38, v37;
	v3 =	vsel vm1, v3, v35;
	v41, _, _ =	vpop (xrf2);
	v10 =	vbroadcast v40, $0xF  }
0x35d: {  	v5 =	vbroadcast v49, $0xF;
	v42, _, _ =	vpop (xrf2);
	v3 =	vsel vm2, v3, v9;
	v0 =	vbroadcast v41, $0xF  }
0x35e: {  	v50 =	vbroadcast v53, $0xF;
	v3 =	vsel vm3, v3, v10;
	v44 =	vbroadcast v42, $0xF;
	v45, _, _ =	vpop (xrf2);
	(xrf2) =	vadd.scan.msk.f32 $0xffff, v2  }
0x35f: {  	v1 =	vsel vm7, v39, v34;
	v46, _, _ =	vpop (xrf2);
	v0 =	vsel vm4, v3, v0;
	v47 =	vbroadcast v45, $0xF  }
0x360: {  	v57 =	vbroadcast v14, $0xF;
	v48, _, _ =	vpop (xrf2);
	v0 =	vsel vm5, v0, v44;
	v2 =	vbroadcast v46, $0xF  }
0x361: {  	v63 =	vld [tilespmem:$0x1FFF0];
	v1 =	vsel vm8, v1, v6;
	v49, _, _ =	vpop (xrf2);
	v0 =	vsel vm6, v0, v47;
	v51 =	vbroadcast v48, $0xF  }
0x362: {  	v1 =	vsel vm9, v1, v43;
	v52, _, _ =	vpop (xrf2);
	v0 =	vsel vm7, v0, v2;
	v53 =	vbroadcast v49, $0xF  }
0x363: {  	v1 =	vsel vm10, v1, v5;
	v54, _, _ =	vpop (xrf2);
	v0 =	vsel vm8, v0, v51;
	v55 =	vbroadcast v52, $0xF  }
0x364: {  	v1 =	vsel vm11, v1, v50;
	v56, _, _ =	vpop (xrf2);
	v0 =	vsel vm9, v0, v53;
	v58 =	vbroadcast v54, $0xF  }
0x365: {  	p0 =	slt.u32 s25, $0x6;
	v60 =	vbroadcast v8, $0xF;
	v59, _, _ =	vpop (xrf2);
	v0 =	vsel vm10, v0, v55;
	v6 =	vbroadcast v56, $0xF  }
.Ltmp0:
0x366: {  	v1 =	vsel vm12, v1, v57;
	v0 =	vsel vm11, v0, v58;
	v61 =	vbroadcast v59, $0xF;
	(pc) =	sbr.rel @p0 .LBB2_3-.Ltmp0, $4  }
0x367: {  	v1 =	vsel vm13, v1, v60;
	v0 =	vsel vm12, v0, v6  }
0x368: {  	s30 =	sand.u32 $0x3FFFFFF0, s29;
	v1 =	vsel vm14, v1, v4;
	v0 =	vsel vm13, v0, v61;
	v62, _, _ =	vpop (xrf2)  }
0x369: {  	s31 =	sadd.s32 $0x2, s25;
	[tilespmem:v63+s30+$0x0 ss:$0x1] =	vst.idx.msk $0xffff, v1;
	v0 =	vsel vm14, v0, v62  }
0x36a: {  	s25 =	smov.u32 s31;
	[tilespmem:v63+s28+$0x0 ss:$0x1] =	vst.idx.msk $0xffff, v0  }
0x36b: {  	p0 =	seq.s32 s22, $0xB  }
0x36c: {  	s25 =	sadd.s32 @!p0 $0x100, s24;
	s26 =	simm.s32 @!p0 $0x80;
	s28 =	simm.s32 @!p0 $0x1800  }
0x36d: {  	[tilespmem:s28], [sflag:$0x1] =	stream.indirect.gather @!p0 [hbm4b:s1+s26], $0x80, s25, s26, $0xb8;
	[tilespmem:$0x12400] =	vst v63  }
0x36e: {  	s24 =	sadd.s32 @!p0 $0xD00, s24;
	s25 =	simm.s32 @!p0 $0x9800  }
0x36f: {  	[tilespmem:s25], [sflag:$0x3] =	stream.indirect.gather @!p0 [hbm4b:s3+s26], $0x80, s24, s26, $0xb8;
	[tilespmem:$0x12400] =	vst v63  }
0x370: {  	_ =	swait.ge [sflag:s18], $0x4000  }
0x371: {  	[sflag:s18] =	ssyncset.done $0x0  }
0x372: {  	[sflag:s18] =	ssyncadd.s32 $0xFFFFC000  }
0x373: {  	s31 =	sadd.s32 $0x11800, s23;
	_ =	swait.ge [sflag:s19], $0x4000  }
0x374: {  	v0 =	vmov s31;
	[sflag:s19] =	ssyncset.done $0x0  }
0x375: {  	s23 =	simm.s32 $0x0;
	[tilespmem:$0x1ECE0] =	vst v0;
	[sflag:s19] =	ssyncadd.s32 $0xFFFFC000  }
.LBB2_5:
0x376: {  	s24 =	sshll.u32 s23, $0xB  }
0x377: {  	v0 =	vld [tilespmem:s24+$0x5800]  }
0x378: {  	v1 =	vld [tilespmem:s24+$0xD800]  }
0x379: {  	v2 =	vld [tilespmem:s24+$0x5810]  }
0x37a: {  	v3 =	vld [tilespmem:s24+$0xD810]  }
0x37b: {  	v4 =	vld [tilespmem:s24+$0x5820]  }
0x37c: {  	v5 =	vld [tilespmem:s24+$0xD820]  }
0x37d: {  	v6 =	vld [tilespmem:s24+$0x5830]  }
0x37e: {  	v7 =	vld [tilespmem:s24+$0xD830]  }
0x37f: {  	v8 =	vld [tilespmem:s24+$0x5840]  }
0x380: {  	v9 =	vld [tilespmem:s24+$0xD840]  }
0x381: {  	v10 =	vld [tilespmem:s24+$0x5850]  }
0x382: {  	v11 =	vld [tilespmem:s24+$0xD850]  }
0x383: {  	v12 =	vld [tilespmem:s24+$0x5860]  }
0x384: {  	v13 =	vld [tilespmem:s24+$0xD860]  }
0x385: {  	v14 =	vld [tilespmem:s24+$0x5870]  }
0x386: {  	v15 =	vld [tilespmem:s24+$0xD870]  }
0x387: {  	v16 =	vld [tilespmem:s24+$0x5880]  }
0x388: {  	v17 =	vld [tilespmem:s24+$0xD880]  }
0x389: {  	v18 =	vld [tilespmem:s24+$0x5890]  }
0x38a: {  	v19 =	vld [tilespmem:s24+$0xD890]  }
0x38b: {  	v20 =	vld [tilespmem:s24+$0x58A0]  }
0x38c: {  	v21 =	vld [tilespmem:s24+$0xD8A0]  }
0x38d: {  	v22 =	vld [tilespmem:s24+$0x58B0]  }
0x38e: {  	v23 =	vld [tilespmem:s24+$0xD8B0]  }
0x38f: {  	v24 =	vld [tilespmem:s24+$0x58C0]  }
0x390: {  	v25 =	vld [tilespmem:s24+$0xD8C0]  }
0x391: {  	v26 =	vld [tilespmem:s24+$0x58D0]  }
0x392: {  	v27 =	vld [tilespmem:s24+$0xD8D0]  }
0x393: {  	v28 =	vld [tilespmem:s24+$0x58E0]  }
0x394: {  	v29 =	vld [tilespmem:s24+$0xD8E0]  }
0x395: {  	v30 =	vld [tilespmem:s24+$0x58F0]  }
0x396: {  	v31 =	vld [tilespmem:s24+$0xD8F0]  }
0x397: {  	v32 =	vld [tilespmem:s24+$0x5900]  }
0x398: {  	v33 =	vld [tilespmem:s24+$0xD900]  }
0x399: {  	v34 =	vld [tilespmem:s24+$0x5910]  }
0x39a: {  	v35 =	vld [tilespmem:s24+$0xD910]  }
0x39b: {  	v36 =	vld [tilespmem:s24+$0x5920]  }
0x39c: {  	v37 =	vld [tilespmem:s24+$0xD920]  }
0x39d: {  	v38 =	vld [tilespmem:s24+$0x5930]  }
0x39e: {  	v39 =	vld [tilespmem:s24+$0xD930]  }
0x39f: {  	v40 =	vld [tilespmem:s24+$0x5940]  }
0x3a0: {  	v41 =	vld [tilespmem:s24+$0xD940]  }
0x3a1: {  	v42 =	vld [tilespmem:s24+$0x5950]  }
0x3a2: {  	v43 =	vld [tilespmem:s24+$0xD950]  }
0x3a3: {  	v44 =	vld [tilespmem:s24+$0x5960]  }
0x3a4: {  	v54 =	vld [tilespmem:s24+$0x5980]  }
0x3a5: {  	v56 =	vld [tilespmem:s24+$0xD980]  }
0x3a6: {  	v59 =	vld [tilespmem:s24+$0x5990]  }
0x3a7: {  	v61 =	vld [tilespmem:s24+$0xD990]  }
0x3a8: {  	v63 =	vld [tilespmem:s24+$0x59A0]  }
0x3a9: {  	v46 =	vld [tilespmem:s24+$0xD9B0]  }
0x3aa: {  	v48 =	vld [tilespmem:s24+$0x59C0]  }
0x3ab: {  	v51 =	vld [tilespmem:s24+$0xD9C0]  }
0x3ac: {  	v52 =	vmul.f32 v3, v2;
	v2 =	vld [tilespmem:s24+$0xD960]  }
0x3ad: {  	v3 =	vld [tilespmem:s24+$0x5970]  }
0x3ae: {  	v53 =	vmul.f32 v5, v4;
	v4 =	vld [tilespmem:s24+$0xD970]  }
0x3af: {  	s26 =	sshll.u32 s23, $0x4;
	v62 =	vmul.f32 v21, v20;
	v21 =	vld [tilespmem:s24+$0xD9A0]  }
0x3b0: {  	s25 =	sor.u32 $0x10, s26;
	v22 =	vmul.f32 v23, v22;
	v23 =	vld [tilespmem:s24+$0x59B0]  }
0x3b1: {  	s28 =	sshll.u32 s25, $0x7;
	v47 =	vmul.f32 v61, v59;
	v59 =	vmul.f32 v41, v40;
	v41 =	vld [tilespmem:s24+$0xDA20]  }
0x3b2: {  	v45 =	vmul.f32 v35, v34;
	v35 =	vld [tilespmem:s28+$0x5800]  }
0x3b3: {  	v50 =	vmul.f32 v37, v36;
	v36 =	vld [tilespmem:s28+$0xD800]  }
0x3b4: {  	v37 =	vld [tilespmem:s28+$0x5810]  }
0x3b5: {  	v5 =	vmul.f32 v56, v54;
	v54 =	vmul.f32 v39, v38;
	v38 =	vld [tilespmem:s28+$0xD810]  }
0x3b6: {  	v39 =	vld [tilespmem:s28+$0x5820]  }
0x3b7: {  	v40 =	vld [tilespmem:s28+$0xD820]  }
0x3b8: {  	v61 =	vmul.f32 v51, v48;
	v48 =	vld [tilespmem:s28+$0xD840]  }
0x3b9: {  	v51 =	vld [tilespmem:s28+$0xD850]  }
0x3ba: {  	v12 =	vmul.f32 v13, v12;
	v13 =	vld [tilespmem:s24+$0x5A80]  }
0x3bb: {  	v20 =	vmul.f32 v11, v10;
	v11 =	vld [tilespmem:s24+$0x5A90]  }
0x3bc: {  	v10 =	vld [tilespmem:s24+$0xDA90]  }
0x3bd: {  	v58 =	vmul.f32 v19, v18;
	v18 =	vld [tilespmem:s24+$0x5AA0]  }
0x3be: {  	v57 =	vmul.f32 v17, v16;
	v16 =	vld [tilespmem:s24+$0xDAA0]  }
0x3bf: {  	v60 =	vmul.f32 v9, v8;
	v9 =	vld [tilespmem:s24+$0x5B20]  }
0x3c0: {  	v8 =	vld [tilespmem:s24+$0xDB20]  }
0x3c1: {  	v19 =	vld [tilespmem:s24+$0x5B30]  }
0x3c2: {  	v17 =	vld [tilespmem:s24+$0xDB30]  }
0x3c3: {  	v0 =	vmul.f32 v1, v0;
	v55 =	vmul.f32 v7, v6;
	v6 =	vld [tilespmem:s24+$0xDB80]  }
0x3c4: {  	v33 =	vmul.f32 v33, v32;
	v14 =	vmul.f32 v15, v14;
	v15 =	vld [tilespmem:s24+$0x5BA0]  }
0x3c5: {  	v7 =	vadd.f32 v58, v57;
	v58 =	vld [tilespmem:s24+$0x59E0]  }
0x3c6: {  	v0 =	vadd.f32 v52, v0;
	v1 =	vadd.f32 v45, v33;
	v45 =	vld [tilespmem:s24+$0x5A10]  }
0x3c7: {  	v5 =	vadd.f32 v47, v5;
	v47 =	vld [tilespmem:s28+$0x5840]  }
0x3c8: {  	v0 =	vadd.f32 v53, v0;
	v53 =	vld [tilespmem:s24+$0x59D0]  }
0x3c9: {  	v7 =	vadd.f32 v62, v7;
	v62 =	vld [tilespmem:s24+$0x59F0]  }
0x3ca: {  	v1 =	vadd.f32 v50, v1;
	v50 =	vld [tilespmem:s24+$0x5A20]  }
0x3cb: {  	v52 =	vmul.f32 v21, v63;
	v21 =	vld [tilespmem:s24+$0xD9F0]  }
0x3cc: {  	v57 =	vmul.f32 v46, v23;
	v46 =	vld [tilespmem:s24+$0x5A30]  }
0x3cd: {  	v2 =	vmul.f32 v2, v44;
	v44 =	vld [tilespmem:s28+$0xD830]  }
0x3ce: {  	[tilespmem:$0x1E160] =	vst v36;
	v36 =	vld [tilespmem:s24+$0x5A50]  }
0x3cf: {  	[tilespmem:$0x1E150] =	vst v35;
	v35 =	vld [tilespmem:s24+$0xDA50]  }
0x3d0: {  	[tilespmem:$0x1E320] =	vst v51;
	v51 =	vld [tilespmem:s24+$0x5AD0]  }
0x3d1: {  	[tilespmem:$0x1E2C0] =	vst v48;
	v48 =	vld [tilespmem:s24+$0xDAD0]  }
0x3d2: {  	v49 =	vmul.f32 v25, v24;
	v25 =	vmul.f32 v4, v3;
	v3 =	vld [tilespmem:s24+$0x5B00]  }
0x3d3: {  	[tilespmem:$0x1E1E0] =	vst v40;
	v40 =	vld [tilespmem:s24+$0x5B60]  }
0x3d4: {  	[tilespmem:$0x1E1D0] =	vst v39;
	v39 =	vld [tilespmem:s24+$0xDB60]  }
0x3d5: {  	v4 =	vld [tilespmem:s24+$0xDB90]  }
0x3d6: {  	[tilespmem:$0x1E180] =	vst v38;
	v38 =	vld [tilespmem:s24+$0x5BD0]  }
0x3d7: {  	[tilespmem:$0x1E170] =	vst v37;
	v37 =	vld [tilespmem:s24+$0xDBD0]  }
0x3d8: {  	v0 =	vadd.f32 v55, v0;
	v55 =	vld [tilespmem:s24+$0xD9D0]  }
0x3d9: {  	v1 =	vadd.f32 v54, v1;
	v54 =	vld [tilespmem:s24+$0x5A00]  }
0x3da: {  	v5 =	vadd.f32 v52, v5;
	v52 =	vld [tilespmem:s24+$0xDA00]  }
0x3db: {  	v7 =	vadd.f32 v22, v7;
	[tilespmem:$0x1E2B0] =	vst v47;
	v47 =	vld [tilespmem:s24+$0x5A60]  }
0x3dc: {  	v0 =	vadd.f32 v60, v0;
	v60 =	vld [tilespmem:s24+$0xD9E0]  }
0x3dd: {  	v7 =	vadd.f32 v49, v7;
	v49 =	vld [tilespmem:s28+$0x5850]  }
0x3de: {  	v1 =	vadd.f32 v59, v1;
	v59 =	vld [tilespmem:s24+$0xDA70]  }
0x3df: {  	v5 =	vadd.f32 v57, v5;
	v57 =	vld [tilespmem:s28+$0xD870]  }
0x3e0: {  	v56 =	vmul.f32 v27, v26;
	v0 =	vadd.f32 v20, v0;
	v20 =	vmul.f32 v43, v42;
	v42 =	vld [tilespmem:s24+$0xDA10]  }
0x3e1: {  	v43 =	vld [tilespmem:s28+$0x5830]  }
0x3e2: {  	v7 =	vadd.f32 v56, v7;
	v56 =	vld [tilespmem:s28+$0x5870]  }
0x3e3: {  	[tilespmem:$0x1E240] =	vst v44;
	v44 =	vld [tilespmem:s24+$0xDA60]  }
0x3e4: {  	v63 =	vmul.f32 v29, v28;
	v28 =	vmul.f32 v21, v62;
	v62 =	vld [tilespmem:s24+$0x5AE0]  }
0x3e5: {  	v21 =	vld [tilespmem:s24+$0xDBB0]  }
0x3e6: {  	v22 =	vmul.f32 v55, v53;
	v53 =	vld [tilespmem:s28+$0x5860]  }
0x3e7: {  	v55 =	vld [tilespmem:s28+$0xD860]  }
0x3e8: {  	v5 =	vadd.f32 v61, v5;
	v61 =	vld [tilespmem:s24+$0xDAF0]  }
0x3e9: {  	v1 =	vadd.f32 v20, v1;
	v20 =	vld [tilespmem:s24+$0xDA30]  }
0x3ea: {  	v0 =	vadd.f32 v12, v0;
	v12 =	vld [tilespmem:s24+$0xDA80]  }
0x3eb: {  	v7 =	vadd.f32 v63, v7;
	v63 =	vld [tilespmem:s24+$0x5C20]  }
0x3ec: {  	v24 =	vmul.f32 v60, v58;
	v58 =	vld [tilespmem:s24+$0x5A70]  }
0x3ed: {  	v5 =	vadd.f32 v22, v5;
	v22 =	vld [tilespmem:s24+$0xDAB0]  }
0x3ee: {  	v60 =	vld [tilespmem:s24+$0x5AF0]  }
0x3ef: {  	[tilespmem:$0x1E310] =	vst v49;
	v49 =	vld [tilespmem:s24+$0x5BE0]  }
0x3f0: {  	[tilespmem:$0x1D9F0] =	vst v59;
	v59 =	vld [tilespmem:s24+$0x5C00]  }
0x3f1: {  	v23 =	vmul.f32 v31, v30;
	v1 =	vadd.f32 v2, v1;
	v2 =	vld [tilespmem:s24+$0xDB00]  }
0x3f2: {  	[tilespmem:$0x1E420] =	vst v57;
	v57 =	vld [tilespmem:s24+$0x5B70]  }
0x3f3: {  	v26 =	vadd.f32 v23, v7;
	v7 =	vld [tilespmem:s24+$0x5B80]  }
0x3f4: {  	v0 =	vadd.f32 v14, v0;
	v14 =	vld [tilespmem:s24+$0xDBA0]  }
0x3f5: {  	v23 =	vld [tilespmem:s24+$0x5BB0]  }
0x3f6: {  	v27 =	vadd.f32 v24, v5;
	v24 =	vld [tilespmem:s24+$0x5AB0]  }
0x3f7: {  	v5 =	vld [tilespmem:s24+$0x5B90]  }
0x3f8: {  	[tilespmem:$0x1E230] =	vst v43;
	v43 =	vld [tilespmem:s24+$0xDBE0]  }
0x3f9: {  	[tilespmem:$0x1E410] =	vst v56;
	v56 =	vld [tilespmem:s24+$0x5BF0]  }
0x3fa: {  	v29 =	vadd.f32 v25, v1;
	v1 =	vld [tilespmem:s24+$0x5B10]  }
0x3fb: {  	(xrf2) =	vadd.scan.msk.f32 $0xffff, v0;
	v0 =	vld [tilespmem:s24+$0xDB10]  }
0x3fc: {  	v25 =	vld [tilespmem:s24+$0xDB40]  }
0x3fd: {  	[tilespmem:$0x1E380] =	vst v55;
	v55 =	vld [tilespmem:s24+$0xDB70]  }
0x3fe: {  	[tilespmem:$0x1E370] =	vst v53;
	v53 =	vld [tilespmem:s24+$0xDBF0]  }
0x3ff: {  	[tilespmem:$0x1DA10] =	vst v61;
	v61 =	vld [tilespmem:s24+$0xDC00]  }
0x400: {  	(xrf2) =	vadd.scan.msk.f32 $0xffff, v26;
	v30 =	vadd.f32 v28, v27;
	[tilespmem:$0x1DA60] =	vst v63;
	v63 =	vld [tilespmem:s24+$0xDC20]  }
0x401: {  	v28 =	vld [tilespmem:s24+$0x5A40];
	(xrf2) =	vadd.scan.msk.f32 $0xffff, v29  }
0x402: {  	v27 =	vld [tilespmem:s24+$0xDA40];
	(xrf2) =	vadd.scan.msk.f32 $0xffff, v30  }
0x403: {  	v26 =	vld [tilespmem:s24+$0x5B40]  }
0x404: {  	[tilespmem:$0x1D9E0] =	vst v58;
	v58 =	vld [tilespmem:s24+$0xDAE0]  }
0x405: {  	[tilespmem:$0x1DA70] =	vst v63;
	v63 =	vld [tilespmem:s24+$0x5C30]  }
0x406: {  	v29 =	vld [tilespmem:s24+$0xDBC0]  }
0x407: {  	[tilespmem:$0x1DA00] =	vst v60;
	v60 =	vld [tilespmem:s24+$0x5C10]  }
0x408: {  	[tilespmem:$0x1DA40] =	vst v59;
	v59 =	vld [tilespmem:s24+$0xDC10];
	v31, _, _ =	vpop (xrf2)  }
0x409: {  	v30 =	vld [tilespmem:s24+$0x5BC0];
	[tilespmem:$0x1DA20] =	vst v31  }
0x40a: {  	v32, _, _ =	vpop (xrf2);
	v31 =	vld [tilespmem:s24+$0xDB50];
	[tilespmem:$0x1DA90] =	vst v63  }
0x40b: {  	[tilespmem:$0x1DA30] =	vst v32;
	v33, _, _ =	vpop (xrf2);
	v32 =	vld [tilespmem:s24+$0xDAC0]  }
0x40c: {  	[tilespmem:$0x1DA50] =	vst v33;
	v34, _, _ =	vpop (xrf2);
	v33 =	vld [tilespmem:s24+$0x5B50]  }
0x40d: {  	[tilespmem:$0x1DA80] =	vst v34;
	v34 =	vld [tilespmem:s24+$0x5AC0]  }
0x40e: {  	v63 =	vld [tilespmem:s24+$0xDC30];
	_ =	sdelay $0x4  }
0x40f: {  	[tilespmem:$0x1DAA0] =	vst v63;
	v63 =	vld [tilespmem:s24+$0x5C40];
	_ =	sdelay $0x4  }
0x410: {  	[tilespmem:$0x1DAB0] =	vst v63;
	v63 =	vld [tilespmem:s24+$0xDC40];
	_ =	sdelay $0x4  }
0x411: {  	[tilespmem:$0x1DAC0] =	vst v63;
	v63 =	vld [tilespmem:s24+$0x5C50];
	_ =	sdelay $0x4  }
0x412: {  	[tilespmem:$0x1DB10] =	vst v63;
	v63 =	vld [tilespmem:s24+$0xDC50];
	_ =	sdelay $0x4  }
0x413: {  	[tilespmem:$0x1DB20] =	vst v63;
	v63 =	vld [tilespmem:s24+$0x5C60];
	_ =	sdelay $0x4  }
0x414: {  	[tilespmem:$0x1DB90] =	vst v63;
	v63 =	vld [tilespmem:s24+$0xDC60];
	_ =	sdelay $0x4  }
0x415: {  	[tilespmem:$0x1DBA0] =	vst v63;
	v63 =	vld [tilespmem:s24+$0x5C70];
	_ =	sdelay $0x4  }
0x416: {  	[tilespmem:$0x1DC90] =	vst v63;
	v63 =	vld [tilespmem:s24+$0xDC70];
	_ =	sdelay $0x4  }
0x417: {  	[tilespmem:$0x1DCA0] =	vst v63;
	v63 =	vld [tilespmem:s24+$0x5C80];
	_ =	sdelay $0x4  }
0x418: {  	[tilespmem:$0x1DAD0] =	vst v63;
	v63 =	vld [tilespmem:s24+$0xDC80];
	_ =	sdelay $0x4  }
0x419: {  	[tilespmem:$0x1DAE0] =	vst v63;
	v63 =	vld [tilespmem:s24+$0x5C90];
	_ =	sdelay $0x4  }
0x41a: {  	[tilespmem:$0x1DAF0] =	vst v63;
	v63 =	vld [tilespmem:s24+$0xDC90];
	_ =	sdelay $0x4  }
0x41b: {  	[tilespmem:$0x1DB00] =	vst v63;
	v63 =	vld [tilespmem:s24+$0x5CA0];
	_ =	sdelay $0x4  }
0x41c: {  	[tilespmem:$0x1DB30] =	vst v63;
	v63 =	vld [tilespmem:s24+$0xDCA0];
	_ =	sdelay $0x4  }
0x41d: {  	[tilespmem:$0x1DB40] =	vst v63;
	v63 =	vld [tilespmem:s24+$0x5CB0];
	_ =	sdelay $0x4  }
0x41e: {  	[tilespmem:$0x1DBB0] =	vst v63;
	v63 =	vld [tilespmem:s24+$0xDCB0];
	_ =	sdelay $0x4  }
0x41f: {  	[tilespmem:$0x1DBC0] =	vst v63;
	v63 =	vld [tilespmem:s24+$0x5CC0];
	_ =	sdelay $0x4  }
0x420: {  	[tilespmem:$0x1DBF0] =	vst v63;
	v63 =	vld [tilespmem:s24+$0xDCC0];
	_ =	sdelay $0x4  }
0x421: {  	[tilespmem:$0x1DC00] =	vst v63;
	v63 =	vld [tilespmem:s24+$0x5CD0];
	_ =	sdelay $0x4  }
0x422: {  	[tilespmem:$0x1DC10] =	vst v63;
	v63 =	vld [tilespmem:s24+$0xDCD0];
	_ =	sdelay $0x4  }
0x423: {  	[tilespmem:$0x1DC20] =	vst v63;
	v63 =	vld [tilespmem:s24+$0x5CE0];
	_ =	sdelay $0x4  }
0x424: {  	[tilespmem:$0x1DCF0] =	vst v63;
	v63 =	vld [tilespmem:s24+$0xDCE0];
	_ =	sdelay $0x4  }
0x425: {  	[tilespmem:$0x1DD00] =	vst v63;
	v63 =	vld [tilespmem:s24+$0x5CF0];
	_ =	sdelay $0x4  }
0x426: {  	[tilespmem:$0x1DD50] =	vst v63;
	v63 =	vld [tilespmem:s24+$0xDCF0];
	_ =	sdelay $0x4  }
0x427: {  	[tilespmem:$0x1DD60] =	vst v63;
	v63 =	vld [tilespmem:s24+$0x5D00];
	_ =	sdelay $0x4  }
0x428: {  	[tilespmem:$0x1DB50] =	vst v63;
	v63 =	vld [tilespmem:s24+$0xDD00];
	_ =	sdelay $0x4  }
0x429: {  	[tilespmem:$0x1DB60] =	vst v63;
	v63 =	vld [tilespmem:s24+$0x5D10];
	_ =	sdelay $0x4  }
0x42a: {  	[tilespmem:$0x1DB70] =	vst v63;
	v63 =	vld [tilespmem:s24+$0xDD10];
	_ =	sdelay $0x4  }
0x42b: {  	[tilespmem:$0x1DB80] =	vst v63;
	v63 =	vld [tilespmem:s24+$0x5D20];
	_ =	sdelay $0x4  }
0x42c: {  	[tilespmem:$0x1DBD0] =	vst v63;
	v63 =	vld [tilespmem:s24+$0xDD20];
	_ =	sdelay $0x4  }
0x42d: {  	[tilespmem:$0x1DBE0] =	vst v63;
	v63 =	vld [tilespmem:s24+$0x5D30];
	_ =	sdelay $0x4  }
0x42e: {  	[tilespmem:$0x1DC30] =	vst v63;
	v63 =	vld [tilespmem:s24+$0xDD30];
	_ =	sdelay $0x4  }
0x42f: {  	[tilespmem:$0x1DC40] =	vst v63;
	v63 =	vld [tilespmem:s24+$0x5D40];
	_ =	sdelay $0x4  }
0x430: {  	[tilespmem:$0x1DCB0] =	vst v63;
	v63 =	vld [tilespmem:s24+$0xDD40];
	_ =	sdelay $0x4  }
0x431: {  	[tilespmem:$0x1DCC0] =	vst v63;
	v63 =	vld [tilespmem:s24+$0x5D50];
	_ =	sdelay $0x4  }
0x432: {  	[tilespmem:$0x1DD10] =	vst v63;
	v63 =	vld [tilespmem:s24+$0xDD50];
	_ =	sdelay $0x4  }
0x433: {  	[tilespmem:$0x1DD20] =	vst v63;
	v63 =	vld [tilespmem:s24+$0x5D60];
	_ =	sdelay $0x4  }
0x434: {  	[tilespmem:$0x1DD70] =	vst v63;
	v63 =	vld [tilespmem:s24+$0xDD60];
	_ =	sdelay $0x4  }
0x435: {  	[tilespmem:$0x1DD80] =	vst v63;
	v63 =	vld [tilespmem:s24+$0x5D70];
	_ =	sdelay $0x4  }
0x436: {  	[tilespmem:$0x1DE10] =	vst v63;
	v63 =	vld [tilespmem:s24+$0xDD70];
	_ =	sdelay $0x4  }
0x437: {  	[tilespmem:$0x1DE20] =	vst v63;
	v63 =	vld [tilespmem:s24+$0x5D80];
	_ =	sdelay $0x4  }
0x438: {  	[tilespmem:$0x1DC50] =	vst v63;
	v63 =	vld [tilespmem:s24+$0xDD80];
	_ =	sdelay $0x4  }
0x439: {  	[tilespmem:$0x1DC60] =	vst v63;
	v63 =	vld [tilespmem:s24+$0x5D90];
	_ =	sdelay $0x4  }
0x43a: {  	[tilespmem:$0x1DC70] =	vst v63;
	v63 =	vld [tilespmem:s24+$0xDD90];
	_ =	sdelay $0x4  }
0x43b: {  	[tilespmem:$0x1DC80] =	vst v63;
	v63 =	vld [tilespmem:s24+$0x5DA0];
	_ =	sdelay $0x4  }
0x43c: {  	[tilespmem:$0x1DCD0] =	vst v63;
	v63 =	vld [tilespmem:s24+$0xDDA0];
	_ =	sdelay $0x4  }
0x43d: {  	[tilespmem:$0x1DCE0] =	vst v63;
	v63 =	vld [tilespmem:s24+$0x5DB0];
	_ =	sdelay $0x4  }
0x43e: {  	[tilespmem:$0x1DD30] =	vst v63;
	v63 =	vld [tilespmem:s24+$0xDDB0];
	_ =	sdelay $0x4  }
0x43f: {  	[tilespmem:$0x1DD40] =	vst v63;
	v63 =	vld [tilespmem:s24+$0x5DC0];
	_ =	sdelay $0x4  }
0x440: {  	[tilespmem:$0x1DD90] =	vst v63;
	v63 =	vld [tilespmem:s24+$0xDDC0];
	_ =	sdelay $0x4  }
0x441: {  	[tilespmem:$0x1DDA0] =	vst v63;
	v63 =	vld [tilespmem:s24+$0x5DD0];
	_ =	sdelay $0x4  }
0x442: {  	[tilespmem:$0x1DDF0] =	vst v63;
	v63 =	vld [tilespmem:s24+$0xDDD0];
	_ =	sdelay $0x4  }
0x443: {  	[tilespmem:$0x1DE00] =	vst v63;
	v63 =	vld [tilespmem:s24+$0x5DE0];
	_ =	sdelay $0x4  }
0x444: {  	[tilespmem:$0x1DE90] =	vst v63;
	v63 =	vld [tilespmem:s24+$0xDDE0];
	_ =	sdelay $0x4  }
0x445: {  	[tilespmem:$0x1DEA0] =	vst v63;
	v63 =	vld [tilespmem:s24+$0x5DF0];
	_ =	sdelay $0x4  }
0x446: {  	[tilespmem:$0x1DF90] =	vst v63;
	v63 =	vld [tilespmem:s24+$0xDDF0];
	_ =	sdelay $0x4  }
0x447: {  	[tilespmem:$0x1DFA0] =	vst v63;
	v63 =	vld [tilespmem:s24+$0x5E00];
	_ =	sdelay $0x4  }
0x448: {  	[tilespmem:$0x1DDB0] =	vst v63;
	v63 =	vld [tilespmem:s24+$0xDE00];
	_ =	sdelay $0x4  }
0x449: {  	[tilespmem:$0x1DDC0] =	vst v63;
	v63 =	vld [tilespmem:s24+$0x5E10];
	_ =	sdelay $0x4  }
0x44a: {  	[tilespmem:$0x1DDD0] =	vst v63;
	v63 =	vld [tilespmem:s24+$0xDE10];
	_ =	sdelay $0x4  }
0x44b: {  	[tilespmem:$0x1DDE0] =	vst v63;
	v63 =	vld [tilespmem:s24+$0x5E20];
	_ =	sdelay $0x4  }
0x44c: {  	[tilespmem:$0x1DE30] =	vst v63;
	v63 =	vld [tilespmem:s24+$0xDE20];
	_ =	sdelay $0x4  }
0x44d: {  	[tilespmem:$0x1DE40] =	vst v63;
	v63 =	vld [tilespmem:s24+$0x5E30];
	_ =	sdelay $0x4  }
0x44e: {  	[tilespmem:$0x1DEB0] =	vst v63;
	v63 =	vld [tilespmem:s24+$0xDE30];
	_ =	sdelay $0x4  }
0x44f: {  	[tilespmem:$0x1DEC0] =	vst v63;
	v63 =	vld [tilespmem:s24+$0x5E40];
	_ =	sdelay $0x4  }
0x450: {  	[tilespmem:$0x1DEF0] =	vst v63;
	v63 =	vld [tilespmem:s24+$0xDE40];
	_ =	sdelay $0x4  }
0x451: {  	[tilespmem:$0x1DF00] =	vst v63;
	v63 =	vld [tilespmem:s24+$0x5E50];
	_ =	sdelay $0x4  }
0x452: {  	[tilespmem:$0x1DF10] =	vst v63;
	v63 =	vld [tilespmem:s24+$0xDE50];
	_ =	sdelay $0x4  }
0x453: {  	[tilespmem:$0x1DF20] =	vst v63;
	v63 =	vld [tilespmem:s24+$0x5E60];
	_ =	sdelay $0x4  }
0x454: {  	[tilespmem:$0x1DFF0] =	vst v63;
	v63 =	vld [tilespmem:s24+$0xDE60];
	_ =	sdelay $0x4  }
0x455: {  	[tilespmem:$0x1E000] =	vst v63;
	v63 =	vld [tilespmem:s24+$0x5E70];
	_ =	sdelay $0x4  }
0x456: {  	[tilespmem:$0x1E050] =	vst v63;
	v63 =	vld [tilespmem:s24+$0xDE70];
	_ =	sdelay $0x4  }
0x457: {  	[tilespmem:$0x1E060] =	vst v63;
	v63 =	vld [tilespmem:s24+$0x5E80];
	_ =	sdelay $0x4  }
0x458: {  	[tilespmem:$0x1DE50] =	vst v63;
	v63 =	vld [tilespmem:s24+$0xDE80];
	_ =	sdelay $0x4  }
0x459: {  	[tilespmem:$0x1DE60] =	vst v63;
	v63 =	vld [tilespmem:s24+$0x5E90];
	_ =	sdelay $0x4  }
0x45a: {  	[tilespmem:$0x1DE70] =	vst v63;
	v63 =	vld [tilespmem:s24+$0xDE90];
	_ =	sdelay $0x4  }
0x45b: {  	[tilespmem:$0x1DE80] =	vst v63;
	v63 =	vld [tilespmem:s24+$0x5EA0];
	_ =	sdelay $0x4  }
0x45c: {  	[tilespmem:$0x1DED0] =	vst v63;
	v63 =	vld [tilespmem:s24+$0xDEA0];
	_ =	sdelay $0x4  }
0x45d: {  	[tilespmem:$0x1DEE0] =	vst v63;
	v63 =	vld [tilespmem:s24+$0x5EB0];
	_ =	sdelay $0x4  }
0x45e: {  	[tilespmem:$0x1DF30] =	vst v63;
	v63 =	vld [tilespmem:s24+$0xDEB0];
	_ =	sdelay $0x4  }
0x45f: {  	[tilespmem:$0x1DF40] =	vst v63;
	v63 =	vld [tilespmem:s24+$0x5EC0];
	_ =	sdelay $0x4  }
0x460: {  	[tilespmem:$0x1DFB0] =	vst v63;
	v63 =	vld [tilespmem:s24+$0xDEC0];
	_ =	sdelay $0x4  }
0x461: {  	[tilespmem:$0x1DFC0] =	vst v63;
	v63 =	vld [tilespmem:s24+$0x5ED0];
	_ =	sdelay $0x4  }
0x462: {  	[tilespmem:$0x1E010] =	vst v63;
	v63 =	vld [tilespmem:s24+$0xDED0];
	_ =	sdelay $0x4  }
0x463: {  	[tilespmem:$0x1E020] =	vst v63;
	v63 =	vld [tilespmem:s24+$0x5EE0];
	_ =	sdelay $0x4  }
0x464: {  	[tilespmem:$0x1E070] =	vst v63;
	v63 =	vld [tilespmem:s24+$0xDEE0];
	_ =	sdelay $0x4  }
0x465: {  	[tilespmem:$0x1E080] =	vst v63;
	v63 =	vld [tilespmem:s24+$0x5EF0];
	_ =	sdelay $0x4  }
0x466: {  	[tilespmem:$0x1E110] =	vst v63;
	v63 =	vld [tilespmem:s24+$0xDEF0];
	_ =	sdelay $0x4  }
0x467: {  	[tilespmem:$0x1E120] =	vst v63;
	v63 =	vld [tilespmem:s24+$0x5F00];
	_ =	sdelay $0x4  }
0x468: {  	[tilespmem:$0x1DF50] =	vst v63;
	v63 =	vld [tilespmem:s24+$0xDF00];
	_ =	sdelay $0x4  }
0x469: {  	[tilespmem:$0x1DF60] =	vst v63;
	v63 =	vld [tilespmem:s24+$0x5F10];
	_ =	sdelay $0x4  }
0x46a: {  	[tilespmem:$0x1DF70] =	vst v63;
	v63 =	vld [tilespmem:s24+$0xDF10];
	_ =	sdelay $0x4  }
0x46b: {  	[tilespmem:$0x1DF80] =	vst v63;
	v63 =	vld [tilespmem:s24+$0x5F20];
	_ =	sdelay $0x4  }
0x46c: {  	[tilespmem:$0x1DFD0] =	vst v63;
	v63 =	vld [tilespmem:s24+$0xDF20];
	_ =	sdelay $0x4  }
0x46d: {  	[tilespmem:$0x1DFE0] =	vst v63;
	v63 =	vld [tilespmem:s24+$0x5F30];
	_ =	sdelay $0x4  }
0x46e: {  	[tilespmem:$0x1E030] =	vst v63;
	v63 =	vld [tilespmem:s24+$0xDF30];
	_ =	sdelay $0x4  }
0x46f: {  	[tilespmem:$0x1E040] =	vst v63;
	v63 =	vld [tilespmem:s24+$0x5F40];
	_ =	sdelay $0x4  }
0x470: {  	[tilespmem:$0x1E090] =	vst v63;
	v63 =	vld [tilespmem:s24+$0xDF40];
	_ =	sdelay $0x4  }
0x471: {  	[tilespmem:$0x1E0A0] =	vst v63;
	v63 =	vld [tilespmem:s24+$0x5F50];
	_ =	sdelay $0x4  }
0x472: {  	[tilespmem:$0x1E0F0] =	vst v63;
	v63 =	vld [tilespmem:s24+$0xDF50];
	_ =	sdelay $0x4  }
0x473: {  	[tilespmem:$0x1E100] =	vst v63;
	v63 =	vld [tilespmem:s24+$0x5F60];
	_ =	sdelay $0x4  }
0x474: {  	[tilespmem:$0x1E190] =	vst v63;
	v63 =	vld [tilespmem:s24+$0xDF60];
	_ =	sdelay $0x4  }
0x475: {  	[tilespmem:$0x1E1A0] =	vst v63;
	v63 =	vld [tilespmem:s24+$0x5F70];
	_ =	sdelay $0x4  }
0x476: {  	[tilespmem:$0x1E290] =	vst v63;
	v63 =	vld [tilespmem:s24+$0xDF70];
	_ =	sdelay $0x4  }
0x477: {  	[tilespmem:$0x1E2A0] =	vst v63;
	v63 =	vld [tilespmem:s24+$0x5F80];
	_ =	sdelay $0x4  }
0x478: {  	[tilespmem:$0x1E0B0] =	vst v63;
	v63 =	vld [tilespmem:s24+$0xDF80];
	_ =	sdelay $0x4  }
0x479: {  	[tilespmem:$0x1E0C0] =	vst v63;
	v63 =	vld [tilespmem:s24+$0x5F90];
	_ =	sdelay $0x4  }
0x47a: {  	[tilespmem:$0x1E0D0] =	vst v63;
	v63 =	vld [tilespmem:s24+$0xDF90];
	_ =	sdelay $0x4  }
0x47b: {  	[tilespmem:$0x1E0E0] =	vst v63;
	v63 =	vld [tilespmem:s24+$0x5FA0];
	_ =	sdelay $0x4  }
0x47c: {  	[tilespmem:$0x1E130] =	vst v63;
	v63 =	vld [tilespmem:s24+$0xDFA0];
	_ =	sdelay $0x4  }
0x47d: {  	[tilespmem:$0x1E140] =	vst v63;
	v63 =	vld [tilespmem:s24+$0x5FB0];
	_ =	sdelay $0x4  }
0x47e: {  	[tilespmem:$0x1E1B0] =	vst v63;
	v63 =	vld [tilespmem:s24+$0xDFB0];
	_ =	sdelay $0x4  }
0x47f: {  	[tilespmem:$0x1E1C0] =	vst v63;
	v63 =	vld [tilespmem:s24+$0x5FC0];
	_ =	sdelay $0x4  }
0x480: {  	[tilespmem:$0x1E1F0] =	vst v63;
	v63 =	vld [tilespmem:s24+$0xDFC0];
	_ =	sdelay $0x4  }
0x481: {  	[tilespmem:$0x1E200] =	vst v63;
	v63 =	vld [tilespmem:s24+$0x5FD0];
	_ =	sdelay $0x4  }
0x482: {  	[tilespmem:$0x1E210] =	vst v63;
	v63 =	vld [tilespmem:s24+$0xDFD0];
	_ =	sdelay $0x4  }
0x483: {  	[tilespmem:$0x1E220] =	vst v63;
	v63 =	vld [tilespmem:s24+$0x5FE0];
	_ =	sdelay $0x4  }
0x484: {  	[tilespmem:$0x1E2F0] =	vst v63;
	v63 =	vld [tilespmem:s24+$0xDFE0];
	_ =	sdelay $0x4  }
0x485: {  	[tilespmem:$0x1E300] =	vst v63;
	v63 =	vld [tilespmem:s24+$0x5FF0];
	_ =	sdelay $0x4  }
0x486: {  	[tilespmem:$0x1E350] =	vst v63;
	v63 =	vld [tilespmem:s24+$0xDFF0];
	_ =	sdelay $0x4  }
0x487: {  	[tilespmem:$0x1E360] =	vst v63;
	v63 =	vld [tilespmem:s24+$0x6080];
	_ =	sdelay $0x4  }
0x488: {  	[tilespmem:$0x1E250] =	vst v63;
	v63 =	vld [tilespmem:s24+$0xE080];
	_ =	sdelay $0x4  }
0x489: {  	[tilespmem:$0x1E260] =	vst v63;
	v63 =	vld [tilespmem:s24+$0x6090];
	_ =	sdelay $0x4  }
0x48a: {  	[tilespmem:$0x1E270] =	vst v63;
	v63 =	vld [tilespmem:s24+$0xE090];
	_ =	sdelay $0x4  }
0x48b: {  	[tilespmem:$0x1E280] =	vst v63;
	v63 =	vld [tilespmem:s24+$0x60A0];
	_ =	sdelay $0x4  }
0x48c: {  	[tilespmem:$0x1E2D0] =	vst v63;
	v63 =	vld [tilespmem:s24+$0xE0A0];
	_ =	sdelay $0x4  }
0x48d: {  	[tilespmem:$0x1E2E0] =	vst v63;
	v63 =	vld [tilespmem:s24+$0x60B0];
	_ =	sdelay $0x4  }
0x48e: {  	[tilespmem:$0x1E330] =	vst v63;
	v63 =	vld [tilespmem:s24+$0xE0B0];
	_ =	sdelay $0x4  }
0x48f: {  	[tilespmem:$0x1E340] =	vst v63;
	v63 =	vld [tilespmem:s24+$0x60C0];
	_ =	sdelay $0x4  }
0x490: {  	[tilespmem:$0x1E390] =	vst v63;
	v63 =	vld [tilespmem:s24+$0xE0C0];
	_ =	sdelay $0x4  }
0x491: {  	[tilespmem:$0x1E3A0] =	vst v63;
	v63 =	vld [tilespmem:s24+$0x60D0];
	_ =	sdelay $0x4  }
0x492: {  	[tilespmem:$0x1E3F0] =	vst v63;
	v63 =	vld [tilespmem:s24+$0xE0D0];
	_ =	sdelay $0x4  }
0x493: {  	[tilespmem:$0x1E400] =	vst v63;
	v63 =	vld [tilespmem:s24+$0x60E0];
	_ =	sdelay $0x4  }
0x494: {  	[tilespmem:$0x1E490] =	vst v63;
	v63 =	vld [tilespmem:s24+$0xE0E0];
	_ =	sdelay $0x4  }
0x495: {  	[tilespmem:$0x1E4A0] =	vst v63;
	v63 =	vld [tilespmem:s24+$0x60F0];
	_ =	sdelay $0x4  }
0x496: {  	[tilespmem:$0x1E590] =	vst v63;
	v63 =	vld [tilespmem:s24+$0xE0F0];
	_ =	sdelay $0x4  }
0x497: {  	[tilespmem:$0x1E5A0] =	vst v63;
	v63 =	vld [tilespmem:s24+$0x6100];
	_ =	sdelay $0x4  }
0x498: {  	[tilespmem:$0x1E3B0] =	vst v63;
	v63 =	vld [tilespmem:s24+$0xE100];
	_ =	sdelay $0x4  }
0x499: {  	[tilespmem:$0x1E3C0] =	vst v63;
	v63 =	vld [tilespmem:s24+$0x6110];
	_ =	sdelay $0x4  }
0x49a: {  	[tilespmem:$0x1E3D0] =	vst v63;
	v63 =	vld [tilespmem:s24+$0xE110];
	_ =	sdelay $0x4  }
0x49b: {  	[tilespmem:$0x1E3E0] =	vst v63;
	v63 =	vld [tilespmem:s24+$0x6120];
	_ =	sdelay $0x4  }
0x49c: {  	[tilespmem:$0x1E430] =	vst v63;
	v63 =	vld [tilespmem:s24+$0xE120];
	_ =	sdelay $0x4  }
0x49d: {  	[tilespmem:$0x1E440] =	vst v63;
	v63 =	vld [tilespmem:s24+$0x6130];
	_ =	sdelay $0x4  }
0x49e: {  	[tilespmem:$0x1E4B0] =	vst v63;
	v63 =	vld [tilespmem:s24+$0xE130];
	_ =	sdelay $0x4  }
0x49f: {  	[tilespmem:$0x1E4C0] =	vst v63;
	v63 =	vld [tilespmem:s24+$0x6140];
	_ =	sdelay $0x4  }
0x4a0: {  	[tilespmem:$0x1E4F0] =	vst v63;
	v63 =	vld [tilespmem:s24+$0xE140];
	_ =	sdelay $0x4  }
0x4a1: {  	[tilespmem:$0x1E500] =	vst v63;
	v63 =	vld [tilespmem:s24+$0x6150];
	_ =	sdelay $0x4  }
0x4a2: {  	[tilespmem:$0x1E510] =	vst v63;
	v63 =	vld [tilespmem:s24+$0xE150];
	_ =	sdelay $0x4  }
0x4a3: {  	[tilespmem:$0x1E520] =	vst v63;
	v63 =	vld [tilespmem:s24+$0x6160];
	_ =	sdelay $0x4  }
0x4a4: {  	[tilespmem:$0x1E5F0] =	vst v63;
	v63 =	vld [tilespmem:s24+$0xE160];
	_ =	sdelay $0x4  }
0x4a5: {  	[tilespmem:$0x1E600] =	vst v63;
	v63 =	vld [tilespmem:s24+$0x6170];
	_ =	sdelay $0x4  }
0x4a6: {  	[tilespmem:$0x1E650] =	vst v63;
	v63 =	vld [tilespmem:s24+$0xE170];
	_ =	sdelay $0x4  }
0x4a7: {  	[tilespmem:$0x1E660] =	vst v63;
	v63 =	vld [tilespmem:s24+$0x6180];
	_ =	sdelay $0x4  }
0x4a8: {  	[tilespmem:$0x1E450] =	vst v63;
	v63 =	vld [tilespmem:s24+$0xE180];
	_ =	sdelay $0x4  }
0x4a9: {  	[tilespmem:$0x1E460] =	vst v63;
	v63 =	vld [tilespmem:s24+$0x6190];
	_ =	sdelay $0x4  }
0x4aa: {  	[tilespmem:$0x1E470] =	vst v63;
	v63 =	vld [tilespmem:s24+$0xE190];
	_ =	sdelay $0x4  }
0x4ab: {  	[tilespmem:$0x1E480] =	vst v63;
	v63 =	vld [tilespmem:s24+$0x61A0];
	_ =	sdelay $0x4  }
0x4ac: {  	[tilespmem:$0x1E4D0] =	vst v63;
	v63 =	vld [tilespmem:s24+$0xE1A0];
	_ =	sdelay $0x4  }
0x4ad: {  	[tilespmem:$0x1E4E0] =	vst v63;
	v63 =	vld [tilespmem:s24+$0x61B0];
	_ =	sdelay $0x4  }
0x4ae: {  	[tilespmem:$0x1E530] =	vst v63;
	v63 =	vld [tilespmem:s24+$0xE1B0];
	_ =	sdelay $0x4  }
0x4af: {  	[tilespmem:$0x1E540] =	vst v63;
	v63 =	vld [tilespmem:s24+$0x61C0];
	_ =	sdelay $0x4  }
0x4b0: {  	[tilespmem:$0x1E5B0] =	vst v63;
	v63 =	vld [tilespmem:s24+$0xE1C0];
	_ =	sdelay $0x4  }
0x4b1: {  	[tilespmem:$0x1E5C0] =	vst v63;
	v63 =	vld [tilespmem:s24+$0x61D0];
	_ =	sdelay $0x4  }
0x4b2: {  	[tilespmem:$0x1E610] =	vst v63;
	v63 =	vld [tilespmem:s24+$0xE1D0];
	_ =	sdelay $0x4  }
0x4b3: {  	[tilespmem:$0x1E620] =	vst v63;
	v63 =	vld [tilespmem:s24+$0x61E0];
	_ =	sdelay $0x4  }
0x4b4: {  	[tilespmem:$0x1E670] =	vst v63;
	v63 =	vld [tilespmem:s24+$0xE1E0];
	_ =	sdelay $0x4  }
0x4b5: {  	[tilespmem:$0x1E680] =	vst v63;
	v63 =	vld [tilespmem:s24+$0x61F0];
	_ =	sdelay $0x4  }
0x4b6: {  	[tilespmem:$0x1E710] =	vst v63;
	v63 =	vld [tilespmem:s24+$0xE1F0];
	_ =	sdelay $0x4  }
0x4b7: {  	[tilespmem:$0x1E720] =	vst v63;
	v63 =	vld [tilespmem:s24+$0x6200];
	_ =	sdelay $0x4  }
0x4b8: {  	[tilespmem:$0x1E550] =	vst v63;
	v63 =	vld [tilespmem:s24+$0xE200];
	_ =	sdelay $0x4  }
0x4b9: {  	[tilespmem:$0x1E560] =	vst v63;
	v63 =	vld [tilespmem:s24+$0x6210];
	_ =	sdelay $0x4  }
0x4ba: {  	[tilespmem:$0x1E570] =	vst v63;
	v63 =	vld [tilespmem:s24+$0xE210];
	_ =	sdelay $0x4  }
0x4bb: {  	[tilespmem:$0x1E580] =	vst v63;
	v63 =	vld [tilespmem:s24+$0x6220];
	_ =	sdelay $0x4  }
0x4bc: {  	[tilespmem:$0x1E5D0] =	vst v63;
	v63 =	vld [tilespmem:s24+$0xE220];
	_ =	sdelay $0x4  }
0x4bd: {  	[tilespmem:$0x1E5E0] =	vst v63;
	v63 =	vld [tilespmem:s24+$0x6230];
	_ =	sdelay $0x4  }
0x4be: {  	[tilespmem:$0x1E630] =	vst v63;
	v63 =	vld [tilespmem:s24+$0xE230];
	_ =	sdelay $0x4  }
0x4bf: {  	[tilespmem:$0x1E640] =	vst v63;
	v63 =	vld [tilespmem:s24+$0x6240];
	_ =	sdelay $0x4  }
0x4c0: {  	[tilespmem:$0x1E690] =	vst v63;
	v63 =	vld [tilespmem:s24+$0x62C0];
	_ =	sdelay $0x4  }
0x4c1: {  	[tilespmem:$0x1E7E0] =	vst v63;
	v63 =	vld [tilespmem:s24+$0xE240];
	_ =	sdelay $0x4  }
0x4c2: {  	[tilespmem:$0x1E6A0] =	vst v63;
	v63 =	vld [tilespmem:s24+$0x6250];
	_ =	sdelay $0x4  }
0x4c3: {  	[tilespmem:$0x1E6F0] =	vst v63;
	v63 =	vld [tilespmem:s24+$0xE250];
	_ =	sdelay $0x4  }
0x4c4: {  	[tilespmem:$0x1E700] =	vst v63;
	v63 =	vld [tilespmem:s24+$0x6260];
	_ =	sdelay $0x4  }
0x4c5: {  	[tilespmem:$0x1E790] =	vst v63;
	v63 =	vld [tilespmem:s24+$0xE260];
	_ =	sdelay $0x4  }
0x4c6: {  	[tilespmem:$0x1E7A0] =	vst v63;
	v63 =	vld [tilespmem:s24+$0x6270];
	_ =	sdelay $0x4  }
0x4c7: {  	[tilespmem:$0x1E860] =	vst v63;
	v63 =	vld [tilespmem:s24+$0xE270];
	_ =	sdelay $0x4  }
0x4c8: {  	[tilespmem:$0x1E870] =	vst v63;
	v63 =	vld [tilespmem:s24+$0x6280];
	_ =	sdelay $0x4  }
0x4c9: {  	[tilespmem:$0x1E6B0] =	vst v63;
	v63 =	vld [tilespmem:s24+$0xE280];
	_ =	sdelay $0x4  }
0x4ca: {  	[tilespmem:$0x1E6C0] =	vst v63;
	v63 =	vld [tilespmem:s24+$0x62B0];
	_ =	sdelay $0x4  }
0x4cb: {  	[tilespmem:$0x1E7B0] =	vst v63;
	v63 =	vld [tilespmem:s24+$0x6290];
	_ =	sdelay $0x4  }
0x4cc: {  	[tilespmem:$0x1E6D0] =	vst v63;
	v63 =	vld [tilespmem:s24+$0x6380];
	_ =	sdelay $0x4  }
0x4cd: {  	[tilespmem:$0x1E840] =	vst v63;
	v63 =	vld [tilespmem:s24+$0xE290];
	_ =	sdelay $0x4  }
0x4ce: {  	[tilespmem:$0x1E6E0] =	vst v63;
	v63 =	vld [tilespmem:s24+$0xE360];
	_ =	sdelay $0x4  }
0x4cf: {  	[tilespmem:$0x1E900] =	vst v63;
	v63 =	vld [tilespmem:s24+$0x62A0];
	_ =	sdelay $0x4  }
0x4d0: {  	[tilespmem:$0x1E730] =	vst v63;
	v63 =	vld [tilespmem:s24+$0xE2A0];
	_ =	sdelay $0x4  }
0x4d1: {  	[tilespmem:$0x1E740] =	vst v63;
	v63 =	vld [tilespmem:s24+$0xE2B0];
	_ =	sdelay $0x4  }
0x4d2: {  	[tilespmem:$0x1E7C0] =	vst v63;
	v63 =	vld [tilespmem:s24+$0x62F0];
	_ =	sdelay $0x4  }
0x4d3: {  	[tilespmem:$0x1E8E0] =	vst v63;
	v63 =	vld [tilespmem:s24+$0xE2C0];
	_ =	sdelay $0x4  }
0x4d4: {  	[tilespmem:$0x1E7F0] =	vst v63;
	v63 =	vld [tilespmem:s24+$0x6350];
	_ =	sdelay $0x4  }
0x4d5: {  	[tilespmem:$0x1E8C0] =	vst v63;
	v63 =	vld [tilespmem:s24+$0x62D0];
	_ =	sdelay $0x4  }
0x4d6: {  	[tilespmem:$0x1E800] =	vst v63;
	v63 =	vld [tilespmem:s24+$0xE2D0];
	_ =	sdelay $0x4  }
0x4d7: {  	[tilespmem:$0x1E810] =	vst v63;
	v63 =	vld [tilespmem:s24+$0x62E0];
	_ =	sdelay $0x4  }
0x4d8: {  	[tilespmem:$0x1E8A0] =	vst v63;
	v63 =	vld [tilespmem:s24+$0x6340];
	_ =	sdelay $0x4  }
0x4d9: {  	[tilespmem:$0x1E880] =	vst v63;
	v63 =	vld [tilespmem:s24+$0xE2E0];
	_ =	sdelay $0x4  }
0x4da: {  	[tilespmem:$0x1E8B0] =	vst v63;
	v63 =	vld [tilespmem:s24+$0xE380];
	_ =	sdelay $0x4  }
0x4db: {  	[tilespmem:$0x1E850] =	vst v63;
	v63 =	vld [tilespmem:s24+$0xE2F0];
	_ =	sdelay $0x1  }
0x4dc: {  	v42 =	vmul.f32 v42, v45;
	v45 =	vmul.f32 v52, v54  }
0x4dd: {  	v52 =	vld [tilespmem:s24+$0x6320]  }
0x4de: {  	v41 =	vmul.f32 v41, v50;
	v42 =	vadd.f32 v42, v45;
	v54 =	vld [tilespmem:s24+$0xE320]  }
0x4df: {  	[tilespmem:$0x1E8F0] =	vst v63;
	v63 =	vld [tilespmem:s24+$0x6300]  }
0x4e0: {  	v20 =	vmul.f32 v20, v46;
	v41 =	vadd.f32 v41, v42;
	v45 =	vld [tilespmem:s24+$0xE330]  }
0x4e1: {  	v10 =	vmul.f32 v10, v11;
	v12 =	vmul.f32 v12, v13;
	v46 =	vld [tilespmem:s24+$0xE340]  }
0x4e2: {  	v50 =	vadd.f32 v20, v41;
	v41 =	vmul.f32 v22, v24;
	v22 =	vld [tilespmem:s24+$0xE370]  }
0x4e3: {  	v10 =	vadd.f32 v10, v12;
	v2 =	vmul.f32 v2, v3;
	v0 =	vmul.f32 v0, v1;
	v12 =	vld [tilespmem:s24+$0x6390]  }
0x4e4: {  	[tilespmem:$0x1E750] =	vst v63;
	v63 =	vld [tilespmem:s24+$0xE300]  }
0x4e5: {  	v42 =	vmul.f32 v8, v9;
	v0 =	vadd.f32 v0, v2;
	v13 =	vld [tilespmem:s24+$0x63A0]  }
0x4e6: {  	v9 =	vld [tilespmem:s24+$0x63D0]  }
0x4e7: {  	v0 =	vadd.f32 v42, v0;
	v42 =	vld [tilespmem:s24+$0xE400]  }
0x4e8: {  	v24 =	vmul.f32 v21, v23;
	v21 =	vld [tilespmem:s24+$0xE450]  }
0x4e9: {  	[tilespmem:$0x1E760] =	vst v63;
	v63 =	vld [tilespmem:s24+$0x6310]  }
0x4ea: {  	v20 =	vmul.f32 v31, v33;
	v31 =	vld [tilespmem:s24+$0xE3C0]  }
0x4eb: {  	v33 =	vmul.f32 v55, v57;
	v55 =	vld [tilespmem:$0x1DA60]  }
0x4ec: {  	v57 =	vld [tilespmem:$0x1DA80]  }
0x4ed: {  	[tilespmem:$0x1E7D0] =	vst v54;
	v54 =	vmul.f32 v27, v28;
	v27 =	vmul.f32 v16, v18;
	v16 =	vld [tilespmem:s24+$0x6360]  }
0x4ee: {  	[tilespmem:$0x1E770] =	vst v63;
	v63 =	vld [tilespmem:s24+$0xE310]  }
0x4ef: {  	v28 =	vld [tilespmem:s24+$0x6370]  }
0x4f0: {  	v18 =	vld [tilespmem:s24+$0xE390]  }
0x4f1: {  	[tilespmem:$0x1E830] =	vst v45;
	v45 =	vmul.f32 v44, v47;
	v47 =	vmul.f32 v17, v19;
	v17 =	vld [tilespmem:s24+$0xE3A0]  }
0x4f2: {  	v19 =	vld [tilespmem:s24+$0xE3B0]  }
0x4f3: {  	[tilespmem:$0x1E780] =	vst v63;
	v63 =	vld [tilespmem:s24+$0x6330]  }
0x4f4: {  	[tilespmem:$0x1E890] =	vst v46;
	v46 =	vmul.f32 v32, v34;
	v32 =	vld [tilespmem:s24+$0x63E0]  }
0x4f5: {  	v34 =	vmul.f32 v37, v38;
	v38 =	vmul.f32 v43, v49;
	v43 =	vld [tilespmem:s24+$0x6410]  }
0x4f6: {  	v44 =	vld [tilespmem:s24+$0xE410]  }
0x4f7: {  	v49 =	vld [tilespmem:$0x1DA40]  }
0x4f8: {  	[tilespmem:$0x1E820] =	vst v63;
	v63 =	vld [tilespmem:s24+$0xE350]  }
0x4f9: {  	v35 =	vmul.f32 v35, v36;
	v36 =	vadd.f32 v27, v10;
	v10 =	vld [tilespmem:s24+$0x63B0]  }
0x4fa: {  	v27 =	vmul.f32 v29, v30;
	v29 =	vld [tilespmem:$0x1DA00]  }
0x4fb: {  	v30 =	vld [tilespmem:$0x1DA10]  }
0x4fc: {  	v11 =	vadd.f32 v54, v50;
	v50 =	vmul.f32 v25, v26;
	v26 =	vmul.f32 v39, v40;
	v39 =	vld [tilespmem:s24+$0x6400]  }
0x4fd: {  	[tilespmem:$0x1E8D0] =	vst v63;
	v63 =	vmul.f32 v14, v15;
	v14 =	vld [tilespmem:$0x1D9E0]  }
0x4fe: {  	v3 =	vadd.f32 v41, v36;
	v15 =	vld [tilespmem:$0x1D9F0]  }
0x4ff: {  	v6 =	vmul.f32 v6, v7;
	v0 =	vadd.f32 v47, v0;
	v47 =	vld [tilespmem:$0x1DA30]  }
0x500: {  	v4 =	vmul.f32 v4, v5;
	v54 =	vmul.f32 v48, v51;
	v48 =	vld [tilespmem:s24+$0xE420];
	v3 =	vadd.f32 v46, v3  }
0x501: {  	v51 =	vld [tilespmem:s24+$0x6430];
	v1 =	vadd.f32 v35, v11;
	v0 =	vadd.f32 v50, v0  }
0x502: {  	v4 =	vadd.f32 v4, v6;
	v25 =	vmul.f32 v58, v62;
	v62 =	vld [tilespmem:$0x1DA90];
	v3 =	vadd.f32 v54, v3  }
0x503: {  	[tilespmem:$0x1E920] =	vst v42;
	v35 =	vld [tilespmem:s24+$0xE3E0];
	v1 =	vadd.f32 v45, v1;
	v0 =	vadd.f32 v20, v0;
	v7 =	vmul.f32 v15, v14  }
0x504: {  	[tilespmem:$0x1EA50] =	vst v21;
	v41 =	vmul.f32 v53, v56;
	v53 =	vld [tilespmem:$0x1DA50];
	v6 =	vmul.f32 v30, v29;
	v3 =	vadd.f32 v25, v3  }
0x505: {  	v56 =	vld [tilespmem:$0x1DA70];
	[tilespmem:$0x1E9D0] =	vst v28;
	v0 =	vadd.f32 v26, v0;
	v1 =	vadd.f32 v7, v1  }
0x506: {  	v50 =	vmul.f32 v59, v60;
	v59 =	vld [tilespmem:s24+$0x6440];
	[tilespmem:$0x1E960] =	vst v32;
	v36 =	vadd.f32 v6, v3  }
0x507: {  	v11 =	vld [tilespmem:s24+$0x6450];
	[tilespmem:$0x1E930] =	vst v43;
	v0 =	vadd.f32 v33, v0;
	v4 =	vadd.f32 v63, v4;
	(xrf2) =	vadd.scan.msk.f32 $0xffff, v1  }
0x508: {  	v28 =	vld [tilespmem:s24+$0xE3D0];
	[tilespmem:$0x1E940] =	vst v44;
	(xrf2) =	vadd.scan.msk.f32 $0xffff, v36  }
0x509: {  	v2 =	vmul.f32 v61, v49;
	v61 =	vld [tilespmem:s24+$0xE440];
	[tilespmem:$0x1E910] =	vst v39;
	v4 =	vadd.f32 v24, v4;
	(xrf2) =	vadd.scan.msk.f32 $0xffff, v0  }
0x50a: {  	v45 =	vld [tilespmem:s24+$0x6420];
	[tilespmem:$0x1E990] =	vst v48  }
0x50b: {  	v46 =	vld [tilespmem:$0x1DA20];
	[tilespmem:$0x1E9E0] =	vst v51;
	v4 =	vadd.f32 v27, v4  }
0x50c: {  	v23 =	vld [tilespmem:$0x1DAB0];
	[tilespmem:$0x1E970] =	vst v35  }
0x50d: {  	v54 =	vld [tilespmem:s24+$0xE430];
	[tilespmem:$0x1EA10] =	vst v59;
	v37 =	vadd.f32 v34, v4  }
0x50e: {  	[tilespmem:$0x1EA40] =	vst v11;
	v27 =	vld [tilespmem:s24+$0x6460]  }
0x50f: {  	[tilespmem:$0x1E950] =	vst v28;
	v25 =	vld [tilespmem:s24+$0xE3F0];
	v40 =	vadd.f32 v38, v37  }
0x510: {  	[tilespmem:$0x1EA20] =	vst v61;
	v26 =	vld [tilespmem:$0x1DAC0]  }
0x511: {  	[tilespmem:$0x1E980] =	vst v45;
	v63 =	vld [tilespmem:$0x1DAA0];
	v0 =	vadd.f32 v41, v40;
	v58, _, _ =	vpop (xrf2)  }
0x512: {  	[tilespmem:$0x1E9F0] =	vst v54;
	v24 =	vld [tilespmem:s24+$0x63F0];
	v8, _, _ =	vpop (xrf2)  }
0x513: {  	v15 =	vld [tilespmem:s24+$0x63C0];
	[tilespmem:$0x1EA60] =	vst v27;
	(xrf2) =	vadd.scan.msk.f32 $0xffff, v0;
	v20, _, _ =	vpop (xrf2)  }
0x514: {  	v28 =	vld [tilespmem:$0x1DAD0]  }
0x515: {  	v29 =	vld [tilespmem:$0x1DAE0]  }
0x516: {  	v30 =	vld [tilespmem:$0x1DAF0]  }
0x517: {  	v32 =	vld [tilespmem:$0x1DB00]  }
0x518: {  	v33 =	vld [tilespmem:s24+$0xE460]  }
0x519: {  	v34 =	vld [tilespmem:$0x1DB10]  }
0x51a: {  	v35 =	vld [tilespmem:$0x1DB20]  }
0x51b: {  	v36 =	vld [tilespmem:s24+$0x6470]  }
0x51c: {  	v37 =	vld [tilespmem:$0x1DB30]  }
0x51d: {  	v38 =	vld [tilespmem:$0x1DB40]  }
0x51e: {  	v39 =	vld [tilespmem:$0x1DB50]  }
0x51f: {  	v40 =	vld [tilespmem:$0x1DB60]  }
0x520: {  	v42 =	vld [tilespmem:s24+$0xE470]  }
0x521: {  	v43 =	vld [tilespmem:$0x1DB70]  }
0x522: {  	v44 =	vld [tilespmem:$0x1DB80]  }
0x523: {  	v45 =	vld [tilespmem:s24+$0x6480]  }
0x524: {  	v0 =	vbroadcast v46, $0xF;
	v46 =	vld [tilespmem:$0x1DB90]  }
0x525: {  	v1 =	vbroadcast v47, $0xF;
	v47 =	vld [tilespmem:$0x1DBA0]  }
0x526: {  	v48 =	vld [tilespmem:$0x1DBB0]  }
0x527: {  	v49 =	vld [tilespmem:$0x1DBC0]  }
0x528: {  	v2 =	vadd.f32 v50, v2;
	v50 =	vld [tilespmem:s24+$0xE480]  }
0x529: {  	v54 =	vld [tilespmem:$0x1DBD0]  }
0x52a: {  	v3 =	vmul.f32 v56, v55;
	v55 =	vld [tilespmem:$0x1DBE0]  }
0x52b: {  	v0 =	vsel vm0, v0, v1;
	v1 =	vbroadcast v53, $0xF;
	v56 =	vld [tilespmem:s24+$0x6490]  }
0x52c: {  	v4 =	vbroadcast v57, $0xF;
	v57 =	vld [tilespmem:$0x1DBF0]  }
0x52d: {  	v0 =	vsel vm1, v0, v1;
	v60 =	vbroadcast v58, $0xF;
	v58 =	vld [tilespmem:$0x1DC00]  }
0x52e: {  	v0 =	vsel vm2, v0, v4;
	v59 =	vld [tilespmem:$0x1DC10]  }
0x52f: {  	v0 =	vsel vm3, v0, v60;
	v60 =	vld [tilespmem:$0x1DC20]  }
0x530: {  	v61 =	vld [tilespmem:$0x1DC30]  }
0x531: {  	v2 =	vadd.f32 v3, v2;
	v3 =	vmul.f32 v63, v62;
	v62 =	vld [tilespmem:$0x1DC40]  }
0x532: {  	v63 =	vld [tilespmem:s24+$0x64A0]  }
0x533: {  	v11 =	vld [tilespmem:$0x1DC50]  }
0x534: {  	v4 =	vbroadcast v20, $0xF;
	v20 =	vld [tilespmem:$0x1DC70]  }
0x535: {  	v21 =	vld [tilespmem:$0x1DC80]  }
0x536: {  	v27 =	vld [tilespmem:s24+$0xE4A0]  }
0x537: {  	v2 =	vadd.f32 v3, v2;
	v3 =	vmul.f32 v26, v23;
	v23 =	vld [tilespmem:$0x1DC90]  }
0x538: {  	v14 =	vbroadcast v8, $0xF;
	v26 =	vld [tilespmem:$0x1DCA0]  }
0x539: {  	v53 =	vld [tilespmem:$0x1DDC0]  }
0x53a: {  	v0 =	vsel vm4, v0, v14;
	v14 =	vld [tilespmem:$0x1DC60];
	v41, _, _ =	vpop (xrf2)  }
0x53b: {  	v6 =	vbroadcast v41, $0xF;
	v41 =	vld [tilespmem:$0x1DD40]  }
0x53c: {  	v1 =	vmul.f32 v29, v28;
	v28 =	vld [tilespmem:$0x1DCB0]  }
0x53d: {  	v29 =	vld [tilespmem:$0x1DCC0]  }
0x53e: {  	v5 =	vmul.f32 v32, v30;
	v30 =	vld [tilespmem:s24+$0x64B0]  }
0x53f: {  	v32 =	vld [tilespmem:$0x1DCD0]  }
0x540: {  	[tilespmem:$0x1EA70] =	vst v33;
	v33 =	vld [tilespmem:$0x1DCE0]  }
0x541: {  	v2 =	vadd.f32 v3, v2;
	v3 =	vmul.f32 v35, v34;
	v34 =	vld [tilespmem:$0x1DCF0]  }
0x542: {  	v35 =	vld [tilespmem:$0x1DD00]  }
0x543: {  	[tilespmem:$0x1EAA0] =	vst v36;
	v36 =	vld [tilespmem:$0x1DD10]  }
0x544: {  	v0 =	vsel vm5, v0, v4;
	v4 =	vmul.f32 v38, v37;
	v37 =	vld [tilespmem:$0x1DD20]  }
0x545: {  	v38 =	vld [tilespmem:s24+$0x64C0]  }
0x546: {  	[tilespmem:$0x1EAB0] =	vst v42;
	v42 =	vld [tilespmem:s24+$0xE4C0]  }
0x547: {  	[tilespmem:$0x1E9A0] =	vst v45;
	v45 =	vld [tilespmem:s24+$0x64D0]  }
0x548: {  	v7 =	vmul.f32 v47, v46;
	v46 =	vld [tilespmem:$0x1DD70]  }
0x549: {  	v47 =	vld [tilespmem:$0x1DD80]  }
0x54a: {  	[tilespmem:$0x1E9B0] =	vst v50;
	v50 =	vld [tilespmem:s24+$0xE4D0]  }
0x54b: {  	[tilespmem:$0x1E9C0] =	vst v56;
	v56 =	vld [tilespmem:$0x1DDE0]  }
0x54c: {  	[tilespmem:$0x1EA00] =	vst v63;
	v63 =	vld [tilespmem:$0x1DE30]  }
0x54d: {  	v0 =	vsel vm6, v0, v6;
	v6 =	vmul.f32 v21, v20;
	v20 =	vld [tilespmem:$0x1DE50]  }
0x54e: {  	v21 =	vld [tilespmem:$0x1DE60]  }
0x54f: {  	v1 =	vadd.f32 v5, v1;
	v5 =	vmul.f32 v40, v39;
	v40 =	vld [tilespmem:$0x1DD30]  }
0x550: {  	v2 =	vadd.f32 v3, v2;
	v3 =	vmul.f32 v44, v43;
	v43 =	vld [tilespmem:$0x1DD50]  }
0x551: {  	v44 =	vld [tilespmem:$0x1DD60]  }
0x552: {  	v51 =	vadd.f32 v3, v5;
	v3 =	vmul.f32 v55, v54;
	v54 =	vld [tilespmem:s24+$0xE490]  }
0x553: {  	v1 =	vadd.f32 v4, v1;
	v4 =	vmul.f32 v49, v48;
	v48 =	vld [tilespmem:$0x1DD90]  }
0x554: {  	v49 =	vld [tilespmem:$0x1DDA0]  }
0x555: {  	v55 =	vld [tilespmem:$0x1DDD0]  }
0x556: {  	v5 =	vmul.f32 v60, v59;
	v59 =	vld [tilespmem:$0x1DE00]  }
0x557: {  	v60 =	vld [tilespmem:s24+$0xE4E0]  }
0x558: {  	v2 =	vadd.f32 v7, v2;
	v7 =	vmul.f32 v26, v23;
	v23 =	vld [tilespmem:$0x1DE70]  }
0x559: {  	v26 =	vld [tilespmem:$0x1DE80]  }
0x55a: {  	[tilespmem:$0x1EA30] =	vst v30;
	v30 =	vld [tilespmem:$0x1DE90]  }
0x55b: {  	[tilespmem:$0x1EA80] =	vst v38;
	v38 =	vld [tilespmem:$0x1DEE0]  }
0x55c: {  	[tilespmem:$0x1EA90] =	vst v42;
	v42 =	vld [tilespmem:s24+$0x6510]  }
0x55d: {  	[tilespmem:$0x1EAC0] =	vst v45;
	v45 =	vld [tilespmem:$0x1DF30]  }
0x55e: {  	[tilespmem:$0x1EAD0] =	vst v50;
	v50 =	vld [tilespmem:$0x1DF70]  }
0x55f: {  	[tilespmem:$0x1ECD0] =	vst v0;
	v0 =	vadd.f32 v3, v51;
	v51 =	vld [tilespmem:$0x1DDB0]  }
0x560: {  	v1 =	vadd.f32 v4, v1;
	v4 =	vmul.f32 v58, v57;
	v57 =	vld [tilespmem:s24+$0x64E0]  }
0x561: {  	v58 =	vld [tilespmem:$0x1DDF0]  }
0x562: {  	v3 =	vmul.f32 v62, v61;
	v61 =	vld [tilespmem:$0x1DE10]  }
0x563: {  	v62 =	vld [tilespmem:$0x1DE20]  }
0x564: {  	v0 =	vadd.f32 v3, v0;
	v3 =	vmul.f32 v29, v28;
	v28 =	vld [tilespmem:s24+$0xE4B0]  }
0x565: {  	v1 =	vadd.f32 v4, v1;
	v4 =	vmul.f32 v14, v11;
	v11 =	vld [tilespmem:$0x1DE40]  }
0x566: {  	v14 =	vld [tilespmem:s24+$0x64F0]  }
0x567: {  	v29 =	vld [tilespmem:s24+$0xE4F0]  }
0x568: {  	[tilespmem:$0x1EB50] =	vst v60;
	v60 =	vld [tilespmem:$0x1DFD0]  }
0x569: {  	v1 =	vadd.f32 v5, v1;
	v5 =	vmul.f32 v33, v32;
	v32 =	vld [tilespmem:$0x1DEA0]  }
0x56a: {  	v33 =	vld [tilespmem:$0x1DEB0]  }
0x56b: {  	v4 =	vadd.f32 v6, v4;
	v6 =	vmul.f32 v35, v34;
	v34 =	vld [tilespmem:$0x1DEC0]  }
0x56c: {  	v35 =	vld [tilespmem:s24+$0x6500]  }
0x56d: {  	v0 =	vadd.f32 v3, v0;
	v3 =	vmul.f32 v37, v36;
	v37 =	vld [tilespmem:$0x1DED0]  }
0x56e: {  	[tilespmem:$0x1EB00] =	vst v42;
	v42 =	vld [tilespmem:$0x1E0C0]  }
0x56f: {  	[tilespmem:$0x1EB40] =	vst v57;
	v57 =	vld [tilespmem:$0x1DFB0]  }
0x570: {  	v39 =	vadd.f32 v5, v4;
	v4 =	vmul.f32 v41, v40;
	v40 =	vld [tilespmem:$0x1DEF0]  }
0x571: {  	v41 =	vld [tilespmem:$0x1DF00]  }
0x572: {  	v5 =	vmul.f32 v44, v43;
	v43 =	vld [tilespmem:$0x1DF10]  }
0x573: {  	v44 =	vld [tilespmem:$0x1DF20]  }
0x574: {  	v0 =	vadd.f32 v3, v0;
	v3 =	vmul.f32 v47, v46;
	v46 =	vld [tilespmem:$0x1DF40]  }
0x575: {  	v47 =	vld [tilespmem:s24+$0xE510]  }
0x576: {  	v1 =	vadd.f32 v6, v1;
	v6 =	vmul.f32 v26, v23;
	v23 =	vld [tilespmem:s24+$0xE530]  }
0x577: {  	v2 =	vadd.f32 v7, v2;
	[tilespmem:$0x1EB80] =	vst v14;
	v14 =	vld [tilespmem:$0x1E000]  }
0x578: {  	[tilespmem:$0x1EB90] =	vst v29;
	v29 =	vld [tilespmem:$0x1E030]  }
0x579: {  	[tilespmem:$0x1EBE0] =	vst v2;
	v2 =	vadd.f32 v4, v39;
	v39 =	vld [tilespmem:s24+$0xE500]  }
0x57a: {  	v4 =	vmul.f32 v49, v48;
	v48 =	vld [tilespmem:$0x1DF50]  }
0x57b: {  	v49 =	vld [tilespmem:$0x1DF60]  }
0x57c: {  	v1 =	vadd.f32 v5, v1;
	v5 =	vmul.f32 v56, v55;
	v55 =	vld [tilespmem:$0x1DF90]  }
0x57d: {  	v56 =	vld [tilespmem:$0x1DFA0]  }
0x57e: {  	v0 =	vadd.f32 v3, v0;
	v3 =	vmul.f32 v59, v58;
	v58 =	vld [tilespmem:$0x1DFC0]  }
0x57f: {  	v59 =	vld [tilespmem:s24+$0xE520]  }
0x580: {  	v7 =	vmul.f32 v32, v30;
	v30 =	vld [tilespmem:$0x1E040]  }
0x581: {  	v32 =	vld [tilespmem:s24+$0x6540]  }
0x582: {  	[tilespmem:$0x1EAE0] =	vst v35;
	v35 =	vld [tilespmem:s24+$0xE540]  }
0x583: {  	[tilespmem:$0x1EC30] =	vst v1;
	v1 =	vmul.f32 v53, v51;
	v51 =	vld [tilespmem:$0x1DF80]  }
0x584: {  	v53 =	vld [tilespmem:s24+$0x6520]  }
0x585: {  	v2 =	vadd.f32 v4, v2;
	v4 =	vmul.f32 v62, v61;
	v61 =	vld [tilespmem:$0x1DFE0]  }
0x586: {  	v62 =	vld [tilespmem:s24+$0x6530]  }
0x587: {  	[tilespmem:$0x1EB10] =	vst v47;
	v47 =	vld [tilespmem:$0x1E100]  }
0x588: {  	[tilespmem:$0x1EB70] =	vst v23;
	v23 =	vld [tilespmem:$0x1E1D0]  }
0x589: {  	v1 =	vadd.f32 v5, v1;
	v5 =	vmul.f32 v11, v63;
	v63 =	vld [tilespmem:$0x1DFF0]  }
0x58a: {  	v2 =	vadd.f32 v3, v2;
	v3 =	vmul.f32 v21, v20;
	v20 =	vld [tilespmem:$0x1E010]  }
0x58b: {  	v21 =	vld [tilespmem:$0x1E020]  }
0x58c: {  	v0 =	vadd.f32 v4, v0;
	v4 =	vmul.f32 v41, v40;
	v40 =	vld [tilespmem:s24+$0x6550]  }
0x58d: {  	v41 =	vld [tilespmem:$0x1E0B0]  }
0x58e: {  	v11 =	vld [tilespmem:$0x1E370]  }
0x58f: {  	[tilespmem:$0x1EAF0] =	vst v39;
	v39 =	vld [tilespmem:$0x1E0A0]  }
0x590: {  	[tilespmem:$0x1EB30] =	vst v59;
	v59 =	vld [tilespmem:$0x1E180]  }
0x591: {  	v1 =	vadd.f32 v5, v1;
	v5 =	vmul.f32 v34, v33;
	v33 =	vld [tilespmem:$0x1E050]  }
0x592: {  	v34 =	vld [tilespmem:$0x1E060]  }
0x593: {  	v36 =	vadd.f32 v6, v3;
	v3 =	vmul.f32 v38, v37;
	v37 =	vld [tilespmem:$0x1E080]  }
0x594: {  	v38 =	vld [tilespmem:$0x1E090]  }
0x595: {  	v2 =	vadd.f32 v7, v2;
	v7 =	vmul.f32 v56, v55;
	v55 =	vld [tilespmem:s24+$0xE560]  }
0x596: {  	v56 =	vld [tilespmem:$0x1E150]  }
0x597: {  	[tilespmem:$0x1EBA0] =	vst v32;
	v32 =	vld [tilespmem:$0x1E210]  }
0x598: {  	[tilespmem:$0x1EBB0] =	vst v35;
	v35 =	vld [tilespmem:$0x1E240]  }
0x599: {  	v6 =	vmul.f32 v51, v50;
	v50 =	vld [tilespmem:$0x1E120]  }
0x59a: {  	v51 =	vld [tilespmem:$0x1E130]  }
0x59b: {  	[tilespmem:$0x1EB20] =	vst v53;
	v53 =	vld [tilespmem:$0x1E140]  }
0x59c: {  	[tilespmem:$0x1EB60] =	vst v62;
	v62 =	vld [tilespmem:$0x1E1A0]  }
0x59d: {  	[tilespmem:$0x1EC40] =	vst v0;
	v0 =	vadd.f32 v3, v36;
	v36 =	vld [tilespmem:$0x1E070]  }
0x59e: {  	v1 =	vadd.f32 v5, v1;
	v5 =	vmul.f32 v44, v43;
	v43 =	vld [tilespmem:$0x1E0D0]  }
0x59f: {  	v44 =	vld [tilespmem:$0x1E0E0]  }
0x5a0: {  	v3 =	vmul.f32 v46, v45;
	v45 =	vld [tilespmem:s24+$0xE550]  }
0x5a1: {  	v46 =	vld [tilespmem:$0x1E0F0]  }
0x5a2: {  	[tilespmem:$0x1EBC0] =	vst v40;
	v40 =	vld [tilespmem:$0x1E290]  }
0x5a3: {  	v1 =	vadd.f32 v4, v1;
	v4 =	vmul.f32 v49, v48;
	v48 =	vld [tilespmem:s24+$0x6560]  }
0x5a4: {  	v49 =	vld [tilespmem:$0x1E110]  }
0x5a5: {  	v0 =	vadd.f32 v3, v0;
	v3 =	vmul.f32 v58, v57;
	v57 =	vld [tilespmem:$0x1E160]  }
0x5a6: {  	v58 =	vld [tilespmem:$0x1E170]  }
0x5a7: {  	[tilespmem:$0x1EC00] =	vst v55;
	v55 =	vld [tilespmem:s24+$0x6580]  }
0x5a8: {  	v1 =	vadd.f32 v5, v1;
	v5 =	vmul.f32 v61, v60;
	v60 =	vld [tilespmem:s24+$0x6570]  }
0x5a9: {  	v61 =	vld [tilespmem:$0x1E190]  }
0x5aa: {  	v4 =	vadd.f32 v6, v4;
	v6 =	vmul.f32 v14, v63;
	v63 =	vld [tilespmem:$0x1E1B0]  }
0x5ab: {  	v14 =	vld [tilespmem:$0x1E1C0]  }
0x5ac: {  	v0 =	vadd.f32 v3, v0;
	v3 =	vmul.f32 v21, v20;
	v20 =	vld [tilespmem:s24+$0xE570]  }
0x5ad: {  	[tilespmem:$0x1EBD0] =	vst v45;
	v45 =	vld [tilespmem:$0x1E2E0]  }
0x5ae: {  	v26 =	vadd.f32 v5, v4;
	v4 =	vmul.f32 v30, v29;
	v29 =	vld [tilespmem:$0x1E1F0]  }
0x5af: {  	v30 =	vld [tilespmem:$0x1E200]  }
0x5b0: {  	v5 =	vmul.f32 v34, v33;
	v33 =	vld [tilespmem:$0x1E220]  }
0x5b1: {  	v34 =	vld [tilespmem:$0x1E230]  }
0x5b2: {  	v0 =	vadd.f32 v3, v0;
	v3 =	vmul.f32 v37, v36;
	v36 =	vld [tilespmem:$0x1E250]  }
0x5b3: {  	v37 =	vld [tilespmem:$0x1E260]  }
0x5b4: {  	v1 =	vadd.f32 v6, v1;
	v6 =	vmul.f32 v59, v58;
	v58 =	vld [tilespmem:s24+$0xE580]  }
0x5b5: {  	v2 =	vadd.f32 v7, v2;
	[tilespmem:$0x1EBF0] =	vst v48;
	v48 =	vld [tilespmem:s24+$0xE590]  }
0x5b6: {  	v59 =	vld [tilespmem:$0x1E350]  }
0x5b7: {  	[tilespmem:$0x1EC50] =	vst v2;
	v2 =	vadd.f32 v4, v26;
	v26 =	vld [tilespmem:$0x1E1E0]  }
0x5b8: {  	v4 =	vmul.f32 v39, v38;
	v38 =	vld [tilespmem:$0x1E270]  }
0x5b9: {  	v39 =	vld [tilespmem:$0x1E280]  }
0x5ba: {  	v1 =	vadd.f32 v5, v1;
	v5 =	vmul.f32 v44, v43;
	v43 =	vld [tilespmem:$0x1E2C0]  }
0x5bb: {  	v44 =	vld [tilespmem:$0x1E2D0]  }
0x5bc: {  	v0 =	vadd.f32 v3, v0;
	v3 =	vmul.f32 v47, v46;
	v46 =	vld [tilespmem:$0x1E2F0]  }
0x5bd: {  	v47 =	vld [tilespmem:$0x1E300]  }
0x5be: {  	[tilespmem:$0x1EC10] =	vst v60;
	v60 =	vld [tilespmem:s24+$0x6590]  }
0x5bf: {  	v7 =	vmul.f32 v62, v61;
	v61 =	vld [tilespmem:s24+$0x65A0]  }
0x5c0: {  	v62 =	vld [tilespmem:s24+$0x65B0]  }
0x5c1: {  	[tilespmem:$0x1EC20] =	vst v20;
	v20 =	vld [tilespmem:$0x1E390]  }
0x5c2: {  	[tilespmem:$0x1EC60] =	vst v1;
	v1 =	vmul.f32 v42, v41;
	v41 =	vld [tilespmem:$0x1E2A0]  }
0x5c3: {  	v42 =	vld [tilespmem:$0x1E2B0]  }
0x5c4: {  	v2 =	vadd.f32 v4, v2;
	v4 =	vmul.f32 v50, v49;
	v49 =	vld [tilespmem:s24+$0xE5A0]  }
0x5c5: {  	v50 =	vld [tilespmem:$0x1E310]  }
0x5c6: {  	v1 =	vadd.f32 v5, v1;
	v5 =	vmul.f32 v53, v51;
	v51 =	vld [tilespmem:$0x1E320]  }
0x5c7: {  	v2 =	vadd.f32 v3, v2;
	v3 =	vmul.f32 v57, v56;
	v56 =	vld [tilespmem:$0x1E330]  }
0x5c8: {  	v57 =	vld [tilespmem:$0x1E340]  }
0x5c9: {  	v0 =	vadd.f32 v4, v0;
	v4 =	vmul.f32 v30, v29;
	v29 =	vld [tilespmem:$0x1E3D0]  }
0x5ca: {  	v30 =	vld [tilespmem:$0x1E3E0]  }
0x5cb: {  	v1 =	vadd.f32 v5, v1;
	v5 =	vmul.f32 v14, v63;
	v63 =	vld [tilespmem:$0x1E360]  }
0x5cc: {  	v14 =	vld [tilespmem:$0x1E380]  }
0x5cd: {  	v21 =	vadd.f32 v6, v3;
	v3 =	vmul.f32 v26, v23;
	v23 =	vld [tilespmem:$0x1E3B0]  }
0x5ce: {  	v26 =	vld [tilespmem:$0x1E3C0]  }
0x5cf: {  	v6 =	vmul.f32 v39, v38;
	v38 =	vld [tilespmem:$0x1E450]  }
0x5d0: {  	v39 =	vld [tilespmem:$0x1E460]  }
0x5d1: {  	v48 =	vmul.f32 v48, v60;
	v60 =	vld [tilespmem:$0x1EB20]  }
0x5d2: {  	v2 =	vadd.f32 v7, v2;
	v7 =	vmul.f32 v41, v40;
	v40 =	vld [tilespmem:$0x1E470]  }
0x5d3: {  	v41 =	vld [tilespmem:$0x1E480]  }
0x5d4: {  	[tilespmem:$0x1EC90] =	vst v0;
	v0 =	vadd.f32 v3, v21;
	v21 =	vld [tilespmem:$0x1E3A0]  }
0x5d5: {  	v1 =	vadd.f32 v5, v1;
	v5 =	vmul.f32 v33, v32;
	v32 =	vld [tilespmem:$0x1E3F0]  }
0x5d6: {  	v33 =	vld [tilespmem:$0x1E400]  }
0x5d7: {  	v3 =	vmul.f32 v35, v34;
	v34 =	vld [tilespmem:$0x1E410]  }
0x5d8: {  	v35 =	vld [tilespmem:$0x1E420]  }
0x5d9: {  	v1 =	vadd.f32 v4, v1;
	v4 =	vmul.f32 v37, v36;
	v36 =	vld [tilespmem:$0x1E430]  }
0x5da: {  	v37 =	vld [tilespmem:$0x1E440]  }
0x5db: {  	v0 =	vadd.f32 v3, v0;
	v3 =	vmul.f32 v43, v42;
	v42 =	vld [tilespmem:$0x1E490]  }
0x5dc: {  	v43 =	vld [tilespmem:$0x1E4A0]  }
0x5dd: {  	v0 =	vadd.f32 v3, v0;
	v3 =	vmul.f32 v51, v50;
	v50 =	vld [tilespmem:s24+$0xE5B0]  }
0x5de: {  	v1 =	vadd.f32 v5, v1;
	v5 =	vmul.f32 v45, v44;
	v45 =	vld [tilespmem:s24+$0xE5C0]  }
0x5df: {  	v4 =	vadd.f32 v6, v4;
	v6 =	vmul.f32 v47, v46;
	v46 =	vld [tilespmem:s24+$0xE5D0]  }
0x5e0: {  	v51 =	vld [tilespmem:s24+$0xE5E0]  }
0x5e1: {  	v44 =	vld [tilespmem:$0x1E4B0]  }
0x5e2: {  	v47 =	vld [tilespmem:$0x1E4C0]  }
0x5e3: {  	v53 =	vadd.f32 v5, v4;
	v5 =	vmul.f32 v63, v59;
	v63 =	vld [tilespmem:s24+$0x65C0]  }
0x5e4: {  	v4 =	vmul.f32 v57, v56;
	v57 =	vld [tilespmem:s24+$0x65E0]  }
0x5e5: {  	v56 =	vld [tilespmem:s24+$0x65F0]  }
0x5e6: {  	v0 =	vadd.f32 v3, v0;
	v3 =	vmul.f32 v14, v11;
	v11 =	vld [tilespmem:$0x1E4D0]  }
0x5e7: {  	v14 =	vld [tilespmem:$0x1E4E0]  }
0x5e8: {  	v1 =	vadd.f32 v6, v1;
	v6 =	vmul.f32 v41, v40;
	v40 =	vld [tilespmem:$0x1E5B0]  }
0x5e9: {  	v41 =	vld [tilespmem:$0x1E5C0]  }
0x5ea: {  	v2 =	vadd.f32 v7, v2;
	v7 =	vmul.f32 v43, v42;
	v42 =	vld [tilespmem:s24+$0x6600]  }
0x5eb: {  	v43 =	vld [tilespmem:$0x1E5D0]  }
0x5ec: {  	[tilespmem:$0x1ECA0] =	vst v2;
	v2 =	vadd.f32 v4, v53;
	v53 =	vld [tilespmem:s24+$0x65D0]  }
0x5ed: {  	v4 =	vmul.f32 v21, v20;
	v20 =	vld [tilespmem:s24+$0xE5F0]  }
0x5ee: {  	v21 =	vld [tilespmem:$0x1E4F0]  }
0x5ef: {  	v1 =	vadd.f32 v5, v1;
	v5 =	vmul.f32 v30, v29;
	v29 =	vld [tilespmem:$0x1E520]  }
0x5f0: {  	v30 =	vld [tilespmem:$0x1E530]  }
0x5f1: {  	v0 =	vadd.f32 v3, v0;
	v3 =	vmul.f32 v33, v32;
	v32 =	vld [tilespmem:$0x1E540]  }
0x5f2: {  	v33 =	vld [tilespmem:$0x1E550]  }
0x5f3: {  	[tilespmem:$0x1ECB0] =	vst v1;
	v1 =	vmul.f32 v26, v23;
	v23 =	vld [tilespmem:$0x1E500]  }
0x5f4: {  	v26 =	vld [tilespmem:$0x1E510]  }
0x5f5: {  	v2 =	vadd.f32 v4, v2;
	v4 =	vmul.f32 v35, v34;
	v34 =	vld [tilespmem:$0x1E560]  }
0x5f6: {  	v35 =	vld [tilespmem:$0x1E570]  }
0x5f7: {  	v1 =	vadd.f32 v5, v1;
	v5 =	vmul.f32 v37, v36;
	v37 =	vld [tilespmem:s24+$0xE600]  }
0x5f8: {  	v36 =	vld [tilespmem:$0x1E580]  }
0x5f9: {  	v2 =	vadd.f32 v3, v2;
	v3 =	vmul.f32 v39, v38;
	v38 =	vld [tilespmem:$0x1E590]  }
0x5fa: {  	v39 =	vld [tilespmem:$0x1E5A0]  }
0x5fb: {  	[tilespmem:$0x1EC80] =	vst v20;
	v20 =	vld [tilespmem:$0x1E610]  }
0x5fc: {  	v1 =	vadd.f32 v5, v1;
	v5 =	vmul.f32 v47, v44;
	v44 =	vld [tilespmem:$0x1E5E0]  }
0x5fd: {  	v59 =	vadd.f32 v6, v3;
	v3 =	vmul.f32 v14, v11;
	v11 =	vld [tilespmem:$0x1E600]  }
0x5fe: {  	v6 =	vmul.f32 v34, v33;
	v34 =	vld [tilespmem:s24+$0x6610]  }
0x5ff: {  	v33 =	vld [tilespmem:s24+$0x6620]  }
0x600: {  	v0 =	vadd.f32 v4, v0;
	v4 =	vmul.f32 v23, v21;
	v21 =	vld [tilespmem:$0x1E620]  }
0x601: {  	v1 =	vadd.f32 v5, v1;
	v5 =	vmul.f32 v29, v26;
	v29 =	vld [tilespmem:s24+$0xE610]  }
0x602: {  	[tilespmem:$0x1ECC0] =	vst v0;
	v0 =	vadd.f32 v3, v59;
	v59 =	vld [tilespmem:$0x1E5F0]  }
0x603: {  	v26 =	vld [tilespmem:s24+$0xE620]  }
0x604: {  	v3 =	vmul.f32 v32, v30;
	v30 =	vld [tilespmem:s24+$0xE630]  }
0x605: {  	v32 =	vld [tilespmem:s24+$0xE640]  }
0x606: {  	v2 =	vadd.f32 v7, v2;
	v7 =	vmul.f32 v36, v35;
	v36 =	vld [tilespmem:$0x1E630]  }
0x607: {  	v8 =	vmul.f32 v39, v38;
	v38 =	vld [tilespmem:$0x1E640]  }
0x608: {  	v35 =	vld [tilespmem:s24+$0x6630]  }
0x609: {  	v45 =	vmul.f32 v45, v63;
	v63 =	vmul.f32 v37, v42;
	v42 =	vld [tilespmem:s24+$0x6760]  }
0x60a: {  	v37 =	vmul.f32 v46, v53;
	v53 =	vld [tilespmem:$0x1EC10]  }
0x60b: {  	v46 =	vld [tilespmem:s24+$0xE790]  }
0x60c: {  	v0 =	vadd.f32 v3, v0;
	v3 =	vmul.f32 v41, v40;
	v40 =	vld [tilespmem:$0x1E650]  }
0x60d: {  	v41 =	vld [tilespmem:$0x1E660]  }
0x60e: {  	v1 =	vadd.f32 v4, v1;
	v4 =	vld [tilespmem:$0x1E800]  }
0x60f: {  	v47 =	vmul.f32 v44, v43;
	v44 =	vld [tilespmem:$0x1E670]  }
0x610: {  	[tilespmem:$0x1EC70] =	vst v56;
	v56 =	vadd.f32 v8, v2;
	v8 =	vld [tilespmem:$0x1E6F0]  }
0x611: {  	v6 =	vadd.f32 v7, v6;
	v0 =	vadd.f32 v3, v0;
	v3 =	vmul.f32 v21, v20;
	v21 =	vld [tilespmem:$0x1E710]  }
0x612: {  	v1 =	vadd.f32 v5, v1;
	v5 =	vld [tilespmem:$0x1E810]  }
0x613: {  	v23 =	vadd.f32 v47, v6;
	v47 =	vld [tilespmem:$0x1E680]  }
0x614: {  	v14 =	vmul.f32 v11, v59;
	v59 =	vld [tilespmem:$0x1E690]  }
0x615: {  	v11 =	vld [tilespmem:$0x1E6A0]  }
0x616: {  	v29 =	vmul.f32 v29, v34;
	v34 =	vld [tilespmem:s24+$0xE750]  }
0x617: {  	v39 =	vmul.f32 v38, v36;
	v36 =	vld [tilespmem:$0x1E730]  }
0x618: {  	v38 =	vld [tilespmem:$0x1E740]  }
0x619: {  	v43 =	vmul.f32 v41, v40;
	v40 =	vld [tilespmem:$0x1E6B0]  }
0x61a: {  	v1 =	vadd.f32 v14, v1;
	v41 =	vld [tilespmem:$0x1E6C0]  }
0x61b: {  	v2 =	vadd.f32 v39, v23;
	v23 =	vld [tilespmem:$0x1E720]  }
0x61c: {  	v14 =	vmul.f32 v11, v59;
	v59 =	vadd.f32 v43, v1;
	v43 =	vld [tilespmem:$0x1E6D0]  }
0x61d: {  	v0 =	vadd.f32 v3, v0;
	v3 =	vmul.f32 v47, v44;
	v44 =	vld [tilespmem:$0x1E6E0]  }
0x61e: {  	v11 =	vld [tilespmem:$0x1E7A0]  }
0x61f: {  	v2 =	vadd.f32 v14, v2;
	v14 =	vld [tilespmem:$0x1E700]  }
0x620: {  	v1 =	vmul.f32 v41, v40;
	v41 =	vld [tilespmem:$0x1E750]  }
0x621: {  	v6 =	vmul.f32 v23, v21;
	v21 =	vld [tilespmem:$0x1E7C0]  }
0x622: {  	v47 =	vmul.f32 v44, v43;
	v43 =	vld [tilespmem:$0x1E760]  }
0x623: {  	v20 =	vadd.f32 v3, v0;
	v44 =	vld [tilespmem:$0x1E770]  }
0x624: {  	v3 =	vmul.f32 v14, v8;
	v1 =	vadd.f32 v47, v1;
	v14 =	vmul.f32 v38, v36;
	v47 =	vld [tilespmem:$0x1E780]  }
0x625: {  	v8 =	vld [tilespmem:$0x1E790]  }
0x626: {  	v1 =	vadd.f32 v14, v1;
	v14 =	vld [tilespmem:$0x1E7B0]  }
0x627: {  	v39 =	vld [tilespmem:s24+$0x6640]  }
0x628: {  	v40 =	vld [tilespmem:s24+$0x6650]  }
0x629: {  	v36 =	vld [tilespmem:s24+$0xE650];
	v2 =	vadd.f32 v3, v2;
	v3 =	vmul.f32 v43, v41  }
0x62a: {  	v23 =	vmul.f32 v47, v44;
	v0 =	vmul.f32 v11, v8;
	v11 =	vld [tilespmem:$0x1E7D0]  }
0x62b: {  	v38 =	vmul.f32 v21, v14;
	v21 =	vld [tilespmem:$0x1E7E0]  }
0x62c: {  	v3 =	vadd.f32 v23, v3;
	v23 =	vld [tilespmem:$0x1E7F0]  }
0x62d: {  	v43 =	vld [tilespmem:s24+$0x6660]  }
0x62e: {  	v8 =	vld [tilespmem:$0x1E820]  }
0x62f: {  	v44 =	vadd.f32 v6, v20;
	v14 =	vld [tilespmem:$0x1E840];
	v20 =	vmul.f32 v11, v52  }
0x630: {  	v11 =	vld [tilespmem:$0x1E830]  }
0x631: {  	v1 =	vadd.f32 v38, v1;
	v38 =	vmul.f32 v23, v21;
	v3 =	vadd.f32 v20, v3;
	v20 =	vld [tilespmem:$0x1E850]  }
0x632: {  	v23 =	vld [tilespmem:$0x1E860]  }
0x633: {  	v7 =	vadd.f32 v0, v2;
	v2 =	vadd.f32 v38, v1;
	v38 =	vld [tilespmem:$0x1E870]  }
0x634: {  	v4 =	vmul.f32 v5, v4;
	v1 =	vmul.f32 v18, v12;
	v12 =	vld [tilespmem:$0x1E890]  }
0x635: {  	v0 =	vmul.f32 v11, v8;
	v11 =	vld [tilespmem:$0x1E880]  }
0x636: {  	v6 =	vadd.f32 v4, v2;
	v4 =	vmul.f32 v17, v13;
	v17 =	vld [tilespmem:$0x1E8A0]  }
0x637: {  	v14 =	vmul.f32 v20, v14;
	v20 =	vld [tilespmem:$0x1E8B0]  }
0x638: {  	v5 =	vmul.f32 v38, v23;
	v23 =	vld [tilespmem:$0x1E8C0]  }
0x639: {  	v38 =	vld [tilespmem:$0x1E8D0]  }
0x63a: {  	v41 =	vld [tilespmem:s24+$0xE660]  }
0x63b: {  	v47 =	vld [tilespmem:s24+$0xE670]  }
0x63c: {  	v8 =	vld [tilespmem:$0x1E900];
	v0 =	vadd.f32 v0, v3;
	v3 =	vmul.f32 v12, v11  }
0x63d: {  	v2 =	vmul.f32 v20, v17;
	v20 =	vld [tilespmem:$0x1E8E0]  }
0x63e: {  	v0 =	vadd.f32 v3, v0;
	v3 =	vmul.f32 v38, v23;
	v23 =	vld [tilespmem:$0x1E8F0]  }
0x63f: {  	v52 =	vld [tilespmem:s24+$0x6670]  }
0x640: {  	v13 =	vmul.f32 v19, v10;
	v10 =	vmul.f32 v31, v15;
	v15 =	vld [tilespmem:$0x1E910];
	v1 =	vadd.f32 v1, v14  }
0x641: {  	v38 =	vadd.f32 v5, v7;
	v5 =	vadd.f32 v3, v0;
	v3 =	vmul.f32 v8, v16;
	v8 =	vld [tilespmem:$0x1E950]  }
0x642: {  	v1 =	vadd.f32 v4, v1;
	v16 =	vld [tilespmem:$0x1E920]  }
0x643: {  	v2 =	vadd.f32 v2, v6;
	v6 =	vmul.f32 v23, v20;
	v20 =	vld [tilespmem:$0x1E930]  }
0x644: {  	v1 =	vadd.f32 v13, v1;
	v23 =	vld [tilespmem:$0x1E940]  }
0x645: {  	v21 =	vld [tilespmem:s24+$0x6680]  }
0x646: {  	v1 =	vadd.f32 v10, v1;
	v10 =	vmul.f32 v8, v9;
	v8 =	vld [tilespmem:$0x1E980]  }
0x647: {  	v9 =	vld [tilespmem:$0x1E990]  }
0x648: {  	v31 =	vadd.f32 v6, v2;
	v2 =	vmul.f32 v16, v15;
	v15 =	vld [tilespmem:$0x1E960]  }
0x649: {  	v0 =	vmul.f32 v23, v20;
	v23 =	vld [tilespmem:$0x1E970]  }
0x64a: {  	v18 =	vld [tilespmem:s24+$0xE680]  }
0x64b: {  	v1 =	vadd.f32 v10, v1;
	v10 =	vld [tilespmem:$0x1E9A0]  }
0x64c: {  	v0 =	vadd.f32 v0, v2;
	v2 =	vmul.f32 v9, v8;
	v8 =	vld [tilespmem:$0x1E9C0]  }
0x64d: {  	v9 =	vld [tilespmem:$0x1E9D0]  }
0x64e: {  	v6 =	vadd.f32 v3, v5;
	v3 =	vmul.f32 v23, v15;
	v23 =	vld [tilespmem:$0x1E9B0]  }
0x64f: {  	v7 =	vld [tilespmem:$0x1EA00]  }
0x650: {  	v19 =	vld [tilespmem:s24+$0x66B0]  }
0x651: {  	v14 =	vld [tilespmem:s24+$0xE690]  }
0x652: {  	v5 =	vmul.f32 v22, v9;
	v22 =	vld [tilespmem:$0x1E9E0]  }
0x653: {  	v54 =	vmul.f32 v54, v8;
	v4 =	vmul.f32 v23, v10;
	v23 =	vld [tilespmem:$0x1E9F0]  }
0x654: {  	v8 =	vmul.f32 v27, v7;
	v27 =	vmul.f32 v25, v24;
	v24 =	vld [tilespmem:$0x1EA10]  }
0x655: {  	v25 =	vld [tilespmem:$0x1EA20]  }
0x656: {  	v4 =	vadd.f32 v54, v4;
	v54 =	vld [tilespmem:$0x1EA30]  }
0x657: {  	v12 =	vld [tilespmem:s24+$0x6690]  }
0x658: {  	v2 =	vadd.f32 v2, v0;
	v7 =	vld [tilespmem:$0x1EA50];
	v0 =	vmul.f32 v23, v22  }
0x659: {  	v3 =	vadd.f32 v3, v1;
	v4 =	vadd.f32 v8, v4;
	v8 =	vld [tilespmem:$0x1EA60]  }
0x65a: {  	v9 =	vadd.f32 v0, v2;
	v0 =	vmul.f32 v25, v24;
	v24 =	vadd.f32 v5, v6;
	v5 =	vld [tilespmem:$0x1EA40]  }
0x65b: {  	v6 =	vmul.f32 v28, v54;
	v54 =	vadd.f32 v27, v3;
	v27 =	vld [tilespmem:$0x1EA70]  }
0x65c: {  	v11 =	vld [tilespmem:s24+$0xE6A0]  }
0x65d: {  	v17 =	vld [tilespmem:s24+$0x66A0]  }
0x65e: {  	v13 =	vld [tilespmem:s24+$0xE6B0]  }
0x65f: {  	v1 =	vmul.f32 v7, v5;
	v7 =	vld [tilespmem:$0x1EA80]  }
0x660: {  	v27 =	vmul.f32 v27, v8;
	v8 =	vld [tilespmem:$0x1EA90]  }
0x661: {  	v12 =	vmul.f32 v14, v12;
	v14 =	vld [tilespmem:s24+$0x6780]  }
0x662: {  	v11 =	vmul.f32 v11, v17;
	v17 =	vld [tilespmem:s24+$0x6790]  }
0x663: {  	v16 =	vld [tilespmem:s24+$0xE6C0]  }
0x664: {  	v5 =	vld [tilespmem:$0x1EAA0]  }
0x665: {  	v4 =	vadd.f32 v6, v4;
	v6 =	vmul.f32 v8, v7;
	v7 =	vld [tilespmem:$0x1EAB0]  }
0x666: {  	v20 =	vld [tilespmem:s24+$0x66C0]  }
0x667: {  	v15 =	vld [tilespmem:s24+$0x66D0]  }
0x668: {  	v10 =	vld [tilespmem:s24+$0xE6D0]  }
0x669: {  	v23 =	vld [tilespmem:s24+$0x66E0];
	v0 =	vadd.f32 v0, v9  }
0x66a: {  	v3 =	vmul.f32 v7, v5;
	v5 =	vld [tilespmem:$0x1EAC0]  }
0x66b: {  	v1 =	vadd.f32 v1, v0;
	v7 =	vld [tilespmem:$0x1EAD0]  }
0x66c: {  	v22 =	vld [tilespmem:s24+$0xE6E0]  }
0x66d: {  	v1 =	vadd.f32 v27, v1;
	v27 =	vmul.f32 v58, v55;
	v58 =	vld [tilespmem:$0x1EB30]  }
0x66e: {  	v25 =	vld [tilespmem:s24+$0x66F0]  }
0x66f: {  	v0 =	vld [tilespmem:$0x1EAE0]  }
0x670: {  	v4 =	vadd.f32 v6, v4;
	v2 =	vmul.f32 v7, v5;
	v5 =	vld [tilespmem:$0x1EAF0]  }
0x671: {  	v28 =	vld [tilespmem:s24+$0xE6F0]  }
0x672: {  	v2 =	vadd.f32 v2, v4;
	v4 =	vmul.f32 v58, v60;
	v58 =	vld [tilespmem:$0x1EB40]  }
0x673: {  	v60 =	vld [tilespmem:$0x1EB50]  }
0x674: {  	v9 =	vld [tilespmem:s24+$0x6700]  }
0x675: {  	v6 =	vmul.f32 v5, v0;
	v0 =	vld [tilespmem:$0x1EB00]  }
0x676: {  	v5 =	vld [tilespmem:$0x1EB10]  }
0x677: {  	v27 =	vadd.f32 v48, v27;
	v48 =	vmul.f32 v49, v61;
	v61 =	vld [tilespmem:$0x1EB70]  }
0x678: {  	v58 =	vmul.f32 v60, v58;
	v60 =	vld [tilespmem:$0x1EB60]  }
0x679: {  	v55 =	vld [tilespmem:s24+$0x6720]  }
0x67a: {  	v8 =	vld [tilespmem:s24+$0xE700]  }
0x67b: {  	v49 =	vld [tilespmem:s24+$0x6730];
	v0 =	vmul.f32 v5, v0  }
0x67c: {  	v2 =	vadd.f32 v58, v2;
	v58 =	vld [tilespmem:$0x1EB80]  }
0x67d: {  	v1 =	vadd.f32 v3, v1;
	v0 =	vadd.f32 v0, v6;
	v3 =	vmul.f32 v61, v60;
	v60 =	vld [tilespmem:$0x1EB90]  }
0x67e: {  	v27 =	vadd.f32 v48, v27;
	v48 =	vmul.f32 v50, v62;
	v50 =	vld [tilespmem:s24+$0x6740]  }
0x67f: {  	v62 =	vld [tilespmem:$0x1EBD0];
	v0 =	vadd.f32 v4, v0  }
0x680: {  	v27 =	vadd.f32 v48, v27;
	v48 =	vld [tilespmem:s24+$0x6750]  }
0x681: {  	v0 =	vadd.f32 v3, v0;
	v3 =	vld [tilespmem:$0x1EBA0]  }
0x682: {  	v27 =	vadd.f32 v45, v27;
	v58 =	vmul.f32 v60, v58;
	v60 =	vld [tilespmem:$0x1EBB0]  }
0x683: {  	v61 =	vld [tilespmem:$0x1EBC0]  }
0x684: {  	v27 =	vadd.f32 v37, v27;
	v37 =	vld [tilespmem:s24+$0x6770]  }
0x685: {  	v7 =	vld [tilespmem:s24+$0x6710]  }
0x686: {  	v5 =	vld [tilespmem:s24+$0xE710]  }
0x687: {  	v6 =	vld [tilespmem:s24+$0xE720];
	v3 =	vmul.f32 v60, v3  }
0x688: {  	v61 =	vmul.f32 v62, v61;
	v62 =	vld [tilespmem:$0x1EBF0]  }
0x689: {  	v2 =	vadd.f32 v58, v2;
	v58 =	vld [tilespmem:$0x1EC20];
	v0 =	vadd.f32 v3, v0  }
0x68a: {  	v3 =	vadd.f32 v29, v63;
	v63 =	vld [tilespmem:$0x1EC00]  }
0x68b: {  	v0 =	vadd.f32 v61, v0;
	v61 =	vld [tilespmem:$0x1EBE0]  }
0x68c: {  	v4 =	vld [tilespmem:s24+$0xE730]  }
0x68d: {  	v60 =	vld [tilespmem:s24+$0xE740]  }
0x68e: {  	v45 =	vmul.f32 v58, v53;
	v53 =	vld [tilespmem:$0x1EC50]  }
0x68f: {  	v26 =	vmul.f32 v26, v33;
	v58 =	vmul.f32 v32, v39;
	v39 =	vld [tilespmem:$0x1EC90]  }
0x690: {  	v33 =	vmul.f32 v63, v62;
	v62 =	vmul.f32 v51, v57;
	(xrf2) =	vadd.scan.msk.f32 $0xffff, v61;
	v61 =	vld [tilespmem:$0x1EC30]  }
0x691: {  	v51 =	vld [tilespmem:$0x1EC40]  }
0x692: {  	v3 =	vadd.f32 v26, v3;
	v63 =	vmul.f32 v30, v35;
	v57 =	vadd.f32 v62, v27;
	v27 =	vld [tilespmem:s24+$0xE780]  }
0x693: {  	v62 =	vld [tilespmem:$0x1EC70]  }
0x694: {  	v3 =	vadd.f32 v63, v3;
	v63 =	vld [tilespmem:$0x1EC80]  }
0x695: {  	(xrf2) =	vadd.scan.msk.f32 $0xffff, v61;
	v61 =	vld [tilespmem:$0x1EC60]  }
0x696: {  	v0 =	vadd.f32 v33, v0;
	v33 =	vld [tilespmem:s24+$0xE7B0]  }
0x697: {  	(xrf2) =	vadd.scan.msk.f32 $0xffff, v51;
	v51 =	vld [tilespmem:$0x1ECA0]  }
0x698: {  	v3 =	vadd.f32 v58, v3;
	v58 =	vld [tilespmem:$0x1ECB0]  }
0x699: {  	v8 =	vmul.f32 v8, v9;
	v32 =	vmul.f32 v63, v62;
	v62 =	vld [tilespmem:$0x1ECC0];
	(xrf2) =	vadd.scan.msk.f32 $0xffff, v53  }
0x69a: {  	v5 =	vmul.f32 v5, v7;
	v0 =	vadd.f32 v45, v0;
	v45 =	vmul.f32 v36, v40;
	v40 =	vld [tilespmem:s24+$0x67C0];
	(xrf2) =	vadd.scan.msk.f32 $0xffff, v61  }
0x69b: {  	v52 =	vmul.f32 v47, v52;
	v18 =	vmul.f32 v18, v21;
	v21 =	vadd.f32 v32, v57;
	v57 =	vld [tilespmem:s24+$0x67A0];
	(xrf2) =	vadd.scan.msk.f32 $0xffff, v39  }
0x69c: {  	v20 =	vmul.f32 v16, v20;
	v5 =	vadd.f32 v5, v8;
	v6 =	vmul.f32 v6, v55;
	v61 =	vld [tilespmem:s24+$0xE7A0];
	(xrf2) =	vadd.scan.msk.f32 $0xffff, v51  }
0x69d: {  	v12 =	vadd.f32 v12, v18;
	v10 =	vmul.f32 v10, v15;
	v4 =	vmul.f32 v4, v49;
	v32 =	vld [tilespmem:s24+$0x67B0];
	(xrf2) =	vadd.scan.msk.f32 $0xffff, v58  }
0x69e: {  	v5 =	vadd.f32 v6, v5;
	v63 =	vmul.f32 v41, v43;
	v36 =	vmul.f32 v27, v14;
	v41 =	vld [tilespmem:s24+$0xE7C0];
	(xrf2) =	vadd.scan.msk.f32 $0xffff, v62  }
0x69f: {  	v11 =	vadd.f32 v11, v12;
	v29 =	vld [tilespmem:s24+$0xE760];
	v53 =	vmul.f32 v13, v19;
	v39 =	vmul.f32 v46, v17;
	(xrf2) =	vadd.scan.msk.f32 $0xffff, v56  }
0x6a0: {  	v4 =	vadd.f32 v4, v5;
	v50 =	vmul.f32 v60, v50;
	v30 =	vld [tilespmem:s24+$0xE770];
	v3 =	vadd.f32 v45, v3;
	v35, _, _ =	vpop (xrf2);
	(xrf2) =	vadd.scan.msk.f32 $0xffff, v59  }
0x6a1: {  	v45 =	vld [tilespmem:s24+$0x67D0];
	v11 =	vadd.f32 v53, v11;
	v43 =	vadd.f32 v39, v36;
	v6, _, _ =	vpop (xrf2);
	v7 =	vmul.f32 v61, v57;
	(xrf2) =	vadd.scan.msk.f32 $0xffff, v44  }
0x6a2: {  	v4 =	vadd.f32 v50, v4;
	v3 =	vadd.f32 v63, v3;
	v51 =	vld [tilespmem:s24+$0xE7D0];
	v8 =	vmul.f32 v33, v32;
	v44, _, _ =	vpop (xrf2);
	(xrf2) =	vadd.scan.msk.f32 $0xffff, v38  }
0x6a3: {  	v55 =	vld [tilespmem:s24+$0x67E0];
	v9 =	vmul.f32 v41, v40;
	v11 =	vadd.f32 v20, v11;
	v7 =	vadd.f32 v7, v43;
	v49, _, _ =	vpop (xrf2);
	(xrf2) =	vadd.scan.msk.f32 $0xffff, v31  }
0x6a4: {  	v60 =	vadd.f32 v52, v3;
	v46 =	vmul.f32 v22, v23;
	v56 =	vmul.f32 v34, v48;
	v57 =	vld [tilespmem:s24+$0xE7E0];
	v53, _, _ =	vpop (xrf2);
	(xrf2) =	vadd.scan.msk.f32 $0xffff, v24  }
0x6a5: {  	v63 =	vld [tilespmem:s24+$0xE7F0];
	v10 =	vadd.f32 v10, v11;
	v58 =	vmul.f32 v28, v25;
	v7 =	vadd.f32 v8, v7;
	v14, _, _ =	vpop (xrf2);
	(xrf2) =	vadd.scan.msk.f32 $0xffff, v54  }
0x6a6: {  	v62 =	vmul.f32 v29, v42;
	v29 =	vmul.f32 v30, v37;
	v59 =	vld [tilespmem:s24+$0x67F0];
	v61 =	vadd.f32 v56, v4;
	v8, _, _ =	vpop (xrf2);
	(xrf2) =	vadd.scan.msk.f32 $0xffff, v1  }
0x6a7: {  	v10 =	vadd.f32 v46, v10;
	v25 =	vmul.f32 v51, v45;
	v7 =	vadd.f32 v9, v7;
	v4, _, _ =	vpop (xrf2);
	(xrf2) =	vadd.scan.msk.f32 $0xffff, v2  }
0x6a8: {  	v34 =	vbroadcast v35, $0xF;
	v6 =	vbroadcast v6, $0xF;
	v27 =	vadd.f32 v62, v61;
	v26, _, _ =	vpop (xrf2);
	(xrf2) =	vadd.scan.msk.f32 $0xffff, v0  }
0x6a9: {  	v24 =	vadd.f32 v58, v10;
	v32 =	vmul.f32 v57, v55;
	v7 =	vadd.f32 v25, v7;
	v30, _, _ =	vpop (xrf2);
	(xrf2) =	vadd.scan.msk.f32 $0xffff, v21  }
0x6aa: {  	v0 =	vadd.f32 v29, v27;
	v28 =	vbroadcast v26, $0xF;
	v31 =	vbroadcast v30, $0xF;
	v33, _, _ =	vpop (xrf2);
	(xrf2) =	vadd.scan.msk.f32 $0xffff, v60  }
0x6ab: {  	v39 =	vld [tilespmem:$0x1ECD0];
	v38 =	vmul.f32 v63, v59;
	v37 =	vadd.f32 v32, v7;
	v35 =	vbroadcast v33, $0xF;
	v36, _, _ =	vpop (xrf2);
	(xrf2) =	vadd.scan.msk.f32 $0xffff, v24  }
0x6ac: {  	v43 =	vbroadcast v44, $0xF;
	v3 =	vsel vm0, v28, v31;
	v9 =	vbroadcast v36, $0xF;
	v40, _, _ =	vpop (xrf2);
	(xrf2) =	vadd.scan.msk.f32 $0xffff, v0  }
0x6ad: {  	v2 =	vadd.f32 v38, v37;
	v3 =	vsel vm1, v3, v35;
	v41, _, _ =	vpop (xrf2);
	v10 =	vbroadcast v40, $0xF  }
0x6ae: {  	v5 =	vbroadcast v49, $0xF;
	v42, _, _ =	vpop (xrf2);
	v3 =	vsel vm2, v3, v9;
	v0 =	vbroadcast v41, $0xF  }
0x6af: {  	v50 =	vbroadcast v53, $0xF;
	v3 =	vsel vm3, v3, v10;
	v44 =	vbroadcast v42, $0xF;
	v45, _, _ =	vpop (xrf2);
	(xrf2) =	vadd.scan.msk.f32 $0xffff, v2  }
0x6b0: {  	v1 =	vsel vm7, v39, v34;
	v46, _, _ =	vpop (xrf2);
	v0 =	vsel vm4, v3, v0;
	v47 =	vbroadcast v45, $0xF  }
0x6b1: {  	v57 =	vbroadcast v14, $0xF;
	v48, _, _ =	vpop (xrf2);
	v0 =	vsel vm5, v0, v44;
	v2 =	vbroadcast v46, $0xF  }
0x6b2: {  	v63 =	vld [tilespmem:$0x1ECE0];
	v1 =	vsel vm8, v1, v6;
	v49, _, _ =	vpop (xrf2);
	v0 =	vsel vm6, v0, v47;
	v51 =	vbroadcast v48, $0xF  }
0x6b3: {  	v1 =	vsel vm9, v1, v43;
	v52, _, _ =	vpop (xrf2);
	v0 =	vsel vm7, v0, v2;
	v53 =	vbroadcast v49, $0xF  }
0x6b4: {  	v1 =	vsel vm10, v1, v5;
	v54, _, _ =	vpop (xrf2);
	v0 =	vsel vm8, v0, v51;
	v55 =	vbroadcast v52, $0xF  }
0x6b5: {  	v1 =	vsel vm11, v1, v50;
	v56, _, _ =	vpop (xrf2);
	v0 =	vsel vm9, v0, v53;
	v58 =	vbroadcast v54, $0xF  }
0x6b6: {  	p0 =	slt.u32 s23, $0x6;
	v60 =	vbroadcast v8, $0xF;
	v59, _, _ =	vpop (xrf2);
	v0 =	vsel vm10, v0, v55;
	v6 =	vbroadcast v56, $0xF  }
.Ltmp1:
0x6b7: {  	v1 =	vsel vm12, v1, v57;
	v0 =	vsel vm11, v0, v58;
	v61 =	vbroadcast v59, $0xF;
	(pc) =	sbr.rel @p0 .LBB2_5-.Ltmp1, $4  }
0x6b8: {  	v1 =	vsel vm13, v1, v60;
	v0 =	vsel vm12, v0, v6  }
0x6b9: {  	s30 =	sand.u32 $0x3FFFFFF0, s26;
	v1 =	vsel vm14, v1, v4;
	v0 =	vsel vm13, v0, v61;
	v62, _, _ =	vpop (xrf2)  }
0x6ba: {  	s31 =	sadd.s32 $0x2, s23;
	[tilespmem:v63+s30+$0x0 ss:$0x1] =	vst.idx.msk $0xffff, v1;
	v0 =	vsel vm14, v0, v62  }
0x6bb: {  	s23 =	smov.u32 s31;
	[tilespmem:v63+s25+$0x0 ss:$0x1] =	vst.idx.msk $0xffff, v0  }
0x6bc: {  	s22 =	sadd.s32 $0x1, s22  }
0x6bd: {  	p0 =	sne.s32 s22, $0xC  }
.Ltmp2:
0x6be: {  	_ = 	snop;
	(pc) =	sbr.rel @p0 .LBB2_2-.Ltmp2, $1  }
0x6bf: {  	_ =	sdelay $0x3  }
0x6c0: {  	s21 =	sadd.s32 $0x1, s21  }
0x6c1: {  	p0 =	sne.s32 s21, s8  }
.Ltmp3:
0x6c2: {  	_ = 	snop;
	(pc) =	sbr.rel @p0 .LBB2_1-.Ltmp3, $4  }
0x6c3: {  	[hbm4b:s7+s4] =	stream.linear.scatter [tilespmem:s20], [sflag:$0x5], $0xC00, $0x38;
	[tilespmem:$0x12400] =	vst v63  }
0x6c4: {  	_ =	swait.ge [sflag:s9], $0xC00  }
0x6c5: {  	[sflag:s9] =	ssyncset.done $0x0  }
0x6c6: {  	[sflag:s9] =	ssyncadd.s32 $0xFFFFF400  }
0x6c7: {  	_ =	sfence.sel $0x180000  }
0x6c8: {  	[bflag:$0x0] =	sbarrier.arrive $0xFFFF  }
0x6c9: {  	p0 =	sne.s32 s0, $0x0;
	_ =	strace $0x90000047  }
0x6ca: {  	s0 =	sadd.s32 @!p0 $0x100000, s2;
	[bflag:$0x2] =	sbarrier.arrive $0xFFFF  }
0x6cb: {  	[sflag:s0] =	ssyncadd.tile.s32 @!p0 $0x1;
	_ =	shalt  }
.Lfunc_end2:
_tile_overlayer_lowered:
.L_overlay_start_2:
0x6cc: {  	(tag) =	ssettag $0x2  }
0x6cd: {  	s0 =	rddreg [dreg:$0x0];
	s2 =	stileid.u32  }
0x6ce: {  	s1 =	rddreg [dreg:$0x1];
	p0 =	sne.s32 s2, $0x0  }
0x6cf: {  	s3 =	rddreg [dreg:$0x2];
	[bflag:$0x3] =	sbarrier.arrive $0xFFFF;
	s2 =	simm.s32 @!p0 $0x1C05  }
0x6d0: {  	[timem:s3], [sflag:s2] =	dma.local @!p0 [hbm:s0], s1  }
0x6d1: {  	s0 =	simm.s32 @!p0 $0x5  }
0x6d2: {  	_ =	swait.ge @!p0 [sflag:s0], s1  }
0x6d3: {  	s1 =	ssub.s32 @!p0 $0x0, s1;
	[sflag:s0] =	ssyncset.done @!p0 $0x0  }
0x6d4: {  	[sflag:s0] =	ssyncadd.s32 @!p0 s1  }
0x6d5: {  	[bflag:$0x3] =	sbarrier.arrive $0xFFFF  }
0x6d6: {  	_ =	shalt  }

</sc_bundles>
